<compile_context>
chip_gen: v7x
topology: tpu7x:2x2x1
jax: 0.10.2.dev20260603
libtpu: 0.0.44.dev20260713+nightly
codegen_flags: <defaults>
</compile_context>

<pallas_src>
import functools

import jax
import jax.numpy as jnp
from jax import lax
from jax.experimental import pallas as pl
from jax.experimental.pallas import tpu as pltpu
from jax.experimental.pallas import tpu_sc as plsc

N_NODES = 10000
N_EDGES = 20000
NNZ = 320000
HID = 128
QW = 32

NS = 16
PER_W = NNZ // NS
CHUNK = 1000
ITERS = PER_W // CHUNK
CHUNK_P = 1000
ITERS_P = PER_W // CHUNK_P
OUT_SLICE = 2000

_mesh = plsc.VectorSubcoreMesh(core_axis_name="c", subcore_axis_name="s")

_SC_PARAMS = pltpu.CompilerParams(use_tc_tiling_on_sc=False)


def _f32(shape):
    return jax.ShapeDtypeStruct(shape, jnp.float32)


def _chain(x, token):
    return lax.optimization_barrier((x, token))[0]


def _zero_acc(acc, zeros_hbm, s):
    @pl.when(s < N_EDGES // OUT_SLICE)
    def _():
        pltpu.sync_copy(zeros_hbm, acc.at[pl.ds(s * OUT_SLICE, OUT_SLICE)])


def _copy_out(acc, out, s, cond):
    @pl.when(cond)
    def _():
        sl = pl.ds(s * OUT_SLICE, OUT_SLICE)
        pltpu.sync_copy(acc.at[sl], out.at[sl])


def _load_idx2d(idx_hbm, buf, s, chunk, iters):
    base = s * PER_W

    @pl.loop(0, iters)
    def _(i):
        pltpu.sync_copy(idx_hbm.at[pl.ds(base + i * chunk, chunk)], buf.at[i])


def _run_phase(tbl, acc, src2d, dst2d, rows0, rows1, sem0, sem1, iters):

    @pl.loop(0, iters)
    def _(i):
        pltpu.sync_copy(tbl.at[src2d.at[i]], rows0)
        pltpu.sync_copy(rows0, acc.at[dst2d.at[i]], add=True)


def _sc_scratch(width, chunk, iters, acc_rows=N_EDGES):
    return [
        pltpu.VMEM((iters, chunk), jnp.int32),
        pltpu.VMEM((iters, chunk), jnp.int32),
        pltpu.VMEM((chunk, width), jnp.float32),
        pltpu.VMEM((chunk, width), jnp.float32),
        pltpu.VMEM_SHARED((acc_rows, width), jnp.float32),
        pltpu.SemaphoreType.DMA,
        pltpu.SemaphoreType.DMA,
    ]


@functools.partial(
    pl.kernel,
    out_type=(_f32((N_EDGES, 16)), _f32((N_NODES, 16))),
    mesh=_mesh,
    compiler_params=_SC_PARAMS,
    scratch_types=_sc_scratch(16, CHUNK, ITERS),
)
def _k_scalar_sums(tbl_n, tbl_e, nidx, eidx, zeros_hbm, oute, outn,
                   buf_n, buf_e, rows0, rows1, acc, sem0, sem1):
    c = lax.axis_index("c")
    s = lax.axis_index("s")

    _zero_acc(acc, zeros_hbm, s)
    _load_idx2d(nidx, buf_n, s, CHUNK, ITERS)
    _load_idx2d(eidx, buf_e, s, CHUNK, ITERS)
    plsc.subcore_barrier()

    pl.when(c == 0)(lambda: _run_phase(
        tbl_n, acc, buf_n, buf_e, rows0, rows1, sem0, sem1, ITERS))
    pl.when(c == 1)(lambda: _run_phase(
        tbl_e, acc, buf_e, buf_n, rows0, rows1, sem0, sem1, ITERS))
    plsc.subcore_barrier()

    _copy_out(acc, oute, s, jnp.logical_and(c == 0, s < N_EDGES // OUT_SLICE))
    _copy_out(acc, outn, s, jnp.logical_and(c == 1, s < N_NODES // OUT_SLICE))


@functools.partial(
    pl.kernel,
    out_type=tuple(_f32((N_EDGES, QW)) for _ in range(4)),
    mesh=_mesh,
    compiler_params=_SC_PARAMS,
    scratch_types=_sc_scratch(QW, CHUNK_P, ITERS_P),
)
def _k_pass(q0, q1, q2, q3, sidx, didx, zeros_hbm, o0, o1, o2, o3,
            buf_s, buf_d, rows0, rows1, acc, sem0, sem1):
    c = lax.axis_index("c")
    s = lax.axis_index("s")
    is0 = jnp.logical_and(c == 0, s < N_EDGES // OUT_SLICE)
    is1 = jnp.logical_and(c == 1, s < N_EDGES // OUT_SLICE)

    _zero_acc(acc, zeros_hbm, s)
    _load_idx2d(sidx, buf_s, s, CHUNK_P, ITERS_P)
    _load_idx2d(didx, buf_d, s, CHUNK_P, ITERS_P)
    plsc.subcore_barrier()

    pl.when(c == 0)(lambda: _run_phase(
        q0, acc, buf_s, buf_d, rows0, rows1, sem0, sem1, ITERS_P))
    pl.when(c == 1)(lambda: _run_phase(
        q1, acc, buf_s, buf_d, rows0, rows1, sem0, sem1, ITERS_P))
    plsc.subcore_barrier()
    _copy_out(acc, o0, s, is0)
    _copy_out(acc, o1, s, is1)
    plsc.subcore_barrier()
    _zero_acc(acc, zeros_hbm, s)
    plsc.subcore_barrier()
    pl.when(c == 0)(lambda: _run_phase(
        q2, acc, buf_s, buf_d, rows0, rows1, sem0, sem1, ITERS_P))
    pl.when(c == 1)(lambda: _run_phase(
        q3, acc, buf_s, buf_d, rows0, rows1, sem0, sem1, ITERS_P))
    plsc.subcore_barrier()
    _copy_out(acc, o2, s, is0)
    _copy_out(acc, o3, s, is1)


@functools.partial(
    pl.kernel,
    out_type=(_f32((N_NODES, 64)), _f32((N_NODES, 64))),
    mesh=_mesh,
    compiler_params=_SC_PARAMS,
    scratch_types=_sc_scratch(64, 400, PER_W // 400, N_NODES),
)
def _k_pass_n(tbl_lo, tbl_hi, sidx, didx, zeros_hbm, out_lo, out_hi,
              buf_s, buf_d, rows0, rows1, acc, sem0, sem1):
    c = lax.axis_index("c")
    s = lax.axis_index("s")
    it = PER_W // 400

    @pl.when(s < N_NODES // OUT_SLICE)
    def _():
        pltpu.sync_copy(zeros_hbm, acc.at[pl.ds(s * OUT_SLICE, OUT_SLICE)])
    _load_idx2d(sidx, buf_s, s, 400, it)
    _load_idx2d(didx, buf_d, s, 400, it)
    plsc.subcore_barrier()

    pl.when(c == 0)(lambda: _run_phase(
        tbl_lo, acc, buf_s, buf_d, rows0, rows1, sem0, sem1, it))
    pl.when(c == 1)(lambda: _run_phase(
        tbl_hi, acc, buf_s, buf_d, rows0, rows1, sem0, sem1, it))
    plsc.subcore_barrier()

    _copy_out(acc, out_lo, s, jnp.logical_and(c == 0, s < N_NODES // OUT_SLICE))
    _copy_out(acc, out_hi, s, jnp.logical_and(c == 1, s < N_NODES // OUT_SLICE))


def _norm_body(ec_ref, nc_ref, te_ref, tn_ref):
    r = lax.rsqrt(jnp.maximum(ec_ref[...], 1.0))
    te_ref[...] = r * r * r
    tn_ref[...] = lax.rsqrt(jnp.maximum(nc_ref[...], 1.0))


_k_norm = pl.pallas_call(
    _norm_body,
    out_shape=(_f32((N_EDGES, 16)), _f32((N_NODES, 16))),
)


_BR = 2000


def _write_quarters(y, out_refs):
    for j, o_ref in enumerate(out_refs):
        o_ref[...] = y[:, j * QW:(j + 1) * QW]


def _in_body(x_ref, w_ref, t_ref, *out_refs):
    y = jnp.dot(x_ref[...], w_ref[...], preferred_element_type=jnp.float32,
                precision=lax.Precision.HIGHEST)
    _write_quarters(y * t_ref[:, 0:1], out_refs)


_h_specs = tuple(pl.BlockSpec((_BR, QW), lambda i: (i, 0)) for _ in range(4))
_h_shapes = tuple(_f32((N_EDGES, QW)) for _ in range(4))

_k_in = pl.pallas_call(
    _in_body,
    grid=(N_NODES // _BR,),
    in_specs=[
        pl.BlockSpec((_BR, HID), lambda i: (i, 0)),
        pl.BlockSpec((HID, HID), lambda i: (0, 0)),
        pl.BlockSpec((_BR, 16), lambda i: (i, 0)),
    ],
    out_specs=_h_specs,
    out_shape=_h_shapes,
)


def _make_mid(n_rows, in_widths, out_widths, out_rows):
    def body(*refs):
        a = refs[:len(in_widths)]
        d_ref, b_ref, w_ref, t_ref = refs[len(in_widths):len(in_widths) + 4]
        out_refs = refs[len(in_widths) + 4:]
        dinv = 1.0 / jnp.maximum(d_ref[:, 0:1], 1e-12)
        x = jnp.concatenate([r[...] for r in a], axis=1)
        x1 = jax.nn.sigmoid(x * dinv + b_ref[...])
        y = jnp.dot(x1, w_ref[...], preferred_element_type=jnp.float32,
                    precision=lax.Precision.HIGHEST)
        y = y * t_ref[:, 0:1]
        off = 0
        for w, o_ref in zip(out_widths, out_refs):
            o_ref[...] = y[:, off:off + w]
            off += w

    return pl.pallas_call(
        body,
        grid=(n_rows // _BR,),
        in_specs=[
            *(pl.BlockSpec((_BR, w), lambda i: (i, 0)) for w in in_widths),
            pl.BlockSpec((_BR, 16), lambda i: (i, 0)),
            pl.BlockSpec((1, HID), lambda i: (0, 0)),
            pl.BlockSpec((HID, HID), lambda i: (0, 0)),
            pl.BlockSpec((_BR, 16), lambda i: (i, 0)),
        ],
        out_specs=tuple(pl.BlockSpec((_BR, w), lambda i: (i, 0))
                        for w in out_widths),
        out_shape=tuple(_f32((out_rows, w)) for w in out_widths),
    )


_k_mid_e = _make_mid(N_EDGES, (QW,) * 4, (64, 64), N_EDGES)
_k_mid_n = _make_mid(N_NODES, (64, 64), (QW,) * 4, N_EDGES)


def _fin_body(lo_ref, hi_ref, d_ref, b_ref, wl_ref, bl_ref, o_ref, m_ref):
    i = pl.program_id(0)

    @pl.when(i == 0)
    def _():
        m_ref[...] = jnp.full((8, HID), -jnp.inf, jnp.float32)

    dinv = 1.0 / jnp.maximum(d_ref[:, 0:1], 1e-12)
    x = jnp.concatenate([lo_ref[...], hi_ref[...]], axis=1)
    x1 = jax.nn.sigmoid(x * dinv + b_ref[...])
    bm = jnp.max(x1, axis=0, keepdims=True)
    m_ref[0:1, :] = jnp.maximum(m_ref[0:1, :], bm)

    @pl.when(i == N_NODES // _BR - 1)
    def _():
        o_ref[...] = jnp.dot(m_ref[0:1, :], wl_ref[...],
                             preferred_element_type=jnp.float32,
                             precision=lax.Precision.HIGHEST) + bl_ref[...]


_k_fin = pl.pallas_call(
    _fin_body,
    grid=(N_NODES // _BR,),
    in_specs=[
        pl.BlockSpec((_BR, 64), lambda i: (i, 0)),
        pl.BlockSpec((_BR, 64), lambda i: (i, 0)),
        pl.BlockSpec((_BR, 16), lambda i: (i, 0)),
        pl.BlockSpec((1, HID), lambda i: (0, 0)),
        pl.BlockSpec((HID, 1), lambda i: (0, 0)),
        pl.BlockSpec((1, 1), lambda i: (0, 0)),
    ],
    out_specs=pl.BlockSpec((1, 1), lambda i: (0, 0)),
    out_shape=_f32((1, 1)),
    scratch_shapes=[pltpu.VMEM((8, HID), jnp.float32)],
)


def kernel(x_0, node_idx, edge_idx, W01_0, b1_0, W10_0, b0_0,
           W01_1, b1_1, W10_1, b0_1, W_lin, b_lin):
    zeros16 = jnp.zeros((OUT_SLICE, 16), jnp.float32)
    zeros32 = jnp.zeros((OUT_SLICE, QW), jnp.float32)
    one = jnp.sum(b_lin) * 0.0 + 1.0
    ones_n = jnp.full((N_NODES, 16), 1.0, jnp.float32) * one
    ones_e = jnp.full((N_EDGES, 16), 1.0, jnp.float32) * one

    ecnt, ncnt = _k_scalar_sums(ones_n, ones_e, node_idx, edge_idx, zeros16)
    te, tn = _k_norm(ecnt, ncnt)
    d1s, d0s = _k_scalar_sums(_chain(tn, ecnt), te, node_idx, edge_idx,
                              zeros16)

    zeros64 = jnp.zeros((OUT_SLICE, 64), jnp.float32)

    def seg_pass_e(q, token):
        return _k_pass(_chain(q[0], token), q[1], q[2], q[3],
                       node_idx, edge_idx, zeros32)

    xb = _k_in(x_0, W01_0, tn)
    aa = seg_pass_e(xb, d0s)
    xe = _k_mid_e(*aa, d1s, b1_0.reshape(1, -1), W10_0, te)
    ab = _k_pass_n(_chain(xe[0], aa[2]), xe[1], edge_idx, node_idx, zeros64)
    xb = _k_mid_n(*ab, d0s, b0_0.reshape(1, -1), W01_1, tn)
    aa = seg_pass_e(xb, ab[0])
    xe = _k_mid_e(*aa, d1s, b1_1.reshape(1, -1), W10_1, te)
    ab = _k_pass_n(_chain(xe[0], aa[2]), xe[1], edge_idx, node_idx, zeros64)

    out = _k_fin(*ab, d0s, b0_1.reshape(1, -1), W_lin, b_lin.reshape(1, 1))
    return out.reshape(1)

# --- scband reference (transcript-rebuilt; emitter-appended) ---
"""Pipeline reference for scband-hnhnmodel-48584670052999 (READ-ONLY COPY).

The authoritative reference and input builder live on the scoring server;
editing this copy changes nothing except your own understanding.
"""

import jax, jax.numpy as jnp
import numpy as np

N_NODES = 10000
N_HYPEREDGES = 20000
NNZ = 320000
IN_CH = 128
HID = 128
N_LAYERS = 2


def setup_inputs(seed: int = 0) -> dict:
    key = jax.random.key(seed)
    ks = jax.random.split(key, 16)
    s_in = 1.0 / np.sqrt(IN_CH)
    s_h = 1.0 / np.sqrt(HID)
    inp = {
        "x_0": jax.random.normal(ks[0], (N_NODES, IN_CH), dtype=jnp.float32),
        "node_idx": jax.random.randint(ks[1], (NNZ,), 0, N_NODES, dtype=jnp.int32),
        "edge_idx": jax.random.randint(ks[2], (NNZ,), 0, N_HYPEREDGES, dtype=jnp.int32),
        # layer 0 (HNHNLayer): conv_0_to_1 weight, bias_1, conv_1_to_0 weight, bias_0
        "W01_0": jax.random.normal(ks[3], (IN_CH, HID), dtype=jnp.float32) * s_in,
        "b1_0": jax.random.normal(ks[4], (HID,), dtype=jnp.float32) * 0.01,
        "W10_0": jax.random.normal(ks[5], (HID, HID), dtype=jnp.float32) * s_h,
        "b0_0": jax.random.normal(ks[6], (HID,), dtype=jnp.float32) * 0.01,
        # layer 1
        "W01_1": jax.random.normal(ks[7], (HID, HID), dtype=jnp.float32) * s_h,
        "b1_1": jax.random.normal(ks[8], (HID,), dtype=jnp.float32) * 0.01,
        "W10_1": jax.random.normal(ks[9], (HID, HID), dtype=jnp.float32) * s_h,
        "b0_1": jax.random.normal(ks[10], (HID,), dtype=jnp.float32) * 0.01,
        # final readout linear
        "W_lin": jax.random.normal(ks[11], (HID, 1), dtype=jnp.float32) * s_h,
        "b_lin": jnp.zeros((1,), dtype=jnp.float32),
    }
    return inp


def _normalizations(node_idx, edge_idx):
    # HNHN normalization (alpha=-1.5, beta=-0.5) computed from the sparse incidence
    ones = jnp.ones((node_idx.shape[0],), dtype=jnp.float32)
    edge_card = jnp.maximum(jax.ops.segment_sum(ones, edge_idx, num_segments=N_HYPEREDGES), 1.0)
    node_card = jnp.maximum(jax.ops.segment_sum(ones, node_idx, num_segments=N_NODES), 1.0)
    e_alpha = edge_card ** (-1.5)
    n_beta = node_card ** (-0.5)
    # D0_left_alpha_inverse[n] = 1 / sum_{e incident to n} edge_card[e]^alpha
    D0_inv = 1.0 / jnp.maximum(jax.ops.segment_sum(e_alpha[edge_idx], node_idx, num_segments=N_NODES), 1e-12)
    # D1_left_beta_inverse[e] = 1 / sum_{n in e} node_card[n]^beta
    D1_inv = 1.0 / jnp.maximum(jax.ops.segment_sum(n_beta[node_idx], edge_idx, num_segments=N_HYPEREDGES), 1e-12)
    return e_alpha, n_beta, D0_inv, D1_inv


def _hnhn_forward(x_0, node_idx, edge_idx, layer_params):
    e_alpha, n_beta, D0_inv, D1_inv = _normalizations(node_idx, edge_idx)
    x = x_0
    for (W01, b1, W10, b0) in layer_params:
        # node -> hyperedge: x_1 = sigmoid( D1_inv * B^T * diag(n_beta) * (x W01) + b1 )
        xw = x @ W01
        msg = xw[node_idx] * n_beta[node_idx][:, None]
        x1 = jax.nn.sigmoid(jax.ops.segment_sum(msg, edge_idx, num_segments=N_HYPEREDGES) * D1_inv[:, None] + b1)
        # hyperedge -> node: x_0 = sigmoid( D0_inv * B * diag(e_alpha) * (x1 W10) + b0 )
        x1w = x1 @ W10
        msg0 = x1w[edge_idx] * e_alpha[edge_idx][:, None]
        x = jax.nn.sigmoid(jax.ops.segment_sum(msg0, node_idx, num_segments=N_NODES) * D0_inv[:, None] + b0)
    return x


def reference(x_0, node_idx, edge_idx, W01_0, b1_0, W10_0, b0_0, W01_1, b1_1, W10_1, b0_1, W_lin, b_lin):
    layer_params = [(W01_0, b1_0, W10_0, b0_0), (W01_1, b1_1, W10_1, b0_1)]
    x_0_processed = _hnhn_forward(x_0, node_idx, edge_idx, layer_params)
    # out_pool=True: max over nodes, then linear head
    x = jnp.max(x_0_processed, axis=0)
    return x @ W_lin + b_lin

if __name__ == "__main__":
    import jax
    _d = setup_inputs()
    print(jax.jit(kernel)(*tuple(_d.values())))

</pallas_src>

<mosaic_0001>
#map = affine_map<(d0, d1) -> (0, 0)>
#map1 = affine_map<(d0, d1) -> (0)>
module attributes {stable_mosaic.version = 14 : i64} {
  func.func @_k_pass_n(%arg0: i32, %arg1: i32, %arg2: memref<20000x64xf32, #tpu.memory_space<hbm>>, %arg3: memref<20000x64xf32, #tpu.memory_space<hbm>>, %arg4: memref<320000xi32, #tpu.memory_space<hbm>>, %arg5: memref<320000xi32, #tpu.memory_space<hbm>>, %arg6: memref<2000x64xf32, #tpu.memory_space<hbm>>, %arg7: memref<10000x64xf32, #tpu.memory_space<hbm>>, %arg8: memref<10000x64xf32, #tpu.memory_space<hbm>>, %arg9: memref<50x400xi32, #tpu.memory_space<vmem>>, %arg10: memref<50x400xi32, #tpu.memory_space<vmem>>, %arg11: memref<400x64xf32, #tpu.memory_space<vmem>>, %arg12: memref<400x64xf32, #tpu.memory_space<vmem>>, %arg13: memref<10000x64xf32, #tpu.memory_space<vmem_shared>>, %arg14: memref<!tpu.dma_semaphore, #tpu.memory_space<semaphore_mem>>, %arg15: memref<!tpu.dma_semaphore, #tpu.memory_space<semaphore_mem>>) attributes {dimension_semantics = [#tpu.dimension_semantics<core_parallel>, #tpu.dimension_semantics<subcore_parallel>], iteration_bounds = array<i64: 2, 16>, scalar_prefetch = 0 : i64, scratch_operands = 7 : i64, tpu.core_type = #tpu.core_type<sc_vector_subcore>, window_params = [{transform_indices = #map}, {transform_indices = #map}, {transform_indices = #map1}, {transform_indices = #map1}, {transform_indices = #map}, {transform_indices = #map}, {transform_indices = #map}]} {
    %lt3A = arith.constant 5 : i32
    %lt3A_0 = arith.cmpi slt, %arg1, %lt3A : i32
    %convert_element_type3A = arith.extui %lt3A_0 : i1 to i32
    %cond3A = arith.constant 0 : i32
    %cond3A_1 = arith.cmpi ne, %convert_element_type3A, %cond3A : i32
    scf.if %cond3A_1 {
      %mul3A_39 = arith.constant 2000 : i32
      %mul3A_40 = arith.muli %arg1, %mul3A_39 : i32
      "tpu.region"() ({
        %run_scoped3A = tpu.sem_alloc : memref<!tpu.dma_semaphore, #tpu.memory_space<semaphore_mem>>
        %dma_start3A = arith.constant 0 : i32
        %dma_start3A_41 = tpu.memref_slice %arg13[%mul3A_40, %dma_start3A] : memref<10000x64xf32, #tpu.memory_space<vmem_shared>> -> memref<2000x64xf32, #tpu.memory_space<vmem_shared>>
        tpu.enqueue_dma source(%arg6 : memref<2000x64xf32, #tpu.memory_space<hbm>>) target(%dma_start3A_41 : memref<2000x64xf32, #tpu.memory_space<vmem_shared>>) target_semaphore(%run_scoped3A : memref<!tpu.dma_semaphore, #tpu.memory_space<semaphore_mem>>)
        %dma_wait3A = arith.constant 0 : i32
        %dma_wait3A_42 = tpu.memref_slice %arg13[%mul3A_40, %dma_wait3A] : memref<10000x64xf32, #tpu.memory_space<vmem_shared>> -> memref<2000x64xf32, #tpu.memory_space<vmem_shared>>
        tpu.wait_dma2 semaphore(%run_scoped3A : memref<!tpu.dma_semaphore, #tpu.memory_space<semaphore_mem>>) src(%arg6 : memref<2000x64xf32, #tpu.memory_space<hbm>>) dst(%dma_wait3A_42 : memref<2000x64xf32, #tpu.memory_space<vmem_shared>>)
        tpu.yield
      }) : () -> ()
    } else {
    }
    %mul3A = arith.constant 20000 : i32
    %mul3A_2 = arith.muli %arg1, %mul3A : i32
    %scan3A = arith.constant 0 : i32
    %scan3A_3 = arith.constant 50 : i32
    %scan3A_4 = arith.addi %scan3A, %scan3A_3 : i32
    %scan3A_5 = arith.constant 1 : i32
    scf.for %scan3A_39 = %scan3A to %scan3A_4 step %scan3A_5  : i32 {
      %mul3A_40 = arith.constant 1 : i32
      %mul3A_41 = arith.muli %scan3A_39, %mul3A_40 : i32
      %add3A = arith.constant 0 : i32
      %add3A_42 = arith.addi %add3A, %mul3A_41 : i32
      %mul3A_43 = arith.constant 400 : i32
      %mul3A_44 = arith.muli %add3A_42, %mul3A_43 : i32
      %add3A_45 = arith.addi %mul3A_2, %mul3A_44 : i32
      "tpu.region"() ({
        %run_scoped3A = tpu.sem_alloc : memref<!tpu.dma_semaphore, #tpu.memory_space<semaphore_mem>>
        %dma_start3A = arith.constant 0 : i32
        %dma_start3A_46 = tpu.memref_slice %arg9[%add3A_42, %dma_start3A] : memref<50x400xi32, #tpu.memory_space<vmem>> -> memref<1x400xi32, #tpu.memory_space<vmem>>
        %dma_start3A_47 = tpu.memref_squeeze %dma_start3A_46 : memref<1x400xi32, #tpu.memory_space<vmem>> -> memref<400xi32, #tpu.memory_space<vmem>>
        %dma_start3A_48 = tpu.memref_slice %arg4[%add3A_45] : memref<320000xi32, #tpu.memory_space<hbm>> -> memref<400xi32, #tpu.memory_space<hbm>>
        %dma_start3A_49 = arith.constant 0 : i32
        %dma_start3A_50 = tpu.memref_slice %arg9[%add3A_42, %dma_start3A_49] : memref<50x400xi32, #tpu.memory_space<vmem>> -> memref<1x400xi32, #tpu.memory_space<vmem>>
        %dma_start3A_51 = tpu.memref_squeeze %dma_start3A_50 : memref<1x400xi32, #tpu.memory_space<vmem>> -> memref<400xi32, #tpu.memory_space<vmem>>
        %dma_start3A_52 = tpu.memref_slice %arg4[%add3A_45] : memref<320000xi32, #tpu.memory_space<hbm>> -> memref<400xi32, #tpu.memory_space<hbm>>
        tpu.enqueue_dma source(%dma_start3A_52 : memref<400xi32, #tpu.memory_space<hbm>>) target(%dma_start3A_51 : memref<400xi32, #tpu.memory_space<vmem>>) target_semaphore(%run_scoped3A : memref<!tpu.dma_semaphore, #tpu.memory_space<semaphore_mem>>)
        %dma_wait3A = arith.constant 0 : i32
        %dma_wait3A_53 = tpu.memref_slice %arg9[%add3A_42, %dma_wait3A] : memref<50x400xi32, #tpu.memory_space<vmem>> -> memref<1x400xi32, #tpu.memory_space<vmem>>
        %dma_wait3A_54 = tpu.memref_squeeze %dma_wait3A_53 : memref<1x400xi32, #tpu.memory_space<vmem>> -> memref<400xi32, #tpu.memory_space<vmem>>
        %dma_wait3A_55 = tpu.memref_slice %arg4[%add3A_45] : memref<320000xi32, #tpu.memory_space<hbm>> -> memref<400xi32, #tpu.memory_space<hbm>>
        %dma_wait3A_56 = arith.constant 0 : i32
        %dma_wait3A_57 = tpu.memref_slice %arg9[%add3A_42, %dma_wait3A_56] : memref<50x400xi32, #tpu.memory_space<vmem>> -> memref<1x400xi32, #tpu.memory_space<vmem>>
        %dma_wait3A_58 = tpu.memref_squeeze %dma_wait3A_57 : memref<1x400xi32, #tpu.memory_space<vmem>> -> memref<400xi32, #tpu.memory_space<vmem>>
        %dma_wait3A_59 = tpu.memref_slice %arg4[%add3A_45] : memref<320000xi32, #tpu.memory_space<hbm>> -> memref<400xi32, #tpu.memory_space<hbm>>
        tpu.wait_dma2 semaphore(%run_scoped3A : memref<!tpu.dma_semaphore, #tpu.memory_space<semaphore_mem>>) src(%dma_wait3A_59 : memref<400xi32, #tpu.memory_space<hbm>>) dst(%dma_wait3A_58 : memref<400xi32, #tpu.memory_space<vmem>>)
        tpu.yield
      }) : () -> ()
    }
    %scan3A_6 = arith.constant 50 : i32
    %mul3A_7 = arith.constant 20000 : i32
    %mul3A_8 = arith.muli %arg1, %mul3A_7 : i32
    %scan3A_9 = arith.constant 0 : i32
    %scan3A_10 = arith.constant 50 : i32
    %scan3A_11 = arith.addi %scan3A_9, %scan3A_10 : i32
    %scan3A_12 = arith.constant 1 : i32
    scf.for %scan3A_39 = %scan3A_9 to %scan3A_11 step %scan3A_12  : i32 {
      %mul3A_40 = arith.constant 1 : i32
      %mul3A_41 = arith.muli %scan3A_39, %mul3A_40 : i32
      %add3A = arith.constant 0 : i32
      %add3A_42 = arith.addi %add3A, %mul3A_41 : i32
      %mul3A_43 = arith.constant 400 : i32
      %mul3A_44 = arith.muli %add3A_42, %mul3A_43 : i32
      %add3A_45 = arith.addi %mul3A_8, %mul3A_44 : i32
      "tpu.region"() ({
        %run_scoped3A = tpu.sem_alloc : memref<!tpu.dma_semaphore, #tpu.memory_space<semaphore_mem>>
        %dma_start3A = arith.constant 0 : i32
        %dma_start3A_46 = tpu.memref_slice %arg10[%add3A_42, %dma_start3A] : memref<50x400xi32, #tpu.memory_space<vmem>> -> memref<1x400xi32, #tpu.memory_space<vmem>>
        %dma_start3A_47 = tpu.memref_squeeze %dma_start3A_46 : memref<1x400xi32, #tpu.memory_space<vmem>> -> memref<400xi32, #tpu.memory_space<vmem>>
        %dma_start3A_48 = tpu.memref_slice %arg5[%add3A_45] : memref<320000xi32, #tpu.memory_space<hbm>> -> memref<400xi32, #tpu.memory_space<hbm>>
        %dma_start3A_49 = arith.constant 0 : i32
        %dma_start3A_50 = tpu.memref_slice %arg10[%add3A_42, %dma_start3A_49] : memref<50x400xi32, #tpu.memory_space<vmem>> -> memref<1x400xi32, #tpu.memory_space<vmem>>
        %dma_start3A_51 = tpu.memref_squeeze %dma_start3A_50 : memref<1x400xi32, #tpu.memory_space<vmem>> -> memref<400xi32, #tpu.memory_space<vmem>>
        %dma_start3A_52 = tpu.memref_slice %arg5[%add3A_45] : memref<320000xi32, #tpu.memory_space<hbm>> -> memref<400xi32, #tpu.memory_space<hbm>>
        tpu.enqueue_dma source(%dma_start3A_52 : memref<400xi32, #tpu.memory_space<hbm>>) target(%dma_start3A_51 : memref<400xi32, #tpu.memory_space<vmem>>) target_semaphore(%run_scoped3A : memref<!tpu.dma_semaphore, #tpu.memory_space<semaphore_mem>>)
        %dma_wait3A = arith.constant 0 : i32
        %dma_wait3A_53 = tpu.memref_slice %arg10[%add3A_42, %dma_wait3A] : memref<50x400xi32, #tpu.memory_space<vmem>> -> memref<1x400xi32, #tpu.memory_space<vmem>>
        %dma_wait3A_54 = tpu.memref_squeeze %dma_wait3A_53 : memref<1x400xi32, #tpu.memory_space<vmem>> -> memref<400xi32, #tpu.memory_space<vmem>>
        %dma_wait3A_55 = tpu.memref_slice %arg5[%add3A_45] : memref<320000xi32, #tpu.memory_space<hbm>> -> memref<400xi32, #tpu.memory_space<hbm>>
        %dma_wait3A_56 = arith.constant 0 : i32
        %dma_wait3A_57 = tpu.memref_slice %arg10[%add3A_42, %dma_wait3A_56] : memref<50x400xi32, #tpu.memory_space<vmem>> -> memref<1x400xi32, #tpu.memory_space<vmem>>
        %dma_wait3A_58 = tpu.memref_squeeze %dma_wait3A_57 : memref<1x400xi32, #tpu.memory_space<vmem>> -> memref<400xi32, #tpu.memory_space<vmem>>
        %dma_wait3A_59 = tpu.memref_slice %arg5[%add3A_45] : memref<320000xi32, #tpu.memory_space<hbm>> -> memref<400xi32, #tpu.memory_space<hbm>>
        tpu.wait_dma2 semaphore(%run_scoped3A : memref<!tpu.dma_semaphore, #tpu.memory_space<semaphore_mem>>) src(%dma_wait3A_59 : memref<400xi32, #tpu.memory_space<hbm>>) dst(%dma_wait3A_58 : memref<400xi32, #tpu.memory_space<vmem>>)
        tpu.yield
      }) : () -> ()
    }
    %scan3A_13 = arith.constant 50 : i32
    %barrier3A = arith.constant 0 : index
    tpu.barrier barrier_id(%barrier3A)
    %eq3A = arith.constant 0 : i32
    %eq3A_14 = arith.cmpi eq, %arg0, %eq3A : i32
    %convert_element_type3A_15 = arith.extui %eq3A_14 : i1 to i32
    %cond3A_16 = arith.constant 0 : i32
    %cond3A_17 = arith.cmpi ne, %convert_element_type3A_15, %cond3A_16 : i32
    scf.if %cond3A_17 {
      %scan3A_39 = arith.constant 0 : i32
      %scan3A_40 = arith.constant 50 : i32
      %scan3A_41 = arith.addi %scan3A_39, %scan3A_40 : i32
      %scan3A_42 = arith.constant 1 : i32
      scf.for %scan3A_44 = %scan3A_39 to %scan3A_41 step %scan3A_42  : i32 {
        %mul3A_45 = arith.constant 1 : i32
        %mul3A_46 = arith.muli %scan3A_44, %mul3A_45 : i32
        %add3A = arith.constant 0 : i32
        %add3A_47 = arith.addi %add3A, %mul3A_46 : i32
        "tpu.region"() ({
          %run_scoped3A = tpu.sem_alloc : memref<!tpu.dma_semaphore, #tpu.memory_space<semaphore_mem>>
          %dma_start3A = arith.constant 0 : i32
          %dma_start3A_48 = tpu.memref_slice %arg9[%add3A_47, %dma_start3A] : memref<50x400xi32, #tpu.memory_space<vmem>> -> memref<1x400xi32, #tpu.memory_space<vmem>>
          %dma_start3A_49 = tpu.memref_squeeze %dma_start3A_48 : memref<1x400xi32, #tpu.memory_space<vmem>> -> memref<400xi32, #tpu.memory_space<vmem>>
          %dma_start3A_50 = arith.constant 0 : i32
          %dma_start3A_51 = arith.constant 0 : i32
          %dma_start3A_52 = tpu.memref_slice %arg2[%dma_start3A_50, %dma_start3A_51] : memref<20000x64xf32, #tpu.memory_space<hbm>> -> memref<20000x64xf32, #tpu.memory_space<hbm>>
          tpu.enqueue_indirect_dma source(%dma_start3A_52 : memref<20000x64xf32, #tpu.memory_space<hbm>>) target(%arg11 : memref<400x64xf32, #tpu.memory_space<vmem>>) offsets(%dma_start3A_49 : memref<400xi32, #tpu.memory_space<vmem>>) semaphore(%run_scoped3A : memref<!tpu.dma_semaphore, #tpu.memory_space<semaphore_mem>>)
          %dma_wait3A = arith.constant 0 : i32
          %dma_wait3A_53 = tpu.memref_slice %arg9[%add3A_47, %dma_wait3A] : memref<50x400xi32, #tpu.memory_space<vmem>> -> memref<1x400xi32, #tpu.memory_space<vmem>>
          %dma_wait3A_54 = tpu.memref_squeeze %dma_wait3A_53 : memref<1x400xi32, #tpu.memory_space<vmem>> -> memref<400xi32, #tpu.memory_space<vmem>>
          %dma_wait3A_55 = arith.constant 0 : i32
          %dma_wait3A_56 = arith.constant 0 : i32
          %dma_wait3A_57 = tpu.memref_slice %arg2[%dma_wait3A_55, %dma_wait3A_56] : memref<20000x64xf32, #tpu.memory_space<hbm>> -> memref<20000x64xf32, #tpu.memory_space<hbm>>
          tpu.wait_indirect_dma semaphore(%run_scoped3A : memref<!tpu.dma_semaphore, #tpu.memory_space<semaphore_mem>>) src(%dma_wait3A_57 : memref<20000x64xf32, #tpu.memory_space<hbm>>) dst(%arg11 : memref<400x64xf32, #tpu.memory_space<vmem>>)
          tpu.yield
        }) : () -> ()
        "tpu.region"() ({
          %run_scoped3A = tpu.sem_alloc : memref<!tpu.dma_semaphore, #tpu.memory_space<semaphore_mem>>
          %dma_start3A = arith.constant 0 : i32
          %dma_start3A_48 = tpu.memref_slice %arg10[%add3A_47, %dma_start3A] : memref<50x400xi32, #tpu.memory_space<vmem>> -> memref<1x400xi32, #tpu.memory_space<vmem>>
          %dma_start3A_49 = tpu.memref_squeeze %dma_start3A_48 : memref<1x400xi32, #tpu.memory_space<vmem>> -> memref<400xi32, #tpu.memory_space<vmem>>
          %dma_start3A_50 = arith.constant 0 : i32
          %dma_start3A_51 = arith.constant 0 : i32
          %dma_start3A_52 = tpu.memref_slice %arg13[%dma_start3A_50, %dma_start3A_51] : memref<10000x64xf32, #tpu.memory_space<vmem_shared>> -> memref<10000x64xf32, #tpu.memory_space<vmem_shared>>
          tpu.enqueue_indirect_dma source(%arg11 : memref<400x64xf32, #tpu.memory_space<vmem>>) target(%dma_start3A_52 : memref<10000x64xf32, #tpu.memory_space<vmem_shared>>) offsets(%dma_start3A_49 : memref<400xi32, #tpu.memory_space<vmem>>) semaphore(%run_scoped3A : memref<!tpu.dma_semaphore, #tpu.memory_space<semaphore_mem>>) {add = true}
          %dma_wait3A = arith.constant 0 : i32
          %dma_wait3A_53 = tpu.memref_slice %arg10[%add3A_47, %dma_wait3A] : memref<50x400xi32, #tpu.memory_space<vmem>> -> memref<1x400xi32, #tpu.memory_space<vmem>>
          %dma_wait3A_54 = tpu.memref_squeeze %dma_wait3A_53 : memref<1x400xi32, #tpu.memory_space<vmem>> -> memref<400xi32, #tpu.memory_space<vmem>>
          %dma_wait3A_55 = arith.constant 0 : i32
          %dma_wait3A_56 = arith.constant 0 : i32
          %dma_wait3A_57 = tpu.memref_slice %arg13[%dma_wait3A_55, %dma_wait3A_56] : memref<10000x64xf32, #tpu.memory_space<vmem_shared>> -> memref<10000x64xf32, #tpu.memory_space<vmem_shared>>
          tpu.wait_indirect_dma semaphore(%run_scoped3A : memref<!tpu.dma_semaphore, #tpu.memory_space<semaphore_mem>>) src(%arg11 : memref<400x64xf32, #tpu.memory_space<vmem>>) dst(%dma_wait3A_57 : memref<10000x64xf32, #tpu.memory_space<vmem_shared>>)
          tpu.yield
        }) : () -> ()
      }
      %scan3A_43 = arith.constant 50 : i32
    } else {
    }
    %eq3A_18 = arith.constant 1 : i32
    %eq3A_19 = arith.cmpi eq, %arg0, %eq3A_18 : i32
    %convert_element_type3A_20 = arith.extui %eq3A_19 : i1 to i32
    %cond3A_21 = arith.constant 0 : i32
    %cond3A_22 = arith.cmpi ne, %convert_element_type3A_20, %cond3A_21 : i32
    scf.if %cond3A_22 {
      %scan3A_39 = arith.constant 0 : i32
      %scan3A_40 = arith.constant 50 : i32
      %scan3A_41 = arith.addi %scan3A_39, %scan3A_40 : i32
      %scan3A_42 = arith.constant 1 : i32
      scf.for %scan3A_44 = %scan3A_39 to %scan3A_41 step %scan3A_42  : i32 {
        %mul3A_45 = arith.constant 1 : i32
        %mul3A_46 = arith.muli %scan3A_44, %mul3A_45 : i32
        %add3A = arith.constant 0 : i32
        %add3A_47 = arith.addi %add3A, %mul3A_46 : i32
        "tpu.region"() ({
          %run_scoped3A = tpu.sem_alloc : memref<!tpu.dma_semaphore, #tpu.memory_space<semaphore_mem>>
          %dma_start3A = arith.constant 0 : i32
          %dma_start3A_48 = tpu.memref_slice %arg9[%add3A_47, %dma_start3A] : memref<50x400xi32, #tpu.memory_space<vmem>> -> memref<1x400xi32, #tpu.memory_space<vmem>>
          %dma_start3A_49 = tpu.memref_squeeze %dma_start3A_48 : memref<1x400xi32, #tpu.memory_space<vmem>> -> memref<400xi32, #tpu.memory_space<vmem>>
          %dma_start3A_50 = arith.constant 0 : i32
          %dma_start3A_51 = arith.constant 0 : i32
          %dma_start3A_52 = tpu.memref_slice %arg3[%dma_start3A_50, %dma_start3A_51] : memref<20000x64xf32, #tpu.memory_space<hbm>> -> memref<20000x64xf32, #tpu.memory_space<hbm>>
          tpu.enqueue_indirect_dma source(%dma_start3A_52 : memref<20000x64xf32, #tpu.memory_space<hbm>>) target(%arg11 : memref<400x64xf32, #tpu.memory_space<vmem>>) offsets(%dma_start3A_49 : memref<400xi32, #tpu.memory_space<vmem>>) semaphore(%run_scoped3A : memref<!tpu.dma_semaphore, #tpu.memory_space<semaphore_mem>>)
          %dma_wait3A = arith.constant 0 : i32
          %dma_wait3A_53 = tpu.memref_slice %arg9[%add3A_47, %dma_wait3A] : memref<50x400xi32, #tpu.memory_space<vmem>> -> memref<1x400xi32, #tpu.memory_space<vmem>>
          %dma_wait3A_54 = tpu.memref_squeeze %dma_wait3A_53 : memref<1x400xi32, #tpu.memory_space<vmem>> -> memref<400xi32, #tpu.memory_space<vmem>>
          %dma_wait3A_55 = arith.constant 0 : i32
          %dma_wait3A_56 = arith.constant 0 : i32
          %dma_wait3A_57 = tpu.memref_slice %arg3[%dma_wait3A_55, %dma_wait3A_56] : memref<20000x64xf32, #tpu.memory_space<hbm>> -> memref<20000x64xf32, #tpu.memory_space<hbm>>
          tpu.wait_indirect_dma semaphore(%run_scoped3A : memref<!tpu.dma_semaphore, #tpu.memory_space<semaphore_mem>>) src(%dma_wait3A_57 : memref<20000x64xf32, #tpu.memory_space<hbm>>) dst(%arg11 : memref<400x64xf32, #tpu.memory_space<vmem>>)
          tpu.yield
        }) : () -> ()
        "tpu.region"() ({
          %run_scoped3A = tpu.sem_alloc : memref<!tpu.dma_semaphore, #tpu.memory_space<semaphore_mem>>
          %dma_start3A = arith.constant 0 : i32
          %dma_start3A_48 = tpu.memref_slice %arg10[%add3A_47, %dma_start3A] : memref<50x400xi32, #tpu.memory_space<vmem>> -> memref<1x400xi32, #tpu.memory_space<vmem>>
          %dma_start3A_49 = tpu.memref_squeeze %dma_start3A_48 : memref<1x400xi32, #tpu.memory_space<vmem>> -> memref<400xi32, #tpu.memory_space<vmem>>
          %dma_start3A_50 = arith.constant 0 : i32
          %dma_start3A_51 = arith.constant 0 : i32
          %dma_start3A_52 = tpu.memref_slice %arg13[%dma_start3A_50, %dma_start3A_51] : memref<10000x64xf32, #tpu.memory_space<vmem_shared>> -> memref<10000x64xf32, #tpu.memory_space<vmem_shared>>
          tpu.enqueue_indirect_dma source(%arg11 : memref<400x64xf32, #tpu.memory_space<vmem>>) target(%dma_start3A_52 : memref<10000x64xf32, #tpu.memory_space<vmem_shared>>) offsets(%dma_start3A_49 : memref<400xi32, #tpu.memory_space<vmem>>) semaphore(%run_scoped3A : memref<!tpu.dma_semaphore, #tpu.memory_space<semaphore_mem>>) {add = true}
          %dma_wait3A = arith.constant 0 : i32
          %dma_wait3A_53 = tpu.memref_slice %arg10[%add3A_47, %dma_wait3A] : memref<50x400xi32, #tpu.memory_space<vmem>> -> memref<1x400xi32, #tpu.memory_space<vmem>>
          %dma_wait3A_54 = tpu.memref_squeeze %dma_wait3A_53 : memref<1x400xi32, #tpu.memory_space<vmem>> -> memref<400xi32, #tpu.memory_space<vmem>>
          %dma_wait3A_55 = arith.constant 0 : i32
          %dma_wait3A_56 = arith.constant 0 : i32
          %dma_wait3A_57 = tpu.memref_slice %arg13[%dma_wait3A_55, %dma_wait3A_56] : memref<10000x64xf32, #tpu.memory_space<vmem_shared>> -> memref<10000x64xf32, #tpu.memory_space<vmem_shared>>
          tpu.wait_indirect_dma semaphore(%run_scoped3A : memref<!tpu.dma_semaphore, #tpu.memory_space<semaphore_mem>>) src(%arg11 : memref<400x64xf32, #tpu.memory_space<vmem>>) dst(%dma_wait3A_57 : memref<10000x64xf32, #tpu.memory_space<vmem_shared>>)
          tpu.yield
        }) : () -> ()
      }
      %scan3A_43 = arith.constant 50 : i32
    } else {
    }
    %barrier3A_23 = arith.constant 0 : index
    tpu.barrier barrier_id(%barrier3A_23)
    %eq3A_24 = arith.constant 0 : i32
    %eq3A_25 = arith.cmpi eq, %arg0, %eq3A_24 : i32
    %lt3A_26 = arith.constant 5 : i32
    %lt3A_27 = arith.cmpi slt, %arg1, %lt3A_26 : i32
    %and3A = arith.andi %eq3A_25, %lt3A_27 : i1
    %convert_element_type3A_28 = arith.extui %and3A : i1 to i32
    %cond3A_29 = arith.constant 0 : i32
    %cond3A_30 = arith.cmpi ne, %convert_element_type3A_28, %cond3A_29 : i32
    scf.if %cond3A_30 {
      %mul3A_39 = arith.constant 2000 : i32
      %mul3A_40 = arith.muli %arg1, %mul3A_39 : i32
      "tpu.region"() ({
        %run_scoped3A = tpu.sem_alloc : memref<!tpu.dma_semaphore, #tpu.memory_space<semaphore_mem>>
        %dma_start3A = arith.constant 0 : i32
        %dma_start3A_41 = tpu.memref_slice %arg7[%mul3A_40, %dma_start3A] : memref<10000x64xf32, #tpu.memory_space<hbm>> -> memref<2000x64xf32, #tpu.memory_space<hbm>>
        %dma_start3A_42 = arith.constant 0 : i32
        %dma_start3A_43 = tpu.memref_slice %arg13[%mul3A_40, %dma_start3A_42] : memref<10000x64xf32, #tpu.memory_space<vmem_shared>> -> memref<2000x64xf32, #tpu.memory_space<vmem_shared>>
        tpu.enqueue_dma source(%dma_start3A_43 : memref<2000x64xf32, #tpu.memory_space<vmem_shared>>) target(%dma_start3A_41 : memref<2000x64xf32, #tpu.memory_space<hbm>>) target_semaphore(%run_scoped3A : memref<!tpu.dma_semaphore, #tpu.memory_space<semaphore_mem>>)
        %dma_wait3A = arith.constant 0 : i32
        %dma_wait3A_44 = tpu.memref_slice %arg7[%mul3A_40, %dma_wait3A] : memref<10000x64xf32, #tpu.memory_space<hbm>> -> memref<2000x64xf32, #tpu.memory_space<hbm>>
        %dma_wait3A_45 = arith.constant 0 : i32
        %dma_wait3A_46 = tpu.memref_slice %arg13[%mul3A_40, %dma_wait3A_45] : memref<10000x64xf32, #tpu.memory_space<vmem_shared>> -> memref<2000x64xf32, #tpu.memory_space<vmem_shared>>
        tpu.wait_dma2 semaphore(%run_scoped3A : memref<!tpu.dma_semaphore, #tpu.memory_space<semaphore_mem>>) src(%dma_wait3A_46 : memref<2000x64xf32, #tpu.memory_space<vmem_shared>>) dst(%dma_wait3A_44 : memref<2000x64xf32, #tpu.memory_space<hbm>>)
        tpu.yield
      }) : () -> ()
    } else {
    }
    %eq3A_31 = arith.constant 1 : i32
    %eq3A_32 = arith.cmpi eq, %arg0, %eq3A_31 : i32
    %lt3A_33 = arith.constant 5 : i32
    %lt3A_34 = arith.cmpi slt, %arg1, %lt3A_33 : i32
    %and3A_35 = arith.andi %eq3A_32, %lt3A_34 : i1
    %convert_element_type3A_36 = arith.extui %and3A_35 : i1 to i32
    %cond3A_37 = arith.constant 0 : i32
    %cond3A_38 = arith.cmpi ne, %convert_element_type3A_36, %cond3A_37 : i32
    scf.if %cond3A_38 {
      %mul3A_39 = arith.constant 2000 : i32
      %mul3A_40 = arith.muli %arg1, %mul3A_39 : i32
      "tpu.region"() ({
        %run_scoped3A = tpu.sem_alloc : memref<!tpu.dma_semaphore, #tpu.memory_space<semaphore_mem>>
        %dma_start3A = arith.constant 0 : i32
        %dma_start3A_41 = tpu.memref_slice %arg8[%mul3A_40, %dma_start3A] : memref<10000x64xf32, #tpu.memory_space<hbm>> -> memref<2000x64xf32, #tpu.memory_space<hbm>>
        %dma_start3A_42 = arith.constant 0 : i32
        %dma_start3A_43 = tpu.memref_slice %arg13[%mul3A_40, %dma_start3A_42] : memref<10000x64xf32, #tpu.memory_space<vmem_shared>> -> memref<2000x64xf32, #tpu.memory_space<vmem_shared>>
        tpu.enqueue_dma source(%dma_start3A_43 : memref<2000x64xf32, #tpu.memory_space<vmem_shared>>) target(%dma_start3A_41 : memref<2000x64xf32, #tpu.memory_space<hbm>>) target_semaphore(%run_scoped3A : memref<!tpu.dma_semaphore, #tpu.memory_space<semaphore_mem>>)
        %dma_wait3A = arith.constant 0 : i32
        %dma_wait3A_44 = tpu.memref_slice %arg8[%mul3A_40, %dma_wait3A] : memref<10000x64xf32, #tpu.memory_space<hbm>> -> memref<2000x64xf32, #tpu.memory_space<hbm>>
        %dma_wait3A_45 = arith.constant 0 : i32
        %dma_wait3A_46 = tpu.memref_slice %arg13[%mul3A_40, %dma_wait3A_45] : memref<10000x64xf32, #tpu.memory_space<vmem_shared>> -> memref<2000x64xf32, #tpu.memory_space<vmem_shared>>
        tpu.wait_dma2 semaphore(%run_scoped3A : memref<!tpu.dma_semaphore, #tpu.memory_space<semaphore_mem>>) src(%dma_wait3A_46 : memref<2000x64xf32, #tpu.memory_space<vmem_shared>>) dst(%dma_wait3A_44 : memref<2000x64xf32, #tpu.memory_space<hbm>>)
        tpu.yield
      }) : () -> ()
    } else {
    }
    return
  }
}

#map = affine_map<(d0, d1) -> (0, 0)>
#map1 = affine_map<(d0, d1) -> (0)>
module attributes {stable_mosaic.version = 14 : i64} {
  func.func @_k_scalar_sums(%arg0: i32, %arg1: i32, %arg2: memref<10000x16xf32, #tpu.memory_space<hbm>>, %arg3: memref<20000x16xf32, #tpu.memory_space<hbm>>, %arg4: memref<320000xi32, #tpu.memory_space<hbm>>, %arg5: memref<320000xi32, #tpu.memory_space<hbm>>, %arg6: memref<2000x16xf32, #tpu.memory_space<hbm>>, %arg7: memref<20000x16xf32, #tpu.memory_space<hbm>>, %arg8: memref<10000x16xf32, #tpu.memory_space<hbm>>, %arg9: memref<20x1000xi32, #tpu.memory_space<vmem>>, %arg10: memref<20x1000xi32, #tpu.memory_space<vmem>>, %arg11: memref<1000x16xf32, #tpu.memory_space<vmem>>, %arg12: memref<1000x16xf32, #tpu.memory_space<vmem>>, %arg13: memref<20000x16xf32, #tpu.memory_space<vmem_shared>>, %arg14: memref<!tpu.dma_semaphore, #tpu.memory_space<semaphore_mem>>, %arg15: memref<!tpu.dma_semaphore, #tpu.memory_space<semaphore_mem>>) attributes {dimension_semantics = [#tpu.dimension_semantics<core_parallel>, #tpu.dimension_semantics<subcore_parallel>], iteration_bounds = array<i64: 2, 16>, scalar_prefetch = 0 : i64, scratch_operands = 7 : i64, tpu.core_type = #tpu.core_type<sc_vector_subcore>, window_params = [{transform_indices = #map}, {transform_indices = #map}, {transform_indices = #map1}, {transform_indices = #map1}, {transform_indices = #map}, {transform_indices = #map}, {transform_indices = #map}]} {
    %lt3A = arith.constant 10 : i32
    %lt3A_0 = arith.cmpi slt, %arg1, %lt3A : i32
    %convert_element_type3A = arith.extui %lt3A_0 : i1 to i32
    %cond3A = arith.constant 0 : i32
    %cond3A_1 = arith.cmpi ne, %convert_element_type3A, %cond3A : i32
    scf.if %cond3A_1 {
      %mul3A_39 = arith.constant 2000 : i32
      %mul3A_40 = arith.muli %arg1, %mul3A_39 : i32
      "tpu.region"() ({
        %run_scoped3A = tpu.sem_alloc : memref<!tpu.dma_semaphore, #tpu.memory_space<semaphore_mem>>
        %dma_start3A = arith.constant 0 : i32
        %dma_start3A_41 = tpu.memref_slice %arg13[%mul3A_40, %dma_start3A] : memref<20000x16xf32, #tpu.memory_space<vmem_shared>> -> memref<2000x16xf32, #tpu.memory_space<vmem_shared>>
        tpu.enqueue_dma source(%arg6 : memref<2000x16xf32, #tpu.memory_space<hbm>>) target(%dma_start3A_41 : memref<2000x16xf32, #tpu.memory_space<vmem_shared>>) target_semaphore(%run_scoped3A : memref<!tpu.dma_semaphore, #tpu.memory_space<semaphore_mem>>)
        %dma_wait3A = arith.constant 0 : i32
        %dma_wait3A_42 = tpu.memref_slice %arg13[%mul3A_40, %dma_wait3A] : memref<20000x16xf32, #tpu.memory_space<vmem_shared>> -> memref<2000x16xf32, #tpu.memory_space<vmem_shared>>
        tpu.wait_dma2 semaphore(%run_scoped3A : memref<!tpu.dma_semaphore, #tpu.memory_space<semaphore_mem>>) src(%arg6 : memref<2000x16xf32, #tpu.memory_space<hbm>>) dst(%dma_wait3A_42 : memref<2000x16xf32, #tpu.memory_space<vmem_shared>>)
        tpu.yield
      }) : () -> ()
    } else {
    }
    %mul3A = arith.constant 20000 : i32
    %mul3A_2 = arith.muli %arg1, %mul3A : i32
    %scan3A = arith.constant 0 : i32
    %scan3A_3 = arith.constant 20 : i32
    %scan3A_4 = arith.addi %scan3A, %scan3A_3 : i32
    %scan3A_5 = arith.constant 1 : i32
    scf.for %scan3A_39 = %scan3A to %scan3A_4 step %scan3A_5  : i32 {
      %mul3A_40 = arith.constant 1 : i32
      %mul3A_41 = arith.muli %scan3A_39, %mul3A_40 : i32
      %add3A = arith.constant 0 : i32
      %add3A_42 = arith.addi %add3A, %mul3A_41 : i32
      %mul3A_43 = arith.constant 1000 : i32
      %mul3A_44 = arith.muli %add3A_42, %mul3A_43 : i32
      %add3A_45 = arith.addi %mul3A_2, %mul3A_44 : i32
      "tpu.region"() ({
        %run_scoped3A = tpu.sem_alloc : memref<!tpu.dma_semaphore, #tpu.memory_space<semaphore_mem>>
        %dma_start3A = arith.constant 0 : i32
        %dma_start3A_46 = tpu.memref_slice %arg9[%add3A_42, %dma_start3A] : memref<20x1000xi32, #tpu.memory_space<vmem>> -> memref<1x1000xi32, #tpu.memory_space<vmem>>
        %dma_start3A_47 = tpu.memref_squeeze %dma_start3A_46 : memref<1x1000xi32, #tpu.memory_space<vmem>> -> memref<1000xi32, #tpu.memory_space<vmem>>
        %dma_start3A_48 = tpu.memref_slice %arg4[%add3A_45] : memref<320000xi32, #tpu.memory_space<hbm>> -> memref<1000xi32, #tpu.memory_space<hbm>>
        %dma_start3A_49 = arith.constant 0 : i32
        %dma_start3A_50 = tpu.memref_slice %arg9[%add3A_42, %dma_start3A_49] : memref<20x1000xi32, #tpu.memory_space<vmem>> -> memref<1x1000xi32, #tpu.memory_space<vmem>>
        %dma_start3A_51 = tpu.memref_squeeze %dma_start3A_50 : memref<1x1000xi32, #tpu.memory_space<vmem>> -> memref<1000xi32, #tpu.memory_space<vmem>>
        %dma_start3A_52 = tpu.memref_slice %arg4[%add3A_45] : memref<320000xi32, #tpu.memory_space<hbm>> -> memref<1000xi32, #tpu.memory_space<hbm>>
        tpu.enqueue_dma source(%dma_start3A_52 : memref<1000xi32, #tpu.memory_space<hbm>>) target(%dma_start3A_51 : memref<1000xi32, #tpu.memory_space<vmem>>) target_semaphore(%run_scoped3A : memref<!tpu.dma_semaphore, #tpu.memory_space<semaphore_mem>>)
        %dma_wait3A = arith.constant 0 : i32
        %dma_wait3A_53 = tpu.memref_slice %arg9[%add3A_42, %dma_wait3A] : memref<20x1000xi32, #tpu.memory_space<vmem>> -> memref<1x1000xi32, #tpu.memory_space<vmem>>
        %dma_wait3A_54 = tpu.memref_squeeze %dma_wait3A_53 : memref<1x1000xi32, #tpu.memory_space<vmem>> -> memref<1000xi32, #tpu.memory_space<vmem>>
        %dma_wait3A_55 = tpu.memref_slice %arg4[%add3A_45] : memref<320000xi32, #tpu.memory_space<hbm>> -> memref<1000xi32, #tpu.memory_space<hbm>>
        %dma_wait3A_56 = arith.constant 0 : i32
        %dma_wait3A_57 = tpu.memref_slice %arg9[%add3A_42, %dma_wait3A_56] : memref<20x1000xi32, #tpu.memory_space<vmem>> -> memref<1x1000xi32, #tpu.memory_space<vmem>>
        %dma_wait3A_58 = tpu.memref_squeeze %dma_wait3A_57 : memref<1x1000xi32, #tpu.memory_space<vmem>> -> memref<1000xi32, #tpu.memory_space<vmem>>
        %dma_wait3A_59 = tpu.memref_slice %arg4[%add3A_45] : memref<320000xi32, #tpu.memory_space<hbm>> -> memref<1000xi32, #tpu.memory_space<hbm>>
        tpu.wait_dma2 semaphore(%run_scoped3A : memref<!tpu.dma_semaphore, #tpu.memory_space<semaphore_mem>>) src(%dma_wait3A_59 : memref<1000xi32, #tpu.memory_space<hbm>>) dst(%dma_wait3A_58 : memref<1000xi32, #tpu.memory_space<vmem>>)
        tpu.yield
      }) : () -> ()
    }
    %scan3A_6 = arith.constant 20 : i32
    %mul3A_7 = arith.constant 20000 : i32
    %mul3A_8 = arith.muli %arg1, %mul3A_7 : i32
    %scan3A_9 = arith.constant 0 : i32
    %scan3A_10 = arith.constant 20 : i32
    %scan3A_11 = arith.addi %scan3A_9, %scan3A_10 : i32
    %scan3A_12 = arith.constant 1 : i32
    scf.for %scan3A_39 = %scan3A_9 to %scan3A_11 step %scan3A_12  : i32 {
      %mul3A_40 = arith.constant 1 : i32
      %mul3A_41 = arith.muli %scan3A_39, %mul3A_40 : i32
      %add3A = arith.constant 0 : i32
      %add3A_42 = arith.addi %add3A, %mul3A_41 : i32
      %mul3A_43 = arith.constant 1000 : i32
      %mul3A_44 = arith.muli %add3A_42, %mul3A_43 : i32
      %add3A_45 = arith.addi %mul3A_8, %mul3A_44 : i32
      "tpu.region"() ({
        %run_scoped3A = tpu.sem_alloc : memref<!tpu.dma_semaphore, #tpu.memory_space<semaphore_mem>>
        %dma_start3A = arith.constant 0 : i32
        %dma_start3A_46 = tpu.memref_slice %arg10[%add3A_42, %dma_start3A] : memref<20x1000xi32, #tpu.memory_space<vmem>> -> memref<1x1000xi32, #tpu.memory_space<vmem>>
        %dma_start3A_47 = tpu.memref_squeeze %dma_start3A_46 : memref<1x1000xi32, #tpu.memory_space<vmem>> -> memref<1000xi32, #tpu.memory_space<vmem>>
        %dma_start3A_48 = tpu.memref_slice %arg5[%add3A_45] : memref<320000xi32, #tpu.memory_space<hbm>> -> memref<1000xi32, #tpu.memory_space<hbm>>
        %dma_start3A_49 = arith.constant 0 : i32
        %dma_start3A_50 = tpu.memref_slice %arg10[%add3A_42, %dma_start3A_49] : memref<20x1000xi32, #tpu.memory_space<vmem>> -> memref<1x1000xi32, #tpu.memory_space<vmem>>
        %dma_start3A_51 = tpu.memref_squeeze %dma_start3A_50 : memref<1x1000xi32, #tpu.memory_space<vmem>> -> memref<1000xi32, #tpu.memory_space<vmem>>
        %dma_start3A_52 = tpu.memref_slice %arg5[%add3A_45] : memref<320000xi32, #tpu.memory_space<hbm>> -> memref<1000xi32, #tpu.memory_space<hbm>>
        tpu.enqueue_dma source(%dma_start3A_52 : memref<1000xi32, #tpu.memory_space<hbm>>) target(%dma_start3A_51 : memref<1000xi32, #tpu.memory_space<vmem>>) target_semaphore(%run_scoped3A : memref<!tpu.dma_semaphore, #tpu.memory_space<semaphore_mem>>)
        %dma_wait3A = arith.constant 0 : i32
        %dma_wait3A_53 = tpu.memref_slice %arg10[%add3A_42, %dma_wait3A] : memref<20x1000xi32, #tpu.memory_space<vmem>> -> memref<1x1000xi32, #tpu.memory_space<vmem>>
        %dma_wait3A_54 = tpu.memref_squeeze %dma_wait3A_53 : memref<1x1000xi32, #tpu.memory_space<vmem>> -> memref<1000xi32, #tpu.memory_space<vmem>>
        %dma_wait3A_55 = tpu.memref_slice %arg5[%add3A_45] : memref<320000xi32, #tpu.memory_space<hbm>> -> memref<1000xi32, #tpu.memory_space<hbm>>
        %dma_wait3A_56 = arith.constant 0 : i32
        %dma_wait3A_57 = tpu.memref_slice %arg10[%add3A_42, %dma_wait3A_56] : memref<20x1000xi32, #tpu.memory_space<vmem>> -> memref<1x1000xi32, #tpu.memory_space<vmem>>
        %dma_wait3A_58 = tpu.memref_squeeze %dma_wait3A_57 : memref<1x1000xi32, #tpu.memory_space<vmem>> -> memref<1000xi32, #tpu.memory_space<vmem>>
        %dma_wait3A_59 = tpu.memref_slice %arg5[%add3A_45] : memref<320000xi32, #tpu.memory_space<hbm>> -> memref<1000xi32, #tpu.memory_space<hbm>>
        tpu.wait_dma2 semaphore(%run_scoped3A : memref<!tpu.dma_semaphore, #tpu.memory_space<semaphore_mem>>) src(%dma_wait3A_59 : memref<1000xi32, #tpu.memory_space<hbm>>) dst(%dma_wait3A_58 : memref<1000xi32, #tpu.memory_space<vmem>>)
        tpu.yield
      }) : () -> ()
    }
    %scan3A_13 = arith.constant 20 : i32
    %barrier3A = arith.constant 0 : index
    tpu.barrier barrier_id(%barrier3A)
    %eq3A = arith.constant 0 : i32
    %eq3A_14 = arith.cmpi eq, %arg0, %eq3A : i32
    %convert_element_type3A_15 = arith.extui %eq3A_14 : i1 to i32
    %cond3A_16 = arith.constant 0 : i32
    %cond3A_17 = arith.cmpi ne, %convert_element_type3A_15, %cond3A_16 : i32
    scf.if %cond3A_17 {
      %scan3A_39 = arith.constant 0 : i32
      %scan3A_40 = arith.constant 20 : i32
      %scan3A_41 = arith.addi %scan3A_39, %scan3A_40 : i32
      %scan3A_42 = arith.constant 1 : i32
      scf.for %scan3A_44 = %scan3A_39 to %scan3A_41 step %scan3A_42  : i32 {
        %mul3A_45 = arith.constant 1 : i32
        %mul3A_46 = arith.muli %scan3A_44, %mul3A_45 : i32
        %add3A = arith.constant 0 : i32
        %add3A_47 = arith.addi %add3A, %mul3A_46 : i32
        "tpu.region"() ({
          %run_scoped3A = tpu.sem_alloc : memref<!tpu.dma_semaphore, #tpu.memory_space<semaphore_mem>>
          %dma_start3A = arith.constant 0 : i32
          %dma_start3A_48 = tpu.memref_slice %arg9[%add3A_47, %dma_start3A] : memref<20x1000xi32, #tpu.memory_space<vmem>> -> memref<1x1000xi32, #tpu.memory_space<vmem>>
          %dma_start3A_49 = tpu.memref_squeeze %dma_start3A_48 : memref<1x1000xi32, #tpu.memory_space<vmem>> -> memref<1000xi32, #tpu.memory_space<vmem>>
          %dma_start3A_50 = arith.constant 0 : i32
          %dma_start3A_51 = arith.constant 0 : i32
          %dma_start3A_52 = tpu.memref_slice %arg2[%dma_start3A_50, %dma_start3A_51] : memref<10000x16xf32, #tpu.memory_space<hbm>> -> memref<10000x16xf32, #tpu.memory_space<hbm>>
          tpu.enqueue_indirect_dma source(%dma_start3A_52 : memref<10000x16xf32, #tpu.memory_space<hbm>>) target(%arg11 : memref<1000x16xf32, #tpu.memory_space<vmem>>) offsets(%dma_start3A_49 : memref<1000xi32, #tpu.memory_space<vmem>>) semaphore(%run_scoped3A : memref<!tpu.dma_semaphore, #tpu.memory_space<semaphore_mem>>)
          %dma_wait3A = arith.constant 0 : i32
          %dma_wait3A_53 = tpu.memref_slice %arg9[%add3A_47, %dma_wait3A] : memref<20x1000xi32, #tpu.memory_space<vmem>> -> memref<1x1000xi32, #tpu.memory_space<vmem>>
          %dma_wait3A_54 = tpu.memref_squeeze %dma_wait3A_53 : memref<1x1000xi32, #tpu.memory_space<vmem>> -> memref<1000xi32, #tpu.memory_space<vmem>>
          %dma_wait3A_55 = arith.constant 0 : i32
          %dma_wait3A_56 = arith.constant 0 : i32
          %dma_wait3A_57 = tpu.memref_slice %arg2[%dma_wait3A_55, %dma_wait3A_56] : memref<10000x16xf32, #tpu.memory_space<hbm>> -> memref<10000x16xf32, #tpu.memory_space<hbm>>
          tpu.wait_indirect_dma semaphore(%run_scoped3A : memref<!tpu.dma_semaphore, #tpu.memory_space<semaphore_mem>>) src(%dma_wait3A_57 : memref<10000x16xf32, #tpu.memory_space<hbm>>) dst(%arg11 : memref<1000x16xf32, #tpu.memory_space<vmem>>)
          tpu.yield
        }) : () -> ()
        "tpu.region"() ({
          %run_scoped3A = tpu.sem_alloc : memref<!tpu.dma_semaphore, #tpu.memory_space<semaphore_mem>>
          %dma_start3A = arith.constant 0 : i32
          %dma_start3A_48 = tpu.memref_slice %arg10[%add3A_47, %dma_start3A] : memref<20x1000xi32, #tpu.memory_space<vmem>> -> memref<1x1000xi32, #tpu.memory_space<vmem>>
          %dma_start3A_49 = tpu.memref_squeeze %dma_start3A_48 : memref<1x1000xi32, #tpu.memory_space<vmem>> -> memref<1000xi32, #tpu.memory_space<vmem>>
          %dma_start3A_50 = arith.constant 0 : i32
          %dma_start3A_51 = arith.constant 0 : i32
          %dma_start3A_52 = tpu.memref_slice %arg13[%dma_start3A_50, %dma_start3A_51] : memref<20000x16xf32, #tpu.memory_space<vmem_shared>> -> memref<20000x16xf32, #tpu.memory_space<vmem_shared>>
          tpu.enqueue_indirect_dma source(%arg11 : memref<1000x16xf32, #tpu.memory_space<vmem>>) target(%dma_start3A_52 : memref<20000x16xf32, #tpu.memory_space<vmem_shared>>) offsets(%dma_start3A_49 : memref<1000xi32, #tpu.memory_space<vmem>>) semaphore(%run_scoped3A : memref<!tpu.dma_semaphore, #tpu.memory_space<semaphore_mem>>) {add = true}
          %dma_wait3A = arith.constant 0 : i32
          %dma_wait3A_53 = tpu.memref_slice %arg10[%add3A_47, %dma_wait3A] : memref<20x1000xi32, #tpu.memory_space<vmem>> -> memref<1x1000xi32, #tpu.memory_space<vmem>>
          %dma_wait3A_54 = tpu.memref_squeeze %dma_wait3A_53 : memref<1x1000xi32, #tpu.memory_space<vmem>> -> memref<1000xi32, #tpu.memory_space<vmem>>
          %dma_wait3A_55 = arith.constant 0 : i32
          %dma_wait3A_56 = arith.constant 0 : i32
          %dma_wait3A_57 = tpu.memref_slice %arg13[%dma_wait3A_55, %dma_wait3A_56] : memref<20000x16xf32, #tpu.memory_space<vmem_shared>> -> memref<20000x16xf32, #tpu.memory_space<vmem_shared>>
          tpu.wait_indirect_dma semaphore(%run_scoped3A : memref<!tpu.dma_semaphore, #tpu.memory_space<semaphore_mem>>) src(%arg11 : memref<1000x16xf32, #tpu.memory_space<vmem>>) dst(%dma_wait3A_57 : memref<20000x16xf32, #tpu.memory_space<vmem_shared>>)
          tpu.yield
        }) : () -> ()
      }
      %scan3A_43 = arith.constant 20 : i32
    } else {
    }
    %eq3A_18 = arith.constant 1 : i32
    %eq3A_19 = arith.cmpi eq, %arg0, %eq3A_18 : i32
    %convert_element_type3A_20 = arith.extui %eq3A_19 : i1 to i32
    %cond3A_21 = arith.constant 0 : i32
    %cond3A_22 = arith.cmpi ne, %convert_element_type3A_20, %cond3A_21 : i32
    scf.if %cond3A_22 {
      %scan3A_39 = arith.constant 0 : i32
      %scan3A_40 = arith.constant 20 : i32
      %scan3A_41 = arith.addi %scan3A_39, %scan3A_40 : i32
      %scan3A_42 = arith.constant 1 : i32
      scf.for %scan3A_44 = %scan3A_39 to %scan3A_41 step %scan3A_42  : i32 {
        %mul3A_45 = arith.constant 1 : i32
        %mul3A_46 = arith.muli %scan3A_44, %mul3A_45 : i32
        %add3A = arith.constant 0 : i32
        %add3A_47 = arith.addi %add3A, %mul3A_46 : i32
        "tpu.region"() ({
          %run_scoped3A = tpu.sem_alloc : memref<!tpu.dma_semaphore, #tpu.memory_space<semaphore_mem>>
          %dma_start3A = arith.constant 0 : i32
          %dma_start3A_48 = tpu.memref_slice %arg10[%add3A_47, %dma_start3A] : memref<20x1000xi32, #tpu.memory_space<vmem>> -> memref<1x1000xi32, #tpu.memory_space<vmem>>
          %dma_start3A_49 = tpu.memref_squeeze %dma_start3A_48 : memref<1x1000xi32, #tpu.memory_space<vmem>> -> memref<1000xi32, #tpu.memory_space<vmem>>
          %dma_start3A_50 = arith.constant 0 : i32
          %dma_start3A_51 = arith.constant 0 : i32
          %dma_start3A_52 = tpu.memref_slice %arg3[%dma_start3A_50, %dma_start3A_51] : memref<20000x16xf32, #tpu.memory_space<hbm>> -> memref<20000x16xf32, #tpu.memory_space<hbm>>
          tpu.enqueue_indirect_dma source(%dma_start3A_52 : memref<20000x16xf32, #tpu.memory_space<hbm>>) target(%arg11 : memref<1000x16xf32, #tpu.memory_space<vmem>>) offsets(%dma_start3A_49 : memref<1000xi32, #tpu.memory_space<vmem>>) semaphore(%run_scoped3A : memref<!tpu.dma_semaphore, #tpu.memory_space<semaphore_mem>>)
          %dma_wait3A = arith.constant 0 : i32
          %dma_wait3A_53 = tpu.memref_slice %arg10[%add3A_47, %dma_wait3A] : memref<20x1000xi32, #tpu.memory_space<vmem>> -> memref<1x1000xi32, #tpu.memory_space<vmem>>
          %dma_wait3A_54 = tpu.memref_squeeze %dma_wait3A_53 : memref<1x1000xi32, #tpu.memory_space<vmem>> -> memref<1000xi32, #tpu.memory_space<vmem>>
          %dma_wait3A_55 = arith.constant 0 : i32
          %dma_wait3A_56 = arith.constant 0 : i32
          %dma_wait3A_57 = tpu.memref_slice %arg3[%dma_wait3A_55, %dma_wait3A_56] : memref<20000x16xf32, #tpu.memory_space<hbm>> -> memref<20000x16xf32, #tpu.memory_space<hbm>>
          tpu.wait_indirect_dma semaphore(%run_scoped3A : memref<!tpu.dma_semaphore, #tpu.memory_space<semaphore_mem>>) src(%dma_wait3A_57 : memref<20000x16xf32, #tpu.memory_space<hbm>>) dst(%arg11 : memref<1000x16xf32, #tpu.memory_space<vmem>>)
          tpu.yield
        }) : () -> ()
        "tpu.region"() ({
          %run_scoped3A = tpu.sem_alloc : memref<!tpu.dma_semaphore, #tpu.memory_space<semaphore_mem>>
          %dma_start3A = arith.constant 0 : i32
          %dma_start3A_48 = tpu.memref_slice %arg9[%add3A_47, %dma_start3A] : memref<20x1000xi32, #tpu.memory_space<vmem>> -> memref<1x1000xi32, #tpu.memory_space<vmem>>
          %dma_start3A_49 = tpu.memref_squeeze %dma_start3A_48 : memref<1x1000xi32, #tpu.memory_space<vmem>> -> memref<1000xi32, #tpu.memory_space<vmem>>
          %dma_start3A_50 = arith.constant 0 : i32
          %dma_start3A_51 = arith.constant 0 : i32
          %dma_start3A_52 = tpu.memref_slice %arg13[%dma_start3A_50, %dma_start3A_51] : memref<20000x16xf32, #tpu.memory_space<vmem_shared>> -> memref<20000x16xf32, #tpu.memory_space<vmem_shared>>
          tpu.enqueue_indirect_dma source(%arg11 : memref<1000x16xf32, #tpu.memory_space<vmem>>) target(%dma_start3A_52 : memref<20000x16xf32, #tpu.memory_space<vmem_shared>>) offsets(%dma_start3A_49 : memref<1000xi32, #tpu.memory_space<vmem>>) semaphore(%run_scoped3A : memref<!tpu.dma_semaphore, #tpu.memory_space<semaphore_mem>>) {add = true}
          %dma_wait3A = arith.constant 0 : i32
          %dma_wait3A_53 = tpu.memref_slice %arg9[%add3A_47, %dma_wait3A] : memref<20x1000xi32, #tpu.memory_space<vmem>> -> memref<1x1000xi32, #tpu.memory_space<vmem>>
          %dma_wait3A_54 = tpu.memref_squeeze %dma_wait3A_53 : memref<1x1000xi32, #tpu.memory_space<vmem>> -> memref<1000xi32, #tpu.memory_space<vmem>>
          %dma_wait3A_55 = arith.constant 0 : i32
          %dma_wait3A_56 = arith.constant 0 : i32
          %dma_wait3A_57 = tpu.memref_slice %arg13[%dma_wait3A_55, %dma_wait3A_56] : memref<20000x16xf32, #tpu.memory_space<vmem_shared>> -> memref<20000x16xf32, #tpu.memory_space<vmem_shared>>
          tpu.wait_indirect_dma semaphore(%run_scoped3A : memref<!tpu.dma_semaphore, #tpu.memory_space<semaphore_mem>>) src(%arg11 : memref<1000x16xf32, #tpu.memory_space<vmem>>) dst(%dma_wait3A_57 : memref<20000x16xf32, #tpu.memory_space<vmem_shared>>)
          tpu.yield
        }) : () -> ()
      }
      %scan3A_43 = arith.constant 20 : i32
    } else {
    }
    %barrier3A_23 = arith.constant 0 : index
    tpu.barrier barrier_id(%barrier3A_23)
    %eq3A_24 = arith.constant 0 : i32
    %eq3A_25 = arith.cmpi eq, %arg0, %eq3A_24 : i32
    %lt3A_26 = arith.constant 10 : i32
    %lt3A_27 = arith.cmpi slt, %arg1, %lt3A_26 : i32
    %and3A = arith.andi %eq3A_25, %lt3A_27 : i1
    %convert_element_type3A_28 = arith.extui %and3A : i1 to i32
    %cond3A_29 = arith.constant 0 : i32
    %cond3A_30 = arith.cmpi ne, %convert_element_type3A_28, %cond3A_29 : i32
    scf.if %cond3A_30 {
      %mul3A_39 = arith.constant 2000 : i32
      %mul3A_40 = arith.muli %arg1, %mul3A_39 : i32
      "tpu.region"() ({
        %run_scoped3A = tpu.sem_alloc : memref<!tpu.dma_semaphore, #tpu.memory_space<semaphore_mem>>
        %dma_start3A = arith.constant 0 : i32
        %dma_start3A_41 = tpu.memref_slice %arg7[%mul3A_40, %dma_start3A] : memref<20000x16xf32, #tpu.memory_space<hbm>> -> memref<2000x16xf32, #tpu.memory_space<hbm>>
        %dma_start3A_42 = arith.constant 0 : i32
        %dma_start3A_43 = tpu.memref_slice %arg13[%mul3A_40, %dma_start3A_42] : memref<20000x16xf32, #tpu.memory_space<vmem_shared>> -> memref<2000x16xf32, #tpu.memory_space<vmem_shared>>
        tpu.enqueue_dma source(%dma_start3A_43 : memref<2000x16xf32, #tpu.memory_space<vmem_shared>>) target(%dma_start3A_41 : memref<2000x16xf32, #tpu.memory_space<hbm>>) target_semaphore(%run_scoped3A : memref<!tpu.dma_semaphore, #tpu.memory_space<semaphore_mem>>)
        %dma_wait3A = arith.constant 0 : i32
        %dma_wait3A_44 = tpu.memref_slice %arg7[%mul3A_40, %dma_wait3A] : memref<20000x16xf32, #tpu.memory_space<hbm>> -> memref<2000x16xf32, #tpu.memory_space<hbm>>
        %dma_wait3A_45 = arith.constant 0 : i32
        %dma_wait3A_46 = tpu.memref_slice %arg13[%mul3A_40, %dma_wait3A_45] : memref<20000x16xf32, #tpu.memory_space<vmem_shared>> -> memref<2000x16xf32, #tpu.memory_space<vmem_shared>>
        tpu.wait_dma2 semaphore(%run_scoped3A : memref<!tpu.dma_semaphore, #tpu.memory_space<semaphore_mem>>) src(%dma_wait3A_46 : memref<2000x16xf32, #tpu.memory_space<vmem_shared>>) dst(%dma_wait3A_44 : memref<2000x16xf32, #tpu.memory_space<hbm>>)
        tpu.yield
      }) : () -> ()
    } else {
    }
    %eq3A_31 = arith.constant 1 : i32
    %eq3A_32 = arith.cmpi eq, %arg0, %eq3A_31 : i32
    %lt3A_33 = arith.constant 5 : i32
    %lt3A_34 = arith.cmpi slt, %arg1, %lt3A_33 : i32
    %and3A_35 = arith.andi %eq3A_32, %lt3A_34 : i1
    %convert_element_type3A_36 = arith.extui %and3A_35 : i1 to i32
    %cond3A_37 = arith.constant 0 : i32
    %cond3A_38 = arith.cmpi ne, %convert_element_type3A_36, %cond3A_37 : i32
    scf.if %cond3A_38 {
      %mul3A_39 = arith.constant 2000 : i32
      %mul3A_40 = arith.muli %arg1, %mul3A_39 : i32
      "tpu.region"() ({
        %run_scoped3A = tpu.sem_alloc : memref<!tpu.dma_semaphore, #tpu.memory_space<semaphore_mem>>
        %dma_start3A = arith.constant 0 : i32
        %dma_start3A_41 = tpu.memref_slice %arg8[%mul3A_40, %dma_start3A] : memref<10000x16xf32, #tpu.memory_space<hbm>> -> memref<2000x16xf32, #tpu.memory_space<hbm>>
        %dma_start3A_42 = arith.constant 0 : i32
        %dma_start3A_43 = tpu.memref_slice %arg13[%mul3A_40, %dma_start3A_42] : memref<20000x16xf32, #tpu.memory_space<vmem_shared>> -> memref<2000x16xf32, #tpu.memory_space<vmem_shared>>
        tpu.enqueue_dma source(%dma_start3A_43 : memref<2000x16xf32, #tpu.memory_space<vmem_shared>>) target(%dma_start3A_41 : memref<2000x16xf32, #tpu.memory_space<hbm>>) target_semaphore(%run_scoped3A : memref<!tpu.dma_semaphore, #tpu.memory_space<semaphore_mem>>)
        %dma_wait3A = arith.constant 0 : i32
        %dma_wait3A_44 = tpu.memref_slice %arg8[%mul3A_40, %dma_wait3A] : memref<10000x16xf32, #tpu.memory_space<hbm>> -> memref<2000x16xf32, #tpu.memory_space<hbm>>
        %dma_wait3A_45 = arith.constant 0 : i32
        %dma_wait3A_46 = tpu.memref_slice %arg13[%mul3A_40, %dma_wait3A_45] : memref<20000x16xf32, #tpu.memory_space<vmem_shared>> -> memref<2000x16xf32, #tpu.memory_space<vmem_shared>>
        tpu.wait_dma2 semaphore(%run_scoped3A : memref<!tpu.dma_semaphore, #tpu.memory_space<semaphore_mem>>) src(%dma_wait3A_46 : memref<2000x16xf32, #tpu.memory_space<vmem_shared>>) dst(%dma_wait3A_44 : memref<2000x16xf32, #tpu.memory_space<hbm>>)
        tpu.yield
      }) : () -> ()
    } else {
    }
    return
  }
}

#map = affine_map<(d0, d1) -> (0, 0)>
#map1 = affine_map<(d0, d1) -> (0)>
module attributes {stable_mosaic.version = 14 : i64} {
  func.func @_k_scalar_sums(%arg0: i32, %arg1: i32, %arg2: memref<10000x16xf32, #tpu.memory_space<hbm>>, %arg3: memref<20000x16xf32, #tpu.memory_space<hbm>>, %arg4: memref<320000xi32, #tpu.memory_space<hbm>>, %arg5: memref<320000xi32, #tpu.memory_space<hbm>>, %arg6: memref<2000x16xf32, #tpu.memory_space<hbm>>, %arg7: memref<20000x16xf32, #tpu.memory_space<hbm>>, %arg8: memref<10000x16xf32, #tpu.memory_space<hbm>>, %arg9: memref<20x1000xi32, #tpu.memory_space<vmem>>, %arg10: memref<20x1000xi32, #tpu.memory_space<vmem>>, %arg11: memref<1000x16xf32, #tpu.memory_space<vmem>>, %arg12: memref<1000x16xf32, #tpu.memory_space<vmem>>, %arg13: memref<20000x16xf32, #tpu.memory_space<vmem_shared>>, %arg14: memref<!tpu.dma_semaphore, #tpu.memory_space<semaphore_mem>>, %arg15: memref<!tpu.dma_semaphore, #tpu.memory_space<semaphore_mem>>) attributes {dimension_semantics = [#tpu.dimension_semantics<core_parallel>, #tpu.dimension_semantics<subcore_parallel>], iteration_bounds = array<i64: 2, 16>, scalar_prefetch = 0 : i64, scratch_operands = 7 : i64, tpu.core_type = #tpu.core_type<sc_vector_subcore>, window_params = [{transform_indices = #map}, {transform_indices = #map}, {transform_indices = #map1}, {transform_indices = #map1}, {transform_indices = #map}, {transform_indices = #map}, {transform_indices = #map}]} {
    %lt3A = arith.constant 10 : i32
    %lt3A_0 = arith.cmpi slt, %arg1, %lt3A : i32
    %convert_element_type3A = arith.extui %lt3A_0 : i1 to i32
    %cond3A = arith.constant 0 : i32
    %cond3A_1 = arith.cmpi ne, %convert_element_type3A, %cond3A : i32
    scf.if %cond3A_1 {
      %mul3A_39 = arith.constant 2000 : i32
      %mul3A_40 = arith.muli %arg1, %mul3A_39 : i32
      "tpu.region"() ({
        %run_scoped3A = tpu.sem_alloc : memref<!tpu.dma_semaphore, #tpu.memory_space<semaphore_mem>>
        %dma_start3A = arith.constant 0 : i32
        %dma_start3A_41 = tpu.memref_slice %arg13[%mul3A_40, %dma_start3A] : memref<20000x16xf32, #tpu.memory_space<vmem_shared>> -> memref<2000x16xf32, #tpu.memory_space<vmem_shared>>
        tpu.enqueue_dma source(%arg6 : memref<2000x16xf32, #tpu.memory_space<hbm>>) target(%dma_start3A_41 : memref<2000x16xf32, #tpu.memory_space<vmem_shared>>) target_semaphore(%run_scoped3A : memref<!tpu.dma_semaphore, #tpu.memory_space<semaphore_mem>>)
        %dma_wait3A = arith.constant 0 : i32
        %dma_wait3A_42 = tpu.memref_slice %arg13[%mul3A_40, %dma_wait3A] : memref<20000x16xf32, #tpu.memory_space<vmem_shared>> -> memref<2000x16xf32, #tpu.memory_space<vmem_shared>>
        tpu.wait_dma2 semaphore(%run_scoped3A : memref<!tpu.dma_semaphore, #tpu.memory_space<semaphore_mem>>) src(%arg6 : memref<2000x16xf32, #tpu.memory_space<hbm>>) dst(%dma_wait3A_42 : memref<2000x16xf32, #tpu.memory_space<vmem_shared>>)
        tpu.yield
      }) : () -> ()
    } else {
    }
    %mul3A = arith.constant 20000 : i32
    %mul3A_2 = arith.muli %arg1, %mul3A : i32
    %scan3A = arith.constant 0 : i32
    %scan3A_3 = arith.constant 20 : i32
    %scan3A_4 = arith.addi %scan3A, %scan3A_3 : i32
    %scan3A_5 = arith.constant 1 : i32
    scf.for %scan3A_39 = %scan3A to %scan3A_4 step %scan3A_5  : i32 {
      %mul3A_40 = arith.constant 1 : i32
      %mul3A_41 = arith.muli %scan3A_39, %mul3A_40 : i32
      %add3A = arith.constant 0 : i32
      %add3A_42 = arith.addi %add3A, %mul3A_41 : i32
      %mul3A_43 = arith.constant 1000 : i32
      %mul3A_44 = arith.muli %add3A_42, %mul3A_43 : i32
      %add3A_45 = arith.addi %mul3A_2, %mul3A_44 : i32
      "tpu.region"() ({
        %run_scoped3A = tpu.sem_alloc : memref<!tpu.dma_semaphore, #tpu.memory_space<semaphore_mem>>
        %dma_start3A = arith.constant 0 : i32
        %dma_start3A_46 = tpu.memref_slice %arg9[%add3A_42, %dma_start3A] : memref<20x1000xi32, #tpu.memory_space<vmem>> -> memref<1x1000xi32, #tpu.memory_space<vmem>>
        %dma_start3A_47 = tpu.memref_squeeze %dma_start3A_46 : memref<1x1000xi32, #tpu.memory_space<vmem>> -> memref<1000xi32, #tpu.memory_space<vmem>>
        %dma_start3A_48 = tpu.memref_slice %arg4[%add3A_45] : memref<320000xi32, #tpu.memory_space<hbm>> -> memref<1000xi32, #tpu.memory_space<hbm>>
        %dma_start3A_49 = arith.constant 0 : i32
        %dma_start3A_50 = tpu.memref_slice %arg9[%add3A_42, %dma_start3A_49] : memref<20x1000xi32, #tpu.memory_space<vmem>> -> memref<1x1000xi32, #tpu.memory_space<vmem>>
        %dma_start3A_51 = tpu.memref_squeeze %dma_start3A_50 : memref<1x1000xi32, #tpu.memory_space<vmem>> -> memref<1000xi32, #tpu.memory_space<vmem>>
        %dma_start3A_52 = tpu.memref_slice %arg4[%add3A_45] : memref<320000xi32, #tpu.memory_space<hbm>> -> memref<1000xi32, #tpu.memory_space<hbm>>
        tpu.enqueue_dma source(%dma_start3A_52 : memref<1000xi32, #tpu.memory_space<hbm>>) target(%dma_start3A_51 : memref<1000xi32, #tpu.memory_space<vmem>>) target_semaphore(%run_scoped3A : memref<!tpu.dma_semaphore, #tpu.memory_space<semaphore_mem>>)
        %dma_wait3A = arith.constant 0 : i32
        %dma_wait3A_53 = tpu.memref_slice %arg9[%add3A_42, %dma_wait3A] : memref<20x1000xi32, #tpu.memory_space<vmem>> -> memref<1x1000xi32, #tpu.memory_space<vmem>>
        %dma_wait3A_54 = tpu.memref_squeeze %dma_wait3A_53 : memref<1x1000xi32, #tpu.memory_space<vmem>> -> memref<1000xi32, #tpu.memory_space<vmem>>
        %dma_wait3A_55 = tpu.memref_slice %arg4[%add3A_45] : memref<320000xi32, #tpu.memory_space<hbm>> -> memref<1000xi32, #tpu.memory_space<hbm>>
        %dma_wait3A_56 = arith.constant 0 : i32
        %dma_wait3A_57 = tpu.memref_slice %arg9[%add3A_42, %dma_wait3A_56] : memref<20x1000xi32, #tpu.memory_space<vmem>> -> memref<1x1000xi32, #tpu.memory_space<vmem>>
        %dma_wait3A_58 = tpu.memref_squeeze %dma_wait3A_57 : memref<1x1000xi32, #tpu.memory_space<vmem>> -> memref<1000xi32, #tpu.memory_space<vmem>>
        %dma_wait3A_59 = tpu.memref_slice %arg4[%add3A_45] : memref<320000xi32, #tpu.memory_space<hbm>> -> memref<1000xi32, #tpu.memory_space<hbm>>
        tpu.wait_dma2 semaphore(%run_scoped3A : memref<!tpu.dma_semaphore, #tpu.memory_space<semaphore_mem>>) src(%dma_wait3A_59 : memref<1000xi32, #tpu.memory_space<hbm>>) dst(%dma_wait3A_58 : memref<1000xi32, #tpu.memory_space<vmem>>)
        tpu.yield
      }) : () -> ()
    }
    %scan3A_6 = arith.constant 20 : i32
    %mul3A_7 = arith.constant 20000 : i32
    %mul3A_8 = arith.muli %arg1, %mul3A_7 : i32
    %scan3A_9 = arith.constant 0 : i32
    %scan3A_10 = arith.constant 20 : i32
    %scan3A_11 = arith.addi %scan3A_9, %scan3A_10 : i32
    %scan3A_12 = arith.constant 1 : i32
    scf.for %scan3A_39 = %scan3A_9 to %scan3A_11 step %scan3A_12  : i32 {
      %mul3A_40 = arith.constant 1 : i32
      %mul3A_41 = arith.muli %scan3A_39, %mul3A_40 : i32
      %add3A = arith.constant 0 : i32
      %add3A_42 = arith.addi %add3A, %mul3A_41 : i32
      %mul3A_43 = arith.constant 1000 : i32
      %mul3A_44 = arith.muli %add3A_42, %mul3A_43 : i32
      %add3A_45 = arith.addi %mul3A_8, %mul3A_44 : i32
      "tpu.region"() ({
        %run_scoped3A = tpu.sem_alloc : memref<!tpu.dma_semaphore, #tpu.memory_space<semaphore_mem>>
        %dma_start3A = arith.constant 0 : i32
        %dma_start3A_46 = tpu.memref_slice %arg10[%add3A_42, %dma_start3A] : memref<20x1000xi32, #tpu.memory_space<vmem>> -> memref<1x1000xi32, #tpu.memory_space<vmem>>
        %dma_start3A_47 = tpu.memref_squeeze %dma_start3A_46 : memref<1x1000xi32, #tpu.memory_space<vmem>> -> memref<1000xi32, #tpu.memory_space<vmem>>
        %dma_start3A_48 = tpu.memref_slice %arg5[%add3A_45] : memref<320000xi32, #tpu.memory_space<hbm>> -> memref<1000xi32, #tpu.memory_space<hbm>>
        %dma_start3A_49 = arith.constant 0 : i32
        %dma_start3A_50 = tpu.memref_slice %arg10[%add3A_42, %dma_start3A_49] : memref<20x1000xi32, #tpu.memory_space<vmem>> -> memref<1x1000xi32, #tpu.memory_space<vmem>>
        %dma_start3A_51 = tpu.memref_squeeze %dma_start3A_50 : memref<1x1000xi32, #tpu.memory_space<vmem>> -> memref<1000xi32, #tpu.memory_space<vmem>>
        %dma_start3A_52 = tpu.memref_slice %arg5[%add3A_45] : memref<320000xi32, #tpu.memory_space<hbm>> -> memref<1000xi32, #tpu.memory_space<hbm>>
        tpu.enqueue_dma source(%dma_start3A_52 : memref<1000xi32, #tpu.memory_space<hbm>>) target(%dma_start3A_51 : memref<1000xi32, #tpu.memory_space<vmem>>) target_semaphore(%run_scoped3A : memref<!tpu.dma_semaphore, #tpu.memory_space<semaphore_mem>>)
        %dma_wait3A = arith.constant 0 : i32
        %dma_wait3A_53 = tpu.memref_slice %arg10[%add3A_42, %dma_wait3A] : memref<20x1000xi32, #tpu.memory_space<vmem>> -> memref<1x1000xi32, #tpu.memory_space<vmem>>
        %dma_wait3A_54 = tpu.memref_squeeze %dma_wait3A_53 : memref<1x1000xi32, #tpu.memory_space<vmem>> -> memref<1000xi32, #tpu.memory_space<vmem>>
        %dma_wait3A_55 = tpu.memref_slice %arg5[%add3A_45] : memref<320000xi32, #tpu.memory_space<hbm>> -> memref<1000xi32, #tpu.memory_space<hbm>>
        %dma_wait3A_56 = arith.constant 0 : i32
        %dma_wait3A_57 = tpu.memref_slice %arg10[%add3A_42, %dma_wait3A_56] : memref<20x1000xi32, #tpu.memory_space<vmem>> -> memref<1x1000xi32, #tpu.memory_space<vmem>>
        %dma_wait3A_58 = tpu.memref_squeeze %dma_wait3A_57 : memref<1x1000xi32, #tpu.memory_space<vmem>> -> memref<1000xi32, #tpu.memory_space<vmem>>
        %dma_wait3A_59 = tpu.memref_slice %arg5[%add3A_45] : memref<320000xi32, #tpu.memory_space<hbm>> -> memref<1000xi32, #tpu.memory_space<hbm>>
        tpu.wait_dma2 semaphore(%run_scoped3A : memref<!tpu.dma_semaphore, #tpu.memory_space<semaphore_mem>>) src(%dma_wait3A_59 : memref<1000xi32, #tpu.memory_space<hbm>>) dst(%dma_wait3A_58 : memref<1000xi32, #tpu.memory_space<vmem>>)
        tpu.yield
      }) : () -> ()
    }
    %scan3A_13 = arith.constant 20 : i32
    %barrier3A = arith.constant 0 : index
    tpu.barrier barrier_id(%barrier3A)
    %eq3A = arith.constant 0 : i32
    %eq3A_14 = arith.cmpi eq, %arg0, %eq3A : i32
    %convert_element_type3A_15 = arith.extui %eq3A_14 : i1 to i32
    %cond3A_16 = arith.constant 0 : i32
    %cond3A_17 = arith.cmpi ne, %convert_element_type3A_15, %cond3A_16 : i32
    scf.if %cond3A_17 {
      %scan3A_39 = arith.constant 0 : i32
      %scan3A_40 = arith.constant 20 : i32
      %scan3A_41 = arith.addi %scan3A_39, %scan3A_40 : i32
      %scan3A_42 = arith.constant 1 : i32
      scf.for %scan3A_44 = %scan3A_39 to %scan3A_41 step %scan3A_42  : i32 {
        %mul3A_45 = arith.constant 1 : i32
        %mul3A_46 = arith.muli %scan3A_44, %mul3A_45 : i32
        %add3A = arith.constant 0 : i32
        %add3A_47 = arith.addi %add3A, %mul3A_46 : i32
        "tpu.region"() ({
          %run_scoped3A = tpu.sem_alloc : memref<!tpu.dma_semaphore, #tpu.memory_space<semaphore_mem>>
          %dma_start3A = arith.constant 0 : i32
          %dma_start3A_48 = tpu.memref_slice %arg9[%add3A_47, %dma_start3A] : memref<20x1000xi32, #tpu.memory_space<vmem>> -> memref<1x1000xi32, #tpu.memory_space<vmem>>
          %dma_start3A_49 = tpu.memref_squeeze %dma_start3A_48 : memref<1x1000xi32, #tpu.memory_space<vmem>> -> memref<1000xi32, #tpu.memory_space<vmem>>
          %dma_start3A_50 = arith.constant 0 : i32
          %dma_start3A_51 = arith.constant 0 : i32
          %dma_start3A_52 = tpu.memref_slice %arg2[%dma_start3A_50, %dma_start3A_51] : memref<10000x16xf32, #tpu.memory_space<hbm>> -> memref<10000x16xf32, #tpu.memory_space<hbm>>
          tpu.enqueue_indirect_dma source(%dma_start3A_52 : memref<10000x16xf32, #tpu.memory_space<hbm>>) target(%arg11 : memref<1000x16xf32, #tpu.memory_space<vmem>>) offsets(%dma_start3A_49 : memref<1000xi32, #tpu.memory_space<vmem>>) semaphore(%run_scoped3A : memref<!tpu.dma_semaphore, #tpu.memory_space<semaphore_mem>>)
          %dma_wait3A = arith.constant 0 : i32
          %dma_wait3A_53 = tpu.memref_slice %arg9[%add3A_47, %dma_wait3A] : memref<20x1000xi32, #tpu.memory_space<vmem>> -> memref<1x1000xi32, #tpu.memory_space<vmem>>
          %dma_wait3A_54 = tpu.memref_squeeze %dma_wait3A_53 : memref<1x1000xi32, #tpu.memory_space<vmem>> -> memref<1000xi32, #tpu.memory_space<vmem>>
          %dma_wait3A_55 = arith.constant 0 : i32
          %dma_wait3A_56 = arith.constant 0 : i32
          %dma_wait3A_57 = tpu.memref_slice %arg2[%dma_wait3A_55, %dma_wait3A_56] : memref<10000x16xf32, #tpu.memory_space<hbm>> -> memref<10000x16xf32, #tpu.memory_space<hbm>>
          tpu.wait_indirect_dma semaphore(%run_scoped3A : memref<!tpu.dma_semaphore, #tpu.memory_space<semaphore_mem>>) src(%dma_wait3A_57 : memref<10000x16xf32, #tpu.memory_space<hbm>>) dst(%arg11 : memref<1000x16xf32, #tpu.memory_space<vmem>>)
          tpu.yield
        }) : () -> ()
        "tpu.region"() ({
          %run_scoped3A = tpu.sem_alloc : memref<!tpu.dma_semaphore, #tpu.memory_space<semaphore_mem>>
          %dma_start3A = arith.constant 0 : i32
          %dma_start3A_48 = tpu.memref_slice %arg10[%add3A_47, %dma_start3A] : memref<20x1000xi32, #tpu.memory_space<vmem>> -> memref<1x1000xi32, #tpu.memory_space<vmem>>
          %dma_start3A_49 = tpu.memref_squeeze %dma_start3A_48 : memref<1x1000xi32, #tpu.memory_space<vmem>> -> memref<1000xi32, #tpu.memory_space<vmem>>
          %dma_start3A_50 = arith.constant 0 : i32
          %dma_start3A_51 = arith.constant 0 : i32
          %dma_start3A_52 = tpu.memref_slice %arg13[%dma_start3A_50, %dma_start3A_51] : memref<20000x16xf32, #tpu.memory_space<vmem_shared>> -> memref<20000x16xf32, #tpu.memory_space<vmem_shared>>
          tpu.enqueue_indirect_dma source(%arg11 : memref<1000x16xf32, #tpu.memory_space<vmem>>) target(%dma_start3A_52 : memref<20000x16xf32, #tpu.memory_space<vmem_shared>>) offsets(%dma_start3A_49 : memref<1000xi32, #tpu.memory_space<vmem>>) semaphore(%run_scoped3A : memref<!tpu.dma_semaphore, #tpu.memory_space<semaphore_mem>>) {add = true}
          %dma_wait3A = arith.constant 0 : i32
          %dma_wait3A_53 = tpu.memref_slice %arg10[%add3A_47, %dma_wait3A] : memref<20x1000xi32, #tpu.memory_space<vmem>> -> memref<1x1000xi32, #tpu.memory_space<vmem>>
          %dma_wait3A_54 = tpu.memref_squeeze %dma_wait3A_53 : memref<1x1000xi32, #tpu.memory_space<vmem>> -> memref<1000xi32, #tpu.memory_space<vmem>>
          %dma_wait3A_55 = arith.constant 0 : i32
          %dma_wait3A_56 = arith.constant 0 : i32
          %dma_wait3A_57 = tpu.memref_slice %arg13[%dma_wait3A_55, %dma_wait3A_56] : memref<20000x16xf32, #tpu.memory_space<vmem_shared>> -> memref<20000x16xf32, #tpu.memory_space<vmem_shared>>
          tpu.wait_indirect_dma semaphore(%run_scoped3A : memref<!tpu.dma_semaphore, #tpu.memory_space<semaphore_mem>>) src(%arg11 : memref<1000x16xf32, #tpu.memory_space<vmem>>) dst(%dma_wait3A_57 : memref<20000x16xf32, #tpu.memory_space<vmem_shared>>)
          tpu.yield
        }) : () -> ()
      }
      %scan3A_43 = arith.constant 20 : i32
    } else {
    }
    %eq3A_18 = arith.constant 1 : i32
    %eq3A_19 = arith.cmpi eq, %arg0, %eq3A_18 : i32
    %convert_element_type3A_20 = arith.extui %eq3A_19 : i1 to i32
    %cond3A_21 = arith.constant 0 : i32
    %cond3A_22 = arith.cmpi ne, %convert_element_type3A_20, %cond3A_21 : i32
    scf.if %cond3A_22 {
      %scan3A_39 = arith.constant 0 : i32
      %scan3A_40 = arith.constant 20 : i32
      %scan3A_41 = arith.addi %scan3A_39, %scan3A_40 : i32
      %scan3A_42 = arith.constant 1 : i32
      scf.for %scan3A_44 = %scan3A_39 to %scan3A_41 step %scan3A_42  : i32 {
        %mul3A_45 = arith.constant 1 : i32
        %mul3A_46 = arith.muli %scan3A_44, %mul3A_45 : i32
        %add3A = arith.constant 0 : i32
        %add3A_47 = arith.addi %add3A, %mul3A_46 : i32
        "tpu.region"() ({
          %run_scoped3A = tpu.sem_alloc : memref<!tpu.dma_semaphore, #tpu.memory_space<semaphore_mem>>
          %dma_start3A = arith.constant 0 : i32
          %dma_start3A_48 = tpu.memref_slice %arg10[%add3A_47, %dma_start3A] : memref<20x1000xi32, #tpu.memory_space<vmem>> -> memref<1x1000xi32, #tpu.memory_space<vmem>>
          %dma_start3A_49 = tpu.memref_squeeze %dma_start3A_48 : memref<1x1000xi32, #tpu.memory_space<vmem>> -> memref<1000xi32, #tpu.memory_space<vmem>>
          %dma_start3A_50 = arith.constant 0 : i32
          %dma_start3A_51 = arith.constant 0 : i32
          %dma_start3A_52 = tpu.memref_slice %arg3[%dma_start3A_50, %dma_start3A_51] : memref<20000x16xf32, #tpu.memory_space<hbm>> -> memref<20000x16xf32, #tpu.memory_space<hbm>>
          tpu.enqueue_indirect_dma source(%dma_start3A_52 : memref<20000x16xf32, #tpu.memory_space<hbm>>) target(%arg11 : memref<1000x16xf32, #tpu.memory_space<vmem>>) offsets(%dma_start3A_49 : memref<1000xi32, #tpu.memory_space<vmem>>) semaphore(%run_scoped3A : memref<!tpu.dma_semaphore, #tpu.memory_space<semaphore_mem>>)
          %dma_wait3A = arith.constant 0 : i32
          %dma_wait3A_53 = tpu.memref_slice %arg10[%add3A_47, %dma_wait3A] : memref<20x1000xi32, #tpu.memory_space<vmem>> -> memref<1x1000xi32, #tpu.memory_space<vmem>>
          %dma_wait3A_54 = tpu.memref_squeeze %dma_wait3A_53 : memref<1x1000xi32, #tpu.memory_space<vmem>> -> memref<1000xi32, #tpu.memory_space<vmem>>
          %dma_wait3A_55 = arith.constant 0 : i32
          %dma_wait3A_56 = arith.constant 0 : i32
          %dma_wait3A_57 = tpu.memref_slice %arg3[%dma_wait3A_55, %dma_wait3A_56] : memref<20000x16xf32, #tpu.memory_space<hbm>> -> memref<20000x16xf32, #tpu.memory_space<hbm>>
          tpu.wait_indirect_dma semaphore(%run_scoped3A : memref<!tpu.dma_semaphore, #tpu.memory_space<semaphore_mem>>) src(%dma_wait3A_57 : memref<20000x16xf32, #tpu.memory_space<hbm>>) dst(%arg11 : memref<1000x16xf32, #tpu.memory_space<vmem>>)
          tpu.yield
        }) : () -> ()
        "tpu.region"() ({
          %run_scoped3A = tpu.sem_alloc : memref<!tpu.dma_semaphore, #tpu.memory_space<semaphore_mem>>
          %dma_start3A = arith.constant 0 : i32
          %dma_start3A_48 = tpu.memref_slice %arg9[%add3A_47, %dma_start3A] : memref<20x1000xi32, #tpu.memory_space<vmem>> -> memref<1x1000xi32, #tpu.memory_space<vmem>>
          %dma_start3A_49 = tpu.memref_squeeze %dma_start3A_48 : memref<1x1000xi32, #tpu.memory_space<vmem>> -> memref<1000xi32, #tpu.memory_space<vmem>>
          %dma_start3A_50 = arith.constant 0 : i32
          %dma_start3A_51 = arith.constant 0 : i32
          %dma_start3A_52 = tpu.memref_slice %arg13[%dma_start3A_50, %dma_start3A_51] : memref<20000x16xf32, #tpu.memory_space<vmem_shared>> -> memref<20000x16xf32, #tpu.memory_space<vmem_shared>>
          tpu.enqueue_indirect_dma source(%arg11 : memref<1000x16xf32, #tpu.memory_space<vmem>>) target(%dma_start3A_52 : memref<20000x16xf32, #tpu.memory_space<vmem_shared>>) offsets(%dma_start3A_49 : memref<1000xi32, #tpu.memory_space<vmem>>) semaphore(%run_scoped3A : memref<!tpu.dma_semaphore, #tpu.memory_space<semaphore_mem>>) {add = true}
          %dma_wait3A = arith.constant 0 : i32
          %dma_wait3A_53 = tpu.memref_slice %arg9[%add3A_47, %dma_wait3A] : memref<20x1000xi32, #tpu.memory_space<vmem>> -> memref<1x1000xi32, #tpu.memory_space<vmem>>
          %dma_wait3A_54 = tpu.memref_squeeze %dma_wait3A_53 : memref<1x1000xi32, #tpu.memory_space<vmem>> -> memref<1000xi32, #tpu.memory_space<vmem>>
          %dma_wait3A_55 = arith.constant 0 : i32
          %dma_wait3A_56 = arith.constant 0 : i32
          %dma_wait3A_57 = tpu.memref_slice %arg13[%dma_wait3A_55, %dma_wait3A_56] : memref<20000x16xf32, #tpu.memory_space<vmem_shared>> -> memref<20000x16xf32, #tpu.memory_space<vmem_shared>>
          tpu.wait_indirect_dma semaphore(%run_scoped3A : memref<!tpu.dma_semaphore, #tpu.memory_space<semaphore_mem>>) src(%arg11 : memref<1000x16xf32, #tpu.memory_space<vmem>>) dst(%dma_wait3A_57 : memref<20000x16xf32, #tpu.memory_space<vmem_shared>>)
          tpu.yield
        }) : () -> ()
      }
      %scan3A_43 = arith.constant 20 : i32
    } else {
    }
    %barrier3A_23 = arith.constant 0 : index
    tpu.barrier barrier_id(%barrier3A_23)
    %eq3A_24 = arith.constant 0 : i32
    %eq3A_25 = arith.cmpi eq, %arg0, %eq3A_24 : i32
    %lt3A_26 = arith.constant 10 : i32
    %lt3A_27 = arith.cmpi slt, %arg1, %lt3A_26 : i32
    %and3A = arith.andi %eq3A_25, %lt3A_27 : i1
    %convert_element_type3A_28 = arith.extui %and3A : i1 to i32
    %cond3A_29 = arith.constant 0 : i32
    %cond3A_30 = arith.cmpi ne, %convert_element_type3A_28, %cond3A_29 : i32
    scf.if %cond3A_30 {
      %mul3A_39 = arith.constant 2000 : i32
      %mul3A_40 = arith.muli %arg1, %mul3A_39 : i32
      "tpu.region"() ({
        %run_scoped3A = tpu.sem_alloc : memref<!tpu.dma_semaphore, #tpu.memory_space<semaphore_mem>>
        %dma_start3A = arith.constant 0 : i32
        %dma_start3A_41 = tpu.memref_slice %arg7[%mul3A_40, %dma_start3A] : memref<20000x16xf32, #tpu.memory_space<hbm>> -> memref<2000x16xf32, #tpu.memory_space<hbm>>
        %dma_start3A_42 = arith.constant 0 : i32
        %dma_start3A_43 = tpu.memref_slice %arg13[%mul3A_40, %dma_start3A_42] : memref<20000x16xf32, #tpu.memory_space<vmem_shared>> -> memref<2000x16xf32, #tpu.memory_space<vmem_shared>>
        tpu.enqueue_dma source(%dma_start3A_43 : memref<2000x16xf32, #tpu.memory_space<vmem_shared>>) target(%dma_start3A_41 : memref<2000x16xf32, #tpu.memory_space<hbm>>) target_semaphore(%run_scoped3A : memref<!tpu.dma_semaphore, #tpu.memory_space<semaphore_mem>>)
        %dma_wait3A = arith.constant 0 : i32
        %dma_wait3A_44 = tpu.memref_slice %arg7[%mul3A_40, %dma_wait3A] : memref<20000x16xf32, #tpu.memory_space<hbm>> -> memref<2000x16xf32, #tpu.memory_space<hbm>>
        %dma_wait3A_45 = arith.constant 0 : i32
        %dma_wait3A_46 = tpu.memref_slice %arg13[%mul3A_40, %dma_wait3A_45] : memref<20000x16xf32, #tpu.memory_space<vmem_shared>> -> memref<2000x16xf32, #tpu.memory_space<vmem_shared>>
        tpu.wait_dma2 semaphore(%run_scoped3A : memref<!tpu.dma_semaphore, #tpu.memory_space<semaphore_mem>>) src(%dma_wait3A_46 : memref<2000x16xf32, #tpu.memory_space<vmem_shared>>) dst(%dma_wait3A_44 : memref<2000x16xf32, #tpu.memory_space<hbm>>)
        tpu.yield
      }) : () -> ()
    } else {
    }
    %eq3A_31 = arith.constant 1 : i32
    %eq3A_32 = arith.cmpi eq, %arg0, %eq3A_31 : i32
    %lt3A_33 = arith.constant 5 : i32
    %lt3A_34 = arith.cmpi slt, %arg1, %lt3A_33 : i32
    %and3A_35 = arith.andi %eq3A_32, %lt3A_34 : i1
    %convert_element_type3A_36 = arith.extui %and3A_35 : i1 to i32
    %cond3A_37 = arith.constant 0 : i32
    %cond3A_38 = arith.cmpi ne, %convert_element_type3A_36, %cond3A_37 : i32
    scf.if %cond3A_38 {
      %mul3A_39 = arith.constant 2000 : i32
      %mul3A_40 = arith.muli %arg1, %mul3A_39 : i32
      "tpu.region"() ({
        %run_scoped3A = tpu.sem_alloc : memref<!tpu.dma_semaphore, #tpu.memory_space<semaphore_mem>>
        %dma_start3A = arith.constant 0 : i32
        %dma_start3A_41 = tpu.memref_slice %arg8[%mul3A_40, %dma_start3A] : memref<10000x16xf32, #tpu.memory_space<hbm>> -> memref<2000x16xf32, #tpu.memory_space<hbm>>
        %dma_start3A_42 = arith.constant 0 : i32
        %dma_start3A_43 = tpu.memref_slice %arg13[%mul3A_40, %dma_start3A_42] : memref<20000x16xf32, #tpu.memory_space<vmem_shared>> -> memref<2000x16xf32, #tpu.memory_space<vmem_shared>>
        tpu.enqueue_dma source(%dma_start3A_43 : memref<2000x16xf32, #tpu.memory_space<vmem_shared>>) target(%dma_start3A_41 : memref<2000x16xf32, #tpu.memory_space<hbm>>) target_semaphore(%run_scoped3A : memref<!tpu.dma_semaphore, #tpu.memory_space<semaphore_mem>>)
        %dma_wait3A = arith.constant 0 : i32
        %dma_wait3A_44 = tpu.memref_slice %arg8[%mul3A_40, %dma_wait3A] : memref<10000x16xf32, #tpu.memory_space<hbm>> -> memref<2000x16xf32, #tpu.memory_space<hbm>>
        %dma_wait3A_45 = arith.constant 0 : i32
        %dma_wait3A_46 = tpu.memref_slice %arg13[%mul3A_40, %dma_wait3A_45] : memref<20000x16xf32, #tpu.memory_space<vmem_shared>> -> memref<2000x16xf32, #tpu.memory_space<vmem_shared>>
        tpu.wait_dma2 semaphore(%run_scoped3A : memref<!tpu.dma_semaphore, #tpu.memory_space<semaphore_mem>>) src(%dma_wait3A_46 : memref<2000x16xf32, #tpu.memory_space<vmem_shared>>) dst(%dma_wait3A_44 : memref<2000x16xf32, #tpu.memory_space<hbm>>)
        tpu.yield
      }) : () -> ()
    } else {
    }
    return
  }
}

#map = affine_map<(d0, d1) -> (0, 0)>
#map1 = affine_map<(d0, d1) -> (0)>
module attributes {stable_mosaic.version = 14 : i64} {
  func.func @_k_pass(%arg0: i32, %arg1: i32, %arg2: memref<20000x32xf32, #tpu.memory_space<hbm>>, %arg3: memref<20000x32xf32, #tpu.memory_space<hbm>>, %arg4: memref<20000x32xf32, #tpu.memory_space<hbm>>, %arg5: memref<20000x32xf32, #tpu.memory_space<hbm>>, %arg6: memref<320000xi32, #tpu.memory_space<hbm>>, %arg7: memref<320000xi32, #tpu.memory_space<hbm>>, %arg8: memref<2000x32xf32, #tpu.memory_space<hbm>>, %arg9: memref<20000x32xf32, #tpu.memory_space<hbm>>, %arg10: memref<20000x32xf32, #tpu.memory_space<hbm>>, %arg11: memref<20000x32xf32, #tpu.memory_space<hbm>>, %arg12: memref<20000x32xf32, #tpu.memory_space<hbm>>, %arg13: memref<20x1000xi32, #tpu.memory_space<vmem>>, %arg14: memref<20x1000xi32, #tpu.memory_space<vmem>>, %arg15: memref<1000x32xf32, #tpu.memory_space<vmem>>, %arg16: memref<1000x32xf32, #tpu.memory_space<vmem>>, %arg17: memref<20000x32xf32, #tpu.memory_space<vmem_shared>>, %arg18: memref<!tpu.dma_semaphore, #tpu.memory_space<semaphore_mem>>, %arg19: memref<!tpu.dma_semaphore, #tpu.memory_space<semaphore_mem>>) attributes {dimension_semantics = [#tpu.dimension_semantics<core_parallel>, #tpu.dimension_semantics<subcore_parallel>], iteration_bounds = array<i64: 2, 16>, scalar_prefetch = 0 : i64, scratch_operands = 7 : i64, tpu.core_type = #tpu.core_type<sc_vector_subcore>, window_params = [{transform_indices = #map}, {transform_indices = #map}, {transform_indices = #map}, {transform_indices = #map}, {transform_indices = #map1}, {transform_indices = #map1}, {transform_indices = #map}, {transform_indices = #map}, {transform_indices = #map}, {transform_indices = #map}, {transform_indices = #map}]} {
    %eq3A = arith.constant 0 : i32
    %eq3A_0 = arith.cmpi eq, %arg0, %eq3A : i32
    %lt3A = arith.constant 10 : i32
    %lt3A_1 = arith.cmpi slt, %arg1, %lt3A : i32
    %and3A = arith.andi %eq3A_0, %lt3A_1 : i1
    %eq3A_2 = arith.constant 1 : i32
    %eq3A_3 = arith.cmpi eq, %arg0, %eq3A_2 : i32
    %lt3A_4 = arith.constant 10 : i32
    %lt3A_5 = arith.cmpi slt, %arg1, %lt3A_4 : i32
    %and3A_6 = arith.andi %eq3A_3, %lt3A_5 : i1
    %lt3A_7 = arith.constant 10 : i32
    %lt3A_8 = arith.cmpi slt, %arg1, %lt3A_7 : i32
    %convert_element_type3A = arith.extui %lt3A_8 : i1 to i32
    %cond3A = arith.constant 0 : i32
    %cond3A_9 = arith.cmpi ne, %convert_element_type3A, %cond3A : i32
    scf.if %cond3A_9 {
      %mul3A_63 = arith.constant 2000 : i32
      %mul3A_64 = arith.muli %arg1, %mul3A_63 : i32
      "tpu.region"() ({
        %run_scoped3A = tpu.sem_alloc : memref<!tpu.dma_semaphore, #tpu.memory_space<semaphore_mem>>
        %dma_start3A = arith.constant 0 : i32
        %dma_start3A_65 = tpu.memref_slice %arg17[%mul3A_64, %dma_start3A] : memref<20000x32xf32, #tpu.memory_space<vmem_shared>> -> memref<2000x32xf32, #tpu.memory_space<vmem_shared>>
        tpu.enqueue_dma source(%arg8 : memref<2000x32xf32, #tpu.memory_space<hbm>>) target(%dma_start3A_65 : memref<2000x32xf32, #tpu.memory_space<vmem_shared>>) target_semaphore(%run_scoped3A : memref<!tpu.dma_semaphore, #tpu.memory_space<semaphore_mem>>)
        %dma_wait3A = arith.constant 0 : i32
        %dma_wait3A_66 = tpu.memref_slice %arg17[%mul3A_64, %dma_wait3A] : memref<20000x32xf32, #tpu.memory_space<vmem_shared>> -> memref<2000x32xf32, #tpu.memory_space<vmem_shared>>
        tpu.wait_dma2 semaphore(%run_scoped3A : memref<!tpu.dma_semaphore, #tpu.memory_space<semaphore_mem>>) src(%arg8 : memref<2000x32xf32, #tpu.memory_space<hbm>>) dst(%dma_wait3A_66 : memref<2000x32xf32, #tpu.memory_space<vmem_shared>>)
        tpu.yield
      }) : () -> ()
    } else {
    }
    %mul3A = arith.constant 20000 : i32
    %mul3A_10 = arith.muli %arg1, %mul3A : i32
    %scan3A = arith.constant 0 : i32
    %scan3A_11 = arith.constant 20 : i32
    %scan3A_12 = arith.addi %scan3A, %scan3A_11 : i32
    %scan3A_13 = arith.constant 1 : i32
    scf.for %scan3A_63 = %scan3A to %scan3A_12 step %scan3A_13  : i32 {
      %mul3A_64 = arith.constant 1 : i32
      %mul3A_65 = arith.muli %scan3A_63, %mul3A_64 : i32
      %add3A = arith.constant 0 : i32
      %add3A_66 = arith.addi %add3A, %mul3A_65 : i32
      %mul3A_67 = arith.constant 1000 : i32
      %mul3A_68 = arith.muli %add3A_66, %mul3A_67 : i32
      %add3A_69 = arith.addi %mul3A_10, %mul3A_68 : i32
      "tpu.region"() ({
        %run_scoped3A = tpu.sem_alloc : memref<!tpu.dma_semaphore, #tpu.memory_space<semaphore_mem>>
        %dma_start3A = arith.constant 0 : i32
        %dma_start3A_70 = tpu.memref_slice %arg13[%add3A_66, %dma_start3A] : memref<20x1000xi32, #tpu.memory_space<vmem>> -> memref<1x1000xi32, #tpu.memory_space<vmem>>
        %dma_start3A_71 = tpu.memref_squeeze %dma_start3A_70 : memref<1x1000xi32, #tpu.memory_space<vmem>> -> memref<1000xi32, #tpu.memory_space<vmem>>
        %dma_start3A_72 = tpu.memref_slice %arg6[%add3A_69] : memref<320000xi32, #tpu.memory_space<hbm>> -> memref<1000xi32, #tpu.memory_space<hbm>>
        %dma_start3A_73 = arith.constant 0 : i32
        %dma_start3A_74 = tpu.memref_slice %arg13[%add3A_66, %dma_start3A_73] : memref<20x1000xi32, #tpu.memory_space<vmem>> -> memref<1x1000xi32, #tpu.memory_space<vmem>>
        %dma_start3A_75 = tpu.memref_squeeze %dma_start3A_74 : memref<1x1000xi32, #tpu.memory_space<vmem>> -> memref<1000xi32, #tpu.memory_space<vmem>>
        %dma_start3A_76 = tpu.memref_slice %arg6[%add3A_69] : memref<320000xi32, #tpu.memory_space<hbm>> -> memref<1000xi32, #tpu.memory_space<hbm>>
        tpu.enqueue_dma source(%dma_start3A_76 : memref<1000xi32, #tpu.memory_space<hbm>>) target(%dma_start3A_75 : memref<1000xi32, #tpu.memory_space<vmem>>) target_semaphore(%run_scoped3A : memref<!tpu.dma_semaphore, #tpu.memory_space<semaphore_mem>>)
        %dma_wait3A = arith.constant 0 : i32
        %dma_wait3A_77 = tpu.memref_slice %arg13[%add3A_66, %dma_wait3A] : memref<20x1000xi32, #tpu.memory_space<vmem>> -> memref<1x1000xi32, #tpu.memory_space<vmem>>
        %dma_wait3A_78 = tpu.memref_squeeze %dma_wait3A_77 : memref<1x1000xi32, #tpu.memory_space<vmem>> -> memref<1000xi32, #tpu.memory_space<vmem>>
        %dma_wait3A_79 = tpu.memref_slice %arg6[%add3A_69] : memref<320000xi32, #tpu.memory_space<hbm>> -> memref<1000xi32, #tpu.memory_space<hbm>>
        %dma_wait3A_80 = arith.constant 0 : i32
        %dma_wait3A_81 = tpu.memref_slice %arg13[%add3A_66, %dma_wait3A_80] : memref<20x1000xi32, #tpu.memory_space<vmem>> -> memref<1x1000xi32, #tpu.memory_space<vmem>>
        %dma_wait3A_82 = tpu.memref_squeeze %dma_wait3A_81 : memref<1x1000xi32, #tpu.memory_space<vmem>> -> memref<1000xi32, #tpu.memory_space<vmem>>
        %dma_wait3A_83 = tpu.memref_slice %arg6[%add3A_69] : memref<320000xi32, #tpu.memory_space<hbm>> -> memref<1000xi32, #tpu.memory_space<hbm>>
        tpu.wait_dma2 semaphore(%run_scoped3A : memref<!tpu.dma_semaphore, #tpu.memory_space<semaphore_mem>>) src(%dma_wait3A_83 : memref<1000xi32, #tpu.memory_space<hbm>>) dst(%dma_wait3A_82 : memref<1000xi32, #tpu.memory_space<vmem>>)
        tpu.yield
      }) : () -> ()
    }
    %scan3A_14 = arith.constant 20 : i32
    %mul3A_15 = arith.constant 20000 : i32
    %mul3A_16 = arith.muli %arg1, %mul3A_15 : i32
    %scan3A_17 = arith.constant 0 : i32
    %scan3A_18 = arith.constant 20 : i32
    %scan3A_19 = arith.addi %scan3A_17, %scan3A_18 : i32
    %scan3A_20 = arith.constant 1 : i32
    scf.for %scan3A_63 = %scan3A_17 to %scan3A_19 step %scan3A_20  : i32 {
      %mul3A_64 = arith.constant 1 : i32
      %mul3A_65 = arith.muli %scan3A_63, %mul3A_64 : i32
      %add3A = arith.constant 0 : i32
      %add3A_66 = arith.addi %add3A, %mul3A_65 : i32
      %mul3A_67 = arith.constant 1000 : i32
      %mul3A_68 = arith.muli %add3A_66, %mul3A_67 : i32
      %add3A_69 = arith.addi %mul3A_16, %mul3A_68 : i32
      "tpu.region"() ({
        %run_scoped3A = tpu.sem_alloc : memref<!tpu.dma_semaphore, #tpu.memory_space<semaphore_mem>>
        %dma_start3A = arith.constant 0 : i32
        %dma_start3A_70 = tpu.memref_slice %arg14[%add3A_66, %dma_start3A] : memref<20x1000xi32, #tpu.memory_space<vmem>> -> memref<1x1000xi32, #tpu.memory_space<vmem>>
        %dma_start3A_71 = tpu.memref_squeeze %dma_start3A_70 : memref<1x1000xi32, #tpu.memory_space<vmem>> -> memref<1000xi32, #tpu.memory_space<vmem>>
        %dma_start3A_72 = tpu.memref_slice %arg7[%add3A_69] : memref<320000xi32, #tpu.memory_space<hbm>> -> memref<1000xi32, #tpu.memory_space<hbm>>
        %dma_start3A_73 = arith.constant 0 : i32
        %dma_start3A_74 = tpu.memref_slice %arg14[%add3A_66, %dma_start3A_73] : memref<20x1000xi32, #tpu.memory_space<vmem>> -> memref<1x1000xi32, #tpu.memory_space<vmem>>
        %dma_start3A_75 = tpu.memref_squeeze %dma_start3A_74 : memref<1x1000xi32, #tpu.memory_space<vmem>> -> memref<1000xi32, #tpu.memory_space<vmem>>
        %dma_start3A_76 = tpu.memref_slice %arg7[%add3A_69] : memref<320000xi32, #tpu.memory_space<hbm>> -> memref<1000xi32, #tpu.memory_space<hbm>>
        tpu.enqueue_dma source(%dma_start3A_76 : memref<1000xi32, #tpu.memory_space<hbm>>) target(%dma_start3A_75 : memref<1000xi32, #tpu.memory_space<vmem>>) target_semaphore(%run_scoped3A : memref<!tpu.dma_semaphore, #tpu.memory_space<semaphore_mem>>)
        %dma_wait3A = arith.constant 0 : i32
        %dma_wait3A_77 = tpu.memref_slice %arg14[%add3A_66, %dma_wait3A] : memref<20x1000xi32, #tpu.memory_space<vmem>> -> memref<1x1000xi32, #tpu.memory_space<vmem>>
        %dma_wait3A_78 = tpu.memref_squeeze %dma_wait3A_77 : memref<1x1000xi32, #tpu.memory_space<vmem>> -> memref<1000xi32, #tpu.memory_space<vmem>>
        %dma_wait3A_79 = tpu.memref_slice %arg7[%add3A_69] : memref<320000xi32, #tpu.memory_space<hbm>> -> memref<1000xi32, #tpu.memory_space<hbm>>
        %dma_wait3A_80 = arith.constant 0 : i32
        %dma_wait3A_81 = tpu.memref_slice %arg14[%add3A_66, %dma_wait3A_80] : memref<20x1000xi32, #tpu.memory_space<vmem>> -> memref<1x1000xi32, #tpu.memory_space<vmem>>
        %dma_wait3A_82 = tpu.memref_squeeze %dma_wait3A_81 : memref<1x1000xi32, #tpu.memory_space<vmem>> -> memref<1000xi32, #tpu.memory_space<vmem>>
        %dma_wait3A_83 = tpu.memref_slice %arg7[%add3A_69] : memref<320000xi32, #tpu.memory_space<hbm>> -> memref<1000xi32, #tpu.memory_space<hbm>>
        tpu.wait_dma2 semaphore(%run_scoped3A : memref<!tpu.dma_semaphore, #tpu.memory_space<semaphore_mem>>) src(%dma_wait3A_83 : memref<1000xi32, #tpu.memory_space<hbm>>) dst(%dma_wait3A_82 : memref<1000xi32, #tpu.memory_space<vmem>>)
        tpu.yield
      }) : () -> ()
    }
    %scan3A_21 = arith.constant 20 : i32
    %barrier3A = arith.constant 0 : index
    tpu.barrier barrier_id(%barrier3A)
    %eq3A_22 = arith.constant 0 : i32
    %eq3A_23 = arith.cmpi eq, %arg0, %eq3A_22 : i32
    %convert_element_type3A_24 = arith.extui %eq3A_23 : i1 to i32
    %cond3A_25 = arith.constant 0 : i32
    %cond3A_26 = arith.cmpi ne, %convert_element_type3A_24, %cond3A_25 : i32
    scf.if %cond3A_26 {
      %scan3A_63 = arith.constant 0 : i32
      %scan3A_64 = arith.constant 20 : i32
      %scan3A_65 = arith.addi %scan3A_63, %scan3A_64 : i32
      %scan3A_66 = arith.constant 1 : i32
      scf.for %scan3A_68 = %scan3A_63 to %scan3A_65 step %scan3A_66  : i32 {
        %mul3A_69 = arith.constant 1 : i32
        %mul3A_70 = arith.muli %scan3A_68, %mul3A_69 : i32
        %add3A = arith.constant 0 : i32
        %add3A_71 = arith.addi %add3A, %mul3A_70 : i32
        "tpu.region"() ({
          %run_scoped3A = tpu.sem_alloc : memref<!tpu.dma_semaphore, #tpu.memory_space<semaphore_mem>>
          %dma_start3A = arith.constant 0 : i32
          %dma_start3A_72 = tpu.memref_slice %arg13[%add3A_71, %dma_start3A] : memref<20x1000xi32, #tpu.memory_space<vmem>> -> memref<1x1000xi32, #tpu.memory_space<vmem>>
          %dma_start3A_73 = tpu.memref_squeeze %dma_start3A_72 : memref<1x1000xi32, #tpu.memory_space<vmem>> -> memref<1000xi32, #tpu.memory_space<vmem>>
          %dma_start3A_74 = arith.constant 0 : i32
          %dma_start3A_75 = arith.constant 0 : i32
          %dma_start3A_76 = tpu.memref_slice %arg2[%dma_start3A_74, %dma_start3A_75] : memref<20000x32xf32, #tpu.memory_space<hbm>> -> memref<20000x32xf32, #tpu.memory_space<hbm>>
          tpu.enqueue_indirect_dma source(%dma_start3A_76 : memref<20000x32xf32, #tpu.memory_space<hbm>>) target(%arg15 : memref<1000x32xf32, #tpu.memory_space<vmem>>) offsets(%dma_start3A_73 : memref<1000xi32, #tpu.memory_space<vmem>>) semaphore(%run_scoped3A : memref<!tpu.dma_semaphore, #tpu.memory_space<semaphore_mem>>)
          %dma_wait3A = arith.constant 0 : i32
          %dma_wait3A_77 = tpu.memref_slice %arg13[%add3A_71, %dma_wait3A] : memref<20x1000xi32, #tpu.memory_space<vmem>> -> memref<1x1000xi32, #tpu.memory_space<vmem>>
          %dma_wait3A_78 = tpu.memref_squeeze %dma_wait3A_77 : memref<1x1000xi32, #tpu.memory_space<vmem>> -> memref<1000xi32, #tpu.memory_space<vmem>>
          %dma_wait3A_79 = arith.constant 0 : i32
          %dma_wait3A_80 = arith.constant 0 : i32
          %dma_wait3A_81 = tpu.memref_slice %arg2[%dma_wait3A_79, %dma_wait3A_80] : memref<20000x32xf32, #tpu.memory_space<hbm>> -> memref<20000x32xf32, #tpu.memory_space<hbm>>
          tpu.wait_indirect_dma semaphore(%run_scoped3A : memref<!tpu.dma_semaphore, #tpu.memory_space<semaphore_mem>>) src(%dma_wait3A_81 : memref<20000x32xf32, #tpu.memory_space<hbm>>) dst(%arg15 : memref<1000x32xf32, #tpu.memory_space<vmem>>)
          tpu.yield
        }) : () -> ()
        "tpu.region"() ({
          %run_scoped3A = tpu.sem_alloc : memref<!tpu.dma_semaphore, #tpu.memory_space<semaphore_mem>>
          %dma_start3A = arith.constant 0 : i32
          %dma_start3A_72 = tpu.memref_slice %arg14[%add3A_71, %dma_start3A] : memref<20x1000xi32, #tpu.memory_space<vmem>> -> memref<1x1000xi32, #tpu.memory_space<vmem>>
          %dma_start3A_73 = tpu.memref_squeeze %dma_start3A_72 : memref<1x1000xi32, #tpu.memory_space<vmem>> -> memref<1000xi32, #tpu.memory_space<vmem>>
          %dma_start3A_74 = arith.constant 0 : i32
          %dma_start3A_75 = arith.constant 0 : i32
          %dma_start3A_76 = tpu.memref_slice %arg17[%dma_start3A_74, %dma_start3A_75] : memref<20000x32xf32, #tpu.memory_space<vmem_shared>> -> memref<20000x32xf32, #tpu.memory_space<vmem_shared>>
          tpu.enqueue_indirect_dma source(%arg15 : memref<1000x32xf32, #tpu.memory_space<vmem>>) target(%dma_start3A_76 : memref<20000x32xf32, #tpu.memory_space<vmem_shared>>) offsets(%dma_start3A_73 : memref<1000xi32, #tpu.memory_space<vmem>>) semaphore(%run_scoped3A : memref<!tpu.dma_semaphore, #tpu.memory_space<semaphore_mem>>) {add = true}
          %dma_wait3A = arith.constant 0 : i32
          %dma_wait3A_77 = tpu.memref_slice %arg14[%add3A_71, %dma_wait3A] : memref<20x1000xi32, #tpu.memory_space<vmem>> -> memref<1x1000xi32, #tpu.memory_space<vmem>>
          %dma_wait3A_78 = tpu.memref_squeeze %dma_wait3A_77 : memref<1x1000xi32, #tpu.memory_space<vmem>> -> memref<1000xi32, #tpu.memory_space<vmem>>
          %dma_wait3A_79 = arith.constant 0 : i32
          %dma_wait3A_80 = arith.constant 0 : i32
          %dma_wait3A_81 = tpu.memref_slice %arg17[%dma_wait3A_79, %dma_wait3A_80] : memref<20000x32xf32, #tpu.memory_space<vmem_shared>> -> memref<20000x32xf32, #tpu.memory_space<vmem_shared>>
          tpu.wait_indirect_dma semaphore(%run_scoped3A : memref<!tpu.dma_semaphore, #tpu.memory_space<semaphore_mem>>) src(%arg15 : memref<1000x32xf32, #tpu.memory_space<vmem>>) dst(%dma_wait3A_81 : memref<20000x32xf32, #tpu.memory_space<vmem_shared>>)
          tpu.yield
        }) : () -> ()
      }
      %scan3A_67 = arith.constant 20 : i32
    } else {
    }
    %eq3A_27 = arith.constant 1 : i32
    %eq3A_28 = arith.cmpi eq, %arg0, %eq3A_27 : i32
    %convert_element_type3A_29 = arith.extui %eq3A_28 : i1 to i32
    %cond3A_30 = arith.constant 0 : i32
    %cond3A_31 = arith.cmpi ne, %convert_element_type3A_29, %cond3A_30 : i32
    scf.if %cond3A_31 {
      %scan3A_63 = arith.constant 0 : i32
      %scan3A_64 = arith.constant 20 : i32
      %scan3A_65 = arith.addi %scan3A_63, %scan3A_64 : i32
      %scan3A_66 = arith.constant 1 : i32
      scf.for %scan3A_68 = %scan3A_63 to %scan3A_65 step %scan3A_66  : i32 {
        %mul3A_69 = arith.constant 1 : i32
        %mul3A_70 = arith.muli %scan3A_68, %mul3A_69 : i32
        %add3A = arith.constant 0 : i32
        %add3A_71 = arith.addi %add3A, %mul3A_70 : i32
        "tpu.region"() ({
          %run_scoped3A = tpu.sem_alloc : memref<!tpu.dma_semaphore, #tpu.memory_space<semaphore_mem>>
          %dma_start3A = arith.constant 0 : i32
          %dma_start3A_72 = tpu.memref_slice %arg13[%add3A_71, %dma_start3A] : memref<20x1000xi32, #tpu.memory_space<vmem>> -> memref<1x1000xi32, #tpu.memory_space<vmem>>
          %dma_start3A_73 = tpu.memref_squeeze %dma_start3A_72 : memref<1x1000xi32, #tpu.memory_space<vmem>> -> memref<1000xi32, #tpu.memory_space<vmem>>
          %dma_start3A_74 = arith.constant 0 : i32
          %dma_start3A_75 = arith.constant 0 : i32
          %dma_start3A_76 = tpu.memref_slice %arg3[%dma_start3A_74, %dma_start3A_75] : memref<20000x32xf32, #tpu.memory_space<hbm>> -> memref<20000x32xf32, #tpu.memory_space<hbm>>
          tpu.enqueue_indirect_dma source(%dma_start3A_76 : memref<20000x32xf32, #tpu.memory_space<hbm>>) target(%arg15 : memref<1000x32xf32, #tpu.memory_space<vmem>>) offsets(%dma_start3A_73 : memref<1000xi32, #tpu.memory_space<vmem>>) semaphore(%run_scoped3A : memref<!tpu.dma_semaphore, #tpu.memory_space<semaphore_mem>>)
          %dma_wait3A = arith.constant 0 : i32
          %dma_wait3A_77 = tpu.memref_slice %arg13[%add3A_71, %dma_wait3A] : memref<20x1000xi32, #tpu.memory_space<vmem>> -> memref<1x1000xi32, #tpu.memory_space<vmem>>
          %dma_wait3A_78 = tpu.memref_squeeze %dma_wait3A_77 : memref<1x1000xi32, #tpu.memory_space<vmem>> -> memref<1000xi32, #tpu.memory_space<vmem>>
          %dma_wait3A_79 = arith.constant 0 : i32
          %dma_wait3A_80 = arith.constant 0 : i32
          %dma_wait3A_81 = tpu.memref_slice %arg3[%dma_wait3A_79, %dma_wait3A_80] : memref<20000x32xf32, #tpu.memory_space<hbm>> -> memref<20000x32xf32, #tpu.memory_space<hbm>>
          tpu.wait_indirect_dma semaphore(%run_scoped3A : memref<!tpu.dma_semaphore, #tpu.memory_space<semaphore_mem>>) src(%dma_wait3A_81 : memref<20000x32xf32, #tpu.memory_space<hbm>>) dst(%arg15 : memref<1000x32xf32, #tpu.memory_space<vmem>>)
          tpu.yield
        }) : () -> ()
        "tpu.region"() ({
          %run_scoped3A = tpu.sem_alloc : memref<!tpu.dma_semaphore, #tpu.memory_space<semaphore_mem>>
          %dma_start3A = arith.constant 0 : i32
          %dma_start3A_72 = tpu.memref_slice %arg14[%add3A_71, %dma_start3A] : memref<20x1000xi32, #tpu.memory_space<vmem>> -> memref<1x1000xi32, #tpu.memory_space<vmem>>
          %dma_start3A_73 = tpu.memref_squeeze %dma_start3A_72 : memref<1x1000xi32, #tpu.memory_space<vmem>> -> memref<1000xi32, #tpu.memory_space<vmem>>
          %dma_start3A_74 = arith.constant 0 : i32
          %dma_start3A_75 = arith.constant 0 : i32
          %dma_start3A_76 = tpu.memref_slice %arg17[%dma_start3A_74, %dma_start3A_75] : memref<20000x32xf32, #tpu.memory_space<vmem_shared>> -> memref<20000x32xf32, #tpu.memory_space<vmem_shared>>
          tpu.enqueue_indirect_dma source(%arg15 : memref<1000x32xf32, #tpu.memory_space<vmem>>) target(%dma_start3A_76 : memref<20000x32xf32, #tpu.memory_space<vmem_shared>>) offsets(%dma_start3A_73 : memref<1000xi32, #tpu.memory_space<vmem>>) semaphore(%run_scoped3A : memref<!tpu.dma_semaphore, #tpu.memory_space<semaphore_mem>>) {add = true}
          %dma_wait3A = arith.constant 0 : i32
          %dma_wait3A_77 = tpu.memref_slice %arg14[%add3A_71, %dma_wait3A] : memref<20x1000xi32, #tpu.memory_space<vmem>> -> memref<1x1000xi32, #tpu.memory_space<vmem>>
          %dma_wait3A_78 = tpu.memref_squeeze %dma_wait3A_77 : memref<1x1000xi32, #tpu.memory_space<vmem>> -> memref<1000xi32, #tpu.memory_space<vmem>>
          %dma_wait3A_79 = arith.constant 0 : i32
          %dma_wait3A_80 = arith.constant 0 : i32
          %dma_wait3A_81 = tpu.memref_slice %arg17[%dma_wait3A_79, %dma_wait3A_80] : memref<20000x32xf32, #tpu.memory_space<vmem_shared>> -> memref<20000x32xf32, #tpu.memory_space<vmem_shared>>
          tpu.wait_indirect_dma semaphore(%run_scoped3A : memref<!tpu.dma_semaphore, #tpu.memory_space<semaphore_mem>>) src(%arg15 : memref<1000x32xf32, #tpu.memory_space<vmem>>) dst(%dma_wait3A_81 : memref<20000x32xf32, #tpu.memory_space<vmem_shared>>)
          tpu.yield
        }) : () -> ()
      }
      %scan3A_67 = arith.constant 20 : i32
    } else {
    }
    %barrier3A_32 = arith.constant 0 : index
    tpu.barrier barrier_id(%barrier3A_32)
    %convert_element_type3A_33 = arith.extui %and3A : i1 to i32
    %cond3A_34 = arith.constant 0 : i32
    %cond3A_35 = arith.cmpi ne, %convert_element_type3A_33, %cond3A_34 : i32
    scf.if %cond3A_35 {
      %mul3A_63 = arith.constant 2000 : i32
      %mul3A_64 = arith.muli %arg1, %mul3A_63 : i32
      "tpu.region"() ({
        %run_scoped3A = tpu.sem_alloc : memref<!tpu.dma_semaphore, #tpu.memory_space<semaphore_mem>>
        %dma_start3A = arith.constant 0 : i32
        %dma_start3A_65 = tpu.memref_slice %arg9[%mul3A_64, %dma_start3A] : memref<20000x32xf32, #tpu.memory_space<hbm>> -> memref<2000x32xf32, #tpu.memory_space<hbm>>
        %dma_start3A_66 = arith.constant 0 : i32
        %dma_start3A_67 = tpu.memref_slice %arg17[%mul3A_64, %dma_start3A_66] : memref<20000x32xf32, #tpu.memory_space<vmem_shared>> -> memref<2000x32xf32, #tpu.memory_space<vmem_shared>>
        tpu.enqueue_dma source(%dma_start3A_67 : memref<2000x32xf32, #tpu.memory_space<vmem_shared>>) target(%dma_start3A_65 : memref<2000x32xf32, #tpu.memory_space<hbm>>) target_semaphore(%run_scoped3A : memref<!tpu.dma_semaphore, #tpu.memory_space<semaphore_mem>>)
        %dma_wait3A = arith.constant 0 : i32
        %dma_wait3A_68 = tpu.memref_slice %arg9[%mul3A_64, %dma_wait3A] : memref<20000x32xf32, #tpu.memory_space<hbm>> -> memref<2000x32xf32, #tpu.memory_space<hbm>>
        %dma_wait3A_69 = arith.constant 0 : i32
        %dma_wait3A_70 = tpu.memref_slice %arg17[%mul3A_64, %dma_wait3A_69] : memref<20000x32xf32, #tpu.memory_space<vmem_shared>> -> memref<2000x32xf32, #tpu.memory_space<vmem_shared>>
        tpu.wait_dma2 semaphore(%run_scoped3A : memref<!tpu.dma_semaphore, #tpu.memory_space<semaphore_mem>>) src(%dma_wait3A_70 : memref<2000x32xf32, #tpu.memory_space<vmem_shared>>) dst(%dma_wait3A_68 : memref<2000x32xf32, #tpu.memory_space<hbm>>)
        tpu.yield
      }) : () -> ()
    } else {
    }
    %convert_element_type3A_36 = arith.extui %and3A_6 : i1 to i32
    %cond3A_37 = arith.constant 0 : i32
    %cond3A_38 = arith.cmpi ne, %convert_element_type3A_36, %cond3A_37 : i32
    scf.if %cond3A_38 {
      %mul3A_63 = arith.constant 2000 : i32
      %mul3A_64 = arith.muli %arg1, %mul3A_63 : i32
      "tpu.region"() ({
        %run_scoped3A = tpu.sem_alloc : memref<!tpu.dma_semaphore, #tpu.memory_space<semaphore_mem>>
        %dma_start3A = arith.constant 0 : i32
        %dma_start3A_65 = tpu.memref_slice %arg10[%mul3A_64, %dma_start3A] : memref<20000x32xf32, #tpu.memory_space<hbm>> -> memref<2000x32xf32, #tpu.memory_space<hbm>>
        %dma_start3A_66 = arith.constant 0 : i32
        %dma_start3A_67 = tpu.memref_slice %arg17[%mul3A_64, %dma_start3A_66] : memref<20000x32xf32, #tpu.memory_space<vmem_shared>> -> memref<2000x32xf32, #tpu.memory_space<vmem_shared>>
        tpu.enqueue_dma source(%dma_start3A_67 : memref<2000x32xf32, #tpu.memory_space<vmem_shared>>) target(%dma_start3A_65 : memref<2000x32xf32, #tpu.memory_space<hbm>>) target_semaphore(%run_scoped3A : memref<!tpu.dma_semaphore, #tpu.memory_space<semaphore_mem>>)
        %dma_wait3A = arith.constant 0 : i32
        %dma_wait3A_68 = tpu.memref_slice %arg10[%mul3A_64, %dma_wait3A] : memref<20000x32xf32, #tpu.memory_space<hbm>> -> memref<2000x32xf32, #tpu.memory_space<hbm>>
        %dma_wait3A_69 = arith.constant 0 : i32
        %dma_wait3A_70 = tpu.memref_slice %arg17[%mul3A_64, %dma_wait3A_69] : memref<20000x32xf32, #tpu.memory_space<vmem_shared>> -> memref<2000x32xf32, #tpu.memory_space<vmem_shared>>
        tpu.wait_dma2 semaphore(%run_scoped3A : memref<!tpu.dma_semaphore, #tpu.memory_space<semaphore_mem>>) src(%dma_wait3A_70 : memref<2000x32xf32, #tpu.memory_space<vmem_shared>>) dst(%dma_wait3A_68 : memref<2000x32xf32, #tpu.memory_space<hbm>>)
        tpu.yield
      }) : () -> ()
    } else {
    }
    %barrier3A_39 = arith.constant 0 : index
    tpu.barrier barrier_id(%barrier3A_39)
    %lt3A_40 = arith.constant 10 : i32
    %lt3A_41 = arith.cmpi slt, %arg1, %lt3A_40 : i32
    %convert_element_type3A_42 = arith.extui %lt3A_41 : i1 to i32
    %cond3A_43 = arith.constant 0 : i32
    %cond3A_44 = arith.cmpi ne, %convert_element_type3A_42, %cond3A_43 : i32
    scf.if %cond3A_44 {
      %mul3A_63 = arith.constant 2000 : i32
      %mul3A_64 = arith.muli %arg1, %mul3A_63 : i32
      "tpu.region"() ({
        %run_scoped3A = tpu.sem_alloc : memref<!tpu.dma_semaphore, #tpu.memory_space<semaphore_mem>>
        %dma_start3A = arith.constant 0 : i32
        %dma_start3A_65 = tpu.memref_slice %arg17[%mul3A_64, %dma_start3A] : memref<20000x32xf32, #tpu.memory_space<vmem_shared>> -> memref<2000x32xf32, #tpu.memory_space<vmem_shared>>
        tpu.enqueue_dma source(%arg8 : memref<2000x32xf32, #tpu.memory_space<hbm>>) target(%dma_start3A_65 : memref<2000x32xf32, #tpu.memory_space<vmem_shared>>) target_semaphore(%run_scoped3A : memref<!tpu.dma_semaphore, #tpu.memory_space<semaphore_mem>>)
        %dma_wait3A = arith.constant 0 : i32
        %dma_wait3A_66 = tpu.memref_slice %arg17[%mul3A_64, %dma_wait3A] : memref<20000x32xf32, #tpu.memory_space<vmem_shared>> -> memref<2000x32xf32, #tpu.memory_space<vmem_shared>>
        tpu.wait_dma2 semaphore(%run_scoped3A : memref<!tpu.dma_semaphore, #tpu.memory_space<semaphore_mem>>) src(%arg8 : memref<2000x32xf32, #tpu.memory_space<hbm>>) dst(%dma_wait3A_66 : memref<2000x32xf32, #tpu.memory_space<vmem_shared>>)
        tpu.yield
      }) : () -> ()
    } else {
    }
    %barrier3A_45 = arith.constant 0 : index
    tpu.barrier barrier_id(%barrier3A_45)
    %eq3A_46 = arith.constant 0 : i32
    %eq3A_47 = arith.cmpi eq, %arg0, %eq3A_46 : i32
    %convert_element_type3A_48 = arith.extui %eq3A_47 : i1 to i32
    %cond3A_49 = arith.constant 0 : i32
    %cond3A_50 = arith.cmpi ne, %convert_element_type3A_48, %cond3A_49 : i32
    scf.if %cond3A_50 {
      %scan3A_63 = arith.constant 0 : i32
      %scan3A_64 = arith.constant 20 : i32
      %scan3A_65 = arith.addi %scan3A_63, %scan3A_64 : i32
      %scan3A_66 = arith.constant 1 : i32
      scf.for %scan3A_68 = %scan3A_63 to %scan3A_65 step %scan3A_66  : i32 {
        %mul3A_69 = arith.constant 1 : i32
        %mul3A_70 = arith.muli %scan3A_68, %mul3A_69 : i32
        %add3A = arith.constant 0 : i32
        %add3A_71 = arith.addi %add3A, %mul3A_70 : i32
        "tpu.region"() ({
          %run_scoped3A = tpu.sem_alloc : memref<!tpu.dma_semaphore, #tpu.memory_space<semaphore_mem>>
          %dma_start3A = arith.constant 0 : i32
          %dma_start3A_72 = tpu.memref_slice %arg13[%add3A_71, %dma_start3A] : memref<20x1000xi32, #tpu.memory_space<vmem>> -> memref<1x1000xi32, #tpu.memory_space<vmem>>
          %dma_start3A_73 = tpu.memref_squeeze %dma_start3A_72 : memref<1x1000xi32, #tpu.memory_space<vmem>> -> memref<1000xi32, #tpu.memory_space<vmem>>
          %dma_start3A_74 = arith.constant 0 : i32
          %dma_start3A_75 = arith.constant 0 : i32
          %dma_start3A_76 = tpu.memref_slice %arg4[%dma_start3A_74, %dma_start3A_75] : memref<20000x32xf32, #tpu.memory_space<hbm>> -> memref<20000x32xf32, #tpu.memory_space<hbm>>
          tpu.enqueue_indirect_dma source(%dma_start3A_76 : memref<20000x32xf32, #tpu.memory_space<hbm>>) target(%arg15 : memref<1000x32xf32, #tpu.memory_space<vmem>>) offsets(%dma_start3A_73 : memref<1000xi32, #tpu.memory_space<vmem>>) semaphore(%run_scoped3A : memref<!tpu.dma_semaphore, #tpu.memory_space<semaphore_mem>>)
          %dma_wait3A = arith.constant 0 : i32
          %dma_wait3A_77 = tpu.memref_slice %arg13[%add3A_71, %dma_wait3A] : memref<20x1000xi32, #tpu.memory_space<vmem>> -> memref<1x1000xi32, #tpu.memory_space<vmem>>
          %dma_wait3A_78 = tpu.memref_squeeze %dma_wait3A_77 : memref<1x1000xi32, #tpu.memory_space<vmem>> -> memref<1000xi32, #tpu.memory_space<vmem>>
          %dma_wait3A_79 = arith.constant 0 : i32
          %dma_wait3A_80 = arith.constant 0 : i32
          %dma_wait3A_81 = tpu.memref_slice %arg4[%dma_wait3A_79, %dma_wait3A_80] : memref<20000x32xf32, #tpu.memory_space<hbm>> -> memref<20000x32xf32, #tpu.memory_space<hbm>>
          tpu.wait_indirect_dma semaphore(%run_scoped3A : memref<!tpu.dma_semaphore, #tpu.memory_space<semaphore_mem>>) src(%dma_wait3A_81 : memref<20000x32xf32, #tpu.memory_space<hbm>>) dst(%arg15 : memref<1000x32xf32, #tpu.memory_space<vmem>>)
          tpu.yield
        }) : () -> ()
        "tpu.region"() ({
          %run_scoped3A = tpu.sem_alloc : memref<!tpu.dma_semaphore, #tpu.memory_space<semaphore_mem>>
          %dma_start3A = arith.constant 0 : i32
          %dma_start3A_72 = tpu.memref_slice %arg14[%add3A_71, %dma_start3A] : memref<20x1000xi32, #tpu.memory_space<vmem>> -> memref<1x1000xi32, #tpu.memory_space<vmem>>
          %dma_start3A_73 = tpu.memref_squeeze %dma_start3A_72 : memref<1x1000xi32, #tpu.memory_space<vmem>> -> memref<1000xi32, #tpu.memory_space<vmem>>
          %dma_start3A_74 = arith.constant 0 : i32
          %dma_start3A_75 = arith.constant 0 : i32
          %dma_start3A_76 = tpu.memref_slice %arg17[%dma_start3A_74, %dma_start3A_75] : memref<20000x32xf32, #tpu.memory_space<vmem_shared>> -> memref<20000x32xf32, #tpu.memory_space<vmem_shared>>
          tpu.enqueue_indirect_dma source(%arg15 : memref<1000x32xf32, #tpu.memory_space<vmem>>) target(%dma_start3A_76 : memref<20000x32xf32, #tpu.memory_space<vmem_shared>>) offsets(%dma_start3A_73 : memref<1000xi32, #tpu.memory_space<vmem>>) semaphore(%run_scoped3A : memref<!tpu.dma_semaphore, #tpu.memory_space<semaphore_mem>>) {add = true}
          %dma_wait3A = arith.constant 0 : i32
          %dma_wait3A_77 = tpu.memref_slice %arg14[%add3A_71, %dma_wait3A] : memref<20x1000xi32, #tpu.memory_space<vmem>> -> memref<1x1000xi32, #tpu.memory_space<vmem>>
          %dma_wait3A_78 = tpu.memref_squeeze %dma_wait3A_77 : memref<1x1000xi32, #tpu.memory_space<vmem>> -> memref<1000xi32, #tpu.memory_space<vmem>>
          %dma_wait3A_79 = arith.constant 0 : i32
          %dma_wait3A_80 = arith.constant 0 : i32
          %dma_wait3A_81 = tpu.memref_slice %arg17[%dma_wait3A_79, %dma_wait3A_80] : memref<20000x32xf32, #tpu.memory_space<vmem_shared>> -> memref<20000x32xf32, #tpu.memory_space<vmem_shared>>
          tpu.wait_indirect_dma semaphore(%run_scoped3A : memref<!tpu.dma_semaphore, #tpu.memory_space<semaphore_mem>>) src(%arg15 : memref<1000x32xf32, #tpu.memory_space<vmem>>) dst(%dma_wait3A_81 : memref<20000x32xf32, #tpu.memory_space<vmem_shared>>)
          tpu.yield
        }) : () -> ()
      }
      %scan3A_67 = arith.constant 20 : i32
    } else {
    }
    %eq3A_51 = arith.constant 1 : i32
    %eq3A_52 = arith.cmpi eq, %arg0, %eq3A_51 : i32
    %convert_element_type3A_53 = arith.extui %eq3A_52 : i1 to i32
    %cond3A_54 = arith.constant 0 : i32
    %cond3A_55 = arith.cmpi ne, %convert_element_type3A_53, %cond3A_54 : i32
    scf.if %cond3A_55 {
      %scan3A_63 = arith.constant 0 : i32
      %scan3A_64 = arith.constant 20 : i32
      %scan3A_65 = arith.addi %scan3A_63, %scan3A_64 : i32
      %scan3A_66 = arith.constant 1 : i32
      scf.for %scan3A_68 = %scan3A_63 to %scan3A_65 step %scan3A_66  : i32 {
        %mul3A_69 = arith.constant 1 : i32
        %mul3A_70 = arith.muli %scan3A_68, %mul3A_69 : i32
        %add3A = arith.constant 0 : i32
        %add3A_71 = arith.addi %add3A, %mul3A_70 : i32
        "tpu.region"() ({
          %run_scoped3A = tpu.sem_alloc : memref<!tpu.dma_semaphore, #tpu.memory_space<semaphore_mem>>
          %dma_start3A = arith.constant 0 : i32
          %dma_start3A_72 = tpu.memref_slice %arg13[%add3A_71, %dma_start3A] : memref<20x1000xi32, #tpu.memory_space<vmem>> -> memref<1x1000xi32, #tpu.memory_space<vmem>>
          %dma_start3A_73 = tpu.memref_squeeze %dma_start3A_72 : memref<1x1000xi32, #tpu.memory_space<vmem>> -> memref<1000xi32, #tpu.memory_space<vmem>>
          %dma_start3A_74 = arith.constant 0 : i32
          %dma_start3A_75 = arith.constant 0 : i32
          %dma_start3A_76 = tpu.memref_slice %arg5[%dma_start3A_74, %dma_start3A_75] : memref<20000x32xf32, #tpu.memory_space<hbm>> -> memref<20000x32xf32, #tpu.memory_space<hbm>>
          tpu.enqueue_indirect_dma source(%dma_start3A_76 : memref<20000x32xf32, #tpu.memory_space<hbm>>) target(%arg15 : memref<1000x32xf32, #tpu.memory_space<vmem>>) offsets(%dma_start3A_73 : memref<1000xi32, #tpu.memory_space<vmem>>) semaphore(%run_scoped3A : memref<!tpu.dma_semaphore, #tpu.memory_space<semaphore_mem>>)
          %dma_wait3A = arith.constant 0 : i32
          %dma_wait3A_77 = tpu.memref_slice %arg13[%add3A_71, %dma_wait3A] : memref<20x1000xi32, #tpu.memory_space<vmem>> -> memref<1x1000xi32, #tpu.memory_space<vmem>>
          %dma_wait3A_78 = tpu.memref_squeeze %dma_wait3A_77 : memref<1x1000xi32, #tpu.memory_space<vmem>> -> memref<1000xi32, #tpu.memory_space<vmem>>
          %dma_wait3A_79 = arith.constant 0 : i32
          %dma_wait3A_80 = arith.constant 0 : i32
          %dma_wait3A_81 = tpu.memref_slice %arg5[%dma_wait3A_79, %dma_wait3A_80] : memref<20000x32xf32, #tpu.memory_space<hbm>> -> memref<20000x32xf32, #tpu.memory_space<hbm>>
          tpu.wait_indirect_dma semaphore(%run_scoped3A : memref<!tpu.dma_semaphore, #tpu.memory_space<semaphore_mem>>) src(%dma_wait3A_81 : memref<20000x32xf32, #tpu.memory_space<hbm>>) dst(%arg15 : memref<1000x32xf32, #tpu.memory_space<vmem>>)
          tpu.yield
        }) : () -> ()
        "tpu.region"() ({
          %run_scoped3A = tpu.sem_alloc : memref<!tpu.dma_semaphore, #tpu.memory_space<semaphore_mem>>
          %dma_start3A = arith.constant 0 : i32
          %dma_start3A_72 = tpu.memref_slice %arg14[%add3A_71, %dma_start3A] : memref<20x1000xi32, #tpu.memory_space<vmem>> -> memref<1x1000xi32, #tpu.memory_space<vmem>>
          %dma_start3A_73 = tpu.memref_squeeze %dma_start3A_72 : memref<1x1000xi32, #tpu.memory_space<vmem>> -> memref<1000xi32, #tpu.memory_space<vmem>>
          %dma_start3A_74 = arith.constant 0 : i32
          %dma_start3A_75 = arith.constant 0 : i32
          %dma_start3A_76 = tpu.memref_slice %arg17[%dma_start3A_74, %dma_start3A_75] : memref<20000x32xf32, #tpu.memory_space<vmem_shared>> -> memref<20000x32xf32, #tpu.memory_space<vmem_shared>>
          tpu.enqueue_indirect_dma source(%arg15 : memref<1000x32xf32, #tpu.memory_space<vmem>>) target(%dma_start3A_76 : memref<20000x32xf32, #tpu.memory_space<vmem_shared>>) offsets(%dma_start3A_73 : memref<1000xi32, #tpu.memory_space<vmem>>) semaphore(%run_scoped3A : memref<!tpu.dma_semaphore, #tpu.memory_space<semaphore_mem>>) {add = true}
          %dma_wait3A = arith.constant 0 : i32
          %dma_wait3A_77 = tpu.memref_slice %arg14[%add3A_71, %dma_wait3A] : memref<20x1000xi32, #tpu.memory_space<vmem>> -> memref<1x1000xi32, #tpu.memory_space<vmem>>
          %dma_wait3A_78 = tpu.memref_squeeze %dma_wait3A_77 : memref<1x1000xi32, #tpu.memory_space<vmem>> -> memref<1000xi32, #tpu.memory_space<vmem>>
          %dma_wait3A_79 = arith.constant 0 : i32
          %dma_wait3A_80 = arith.constant 0 : i32
          %dma_wait3A_81 = tpu.memref_slice %arg17[%dma_wait3A_79, %dma_wait3A_80] : memref<20000x32xf32, #tpu.memory_space<vmem_shared>> -> memref<20000x32xf32, #tpu.memory_space<vmem_shared>>
          tpu.wait_indirect_dma semaphore(%run_scoped3A : memref<!tpu.dma_semaphore, #tpu.memory_space<semaphore_mem>>) src(%arg15 : memref<1000x32xf32, #tpu.memory_space<vmem>>) dst(%dma_wait3A_81 : memref<20000x32xf32, #tpu.memory_space<vmem_shared>>)
          tpu.yield
        }) : () -> ()
      }
      %scan3A_67 = arith.constant 20 : i32
    } else {
    }
    %barrier3A_56 = arith.constant 0 : index
    tpu.barrier barrier_id(%barrier3A_56)
    %convert_element_type3A_57 = arith.extui %and3A : i1 to i32
    %cond3A_58 = arith.constant 0 : i32
    %cond3A_59 = arith.cmpi ne, %convert_element_type3A_57, %cond3A_58 : i32
    scf.if %cond3A_59 {
      %mul3A_63 = arith.constant 2000 : i32
      %mul3A_64 = arith.muli %arg1, %mul3A_63 : i32
      "tpu.region"() ({
        %run_scoped3A = tpu.sem_alloc : memref<!tpu.dma_semaphore, #tpu.memory_space<semaphore_mem>>
        %dma_start3A = arith.constant 0 : i32
        %dma_start3A_65 = tpu.memref_slice %arg11[%mul3A_64, %dma_start3A] : memref<20000x32xf32, #tpu.memory_space<hbm>> -> memref<2000x32xf32, #tpu.memory_space<hbm>>
        %dma_start3A_66 = arith.constant 0 : i32
        %dma_start3A_67 = tpu.memref_slice %arg17[%mul3A_64, %dma_start3A_66] : memref<20000x32xf32, #tpu.memory_space<vmem_shared>> -> memref<2000x32xf32, #tpu.memory_space<vmem_shared>>
        tpu.enqueue_dma source(%dma_start3A_67 : memref<2000x32xf32, #tpu.memory_space<vmem_shared>>) target(%dma_start3A_65 : memref<2000x32xf32, #tpu.memory_space<hbm>>) target_semaphore(%run_scoped3A : memref<!tpu.dma_semaphore, #tpu.memory_space<semaphore_mem>>)
        %dma_wait3A = arith.constant 0 : i32
        %dma_wait3A_68 = tpu.memref_slice %arg11[%mul3A_64, %dma_wait3A] : memref<20000x32xf32, #tpu.memory_space<hbm>> -> memref<2000x32xf32, #tpu.memory_space<hbm>>
        %dma_wait3A_69 = arith.constant 0 : i32
        %dma_wait3A_70 = tpu.memref_slice %arg17[%mul3A_64, %dma_wait3A_69] : memref<20000x32xf32, #tpu.memory_space<vmem_shared>> -> memref<2000x32xf32, #tpu.memory_space<vmem_shared>>
        tpu.wait_dma2 semaphore(%run_scoped3A : memref<!tpu.dma_semaphore, #tpu.memory_space<semaphore_mem>>) src(%dma_wait3A_70 : memref<2000x32xf32, #tpu.memory_space<vmem_shared>>) dst(%dma_wait3A_68 : memref<2000x32xf32, #tpu.memory_space<hbm>>)
        tpu.yield
      }) : () -> ()
    } else {
    }
    %convert_element_type3A_60 = arith.extui %and3A_6 : i1 to i32
    %cond3A_61 = arith.constant 0 : i32
    %cond3A_62 = arith.cmpi ne, %convert_element_type3A_60, %cond3A_61 : i32
    scf.if %cond3A_62 {
      %mul3A_63 = arith.constant 2000 : i32
      %mul3A_64 = arith.muli %arg1, %mul3A_63 : i32
      "tpu.region"() ({
        %run_scoped3A = tpu.sem_alloc : memref<!tpu.dma_semaphore, #tpu.memory_space<semaphore_mem>>
        %dma_start3A = arith.constant 0 : i32
        %dma_start3A_65 = tpu.memref_slice %arg12[%mul3A_64, %dma_start3A] : memref<20000x32xf32, #tpu.memory_space<hbm>> -> memref<2000x32xf32, #tpu.memory_space<hbm>>
        %dma_start3A_66 = arith.constant 0 : i32
        %dma_start3A_67 = tpu.memref_slice %arg17[%mul3A_64, %dma_start3A_66] : memref<20000x32xf32, #tpu.memory_space<vmem_shared>> -> memref<2000x32xf32, #tpu.memory_space<vmem_shared>>
        tpu.enqueue_dma source(%dma_start3A_67 : memref<2000x32xf32, #tpu.memory_space<vmem_shared>>) target(%dma_start3A_65 : memref<2000x32xf32, #tpu.memory_space<hbm>>) target_semaphore(%run_scoped3A : memref<!tpu.dma_semaphore, #tpu.memory_space<semaphore_mem>>)
        %dma_wait3A = arith.constant 0 : i32
        %dma_wait3A_68 = tpu.memref_slice %arg12[%mul3A_64, %dma_wait3A] : memref<20000x32xf32, #tpu.memory_space<hbm>> -> memref<2000x32xf32, #tpu.memory_space<hbm>>
        %dma_wait3A_69 = arith.constant 0 : i32
        %dma_wait3A_70 = tpu.memref_slice %arg17[%mul3A_64, %dma_wait3A_69] : memref<20000x32xf32, #tpu.memory_space<vmem_shared>> -> memref<2000x32xf32, #tpu.memory_space<vmem_shared>>
        tpu.wait_dma2 semaphore(%run_scoped3A : memref<!tpu.dma_semaphore, #tpu.memory_space<semaphore_mem>>) src(%dma_wait3A_70 : memref<2000x32xf32, #tpu.memory_space<vmem_shared>>) dst(%dma_wait3A_68 : memref<2000x32xf32, #tpu.memory_space<hbm>>)
        tpu.yield
      }) : () -> ()
    } else {
    }
    return
  }
}

#map = affine_map<(d0, d1) -> (0, 0)>
#map1 = affine_map<(d0, d1) -> (0)>
module attributes {stable_mosaic.version = 14 : i64} {
  func.func @_k_pass(%arg0: i32, %arg1: i32, %arg2: memref<20000x32xf32, #tpu.memory_space<hbm>>, %arg3: memref<20000x32xf32, #tpu.memory_space<hbm>>, %arg4: memref<20000x32xf32, #tpu.memory_space<hbm>>, %arg5: memref<20000x32xf32, #tpu.memory_space<hbm>>, %arg6: memref<320000xi32, #tpu.memory_space<hbm>>, %arg7: memref<320000xi32, #tpu.memory_space<hbm>>, %arg8: memref<2000x32xf32, #tpu.memory_space<hbm>>, %arg9: memref<20000x32xf32, #tpu.memory_space<hbm>>, %arg10: memref<20000x32xf32, #tpu.memory_space<hbm>>, %arg11: memref<20000x32xf32, #tpu.memory_space<hbm>>, %arg12: memref<20000x32xf32, #tpu.memory_space<hbm>>, %arg13: memref<20x1000xi32, #tpu.memory_space<vmem>>, %arg14: memref<20x1000xi32, #tpu.memory_space<vmem>>, %arg15: memref<1000x32xf32, #tpu.memory_space<vmem>>, %arg16: memref<1000x32xf32, #tpu.memory_space<vmem>>, %arg17: memref<20000x32xf32, #tpu.memory_space<vmem_shared>>, %arg18: memref<!tpu.dma_semaphore, #tpu.memory_space<semaphore_mem>>, %arg19: memref<!tpu.dma_semaphore, #tpu.memory_space<semaphore_mem>>) attributes {dimension_semantics = [#tpu.dimension_semantics<core_parallel>, #tpu.dimension_semantics<subcore_parallel>], iteration_bounds = array<i64: 2, 16>, scalar_prefetch = 0 : i64, scratch_operands = 7 : i64, tpu.core_type = #tpu.core_type<sc_vector_subcore>, window_params = [{transform_indices = #map}, {transform_indices = #map}, {transform_indices = #map}, {transform_indices = #map}, {transform_indices = #map1}, {transform_indices = #map1}, {transform_indices = #map}, {transform_indices = #map}, {transform_indices = #map}, {transform_indices = #map}, {transform_indices = #map}]} {
    %eq3A = arith.constant 0 : i32
    %eq3A_0 = arith.cmpi eq, %arg0, %eq3A : i32
    %lt3A = arith.constant 10 : i32
    %lt3A_1 = arith.cmpi slt, %arg1, %lt3A : i32
    %and3A = arith.andi %eq3A_0, %lt3A_1 : i1
    %eq3A_2 = arith.constant 1 : i32
    %eq3A_3 = arith.cmpi eq, %arg0, %eq3A_2 : i32
    %lt3A_4 = arith.constant 10 : i32
    %lt3A_5 = arith.cmpi slt, %arg1, %lt3A_4 : i32
    %and3A_6 = arith.andi %eq3A_3, %lt3A_5 : i1
    %lt3A_7 = arith.constant 10 : i32
    %lt3A_8 = arith.cmpi slt, %arg1, %lt3A_7 : i32
    %convert_element_type3A = arith.extui %lt3A_8 : i1 to i32
    %cond3A = arith.constant 0 : i32
    %cond3A_9 = arith.cmpi ne, %convert_element_type3A, %cond3A : i32
    scf.if %cond3A_9 {
      %mul3A_63 = arith.constant 2000 : i32
      %mul3A_64 = arith.muli %arg1, %mul3A_63 : i32
      "tpu.region"() ({
        %run_scoped3A = tpu.sem_alloc : memref<!tpu.dma_semaphore, #tpu.memory_space<semaphore_mem>>
        %dma_start3A = arith.constant 0 : i32
        %dma_start3A_65 = tpu.memref_slice %arg17[%mul3A_64, %dma_start3A] : memref<20000x32xf32, #tpu.memory_space<vmem_shared>> -> memref<2000x32xf32, #tpu.memory_space<vmem_shared>>
        tpu.enqueue_dma source(%arg8 : memref<2000x32xf32, #tpu.memory_space<hbm>>) target(%dma_start3A_65 : memref<2000x32xf32, #tpu.memory_space<vmem_shared>>) target_semaphore(%run_scoped3A : memref<!tpu.dma_semaphore, #tpu.memory_space<semaphore_mem>>)
        %dma_wait3A = arith.constant 0 : i32
        %dma_wait3A_66 = tpu.memref_slice %arg17[%mul3A_64, %dma_wait3A] : memref<20000x32xf32, #tpu.memory_space<vmem_shared>> -> memref<2000x32xf32, #tpu.memory_space<vmem_shared>>
        tpu.wait_dma2 semaphore(%run_scoped3A : memref<!tpu.dma_semaphore, #tpu.memory_space<semaphore_mem>>) src(%arg8 : memref<2000x32xf32, #tpu.memory_space<hbm>>) dst(%dma_wait3A_66 : memref<2000x32xf32, #tpu.memory_space<vmem_shared>>)
        tpu.yield
      }) : () -> ()
    } else {
    }
    %mul3A = arith.constant 20000 : i32
    %mul3A_10 = arith.muli %arg1, %mul3A : i32
    %scan3A = arith.constant 0 : i32
    %scan3A_11 = arith.constant 20 : i32
    %scan3A_12 = arith.addi %scan3A, %scan3A_11 : i32
    %scan3A_13 = arith.constant 1 : i32
    scf.for %scan3A_63 = %scan3A to %scan3A_12 step %scan3A_13  : i32 {
      %mul3A_64 = arith.constant 1 : i32
      %mul3A_65 = arith.muli %scan3A_63, %mul3A_64 : i32
      %add3A = arith.constant 0 : i32
      %add3A_66 = arith.addi %add3A, %mul3A_65 : i32
      %mul3A_67 = arith.constant 1000 : i32
      %mul3A_68 = arith.muli %add3A_66, %mul3A_67 : i32
      %add3A_69 = arith.addi %mul3A_10, %mul3A_68 : i32
      "tpu.region"() ({
        %run_scoped3A = tpu.sem_alloc : memref<!tpu.dma_semaphore, #tpu.memory_space<semaphore_mem>>
        %dma_start3A = arith.constant 0 : i32
        %dma_start3A_70 = tpu.memref_slice %arg13[%add3A_66, %dma_start3A] : memref<20x1000xi32, #tpu.memory_space<vmem>> -> memref<1x1000xi32, #tpu.memory_space<vmem>>
        %dma_start3A_71 = tpu.memref_squeeze %dma_start3A_70 : memref<1x1000xi32, #tpu.memory_space<vmem>> -> memref<1000xi32, #tpu.memory_space<vmem>>
        %dma_start3A_72 = tpu.memref_slice %arg6[%add3A_69] : memref<320000xi32, #tpu.memory_space<hbm>> -> memref<1000xi32, #tpu.memory_space<hbm>>
        %dma_start3A_73 = arith.constant 0 : i32
        %dma_start3A_74 = tpu.memref_slice %arg13[%add3A_66, %dma_start3A_73] : memref<20x1000xi32, #tpu.memory_space<vmem>> -> memref<1x1000xi32, #tpu.memory_space<vmem>>
        %dma_start3A_75 = tpu.memref_squeeze %dma_start3A_74 : memref<1x1000xi32, #tpu.memory_space<vmem>> -> memref<1000xi32, #tpu.memory_space<vmem>>
        %dma_start3A_76 = tpu.memref_slice %arg6[%add3A_69] : memref<320000xi32, #tpu.memory_space<hbm>> -> memref<1000xi32, #tpu.memory_space<hbm>>
        tpu.enqueue_dma source(%dma_start3A_76 : memref<1000xi32, #tpu.memory_space<hbm>>) target(%dma_start3A_75 : memref<1000xi32, #tpu.memory_space<vmem>>) target_semaphore(%run_scoped3A : memref<!tpu.dma_semaphore, #tpu.memory_space<semaphore_mem>>)
        %dma_wait3A = arith.constant 0 : i32
        %dma_wait3A_77 = tpu.memref_slice %arg13[%add3A_66, %dma_wait3A] : memref<20x1000xi32, #tpu.memory_space<vmem>> -> memref<1x1000xi32, #tpu.memory_space<vmem>>
        %dma_wait3A_78 = tpu.memref_squeeze %dma_wait3A_77 : memref<1x1000xi32, #tpu.memory_space<vmem>> -> memref<1000xi32, #tpu.memory_space<vmem>>
        %dma_wait3A_79 = tpu.memref_slice %arg6[%add3A_69] : memref<320000xi32, #tpu.memory_space<hbm>> -> memref<1000xi32, #tpu.memory_space<hbm>>
        %dma_wait3A_80 = arith.constant 0 : i32
        %dma_wait3A_81 = tpu.memref_slice %arg13[%add3A_66, %dma_wait3A_80] : memref<20x1000xi32, #tpu.memory_space<vmem>> -> memref<1x1000xi32, #tpu.memory_space<vmem>>
        %dma_wait3A_82 = tpu.memref_squeeze %dma_wait3A_81 : memref<1x1000xi32, #tpu.memory_space<vmem>> -> memref<1000xi32, #tpu.memory_space<vmem>>
        %dma_wait3A_83 = tpu.memref_slice %arg6[%add3A_69] : memref<320000xi32, #tpu.memory_space<hbm>> -> memref<1000xi32, #tpu.memory_space<hbm>>
        tpu.wait_dma2 semaphore(%run_scoped3A : memref<!tpu.dma_semaphore, #tpu.memory_space<semaphore_mem>>) src(%dma_wait3A_83 : memref<1000xi32, #tpu.memory_space<hbm>>) dst(%dma_wait3A_82 : memref<1000xi32, #tpu.memory_space<vmem>>)
        tpu.yield
      }) : () -> ()
    }
    %scan3A_14 = arith.constant 20 : i32
    %mul3A_15 = arith.constant 20000 : i32
    %mul3A_16 = arith.muli %arg1, %mul3A_15 : i32
    %scan3A_17 = arith.constant 0 : i32
    %scan3A_18 = arith.constant 20 : i32
    %scan3A_19 = arith.addi %scan3A_17, %scan3A_18 : i32
    %scan3A_20 = arith.constant 1 : i32
    scf.for %scan3A_63 = %scan3A_17 to %scan3A_19 step %scan3A_20  : i32 {
      %mul3A_64 = arith.constant 1 : i32
      %mul3A_65 = arith.muli %scan3A_63, %mul3A_64 : i32
      %add3A = arith.constant 0 : i32
      %add3A_66 = arith.addi %add3A, %mul3A_65 : i32
      %mul3A_67 = arith.constant 1000 : i32
      %mul3A_68 = arith.muli %add3A_66, %mul3A_67 : i32
      %add3A_69 = arith.addi %mul3A_16, %mul3A_68 : i32
      "tpu.region"() ({
        %run_scoped3A = tpu.sem_alloc : memref<!tpu.dma_semaphore, #tpu.memory_space<semaphore_mem>>
        %dma_start3A = arith.constant 0 : i32
        %dma_start3A_70 = tpu.memref_slice %arg14[%add3A_66, %dma_start3A] : memref<20x1000xi32, #tpu.memory_space<vmem>> -> memref<1x1000xi32, #tpu.memory_space<vmem>>
        %dma_start3A_71 = tpu.memref_squeeze %dma_start3A_70 : memref<1x1000xi32, #tpu.memory_space<vmem>> -> memref<1000xi32, #tpu.memory_space<vmem>>
        %dma_start3A_72 = tpu.memref_slice %arg7[%add3A_69] : memref<320000xi32, #tpu.memory_space<hbm>> -> memref<1000xi32, #tpu.memory_space<hbm>>
        %dma_start3A_73 = arith.constant 0 : i32
        %dma_start3A_74 = tpu.memref_slice %arg14[%add3A_66, %dma_start3A_73] : memref<20x1000xi32, #tpu.memory_space<vmem>> -> memref<1x1000xi32, #tpu.memory_space<vmem>>
        %dma_start3A_75 = tpu.memref_squeeze %dma_start3A_74 : memref<1x1000xi32, #tpu.memory_space<vmem>> -> memref<1000xi32, #tpu.memory_space<vmem>>
        %dma_start3A_76 = tpu.memref_slice %arg7[%add3A_69] : memref<320000xi32, #tpu.memory_space<hbm>> -> memref<1000xi32, #tpu.memory_space<hbm>>
        tpu.enqueue_dma source(%dma_start3A_76 : memref<1000xi32, #tpu.memory_space<hbm>>) target(%dma_start3A_75 : memref<1000xi32, #tpu.memory_space<vmem>>) target_semaphore(%run_scoped3A : memref<!tpu.dma_semaphore, #tpu.memory_space<semaphore_mem>>)
        %dma_wait3A = arith.constant 0 : i32
        %dma_wait3A_77 = tpu.memref_slice %arg14[%add3A_66, %dma_wait3A] : memref<20x1000xi32, #tpu.memory_space<vmem>> -> memref<1x1000xi32, #tpu.memory_space<vmem>>
        %dma_wait3A_78 = tpu.memref_squeeze %dma_wait3A_77 : memref<1x1000xi32, #tpu.memory_space<vmem>> -> memref<1000xi32, #tpu.memory_space<vmem>>
        %dma_wait3A_79 = tpu.memref_slice %arg7[%add3A_69] : memref<320000xi32, #tpu.memory_space<hbm>> -> memref<1000xi32, #tpu.memory_space<hbm>>
        %dma_wait3A_80 = arith.constant 0 : i32
        %dma_wait3A_81 = tpu.memref_slice %arg14[%add3A_66, %dma_wait3A_80] : memref<20x1000xi32, #tpu.memory_space<vmem>> -> memref<1x1000xi32, #tpu.memory_space<vmem>>
        %dma_wait3A_82 = tpu.memref_squeeze %dma_wait3A_81 : memref<1x1000xi32, #tpu.memory_space<vmem>> -> memref<1000xi32, #tpu.memory_space<vmem>>
        %dma_wait3A_83 = tpu.memref_slice %arg7[%add3A_69] : memref<320000xi32, #tpu.memory_space<hbm>> -> memref<1000xi32, #tpu.memory_space<hbm>>
        tpu.wait_dma2 semaphore(%run_scoped3A : memref<!tpu.dma_semaphore, #tpu.memory_space<semaphore_mem>>) src(%dma_wait3A_83 : memref<1000xi32, #tpu.memory_space<hbm>>) dst(%dma_wait3A_82 : memref<1000xi32, #tpu.memory_space<vmem>>)
        tpu.yield
      }) : () -> ()
    }
    %scan3A_21 = arith.constant 20 : i32
    %barrier3A = arith.constant 0 : index
    tpu.barrier barrier_id(%barrier3A)
    %eq3A_22 = arith.constant 0 : i32
    %eq3A_23 = arith.cmpi eq, %arg0, %eq3A_22 : i32
    %convert_element_type3A_24 = arith.extui %eq3A_23 : i1 to i32
    %cond3A_25 = arith.constant 0 : i32
    %cond3A_26 = arith.cmpi ne, %convert_element_type3A_24, %cond3A_25 : i32
    scf.if %cond3A_26 {
      %scan3A_63 = arith.constant 0 : i32
      %scan3A_64 = arith.constant 20 : i32
      %scan3A_65 = arith.addi %scan3A_63, %scan3A_64 : i32
      %scan3A_66 = arith.constant 1 : i32
      scf.for %scan3A_68 = %scan3A_63 to %scan3A_65 step %scan3A_66  : i32 {
        %mul3A_69 = arith.constant 1 : i32
        %mul3A_70 = arith.muli %scan3A_68, %mul3A_69 : i32
        %add3A = arith.constant 0 : i32
        %add3A_71 = arith.addi %add3A, %mul3A_70 : i32
        "tpu.region"() ({
          %run_scoped3A = tpu.sem_alloc : memref<!tpu.dma_semaphore, #tpu.memory_space<semaphore_mem>>
          %dma_start3A = arith.constant 0 : i32
          %dma_start3A_72 = tpu.memref_slice %arg13[%add3A_71, %dma_start3A] : memref<20x1000xi32, #tpu.memory_space<vmem>> -> memref<1x1000xi32, #tpu.memory_space<vmem>>
          %dma_start3A_73 = tpu.memref_squeeze %dma_start3A_72 : memref<1x1000xi32, #tpu.memory_space<vmem>> -> memref<1000xi32, #tpu.memory_space<vmem>>
          %dma_start3A_74 = arith.constant 0 : i32
          %dma_start3A_75 = arith.constant 0 : i32
          %dma_start3A_76 = tpu.memref_slice %arg2[%dma_start3A_74, %dma_start3A_75] : memref<20000x32xf32, #tpu.memory_space<hbm>> -> memref<20000x32xf32, #tpu.memory_space<hbm>>
          tpu.enqueue_indirect_dma source(%dma_start3A_76 : memref<20000x32xf32, #tpu.memory_space<hbm>>) target(%arg15 : memref<1000x32xf32, #tpu.memory_space<vmem>>) offsets(%dma_start3A_73 : memref<1000xi32, #tpu.memory_space<vmem>>) semaphore(%run_scoped3A : memref<!tpu.dma_semaphore, #tpu.memory_space<semaphore_mem>>)
          %dma_wait3A = arith.constant 0 : i32
          %dma_wait3A_77 = tpu.memref_slice %arg13[%add3A_71, %dma_wait3A] : memref<20x1000xi32, #tpu.memory_space<vmem>> -> memref<1x1000xi32, #tpu.memory_space<vmem>>
          %dma_wait3A_78 = tpu.memref_squeeze %dma_wait3A_77 : memref<1x1000xi32, #tpu.memory_space<vmem>> -> memref<1000xi32, #tpu.memory_space<vmem>>
          %dma_wait3A_79 = arith.constant 0 : i32
          %dma_wait3A_80 = arith.constant 0 : i32
          %dma_wait3A_81 = tpu.memref_slice %arg2[%dma_wait3A_79, %dma_wait3A_80] : memref<20000x32xf32, #tpu.memory_space<hbm>> -> memref<20000x32xf32, #tpu.memory_space<hbm>>
          tpu.wait_indirect_dma semaphore(%run_scoped3A : memref<!tpu.dma_semaphore, #tpu.memory_space<semaphore_mem>>) src(%dma_wait3A_81 : memref<20000x32xf32, #tpu.memory_space<hbm>>) dst(%arg15 : memref<1000x32xf32, #tpu.memory_space<vmem>>)
          tpu.yield
        }) : () -> ()
        "tpu.region"() ({
          %run_scoped3A = tpu.sem_alloc : memref<!tpu.dma_semaphore, #tpu.memory_space<semaphore_mem>>
          %dma_start3A = arith.constant 0 : i32
          %dma_start3A_72 = tpu.memref_slice %arg14[%add3A_71, %dma_start3A] : memref<20x1000xi32, #tpu.memory_space<vmem>> -> memref<1x1000xi32, #tpu.memory_space<vmem>>
          %dma_start3A_73 = tpu.memref_squeeze %dma_start3A_72 : memref<1x1000xi32, #tpu.memory_space<vmem>> -> memref<1000xi32, #tpu.memory_space<vmem>>
          %dma_start3A_74 = arith.constant 0 : i32
          %dma_start3A_75 = arith.constant 0 : i32
          %dma_start3A_76 = tpu.memref_slice %arg17[%dma_start3A_74, %dma_start3A_75] : memref<20000x32xf32, #tpu.memory_space<vmem_shared>> -> memref<20000x32xf32, #tpu.memory_space<vmem_shared>>
          tpu.enqueue_indirect_dma source(%arg15 : memref<1000x32xf32, #tpu.memory_space<vmem>>) target(%dma_start3A_76 : memref<20000x32xf32, #tpu.memory_space<vmem_shared>>) offsets(%dma_start3A_73 : memref<1000xi32, #tpu.memory_space<vmem>>) semaphore(%run_scoped3A : memref<!tpu.dma_semaphore, #tpu.memory_space<semaphore_mem>>) {add = true}
          %dma_wait3A = arith.constant 0 : i32
          %dma_wait3A_77 = tpu.memref_slice %arg14[%add3A_71, %dma_wait3A] : memref<20x1000xi32, #tpu.memory_space<vmem>> -> memref<1x1000xi32, #tpu.memory_space<vmem>>
          %dma_wait3A_78 = tpu.memref_squeeze %dma_wait3A_77 : memref<1x1000xi32, #tpu.memory_space<vmem>> -> memref<1000xi32, #tpu.memory_space<vmem>>
          %dma_wait3A_79 = arith.constant 0 : i32
          %dma_wait3A_80 = arith.constant 0 : i32
          %dma_wait3A_81 = tpu.memref_slice %arg17[%dma_wait3A_79, %dma_wait3A_80] : memref<20000x32xf32, #tpu.memory_space<vmem_shared>> -> memref<20000x32xf32, #tpu.memory_space<vmem_shared>>
          tpu.wait_indirect_dma semaphore(%run_scoped3A : memref<!tpu.dma_semaphore, #tpu.memory_space<semaphore_mem>>) src(%arg15 : memref<1000x32xf32, #tpu.memory_space<vmem>>) dst(%dma_wait3A_81 : memref<20000x32xf32, #tpu.memory_space<vmem_shared>>)
          tpu.yield
        }) : () -> ()
      }
      %scan3A_67 = arith.constant 20 : i32
    } else {
    }
    %eq3A_27 = arith.constant 1 : i32
    %eq3A_28 = arith.cmpi eq, %arg0, %eq3A_27 : i32
    %convert_element_type3A_29 = arith.extui %eq3A_28 : i1 to i32
    %cond3A_30 = arith.constant 0 : i32
    %cond3A_31 = arith.cmpi ne, %convert_element_type3A_29, %cond3A_30 : i32
    scf.if %cond3A_31 {
      %scan3A_63 = arith.constant 0 : i32
      %scan3A_64 = arith.constant 20 : i32
      %scan3A_65 = arith.addi %scan3A_63, %scan3A_64 : i32
      %scan3A_66 = arith.constant 1 : i32
      scf.for %scan3A_68 = %scan3A_63 to %scan3A_65 step %scan3A_66  : i32 {
        %mul3A_69 = arith.constant 1 : i32
        %mul3A_70 = arith.muli %scan3A_68, %mul3A_69 : i32
        %add3A = arith.constant 0 : i32
        %add3A_71 = arith.addi %add3A, %mul3A_70 : i32
        "tpu.region"() ({
          %run_scoped3A = tpu.sem_alloc : memref<!tpu.dma_semaphore, #tpu.memory_space<semaphore_mem>>
          %dma_start3A = arith.constant 0 : i32
          %dma_start3A_72 = tpu.memref_slice %arg13[%add3A_71, %dma_start3A] : memref<20x1000xi32, #tpu.memory_space<vmem>> -> memref<1x1000xi32, #tpu.memory_space<vmem>>
          %dma_start3A_73 = tpu.memref_squeeze %dma_start3A_72 : memref<1x1000xi32, #tpu.memory_space<vmem>> -> memref<1000xi32, #tpu.memory_space<vmem>>
          %dma_start3A_74 = arith.constant 0 : i32
          %dma_start3A_75 = arith.constant 0 : i32
          %dma_start3A_76 = tpu.memref_slice %arg3[%dma_start3A_74, %dma_start3A_75] : memref<20000x32xf32, #tpu.memory_space<hbm>> -> memref<20000x32xf32, #tpu.memory_space<hbm>>
          tpu.enqueue_indirect_dma source(%dma_start3A_76 : memref<20000x32xf32, #tpu.memory_space<hbm>>) target(%arg15 : memref<1000x32xf32, #tpu.memory_space<vmem>>) offsets(%dma_start3A_73 : memref<1000xi32, #tpu.memory_space<vmem>>) semaphore(%run_scoped3A : memref<!tpu.dma_semaphore, #tpu.memory_space<semaphore_mem>>)
          %dma_wait3A = arith.constant 0 : i32
          %dma_wait3A_77 = tpu.memref_slice %arg13[%add3A_71, %dma_wait3A] : memref<20x1000xi32, #tpu.memory_space<vmem>> -> memref<1x1000xi32, #tpu.memory_space<vmem>>
          %dma_wait3A_78 = tpu.memref_squeeze %dma_wait3A_77 : memref<1x1000xi32, #tpu.memory_space<vmem>> -> memref<1000xi32, #tpu.memory_space<vmem>>
          %dma_wait3A_79 = arith.constant 0 : i32
          %dma_wait3A_80 = arith.constant 0 : i32
          %dma_wait3A_81 = tpu.memref_slice %arg3[%dma_wait3A_79, %dma_wait3A_80] : memref<20000x32xf32, #tpu.memory_space<hbm>> -> memref<20000x32xf32, #tpu.memory_space<hbm>>
          tpu.wait_indirect_dma semaphore(%run_scoped3A : memref<!tpu.dma_semaphore, #tpu.memory_space<semaphore_mem>>) src(%dma_wait3A_81 : memref<20000x32xf32, #tpu.memory_space<hbm>>) dst(%arg15 : memref<1000x32xf32, #tpu.memory_space<vmem>>)
          tpu.yield
        }) : () -> ()
        "tpu.region"() ({
          %run_scoped3A = tpu.sem_alloc : memref<!tpu.dma_semaphore, #tpu.memory_space<semaphore_mem>>
          %dma_start3A = arith.constant 0 : i32
          %dma_start3A_72 = tpu.memref_slice %arg14[%add3A_71, %dma_start3A] : memref<20x1000xi32, #tpu.memory_space<vmem>> -> memref<1x1000xi32, #tpu.memory_space<vmem>>
          %dma_start3A_73 = tpu.memref_squeeze %dma_start3A_72 : memref<1x1000xi32, #tpu.memory_space<vmem>> -> memref<1000xi32, #tpu.memory_space<vmem>>
          %dma_start3A_74 = arith.constant 0 : i32
          %dma_start3A_75 = arith.constant 0 : i32
          %dma_start3A_76 = tpu.memref_slice %arg17[%dma_start3A_74, %dma_start3A_75] : memref<20000x32xf32, #tpu.memory_space<vmem_shared>> -> memref<20000x32xf32, #tpu.memory_space<vmem_shared>>
          tpu.enqueue_indirect_dma source(%arg15 : memref<1000x32xf32, #tpu.memory_space<vmem>>) target(%dma_start3A_76 : memref<20000x32xf32, #tpu.memory_space<vmem_shared>>) offsets(%dma_start3A_73 : memref<1000xi32, #tpu.memory_space<vmem>>) semaphore(%run_scoped3A : memref<!tpu.dma_semaphore, #tpu.memory_space<semaphore_mem>>) {add = true}
          %dma_wait3A = arith.constant 0 : i32
          %dma_wait3A_77 = tpu.memref_slice %arg14[%add3A_71, %dma_wait3A] : memref<20x1000xi32, #tpu.memory_space<vmem>> -> memref<1x1000xi32, #tpu.memory_space<vmem>>
          %dma_wait3A_78 = tpu.memref_squeeze %dma_wait3A_77 : memref<1x1000xi32, #tpu.memory_space<vmem>> -> memref<1000xi32, #tpu.memory_space<vmem>>
          %dma_wait3A_79 = arith.constant 0 : i32
          %dma_wait3A_80 = arith.constant 0 : i32
          %dma_wait3A_81 = tpu.memref_slice %arg17[%dma_wait3A_79, %dma_wait3A_80] : memref<20000x32xf32, #tpu.memory_space<vmem_shared>> -> memref<20000x32xf32, #tpu.memory_space<vmem_shared>>
          tpu.wait_indirect_dma semaphore(%run_scoped3A : memref<!tpu.dma_semaphore, #tpu.memory_space<semaphore_mem>>) src(%arg15 : memref<1000x32xf32, #tpu.memory_space<vmem>>) dst(%dma_wait3A_81 : memref<20000x32xf32, #tpu.memory_space<vmem_shared>>)
          tpu.yield
        }) : () -> ()
      }
      %scan3A_67 = arith.constant 20 : i32
    } else {
    }
    %barrier3A_32 = arith.constant 0 : index
    tpu.barrier barrier_id(%barrier3A_32)
    %convert_element_type3A_33 = arith.extui %and3A : i1 to i32
    %cond3A_34 = arith.constant 0 : i32
    %cond3A_35 = arith.cmpi ne, %convert_element_type3A_33, %cond3A_34 : i32
    scf.if %cond3A_35 {
      %mul3A_63 = arith.constant 2000 : i32
      %mul3A_64 = arith.muli %arg1, %mul3A_63 : i32
      "tpu.region"() ({
        %run_scoped3A = tpu.sem_alloc : memref<!tpu.dma_semaphore, #tpu.memory_space<semaphore_mem>>
        %dma_start3A = arith.constant 0 : i32
        %dma_start3A_65 = tpu.memref_slice %arg9[%mul3A_64, %dma_start3A] : memref<20000x32xf32, #tpu.memory_space<hbm>> -> memref<2000x32xf32, #tpu.memory_space<hbm>>
        %dma_start3A_66 = arith.constant 0 : i32
        %dma_start3A_67 = tpu.memref_slice %arg17[%mul3A_64, %dma_start3A_66] : memref<20000x32xf32, #tpu.memory_space<vmem_shared>> -> memref<2000x32xf32, #tpu.memory_space<vmem_shared>>
        tpu.enqueue_dma source(%dma_start3A_67 : memref<2000x32xf32, #tpu.memory_space<vmem_shared>>) target(%dma_start3A_65 : memref<2000x32xf32, #tpu.memory_space<hbm>>) target_semaphore(%run_scoped3A : memref<!tpu.dma_semaphore, #tpu.memory_space<semaphore_mem>>)
        %dma_wait3A = arith.constant 0 : i32
        %dma_wait3A_68 = tpu.memref_slice %arg9[%mul3A_64, %dma_wait3A] : memref<20000x32xf32, #tpu.memory_space<hbm>> -> memref<2000x32xf32, #tpu.memory_space<hbm>>
        %dma_wait3A_69 = arith.constant 0 : i32
        %dma_wait3A_70 = tpu.memref_slice %arg17[%mul3A_64, %dma_wait3A_69] : memref<20000x32xf32, #tpu.memory_space<vmem_shared>> -> memref<2000x32xf32, #tpu.memory_space<vmem_shared>>
        tpu.wait_dma2 semaphore(%run_scoped3A : memref<!tpu.dma_semaphore, #tpu.memory_space<semaphore_mem>>) src(%dma_wait3A_70 : memref<2000x32xf32, #tpu.memory_space<vmem_shared>>) dst(%dma_wait3A_68 : memref<2000x32xf32, #tpu.memory_space<hbm>>)
        tpu.yield
      }) : () -> ()
    } else {
    }
    %convert_element_type3A_36 = arith.extui %and3A_6 : i1 to i32
    %cond3A_37 = arith.constant 0 : i32
    %cond3A_38 = arith.cmpi ne, %convert_element_type3A_36, %cond3A_37 : i32
    scf.if %cond3A_38 {
      %mul3A_63 = arith.constant 2000 : i32
      %mul3A_64 = arith.muli %arg1, %mul3A_63 : i32
      "tpu.region"() ({
        %run_scoped3A = tpu.sem_alloc : memref<!tpu.dma_semaphore, #tpu.memory_space<semaphore_mem>>
        %dma_start3A = arith.constant 0 : i32
        %dma_start3A_65 = tpu.memref_slice %arg10[%mul3A_64, %dma_start3A] : memref<20000x32xf32, #tpu.memory_space<hbm>> -> memref<2000x32xf32, #tpu.memory_space<hbm>>
        %dma_start3A_66 = arith.constant 0 : i32
        %dma_start3A_67 = tpu.memref_slice %arg17[%mul3A_64, %dma_start3A_66] : memref<20000x32xf32, #tpu.memory_space<vmem_shared>> -> memref<2000x32xf32, #tpu.memory_space<vmem_shared>>
        tpu.enqueue_dma source(%dma_start3A_67 : memref<2000x32xf32, #tpu.memory_space<vmem_shared>>) target(%dma_start3A_65 : memref<2000x32xf32, #tpu.memory_space<hbm>>) target_semaphore(%run_scoped3A : memref<!tpu.dma_semaphore, #tpu.memory_space<semaphore_mem>>)
        %dma_wait3A = arith.constant 0 : i32
        %dma_wait3A_68 = tpu.memref_slice %arg10[%mul3A_64, %dma_wait3A] : memref<20000x32xf32, #tpu.memory_space<hbm>> -> memref<2000x32xf32, #tpu.memory_space<hbm>>
        %dma_wait3A_69 = arith.constant 0 : i32
        %dma_wait3A_70 = tpu.memref_slice %arg17[%mul3A_64, %dma_wait3A_69] : memref<20000x32xf32, #tpu.memory_space<vmem_shared>> -> memref<2000x32xf32, #tpu.memory_space<vmem_shared>>
        tpu.wait_dma2 semaphore(%run_scoped3A : memref<!tpu.dma_semaphore, #tpu.memory_space<semaphore_mem>>) src(%dma_wait3A_70 : memref<2000x32xf32, #tpu.memory_space<vmem_shared>>) dst(%dma_wait3A_68 : memref<2000x32xf32, #tpu.memory_space<hbm>>)
        tpu.yield
      }) : () -> ()
    } else {
    }
    %barrier3A_39 = arith.constant 0 : index
    tpu.barrier barrier_id(%barrier3A_39)
    %lt3A_40 = arith.constant 10 : i32
    %lt3A_41 = arith.cmpi slt, %arg1, %lt3A_40 : i32
    %convert_element_type3A_42 = arith.extui %lt3A_41 : i1 to i32
    %cond3A_43 = arith.constant 0 : i32
    %cond3A_44 = arith.cmpi ne, %convert_element_type3A_42, %cond3A_43 : i32
    scf.if %cond3A_44 {
      %mul3A_63 = arith.constant 2000 : i32
      %mul3A_64 = arith.muli %arg1, %mul3A_63 : i32
      "tpu.region"() ({
        %run_scoped3A = tpu.sem_alloc : memref<!tpu.dma_semaphore, #tpu.memory_space<semaphore_mem>>
        %dma_start3A = arith.constant 0 : i32
        %dma_start3A_65 = tpu.memref_slice %arg17[%mul3A_64, %dma_start3A] : memref<20000x32xf32, #tpu.memory_space<vmem_shared>> -> memref<2000x32xf32, #tpu.memory_space<vmem_shared>>
        tpu.enqueue_dma source(%arg8 : memref<2000x32xf32, #tpu.memory_space<hbm>>) target(%dma_start3A_65 : memref<2000x32xf32, #tpu.memory_space<vmem_shared>>) target_semaphore(%run_scoped3A : memref<!tpu.dma_semaphore, #tpu.memory_space<semaphore_mem>>)
        %dma_wait3A = arith.constant 0 : i32
        %dma_wait3A_66 = tpu.memref_slice %arg17[%mul3A_64, %dma_wait3A] : memref<20000x32xf32, #tpu.memory_space<vmem_shared>> -> memref<2000x32xf32, #tpu.memory_space<vmem_shared>>
        tpu.wait_dma2 semaphore(%run_scoped3A : memref<!tpu.dma_semaphore, #tpu.memory_space<semaphore_mem>>) src(%arg8 : memref<2000x32xf32, #tpu.memory_space<hbm>>) dst(%dma_wait3A_66 : memref<2000x32xf32, #tpu.memory_space<vmem_shared>>)
        tpu.yield
      }) : () -> ()
    } else {
    }
    %barrier3A_45 = arith.constant 0 : index
    tpu.barrier barrier_id(%barrier3A_45)
    %eq3A_46 = arith.constant 0 : i32
    %eq3A_47 = arith.cmpi eq, %arg0, %eq3A_46 : i32
    %convert_element_type3A_48 = arith.extui %eq3A_47 : i1 to i32
    %cond3A_49 = arith.constant 0 : i32
    %cond3A_50 = arith.cmpi ne, %convert_element_type3A_48, %cond3A_49 : i32
    scf.if %cond3A_50 {
      %scan3A_63 = arith.constant 0 : i32
      %scan3A_64 = arith.constant 20 : i32
      %scan3A_65 = arith.addi %scan3A_63, %scan3A_64 : i32
      %scan3A_66 = arith.constant 1 : i32
      scf.for %scan3A_68 = %scan3A_63 to %scan3A_65 step %scan3A_66  : i32 {
        %mul3A_69 = arith.constant 1 : i32
        %mul3A_70 = arith.muli %scan3A_68, %mul3A_69 : i32
        %add3A = arith.constant 0 : i32
        %add3A_71 = arith.addi %add3A, %mul3A_70 : i32
        "tpu.region"() ({
          %run_scoped3A = tpu.sem_alloc : memref<!tpu.dma_semaphore, #tpu.memory_space<semaphore_mem>>
          %dma_start3A = arith.constant 0 : i32
          %dma_start3A_72 = tpu.memref_slice %arg13[%add3A_71, %dma_start3A] : memref<20x1000xi32, #tpu.memory_space<vmem>> -> memref<1x1000xi32, #tpu.memory_space<vmem>>
          %dma_start3A_73 = tpu.memref_squeeze %dma_start3A_72 : memref<1x1000xi32, #tpu.memory_space<vmem>> -> memref<1000xi32, #tpu.memory_space<vmem>>
          %dma_start3A_74 = arith.constant 0 : i32
          %dma_start3A_75 = arith.constant 0 : i32
          %dma_start3A_76 = tpu.memref_slice %arg4[%dma_start3A_74, %dma_start3A_75] : memref<20000x32xf32, #tpu.memory_space<hbm>> -> memref<20000x32xf32, #tpu.memory_space<hbm>>
          tpu.enqueue_indirect_dma source(%dma_start3A_76 : memref<20000x32xf32, #tpu.memory_space<hbm>>) target(%arg15 : memref<1000x32xf32, #tpu.memory_space<vmem>>) offsets(%dma_start3A_73 : memref<1000xi32, #tpu.memory_space<vmem>>) semaphore(%run_scoped3A : memref<!tpu.dma_semaphore, #tpu.memory_space<semaphore_mem>>)
          %dma_wait3A = arith.constant 0 : i32
          %dma_wait3A_77 = tpu.memref_slice %arg13[%add3A_71, %dma_wait3A] : memref<20x1000xi32, #tpu.memory_space<vmem>> -> memref<1x1000xi32, #tpu.memory_space<vmem>>
          %dma_wait3A_78 = tpu.memref_squeeze %dma_wait3A_77 : memref<1x1000xi32, #tpu.memory_space<vmem>> -> memref<1000xi32, #tpu.memory_space<vmem>>
          %dma_wait3A_79 = arith.constant 0 : i32
          %dma_wait3A_80 = arith.constant 0 : i32
          %dma_wait3A_81 = tpu.memref_slice %arg4[%dma_wait3A_79, %dma_wait3A_80] : memref<20000x32xf32, #tpu.memory_space<hbm>> -> memref<20000x32xf32, #tpu.memory_space<hbm>>
          tpu.wait_indirect_dma semaphore(%run_scoped3A : memref<!tpu.dma_semaphore, #tpu.memory_space<semaphore_mem>>) src(%dma_wait3A_81 : memref<20000x32xf32, #tpu.memory_space<hbm>>) dst(%arg15 : memref<1000x32xf32, #tpu.memory_space<vmem>>)
          tpu.yield
        }) : () -> ()
        "tpu.region"() ({
          %run_scoped3A = tpu.sem_alloc : memref<!tpu.dma_semaphore, #tpu.memory_space<semaphore_mem>>
          %dma_start3A = arith.constant 0 : i32
          %dma_start3A_72 = tpu.memref_slice %arg14[%add3A_71, %dma_start3A] : memref<20x1000xi32, #tpu.memory_space<vmem>> -> memref<1x1000xi32, #tpu.memory_space<vmem>>
          %dma_start3A_73 = tpu.memref_squeeze %dma_start3A_72 : memref<1x1000xi32, #tpu.memory_space<vmem>> -> memref<1000xi32, #tpu.memory_space<vmem>>
          %dma_start3A_74 = arith.constant 0 : i32
          %dma_start3A_75 = arith.constant 0 : i32
          %dma_start3A_76 = tpu.memref_slice %arg17[%dma_start3A_74, %dma_start3A_75] : memref<20000x32xf32, #tpu.memory_space<vmem_shared>> -> memref<20000x32xf32, #tpu.memory_space<vmem_shared>>
          tpu.enqueue_indirect_dma source(%arg15 : memref<1000x32xf32, #tpu.memory_space<vmem>>) target(%dma_start3A_76 : memref<20000x32xf32, #tpu.memory_space<vmem_shared>>) offsets(%dma_start3A_73 : memref<1000xi32, #tpu.memory_space<vmem>>) semaphore(%run_scoped3A : memref<!tpu.dma_semaphore, #tpu.memory_space<semaphore_mem>>) {add = true}
          %dma_wait3A = arith.constant 0 : i32
          %dma_wait3A_77 = tpu.memref_slice %arg14[%add3A_71, %dma_wait3A] : memref<20x1000xi32, #tpu.memory_space<vmem>> -> memref<1x1000xi32, #tpu.memory_space<vmem>>
          %dma_wait3A_78 = tpu.memref_squeeze %dma_wait3A_77 : memref<1x1000xi32, #tpu.memory_space<vmem>> -> memref<1000xi32, #tpu.memory_space<vmem>>
          %dma_wait3A_79 = arith.constant 0 : i32
          %dma_wait3A_80 = arith.constant 0 : i32
          %dma_wait3A_81 = tpu.memref_slice %arg17[%dma_wait3A_79, %dma_wait3A_80] : memref<20000x32xf32, #tpu.memory_space<vmem_shared>> -> memref<20000x32xf32, #tpu.memory_space<vmem_shared>>
          tpu.wait_indirect_dma semaphore(%run_scoped3A : memref<!tpu.dma_semaphore, #tpu.memory_space<semaphore_mem>>) src(%arg15 : memref<1000x32xf32, #tpu.memory_space<vmem>>) dst(%dma_wait3A_81 : memref<20000x32xf32, #tpu.memory_space<vmem_shared>>)
          tpu.yield
        }) : () -> ()
      }
      %scan3A_67 = arith.constant 20 : i32
    } else {
    }
    %eq3A_51 = arith.constant 1 : i32
    %eq3A_52 = arith.cmpi eq, %arg0, %eq3A_51 : i32
    %convert_element_type3A_53 = arith.extui %eq3A_52 : i1 to i32
    %cond3A_54 = arith.constant 0 : i32
    %cond3A_55 = arith.cmpi ne, %convert_element_type3A_53, %cond3A_54 : i32
    scf.if %cond3A_55 {
      %scan3A_63 = arith.constant 0 : i32
      %scan3A_64 = arith.constant 20 : i32
      %scan3A_65 = arith.addi %scan3A_63, %scan3A_64 : i32
      %scan3A_66 = arith.constant 1 : i32
      scf.for %scan3A_68 = %scan3A_63 to %scan3A_65 step %scan3A_66  : i32 {
        %mul3A_69 = arith.constant 1 : i32
        %mul3A_70 = arith.muli %scan3A_68, %mul3A_69 : i32
        %add3A = arith.constant 0 : i32
        %add3A_71 = arith.addi %add3A, %mul3A_70 : i32
        "tpu.region"() ({
          %run_scoped3A = tpu.sem_alloc : memref<!tpu.dma_semaphore, #tpu.memory_space<semaphore_mem>>
          %dma_start3A = arith.constant 0 : i32
          %dma_start3A_72 = tpu.memref_slice %arg13[%add3A_71, %dma_start3A] : memref<20x1000xi32, #tpu.memory_space<vmem>> -> memref<1x1000xi32, #tpu.memory_space<vmem>>
          %dma_start3A_73 = tpu.memref_squeeze %dma_start3A_72 : memref<1x1000xi32, #tpu.memory_space<vmem>> -> memref<1000xi32, #tpu.memory_space<vmem>>
          %dma_start3A_74 = arith.constant 0 : i32
          %dma_start3A_75 = arith.constant 0 : i32
          %dma_start3A_76 = tpu.memref_slice %arg5[%dma_start3A_74, %dma_start3A_75] : memref<20000x32xf32, #tpu.memory_space<hbm>> -> memref<20000x32xf32, #tpu.memory_space<hbm>>
          tpu.enqueue_indirect_dma source(%dma_start3A_76 : memref<20000x32xf32, #tpu.memory_space<hbm>>) target(%arg15 : memref<1000x32xf32, #tpu.memory_space<vmem>>) offsets(%dma_start3A_73 : memref<1000xi32, #tpu.memory_space<vmem>>) semaphore(%run_scoped3A : memref<!tpu.dma_semaphore, #tpu.memory_space<semaphore_mem>>)
          %dma_wait3A = arith.constant 0 : i32
          %dma_wait3A_77 = tpu.memref_slice %arg13[%add3A_71, %dma_wait3A] : memref<20x1000xi32, #tpu.memory_space<vmem>> -> memref<1x1000xi32, #tpu.memory_space<vmem>>
          %dma_wait3A_78 = tpu.memref_squeeze %dma_wait3A_77 : memref<1x1000xi32, #tpu.memory_space<vmem>> -> memref<1000xi32, #tpu.memory_space<vmem>>
          %dma_wait3A_79 = arith.constant 0 : i32
          %dma_wait3A_80 = arith.constant 0 : i32
          %dma_wait3A_81 = tpu.memref_slice %arg5[%dma_wait3A_79, %dma_wait3A_80] : memref<20000x32xf32, #tpu.memory_space<hbm>> -> memref<20000x32xf32, #tpu.memory_space<hbm>>
          tpu.wait_indirect_dma semaphore(%run_scoped3A : memref<!tpu.dma_semaphore, #tpu.memory_space<semaphore_mem>>) src(%dma_wait3A_81 : memref<20000x32xf32, #tpu.memory_space<hbm>>) dst(%arg15 : memref<1000x32xf32, #tpu.memory_space<vmem>>)
          tpu.yield
        }) : () -> ()
        "tpu.region"() ({
          %run_scoped3A = tpu.sem_alloc : memref<!tpu.dma_semaphore, #tpu.memory_space<semaphore_mem>>
          %dma_start3A = arith.constant 0 : i32
          %dma_start3A_72 = tpu.memref_slice %arg14[%add3A_71, %dma_start3A] : memref<20x1000xi32, #tpu.memory_space<vmem>> -> memref<1x1000xi32, #tpu.memory_space<vmem>>
          %dma_start3A_73 = tpu.memref_squeeze %dma_start3A_72 : memref<1x1000xi32, #tpu.memory_space<vmem>> -> memref<1000xi32, #tpu.memory_space<vmem>>
          %dma_start3A_74 = arith.constant 0 : i32
          %dma_start3A_75 = arith.constant 0 : i32
          %dma_start3A_76 = tpu.memref_slice %arg17[%dma_start3A_74, %dma_start3A_75] : memref<20000x32xf32, #tpu.memory_space<vmem_shared>> -> memref<20000x32xf32, #tpu.memory_space<vmem_shared>>
          tpu.enqueue_indirect_dma source(%arg15 : memref<1000x32xf32, #tpu.memory_space<vmem>>) target(%dma_start3A_76 : memref<20000x32xf32, #tpu.memory_space<vmem_shared>>) offsets(%dma_start3A_73 : memref<1000xi32, #tpu.memory_space<vmem>>) semaphore(%run_scoped3A : memref<!tpu.dma_semaphore, #tpu.memory_space<semaphore_mem>>) {add = true}
          %dma_wait3A = arith.constant 0 : i32
          %dma_wait3A_77 = tpu.memref_slice %arg14[%add3A_71, %dma_wait3A] : memref<20x1000xi32, #tpu.memory_space<vmem>> -> memref<1x1000xi32, #tpu.memory_space<vmem>>
          %dma_wait3A_78 = tpu.memref_squeeze %dma_wait3A_77 : memref<1x1000xi32, #tpu.memory_space<vmem>> -> memref<1000xi32, #tpu.memory_space<vmem>>
          %dma_wait3A_79 = arith.constant 0 : i32
          %dma_wait3A_80 = arith.constant 0 : i32
          %dma_wait3A_81 = tpu.memref_slice %arg17[%dma_wait3A_79, %dma_wait3A_80] : memref<20000x32xf32, #tpu.memory_space<vmem_shared>> -> memref<20000x32xf32, #tpu.memory_space<vmem_shared>>
          tpu.wait_indirect_dma semaphore(%run_scoped3A : memref<!tpu.dma_semaphore, #tpu.memory_space<semaphore_mem>>) src(%arg15 : memref<1000x32xf32, #tpu.memory_space<vmem>>) dst(%dma_wait3A_81 : memref<20000x32xf32, #tpu.memory_space<vmem_shared>>)
          tpu.yield
        }) : () -> ()
      }
      %scan3A_67 = arith.constant 20 : i32
    } else {
    }
    %barrier3A_56 = arith.constant 0 : index
    tpu.barrier barrier_id(%barrier3A_56)
    %convert_element_type3A_57 = arith.extui %and3A : i1 to i32
    %cond3A_58 = arith.constant 0 : i32
    %cond3A_59 = arith.cmpi ne, %convert_element_type3A_57, %cond3A_58 : i32
    scf.if %cond3A_59 {
      %mul3A_63 = arith.constant 2000 : i32
      %mul3A_64 = arith.muli %arg1, %mul3A_63 : i32
      "tpu.region"() ({
        %run_scoped3A = tpu.sem_alloc : memref<!tpu.dma_semaphore, #tpu.memory_space<semaphore_mem>>
        %dma_start3A = arith.constant 0 : i32
        %dma_start3A_65 = tpu.memref_slice %arg11[%mul3A_64, %dma_start3A] : memref<20000x32xf32, #tpu.memory_space<hbm>> -> memref<2000x32xf32, #tpu.memory_space<hbm>>
        %dma_start3A_66 = arith.constant 0 : i32
        %dma_start3A_67 = tpu.memref_slice %arg17[%mul3A_64, %dma_start3A_66] : memref<20000x32xf32, #tpu.memory_space<vmem_shared>> -> memref<2000x32xf32, #tpu.memory_space<vmem_shared>>
        tpu.enqueue_dma source(%dma_start3A_67 : memref<2000x32xf32, #tpu.memory_space<vmem_shared>>) target(%dma_start3A_65 : memref<2000x32xf32, #tpu.memory_space<hbm>>) target_semaphore(%run_scoped3A : memref<!tpu.dma_semaphore, #tpu.memory_space<semaphore_mem>>)
        %dma_wait3A = arith.constant 0 : i32
        %dma_wait3A_68 = tpu.memref_slice %arg11[%mul3A_64, %dma_wait3A] : memref<20000x32xf32, #tpu.memory_space<hbm>> -> memref<2000x32xf32, #tpu.memory_space<hbm>>
        %dma_wait3A_69 = arith.constant 0 : i32
        %dma_wait3A_70 = tpu.memref_slice %arg17[%mul3A_64, %dma_wait3A_69] : memref<20000x32xf32, #tpu.memory_space<vmem_shared>> -> memref<2000x32xf32, #tpu.memory_space<vmem_shared>>
        tpu.wait_dma2 semaphore(%run_scoped3A : memref<!tpu.dma_semaphore, #tpu.memory_space<semaphore_mem>>) src(%dma_wait3A_70 : memref<2000x32xf32, #tpu.memory_space<vmem_shared>>) dst(%dma_wait3A_68 : memref<2000x32xf32, #tpu.memory_space<hbm>>)
        tpu.yield
      }) : () -> ()
    } else {
    }
    %convert_element_type3A_60 = arith.extui %and3A_6 : i1 to i32
    %cond3A_61 = arith.constant 0 : i32
    %cond3A_62 = arith.cmpi ne, %convert_element_type3A_60, %cond3A_61 : i32
    scf.if %cond3A_62 {
      %mul3A_63 = arith.constant 2000 : i32
      %mul3A_64 = arith.muli %arg1, %mul3A_63 : i32
      "tpu.region"() ({
        %run_scoped3A = tpu.sem_alloc : memref<!tpu.dma_semaphore, #tpu.memory_space<semaphore_mem>>
        %dma_start3A = arith.constant 0 : i32
        %dma_start3A_65 = tpu.memref_slice %arg12[%mul3A_64, %dma_start3A] : memref<20000x32xf32, #tpu.memory_space<hbm>> -> memref<2000x32xf32, #tpu.memory_space<hbm>>
        %dma_start3A_66 = arith.constant 0 : i32
        %dma_start3A_67 = tpu.memref_slice %arg17[%mul3A_64, %dma_start3A_66] : memref<20000x32xf32, #tpu.memory_space<vmem_shared>> -> memref<2000x32xf32, #tpu.memory_space<vmem_shared>>
        tpu.enqueue_dma source(%dma_start3A_67 : memref<2000x32xf32, #tpu.memory_space<vmem_shared>>) target(%dma_start3A_65 : memref<2000x32xf32, #tpu.memory_space<hbm>>) target_semaphore(%run_scoped3A : memref<!tpu.dma_semaphore, #tpu.memory_space<semaphore_mem>>)
        %dma_wait3A = arith.constant 0 : i32
        %dma_wait3A_68 = tpu.memref_slice %arg12[%mul3A_64, %dma_wait3A] : memref<20000x32xf32, #tpu.memory_space<hbm>> -> memref<2000x32xf32, #tpu.memory_space<hbm>>
        %dma_wait3A_69 = arith.constant 0 : i32
        %dma_wait3A_70 = tpu.memref_slice %arg17[%mul3A_64, %dma_wait3A_69] : memref<20000x32xf32, #tpu.memory_space<vmem_shared>> -> memref<2000x32xf32, #tpu.memory_space<vmem_shared>>
        tpu.wait_dma2 semaphore(%run_scoped3A : memref<!tpu.dma_semaphore, #tpu.memory_space<semaphore_mem>>) src(%dma_wait3A_70 : memref<2000x32xf32, #tpu.memory_space<vmem_shared>>) dst(%dma_wait3A_68 : memref<2000x32xf32, #tpu.memory_space<hbm>>)
        tpu.yield
      }) : () -> ()
    } else {
    }
    return
  }
}

#map = affine_map<(d0, d1) -> (0, 0)>
#map1 = affine_map<(d0, d1) -> (0)>
module attributes {stable_mosaic.version = 14 : i64} {
  func.func @_k_pass_n(%arg0: i32, %arg1: i32, %arg2: memref<20000x64xf32, #tpu.memory_space<hbm>>, %arg3: memref<20000x64xf32, #tpu.memory_space<hbm>>, %arg4: memref<320000xi32, #tpu.memory_space<hbm>>, %arg5: memref<320000xi32, #tpu.memory_space<hbm>>, %arg6: memref<2000x64xf32, #tpu.memory_space<hbm>>, %arg7: memref<10000x64xf32, #tpu.memory_space<hbm>>, %arg8: memref<10000x64xf32, #tpu.memory_space<hbm>>, %arg9: memref<50x400xi32, #tpu.memory_space<vmem>>, %arg10: memref<50x400xi32, #tpu.memory_space<vmem>>, %arg11: memref<400x64xf32, #tpu.memory_space<vmem>>, %arg12: memref<400x64xf32, #tpu.memory_space<vmem>>, %arg13: memref<10000x64xf32, #tpu.memory_space<vmem_shared>>, %arg14: memref<!tpu.dma_semaphore, #tpu.memory_space<semaphore_mem>>, %arg15: memref<!tpu.dma_semaphore, #tpu.memory_space<semaphore_mem>>) attributes {dimension_semantics = [#tpu.dimension_semantics<core_parallel>, #tpu.dimension_semantics<subcore_parallel>], iteration_bounds = array<i64: 2, 16>, scalar_prefetch = 0 : i64, scratch_operands = 7 : i64, tpu.core_type = #tpu.core_type<sc_vector_subcore>, window_params = [{transform_indices = #map}, {transform_indices = #map}, {transform_indices = #map1}, {transform_indices = #map1}, {transform_indices = #map}, {transform_indices = #map}, {transform_indices = #map}]} {
    %lt3A = arith.constant 5 : i32
    %lt3A_0 = arith.cmpi slt, %arg1, %lt3A : i32
    %convert_element_type3A = arith.extui %lt3A_0 : i1 to i32
    %cond3A = arith.constant 0 : i32
    %cond3A_1 = arith.cmpi ne, %convert_element_type3A, %cond3A : i32
    scf.if %cond3A_1 {
      %mul3A_39 = arith.constant 2000 : i32
      %mul3A_40 = arith.muli %arg1, %mul3A_39 : i32
      "tpu.region"() ({
        %run_scoped3A = tpu.sem_alloc : memref<!tpu.dma_semaphore, #tpu.memory_space<semaphore_mem>>
        %dma_start3A = arith.constant 0 : i32
        %dma_start3A_41 = tpu.memref_slice %arg13[%mul3A_40, %dma_start3A] : memref<10000x64xf32, #tpu.memory_space<vmem_shared>> -> memref<2000x64xf32, #tpu.memory_space<vmem_shared>>
        tpu.enqueue_dma source(%arg6 : memref<2000x64xf32, #tpu.memory_space<hbm>>) target(%dma_start3A_41 : memref<2000x64xf32, #tpu.memory_space<vmem_shared>>) target_semaphore(%run_scoped3A : memref<!tpu.dma_semaphore, #tpu.memory_space<semaphore_mem>>)
        %dma_wait3A = arith.constant 0 : i32
        %dma_wait3A_42 = tpu.memref_slice %arg13[%mul3A_40, %dma_wait3A] : memref<10000x64xf32, #tpu.memory_space<vmem_shared>> -> memref<2000x64xf32, #tpu.memory_space<vmem_shared>>
        tpu.wait_dma2 semaphore(%run_scoped3A : memref<!tpu.dma_semaphore, #tpu.memory_space<semaphore_mem>>) src(%arg6 : memref<2000x64xf32, #tpu.memory_space<hbm>>) dst(%dma_wait3A_42 : memref<2000x64xf32, #tpu.memory_space<vmem_shared>>)
        tpu.yield
      }) : () -> ()
    } else {
    }
    %mul3A = arith.constant 20000 : i32
    %mul3A_2 = arith.muli %arg1, %mul3A : i32
    %scan3A = arith.constant 0 : i32
    %scan3A_3 = arith.constant 50 : i32
    %scan3A_4 = arith.addi %scan3A, %scan3A_3 : i32
    %scan3A_5 = arith.constant 1 : i32
    scf.for %scan3A_39 = %scan3A to %scan3A_4 step %scan3A_5  : i32 {
      %mul3A_40 = arith.constant 1 : i32
      %mul3A_41 = arith.muli %scan3A_39, %mul3A_40 : i32
      %add3A = arith.constant 0 : i32
      %add3A_42 = arith.addi %add3A, %mul3A_41 : i32
      %mul3A_43 = arith.constant 400 : i32
      %mul3A_44 = arith.muli %add3A_42, %mul3A_43 : i32
      %add3A_45 = arith.addi %mul3A_2, %mul3A_44 : i32
      "tpu.region"() ({
        %run_scoped3A = tpu.sem_alloc : memref<!tpu.dma_semaphore, #tpu.memory_space<semaphore_mem>>
        %dma_start3A = arith.constant 0 : i32
        %dma_start3A_46 = tpu.memref_slice %arg9[%add3A_42, %dma_start3A] : memref<50x400xi32, #tpu.memory_space<vmem>> -> memref<1x400xi32, #tpu.memory_space<vmem>>
        %dma_start3A_47 = tpu.memref_squeeze %dma_start3A_46 : memref<1x400xi32, #tpu.memory_space<vmem>> -> memref<400xi32, #tpu.memory_space<vmem>>
        %dma_start3A_48 = tpu.memref_slice %arg4[%add3A_45] : memref<320000xi32, #tpu.memory_space<hbm>> -> memref<400xi32, #tpu.memory_space<hbm>>
        %dma_start3A_49 = arith.constant 0 : i32
        %dma_start3A_50 = tpu.memref_slice %arg9[%add3A_42, %dma_start3A_49] : memref<50x400xi32, #tpu.memory_space<vmem>> -> memref<1x400xi32, #tpu.memory_space<vmem>>
        %dma_start3A_51 = tpu.memref_squeeze %dma_start3A_50 : memref<1x400xi32, #tpu.memory_space<vmem>> -> memref<400xi32, #tpu.memory_space<vmem>>
        %dma_start3A_52 = tpu.memref_slice %arg4[%add3A_45] : memref<320000xi32, #tpu.memory_space<hbm>> -> memref<400xi32, #tpu.memory_space<hbm>>
        tpu.enqueue_dma source(%dma_start3A_52 : memref<400xi32, #tpu.memory_space<hbm>>) target(%dma_start3A_51 : memref<400xi32, #tpu.memory_space<vmem>>) target_semaphore(%run_scoped3A : memref<!tpu.dma_semaphore, #tpu.memory_space<semaphore_mem>>)
        %dma_wait3A = arith.constant 0 : i32
        %dma_wait3A_53 = tpu.memref_slice %arg9[%add3A_42, %dma_wait3A] : memref<50x400xi32, #tpu.memory_space<vmem>> -> memref<1x400xi32, #tpu.memory_space<vmem>>
        %dma_wait3A_54 = tpu.memref_squeeze %dma_wait3A_53 : memref<1x400xi32, #tpu.memory_space<vmem>> -> memref<400xi32, #tpu.memory_space<vmem>>
        %dma_wait3A_55 = tpu.memref_slice %arg4[%add3A_45] : memref<320000xi32, #tpu.memory_space<hbm>> -> memref<400xi32, #tpu.memory_space<hbm>>
        %dma_wait3A_56 = arith.constant 0 : i32
        %dma_wait3A_57 = tpu.memref_slice %arg9[%add3A_42, %dma_wait3A_56] : memref<50x400xi32, #tpu.memory_space<vmem>> -> memref<1x400xi32, #tpu.memory_space<vmem>>
        %dma_wait3A_58 = tpu.memref_squeeze %dma_wait3A_57 : memref<1x400xi32, #tpu.memory_space<vmem>> -> memref<400xi32, #tpu.memory_space<vmem>>
        %dma_wait3A_59 = tpu.memref_slice %arg4[%add3A_45] : memref<320000xi32, #tpu.memory_space<hbm>> -> memref<400xi32, #tpu.memory_space<hbm>>
        tpu.wait_dma2 semaphore(%run_scoped3A : memref<!tpu.dma_semaphore, #tpu.memory_space<semaphore_mem>>) src(%dma_wait3A_59 : memref<400xi32, #tpu.memory_space<hbm>>) dst(%dma_wait3A_58 : memref<400xi32, #tpu.memory_space<vmem>>)
        tpu.yield
      }) : () -> ()
    }
    %scan3A_6 = arith.constant 50 : i32
    %mul3A_7 = arith.constant 20000 : i32
    %mul3A_8 = arith.muli %arg1, %mul3A_7 : i32
    %scan3A_9 = arith.constant 0 : i32
    %scan3A_10 = arith.constant 50 : i32
    %scan3A_11 = arith.addi %scan3A_9, %scan3A_10 : i32
    %scan3A_12 = arith.constant 1 : i32
    scf.for %scan3A_39 = %scan3A_9 to %scan3A_11 step %scan3A_12  : i32 {
      %mul3A_40 = arith.constant 1 : i32
      %mul3A_41 = arith.muli %scan3A_39, %mul3A_40 : i32
      %add3A = arith.constant 0 : i32
      %add3A_42 = arith.addi %add3A, %mul3A_41 : i32
      %mul3A_43 = arith.constant 400 : i32
      %mul3A_44 = arith.muli %add3A_42, %mul3A_43 : i32
      %add3A_45 = arith.addi %mul3A_8, %mul3A_44 : i32
      "tpu.region"() ({
        %run_scoped3A = tpu.sem_alloc : memref<!tpu.dma_semaphore, #tpu.memory_space<semaphore_mem>>
        %dma_start3A = arith.constant 0 : i32
        %dma_start3A_46 = tpu.memref_slice %arg10[%add3A_42, %dma_start3A] : memref<50x400xi32, #tpu.memory_space<vmem>> -> memref<1x400xi32, #tpu.memory_space<vmem>>
        %dma_start3A_47 = tpu.memref_squeeze %dma_start3A_46 : memref<1x400xi32, #tpu.memory_space<vmem>> -> memref<400xi32, #tpu.memory_space<vmem>>
        %dma_start3A_48 = tpu.memref_slice %arg5[%add3A_45] : memref<320000xi32, #tpu.memory_space<hbm>> -> memref<400xi32, #tpu.memory_space<hbm>>
        %dma_start3A_49 = arith.constant 0 : i32
        %dma_start3A_50 = tpu.memref_slice %arg10[%add3A_42, %dma_start3A_49] : memref<50x400xi32, #tpu.memory_space<vmem>> -> memref<1x400xi32, #tpu.memory_space<vmem>>
        %dma_start3A_51 = tpu.memref_squeeze %dma_start3A_50 : memref<1x400xi32, #tpu.memory_space<vmem>> -> memref<400xi32, #tpu.memory_space<vmem>>
        %dma_start3A_52 = tpu.memref_slice %arg5[%add3A_45] : memref<320000xi32, #tpu.memory_space<hbm>> -> memref<400xi32, #tpu.memory_space<hbm>>
        tpu.enqueue_dma source(%dma_start3A_52 : memref<400xi32, #tpu.memory_space<hbm>>) target(%dma_start3A_51 : memref<400xi32, #tpu.memory_space<vmem>>) target_semaphore(%run_scoped3A : memref<!tpu.dma_semaphore, #tpu.memory_space<semaphore_mem>>)
        %dma_wait3A = arith.constant 0 : i32
        %dma_wait3A_53 = tpu.memref_slice %arg10[%add3A_42, %dma_wait3A] : memref<50x400xi32, #tpu.memory_space<vmem>> -> memref<1x400xi32, #tpu.memory_space<vmem>>
        %dma_wait3A_54 = tpu.memref_squeeze %dma_wait3A_53 : memref<1x400xi32, #tpu.memory_space<vmem>> -> memref<400xi32, #tpu.memory_space<vmem>>
        %dma_wait3A_55 = tpu.memref_slice %arg5[%add3A_45] : memref<320000xi32, #tpu.memory_space<hbm>> -> memref<400xi32, #tpu.memory_space<hbm>>
        %dma_wait3A_56 = arith.constant 0 : i32
        %dma_wait3A_57 = tpu.memref_slice %arg10[%add3A_42, %dma_wait3A_56] : memref<50x400xi32, #tpu.memory_space<vmem>> -> memref<1x400xi32, #tpu.memory_space<vmem>>
        %dma_wait3A_58 = tpu.memref_squeeze %dma_wait3A_57 : memref<1x400xi32, #tpu.memory_space<vmem>> -> memref<400xi32, #tpu.memory_space<vmem>>
        %dma_wait3A_59 = tpu.memref_slice %arg5[%add3A_45] : memref<320000xi32, #tpu.memory_space<hbm>> -> memref<400xi32, #tpu.memory_space<hbm>>
        tpu.wait_dma2 semaphore(%run_scoped3A : memref<!tpu.dma_semaphore, #tpu.memory_space<semaphore_mem>>) src(%dma_wait3A_59 : memref<400xi32, #tpu.memory_space<hbm>>) dst(%dma_wait3A_58 : memref<400xi32, #tpu.memory_space<vmem>>)
        tpu.yield
      }) : () -> ()
    }
    %scan3A_13 = arith.constant 50 : i32
    %barrier3A = arith.constant 0 : index
    tpu.barrier barrier_id(%barrier3A)
    %eq3A = arith.constant 0 : i32
    %eq3A_14 = arith.cmpi eq, %arg0, %eq3A : i32
    %convert_element_type3A_15 = arith.extui %eq3A_14 : i1 to i32
    %cond3A_16 = arith.constant 0 : i32
    %cond3A_17 = arith.cmpi ne, %convert_element_type3A_15, %cond3A_16 : i32
    scf.if %cond3A_17 {
      %scan3A_39 = arith.constant 0 : i32
      %scan3A_40 = arith.constant 50 : i32
      %scan3A_41 = arith.addi %scan3A_39, %scan3A_40 : i32
      %scan3A_42 = arith.constant 1 : i32
      scf.for %scan3A_44 = %scan3A_39 to %scan3A_41 step %scan3A_42  : i32 {
        %mul3A_45 = arith.constant 1 : i32
        %mul3A_46 = arith.muli %scan3A_44, %mul3A_45 : i32
        %add3A = arith.constant 0 : i32
        %add3A_47 = arith.addi %add3A, %mul3A_46 : i32
        "tpu.region"() ({
          %run_scoped3A = tpu.sem_alloc : memref<!tpu.dma_semaphore, #tpu.memory_space<semaphore_mem>>
          %dma_start3A = arith.constant 0 : i32
          %dma_start3A_48 = tpu.memref_slice %arg9[%add3A_47, %dma_start3A] : memref<50x400xi32, #tpu.memory_space<vmem>> -> memref<1x400xi32, #tpu.memory_space<vmem>>
          %dma_start3A_49 = tpu.memref_squeeze %dma_start3A_48 : memref<1x400xi32, #tpu.memory_space<vmem>> -> memref<400xi32, #tpu.memory_space<vmem>>
          %dma_start3A_50 = arith.constant 0 : i32
          %dma_start3A_51 = arith.constant 0 : i32
          %dma_start3A_52 = tpu.memref_slice %arg2[%dma_start3A_50, %dma_start3A_51] : memref<20000x64xf32, #tpu.memory_space<hbm>> -> memref<20000x64xf32, #tpu.memory_space<hbm>>
          tpu.enqueue_indirect_dma source(%dma_start3A_52 : memref<20000x64xf32, #tpu.memory_space<hbm>>) target(%arg11 : memref<400x64xf32, #tpu.memory_space<vmem>>) offsets(%dma_start3A_49 : memref<400xi32, #tpu.memory_space<vmem>>) semaphore(%run_scoped3A : memref<!tpu.dma_semaphore, #tpu.memory_space<semaphore_mem>>)
          %dma_wait3A = arith.constant 0 : i32
          %dma_wait3A_53 = tpu.memref_slice %arg9[%add3A_47, %dma_wait3A] : memref<50x400xi32, #tpu.memory_space<vmem>> -> memref<1x400xi32, #tpu.memory_space<vmem>>
          %dma_wait3A_54 = tpu.memref_squeeze %dma_wait3A_53 : memref<1x400xi32, #tpu.memory_space<vmem>> -> memref<400xi32, #tpu.memory_space<vmem>>
          %dma_wait3A_55 = arith.constant 0 : i32
          %dma_wait3A_56 = arith.constant 0 : i32
          %dma_wait3A_57 = tpu.memref_slice %arg2[%dma_wait3A_55, %dma_wait3A_56] : memref<20000x64xf32, #tpu.memory_space<hbm>> -> memref<20000x64xf32, #tpu.memory_space<hbm>>
          tpu.wait_indirect_dma semaphore(%run_scoped3A : memref<!tpu.dma_semaphore, #tpu.memory_space<semaphore_mem>>) src(%dma_wait3A_57 : memref<20000x64xf32, #tpu.memory_space<hbm>>) dst(%arg11 : memref<400x64xf32, #tpu.memory_space<vmem>>)
          tpu.yield
        }) : () -> ()
        "tpu.region"() ({
          %run_scoped3A = tpu.sem_alloc : memref<!tpu.dma_semaphore, #tpu.memory_space<semaphore_mem>>
          %dma_start3A = arith.constant 0 : i32
          %dma_start3A_48 = tpu.memref_slice %arg10[%add3A_47, %dma_start3A] : memref<50x400xi32, #tpu.memory_space<vmem>> -> memref<1x400xi32, #tpu.memory_space<vmem>>
          %dma_start3A_49 = tpu.memref_squeeze %dma_start3A_48 : memref<1x400xi32, #tpu.memory_space<vmem>> -> memref<400xi32, #tpu.memory_space<vmem>>
          %dma_start3A_50 = arith.constant 0 : i32
          %dma_start3A_51 = arith.constant 0 : i32
          %dma_start3A_52 = tpu.memref_slice %arg13[%dma_start3A_50, %dma_start3A_51] : memref<10000x64xf32, #tpu.memory_space<vmem_shared>> -> memref<10000x64xf32, #tpu.memory_space<vmem_shared>>
          tpu.enqueue_indirect_dma source(%arg11 : memref<400x64xf32, #tpu.memory_space<vmem>>) target(%dma_start3A_52 : memref<10000x64xf32, #tpu.memory_space<vmem_shared>>) offsets(%dma_start3A_49 : memref<400xi32, #tpu.memory_space<vmem>>) semaphore(%run_scoped3A : memref<!tpu.dma_semaphore, #tpu.memory_space<semaphore_mem>>) {add = true}
          %dma_wait3A = arith.constant 0 : i32
          %dma_wait3A_53 = tpu.memref_slice %arg10[%add3A_47, %dma_wait3A] : memref<50x400xi32, #tpu.memory_space<vmem>> -> memref<1x400xi32, #tpu.memory_space<vmem>>
          %dma_wait3A_54 = tpu.memref_squeeze %dma_wait3A_53 : memref<1x400xi32, #tpu.memory_space<vmem>> -> memref<400xi32, #tpu.memory_space<vmem>>
          %dma_wait3A_55 = arith.constant 0 : i32
          %dma_wait3A_56 = arith.constant 0 : i32
          %dma_wait3A_57 = tpu.memref_slice %arg13[%dma_wait3A_55, %dma_wait3A_56] : memref<10000x64xf32, #tpu.memory_space<vmem_shared>> -> memref<10000x64xf32, #tpu.memory_space<vmem_shared>>
          tpu.wait_indirect_dma semaphore(%run_scoped3A : memref<!tpu.dma_semaphore, #tpu.memory_space<semaphore_mem>>) src(%arg11 : memref<400x64xf32, #tpu.memory_space<vmem>>) dst(%dma_wait3A_57 : memref<10000x64xf32, #tpu.memory_space<vmem_shared>>)
          tpu.yield
        }) : () -> ()
      }
      %scan3A_43 = arith.constant 50 : i32
    } else {
    }
    %eq3A_18 = arith.constant 1 : i32
    %eq3A_19 = arith.cmpi eq, %arg0, %eq3A_18 : i32
    %convert_element_type3A_20 = arith.extui %eq3A_19 : i1 to i32
    %cond3A_21 = arith.constant 0 : i32
    %cond3A_22 = arith.cmpi ne, %convert_element_type3A_20, %cond3A_21 : i32
    scf.if %cond3A_22 {
      %scan3A_39 = arith.constant 0 : i32
      %scan3A_40 = arith.constant 50 : i32
      %scan3A_41 = arith.addi %scan3A_39, %scan3A_40 : i32
      %scan3A_42 = arith.constant 1 : i32
      scf.for %scan3A_44 = %scan3A_39 to %scan3A_41 step %scan3A_42  : i32 {
        %mul3A_45 = arith.constant 1 : i32
        %mul3A_46 = arith.muli %scan3A_44, %mul3A_45 : i32
        %add3A = arith.constant 0 : i32
        %add3A_47 = arith.addi %add3A, %mul3A_46 : i32
        "tpu.region"() ({
          %run_scoped3A = tpu.sem_alloc : memref<!tpu.dma_semaphore, #tpu.memory_space<semaphore_mem>>
          %dma_start3A = arith.constant 0 : i32
          %dma_start3A_48 = tpu.memref_slice %arg9[%add3A_47, %dma_start3A] : memref<50x400xi32, #tpu.memory_space<vmem>> -> memref<1x400xi32, #tpu.memory_space<vmem>>
          %dma_start3A_49 = tpu.memref_squeeze %dma_start3A_48 : memref<1x400xi32, #tpu.memory_space<vmem>> -> memref<400xi32, #tpu.memory_space<vmem>>
          %dma_start3A_50 = arith.constant 0 : i32
          %dma_start3A_51 = arith.constant 0 : i32
          %dma_start3A_52 = tpu.memref_slice %arg3[%dma_start3A_50, %dma_start3A_51] : memref<20000x64xf32, #tpu.memory_space<hbm>> -> memref<20000x64xf32, #tpu.memory_space<hbm>>
          tpu.enqueue_indirect_dma source(%dma_start3A_52 : memref<20000x64xf32, #tpu.memory_space<hbm>>) target(%arg11 : memref<400x64xf32, #tpu.memory_space<vmem>>) offsets(%dma_start3A_49 : memref<400xi32, #tpu.memory_space<vmem>>) semaphore(%run_scoped3A : memref<!tpu.dma_semaphore, #tpu.memory_space<semaphore_mem>>)
          %dma_wait3A = arith.constant 0 : i32
          %dma_wait3A_53 = tpu.memref_slice %arg9[%add3A_47, %dma_wait3A] : memref<50x400xi32, #tpu.memory_space<vmem>> -> memref<1x400xi32, #tpu.memory_space<vmem>>
          %dma_wait3A_54 = tpu.memref_squeeze %dma_wait3A_53 : memref<1x400xi32, #tpu.memory_space<vmem>> -> memref<400xi32, #tpu.memory_space<vmem>>
          %dma_wait3A_55 = arith.constant 0 : i32
          %dma_wait3A_56 = arith.constant 0 : i32
          %dma_wait3A_57 = tpu.memref_slice %arg3[%dma_wait3A_55, %dma_wait3A_56] : memref<20000x64xf32, #tpu.memory_space<hbm>> -> memref<20000x64xf32, #tpu.memory_space<hbm>>
          tpu.wait_indirect_dma semaphore(%run_scoped3A : memref<!tpu.dma_semaphore, #tpu.memory_space<semaphore_mem>>) src(%dma_wait3A_57 : memref<20000x64xf32, #tpu.memory_space<hbm>>) dst(%arg11 : memref<400x64xf32, #tpu.memory_space<vmem>>)
          tpu.yield
        }) : () -> ()
        "tpu.region"() ({
          %run_scoped3A = tpu.sem_alloc : memref<!tpu.dma_semaphore, #tpu.memory_space<semaphore_mem>>
          %dma_start3A = arith.constant 0 : i32
          %dma_start3A_48 = tpu.memref_slice %arg10[%add3A_47, %dma_start3A] : memref<50x400xi32, #tpu.memory_space<vmem>> -> memref<1x400xi32, #tpu.memory_space<vmem>>
          %dma_start3A_49 = tpu.memref_squeeze %dma_start3A_48 : memref<1x400xi32, #tpu.memory_space<vmem>> -> memref<400xi32, #tpu.memory_space<vmem>>
          %dma_start3A_50 = arith.constant 0 : i32
          %dma_start3A_51 = arith.constant 0 : i32
          %dma_start3A_52 = tpu.memref_slice %arg13[%dma_start3A_50, %dma_start3A_51] : memref<10000x64xf32, #tpu.memory_space<vmem_shared>> -> memref<10000x64xf32, #tpu.memory_space<vmem_shared>>
          tpu.enqueue_indirect_dma source(%arg11 : memref<400x64xf32, #tpu.memory_space<vmem>>) target(%dma_start3A_52 : memref<10000x64xf32, #tpu.memory_space<vmem_shared>>) offsets(%dma_start3A_49 : memref<400xi32, #tpu.memory_space<vmem>>) semaphore(%run_scoped3A : memref<!tpu.dma_semaphore, #tpu.memory_space<semaphore_mem>>) {add = true}
          %dma_wait3A = arith.constant 0 : i32
          %dma_wait3A_53 = tpu.memref_slice %arg10[%add3A_47, %dma_wait3A] : memref<50x400xi32, #tpu.memory_space<vmem>> -> memref<1x400xi32, #tpu.memory_space<vmem>>
          %dma_wait3A_54 = tpu.memref_squeeze %dma_wait3A_53 : memref<1x400xi32, #tpu.memory_space<vmem>> -> memref<400xi32, #tpu.memory_space<vmem>>
          %dma_wait3A_55 = arith.constant 0 : i32
          %dma_wait3A_56 = arith.constant 0 : i32
          %dma_wait3A_57 = tpu.memref_slice %arg13[%dma_wait3A_55, %dma_wait3A_56] : memref<10000x64xf32, #tpu.memory_space<vmem_shared>> -> memref<10000x64xf32, #tpu.memory_space<vmem_shared>>
          tpu.wait_indirect_dma semaphore(%run_scoped3A : memref<!tpu.dma_semaphore, #tpu.memory_space<semaphore_mem>>) src(%arg11 : memref<400x64xf32, #tpu.memory_space<vmem>>) dst(%dma_wait3A_57 : memref<10000x64xf32, #tpu.memory_space<vmem_shared>>)
          tpu.yield
        }) : () -> ()
      }
      %scan3A_43 = arith.constant 50 : i32
    } else {
    }
    %barrier3A_23 = arith.constant 0 : index
    tpu.barrier barrier_id(%barrier3A_23)
    %eq3A_24 = arith.constant 0 : i32
    %eq3A_25 = arith.cmpi eq, %arg0, %eq3A_24 : i32
    %lt3A_26 = arith.constant 5 : i32
    %lt3A_27 = arith.cmpi slt, %arg1, %lt3A_26 : i32
    %and3A = arith.andi %eq3A_25, %lt3A_27 : i1
    %convert_element_type3A_28 = arith.extui %and3A : i1 to i32
    %cond3A_29 = arith.constant 0 : i32
    %cond3A_30 = arith.cmpi ne, %convert_element_type3A_28, %cond3A_29 : i32
    scf.if %cond3A_30 {
      %mul3A_39 = arith.constant 2000 : i32
      %mul3A_40 = arith.muli %arg1, %mul3A_39 : i32
      "tpu.region"() ({
        %run_scoped3A = tpu.sem_alloc : memref<!tpu.dma_semaphore, #tpu.memory_space<semaphore_mem>>
        %dma_start3A = arith.constant 0 : i32
        %dma_start3A_41 = tpu.memref_slice %arg7[%mul3A_40, %dma_start3A] : memref<10000x64xf32, #tpu.memory_space<hbm>> -> memref<2000x64xf32, #tpu.memory_space<hbm>>
        %dma_start3A_42 = arith.constant 0 : i32
        %dma_start3A_43 = tpu.memref_slice %arg13[%mul3A_40, %dma_start3A_42] : memref<10000x64xf32, #tpu.memory_space<vmem_shared>> -> memref<2000x64xf32, #tpu.memory_space<vmem_shared>>
        tpu.enqueue_dma source(%dma_start3A_43 : memref<2000x64xf32, #tpu.memory_space<vmem_shared>>) target(%dma_start3A_41 : memref<2000x64xf32, #tpu.memory_space<hbm>>) target_semaphore(%run_scoped3A : memref<!tpu.dma_semaphore, #tpu.memory_space<semaphore_mem>>)
        %dma_wait3A = arith.constant 0 : i32
        %dma_wait3A_44 = tpu.memref_slice %arg7[%mul3A_40, %dma_wait3A] : memref<10000x64xf32, #tpu.memory_space<hbm>> -> memref<2000x64xf32, #tpu.memory_space<hbm>>
        %dma_wait3A_45 = arith.constant 0 : i32
        %dma_wait3A_46 = tpu.memref_slice %arg13[%mul3A_40, %dma_wait3A_45] : memref<10000x64xf32, #tpu.memory_space<vmem_shared>> -> memref<2000x64xf32, #tpu.memory_space<vmem_shared>>
        tpu.wait_dma2 semaphore(%run_scoped3A : memref<!tpu.dma_semaphore, #tpu.memory_space<semaphore_mem>>) src(%dma_wait3A_46 : memref<2000x64xf32, #tpu.memory_space<vmem_shared>>) dst(%dma_wait3A_44 : memref<2000x64xf32, #tpu.memory_space<hbm>>)
        tpu.yield
      }) : () -> ()
    } else {
    }
    %eq3A_31 = arith.constant 1 : i32
    %eq3A_32 = arith.cmpi eq, %arg0, %eq3A_31 : i32
    %lt3A_33 = arith.constant 5 : i32
    %lt3A_34 = arith.cmpi slt, %arg1, %lt3A_33 : i32
    %and3A_35 = arith.andi %eq3A_32, %lt3A_34 : i1
    %convert_element_type3A_36 = arith.extui %and3A_35 : i1 to i32
    %cond3A_37 = arith.constant 0 : i32
    %cond3A_38 = arith.cmpi ne, %convert_element_type3A_36, %cond3A_37 : i32
    scf.if %cond3A_38 {
      %mul3A_39 = arith.constant 2000 : i32
      %mul3A_40 = arith.muli %arg1, %mul3A_39 : i32
      "tpu.region"() ({
        %run_scoped3A = tpu.sem_alloc : memref<!tpu.dma_semaphore, #tpu.memory_space<semaphore_mem>>
        %dma_start3A = arith.constant 0 : i32
        %dma_start3A_41 = tpu.memref_slice %arg8[%mul3A_40, %dma_start3A] : memref<10000x64xf32, #tpu.memory_space<hbm>> -> memref<2000x64xf32, #tpu.memory_space<hbm>>
        %dma_start3A_42 = arith.constant 0 : i32
        %dma_start3A_43 = tpu.memref_slice %arg13[%mul3A_40, %dma_start3A_42] : memref<10000x64xf32, #tpu.memory_space<vmem_shared>> -> memref<2000x64xf32, #tpu.memory_space<vmem_shared>>
        tpu.enqueue_dma source(%dma_start3A_43 : memref<2000x64xf32, #tpu.memory_space<vmem_shared>>) target(%dma_start3A_41 : memref<2000x64xf32, #tpu.memory_space<hbm>>) target_semaphore(%run_scoped3A : memref<!tpu.dma_semaphore, #tpu.memory_space<semaphore_mem>>)
        %dma_wait3A = arith.constant 0 : i32
        %dma_wait3A_44 = tpu.memref_slice %arg8[%mul3A_40, %dma_wait3A] : memref<10000x64xf32, #tpu.memory_space<hbm>> -> memref<2000x64xf32, #tpu.memory_space<hbm>>
        %dma_wait3A_45 = arith.constant 0 : i32
        %dma_wait3A_46 = tpu.memref_slice %arg13[%mul3A_40, %dma_wait3A_45] : memref<10000x64xf32, #tpu.memory_space<vmem_shared>> -> memref<2000x64xf32, #tpu.memory_space<vmem_shared>>
        tpu.wait_dma2 semaphore(%run_scoped3A : memref<!tpu.dma_semaphore, #tpu.memory_space<semaphore_mem>>) src(%dma_wait3A_46 : memref<2000x64xf32, #tpu.memory_space<vmem_shared>>) dst(%dma_wait3A_44 : memref<2000x64xf32, #tpu.memory_space<hbm>>)
        tpu.yield
      }) : () -> ()
    } else {
    }
    return
  }
}

module attributes {stable_mosaic.version = 14 : i64} {
  func.func @_norm_body(%arg0: memref<20000x16xf32, #tpu.memory_space<vmem>>, %arg1: memref<10000x16xf32, #tpu.memory_space<vmem>>, %arg2: memref<20000x16xf32, #tpu.memory_space<vmem>>, %arg3: memref<10000x16xf32, #tpu.memory_space<vmem>>) attributes {dimension_semantics = [], scalar_prefetch = 0 : i64, scratch_operands = 0 : i64, tpu.core_type = #tpu.core_type<tc>} {
    %get3A = arith.constant 0 : index
    %get3A_0 = arith.constant 0 : index
    %get3A_1 = vector.load %arg0[%get3A, %get3A_0] : memref<20000x16xf32, #tpu.memory_space<vmem>>, vector<20000x16xf32>
    %max3A = arith.constant 1.000000e+00 : f32
    %max3A_2 = vector.broadcast %max3A : f32 to vector<20000x16xf32>
    %max3A_3 = arith.maximumf %get3A_1, %max3A_2 : vector<20000x16xf32>
    %rsqrt3A = math.rsqrt %max3A_3 : vector<20000x16xf32>
    %mul3A = arith.mulf %rsqrt3A, %rsqrt3A : vector<20000x16xf32>
    %mul3A_4 = arith.mulf %mul3A, %rsqrt3A : vector<20000x16xf32>
    %swap3A = arith.constant 0 : index
    %swap3A_5 = arith.constant 0 : index
    %swap3A_6 = vector.load %arg2[%swap3A, %swap3A_5] : memref<20000x16xf32, #tpu.memory_space<vmem>>, vector<20000x16xf32>
    tpu.vector_store %arg2[%swap3A, %swap3A_5], %mul3A_4 {strides = array<i32>} : memref<20000x16xf32, #tpu.memory_space<vmem>>, vector<20000x16xf32>,
    %get3A_7 = arith.constant 0 : index
    %get3A_8 = arith.constant 0 : index
    %get3A_9 = vector.load %arg1[%get3A_7, %get3A_8] : memref<10000x16xf32, #tpu.memory_space<vmem>>, vector<10000x16xf32>
    %max3A_10 = arith.constant 1.000000e+00 : f32
    %max3A_11 = vector.broadcast %max3A_10 : f32 to vector<10000x16xf32>
    %max3A_12 = arith.maximumf %get3A_9, %max3A_11 : vector<10000x16xf32>
    %rsqrt3A_13 = math.rsqrt %max3A_12 : vector<10000x16xf32>
    %swap3A_14 = arith.constant 0 : index
    %swap3A_15 = arith.constant 0 : index
    %swap3A_16 = vector.load %arg3[%swap3A_14, %swap3A_15] : memref<10000x16xf32, #tpu.memory_space<vmem>>, vector<10000x16xf32>
    tpu.vector_store %arg3[%swap3A_14, %swap3A_15], %rsqrt3A_13 {strides = array<i32>} : memref<10000x16xf32, #tpu.memory_space<vmem>>, vector<10000x16xf32>,
    return
  }
}

module attributes {stable_mosaic.version = 14 : i64} {
  func.func @_in_body(%arg0: i32, %arg1: memref<2000x128xf32, #tpu.memory_space<vmem>>, %arg2: memref<128x128xf32, #tpu.memory_space<vmem>>, %arg3: memref<2000x16xf32, #tpu.memory_space<vmem>>, %arg4: memref<2000x32xf32, #tpu.memory_space<vmem>>, %arg5: memref<2000x32xf32, #tpu.memory_space<vmem>>, %arg6: memref<2000x32xf32, #tpu.memory_space<vmem>>, %arg7: memref<2000x32xf32, #tpu.memory_space<vmem>>) attributes {dimension_semantics = [#tpu.dimension_semantics<arbitrary>], iteration_bounds = array<i64: 5>, scalar_prefetch = 0 : i64, scratch_operands = 0 : i64, tpu.core_type = #tpu.core_type<tc>, window_params = [{transform_indices = @transform_0, window_bounds = array<i64: 2000, 128>}, {pipeline_mode = #tpu.pipeline_mode<synchronous>, transform_indices = @transform_1, window_bounds = array<i64: 128, 128>}, {transform_indices = @transform_2, window_bounds = array<i64: 2000, 16>}, {transform_indices = @transform_3, window_bounds = array<i64: 2000, 32>}, {transform_indices = @transform_4, window_bounds = array<i64: 2000, 32>}, {transform_indices = @transform_5, window_bounds = array<i64: 2000, 32>}, {transform_indices = @transform_6, window_bounds = array<i64: 2000, 32>}]} {
    %get3A = arith.constant 0 : index
    %get3A_0 = arith.constant 0 : index
    %get3A_1 = vector.load %arg1[%get3A, %get3A_0] : memref<2000x128xf32, #tpu.memory_space<vmem>>, vector<2000x128xf32>
    %get3A_2 = arith.constant 0 : index
    %get3A_3 = arith.constant 0 : index
    %get3A_4 = vector.load %arg2[%get3A_2, %get3A_3] : memref<128x128xf32, #tpu.memory_space<vmem>>, vector<128x128xf32>
    %dot_general3A = arith.constant dense<0.000000e+00> : vector<2000x128xf32>
    %dot_general3A_5 = tpu.matmul %get3A_1, %get3A_4, %dot_general3A {dimension_numbers = #tpu.dot_dimension_numbers<[1], [0], [0], [1], [0, 0, 1, 1], [], []>, precision = #tpu.contract_precision<fp32>, transpose_lhs_hint = false} : vector<2000x128xf32>, vector<128x128xf32>, vector<2000x128xf32> -> vector<2000x128xf32>
    %get3A_6 = arith.constant 0 : index
    %get3A_7 = arith.constant 0 : index
    %get3A_8 = vector.load %arg3[%get3A_6, %get3A_7] : memref<2000x16xf32, #tpu.memory_space<vmem>>, vector<2000x1xf32>
    %mul3A = vector.broadcast %get3A_8 : vector<2000x1xf32> to vector<2000x128xf32>
    %mul3A_9 = arith.mulf %dot_general3A_5, %mul3A : vector<2000x128xf32>
    %slice3A = vector.extract_strided_slice %mul3A_9 {offsets = [0, 0], sizes = [2000, 32], strides = [1, 1]} : vector<2000x128xf32> to vector<2000x32xf32>
    %swap3A = arith.constant 0 : index
    %swap3A_10 = arith.constant 0 : index
    %swap3A_11 = vector.load %arg4[%swap3A, %swap3A_10] : memref<2000x32xf32, #tpu.memory_space<vmem>>, vector<2000x32xf32>
    tpu.vector_store %arg4[%swap3A, %swap3A_10], %slice3A {strides = array<i32>} : memref<2000x32xf32, #tpu.memory_space<vmem>>, vector<2000x32xf32>,
    %slice3A_12 = vector.extract_strided_slice %mul3A_9 {offsets = [0, 32], sizes = [2000, 32], strides = [1, 1]} : vector<2000x128xf32> to vector<2000x32xf32>
    %swap3A_13 = arith.constant 0 : index
    %swap3A_14 = arith.constant 0 : index
    %swap3A_15 = vector.load %arg5[%swap3A_13, %swap3A_14] : memref<2000x32xf32, #tpu.memory_space<vmem>>, vector<2000x32xf32>
    tpu.vector_store %arg5[%swap3A_13, %swap3A_14], %slice3A_12 {strides = array<i32>} : memref<2000x32xf32, #tpu.memory_space<vmem>>, vector<2000x32xf32>,
    %slice3A_16 = vector.extract_strided_slice %mul3A_9 {offsets = [0, 64], sizes = [2000, 32], strides = [1, 1]} : vector<2000x128xf32> to vector<2000x32xf32>
    %swap3A_17 = arith.constant 0 : index
    %swap3A_18 = arith.constant 0 : index
    %swap3A_19 = vector.load %arg6[%swap3A_17, %swap3A_18] : memref<2000x32xf32, #tpu.memory_space<vmem>>, vector<2000x32xf32>
    tpu.vector_store %arg6[%swap3A_17, %swap3A_18], %slice3A_16 {strides = array<i32>} : memref<2000x32xf32, #tpu.memory_space<vmem>>, vector<2000x32xf32>,
    %slice3A_20 = vector.extract_strided_slice %mul3A_9 {offsets = [0, 96], sizes = [2000, 32], strides = [1, 1]} : vector<2000x128xf32> to vector<2000x32xf32>
    %swap3A_21 = arith.constant 0 : index
    %swap3A_22 = arith.constant 0 : index
    %swap3A_23 = vector.load %arg7[%swap3A_21, %swap3A_22] : memref<2000x32xf32, #tpu.memory_space<vmem>>, vector<2000x32xf32>
    tpu.vector_store %arg7[%swap3A_21, %swap3A_22], %slice3A_20 {strides = array<i32>} : memref<2000x32xf32, #tpu.memory_space<vmem>>, vector<2000x32xf32>,
    return
  }
  func.func @transform_0(%arg0: i32) -> (i32, i32) {
    %c0_i32 = arith.constant 0 : i32
    %c0_i32_0 = arith.constant 0 : i32
    return %arg0, %c0_i32 : i32, i32
  }
  func.func @transform_1(%arg0: i32) -> (i32, i32) {
    %c0_i32 = arith.constant 0 : i32
    %c0_i32_0 = arith.constant 0 : i32
    %c0_i32_1 = arith.constant 0 : i32
    return %c0_i32, %c0_i32_0 : i32, i32
  }
  func.func @transform_2(%arg0: i32) -> (i32, i32) {
    %c0_i32 = arith.constant 0 : i32
    %c0_i32_0 = arith.constant 0 : i32
    return %arg0, %c0_i32 : i32, i32
  }
  func.func @transform_3(%arg0: i32) -> (i32, i32) {
    %c0_i32 = arith.constant 0 : i32
    %c0_i32_0 = arith.constant 0 : i32
    return %arg0, %c0_i32 : i32, i32
  }
  func.func @transform_4(%arg0: i32) -> (i32, i32) {
    %c0_i32 = arith.constant 0 : i32
    %c0_i32_0 = arith.constant 0 : i32
    return %arg0, %c0_i32 : i32, i32
  }
  func.func @transform_5(%arg0: i32) -> (i32, i32) {
    %c0_i32 = arith.constant 0 : i32
    %c0_i32_0 = arith.constant 0 : i32
    return %arg0, %c0_i32 : i32, i32
  }
  func.func @transform_6(%arg0: i32) -> (i32, i32) {
    %c0_i32 = arith.constant 0 : i32
    %c0_i32_0 = arith.constant 0 : i32
    return %arg0, %c0_i32 : i32, i32
  }
}

module attributes {stable_mosaic.version = 14 : i64} {
  func.func @body(%arg0: i32, %arg1: memref<2000x32xf32, #tpu.memory_space<vmem>>, %arg2: memref<2000x32xf32, #tpu.memory_space<vmem>>, %arg3: memref<2000x32xf32, #tpu.memory_space<vmem>>, %arg4: memref<2000x32xf32, #tpu.memory_space<vmem>>, %arg5: memref<2000x16xf32, #tpu.memory_space<vmem>>, %arg6: memref<1x128xf32, #tpu.memory_space<vmem>>, %arg7: memref<128x128xf32, #tpu.memory_space<vmem>>, %arg8: memref<2000x16xf32, #tpu.memory_space<vmem>>, %arg9: memref<2000x64xf32, #tpu.memory_space<vmem>>, %arg10: memref<2000x64xf32, #tpu.memory_space<vmem>>) attributes {dimension_semantics = [#tpu.dimension_semantics<arbitrary>], iteration_bounds = array<i64: 10>, scalar_prefetch = 0 : i64, scratch_operands = 0 : i64, tpu.core_type = #tpu.core_type<tc>, window_params = [{transform_indices = @transform_0, window_bounds = array<i64: 2000, 32>}, {transform_indices = @transform_1, window_bounds = array<i64: 2000, 32>}, {transform_indices = @transform_2, window_bounds = array<i64: 2000, 32>}, {transform_indices = @transform_3, window_bounds = array<i64: 2000, 32>}, {transform_indices = @transform_4, window_bounds = array<i64: 2000, 16>}, {pipeline_mode = #tpu.pipeline_mode<synchronous>, transform_indices = @transform_5, window_bounds = array<i64: 1, 128>}, {pipeline_mode = #tpu.pipeline_mode<synchronous>, transform_indices = @transform_6, window_bounds = array<i64: 128, 128>}, {transform_indices = @transform_7, window_bounds = array<i64: 2000, 16>}, {transform_indices = @transform_8, window_bounds = array<i64: 2000, 64>}, {transform_indices = @transform_9, window_bounds = array<i64: 2000, 64>}]} {
    %get3A = arith.constant 0 : index
    %get3A_0 = arith.constant 0 : index
    %get3A_1 = vector.load %arg5[%get3A, %get3A_0] : memref<2000x16xf32, #tpu.memory_space<vmem>>, vector<2000x1xf32>
    %max3A = arith.constant 9.99999996E-13 : f32
    %max3A_2 = vector.broadcast %max3A : f32 to vector<2000x1xf32>
    %max3A_3 = arith.maximumf %get3A_1, %max3A_2 : vector<2000x1xf32>
    %div3A = arith.constant 1.000000e+00 : f32
    %div3A_4 = vector.broadcast %div3A : f32 to vector<2000x1xf32>
    %div3A_5 = arith.divf %div3A_4, %max3A_3 : vector<2000x1xf32>
    %get3A_6 = arith.constant 0 : index
    %get3A_7 = arith.constant 0 : index
    %get3A_8 = vector.load %arg1[%get3A_6, %get3A_7] : memref<2000x32xf32, #tpu.memory_space<vmem>>, vector<2000x32xf32>
    %get3A_9 = arith.constant 0 : index
    %get3A_10 = arith.constant 0 : index
    %get3A_11 = vector.load %arg2[%get3A_9, %get3A_10] : memref<2000x32xf32, #tpu.memory_space<vmem>>, vector<2000x32xf32>
    %get3A_12 = arith.constant 0 : index
    %get3A_13 = arith.constant 0 : index
    %get3A_14 = vector.load %arg3[%get3A_12, %get3A_13] : memref<2000x32xf32, #tpu.memory_space<vmem>>, vector<2000x32xf32>
    %get3A_15 = arith.constant 0 : index
    %get3A_16 = arith.constant 0 : index
    %get3A_17 = vector.load %arg4[%get3A_15, %get3A_16] : memref<2000x32xf32, #tpu.memory_space<vmem>>, vector<2000x32xf32>
    %concatenate3A = tpu.concatenate %get3A_8, %get3A_11, %get3A_14, %get3A_17 in 1 : vector<2000x32xf32>, vector<2000x32xf32>, vector<2000x32xf32>, vector<2000x32xf32> -> vector<2000x128xf32>
    %mul3A = vector.broadcast %div3A_5 : vector<2000x1xf32> to vector<2000x128xf32>
    %mul3A_18 = arith.mulf %concatenate3A, %mul3A : vector<2000x128xf32>
    %get3A_19 = arith.constant 0 : index
    %get3A_20 = arith.constant 0 : index
    %get3A_21 = vector.load %arg6[%get3A_19, %get3A_20] : memref<1x128xf32, #tpu.memory_space<vmem>>, vector<1x128xf32>
    %add3A = vector.broadcast %get3A_21 : vector<1x128xf32> to vector<2000x128xf32>
    %add3A_22 = arith.addf %mul3A_18, %add3A : vector<2000x128xf32>
    %logistic3A = arith.negf %add3A_22 : vector<2000x128xf32>
    %logistic3A_23 = math.exp %logistic3A : vector<2000x128xf32>
    %logistic3A_24 = arith.constant 1.000000e+00 : f32
    %logistic3A_25 = vector.broadcast %logistic3A_24 : f32 to vector<2000x128xf32>
    %logistic3A_26 = arith.addf %logistic3A_25, %logistic3A_23 : vector<2000x128xf32>
    %logistic3A_27 = arith.divf %logistic3A_25, %logistic3A_26 : vector<2000x128xf32>
    %get3A_28 = arith.constant 0 : index
    %get3A_29 = arith.constant 0 : index
    %get3A_30 = vector.load %arg7[%get3A_28, %get3A_29] : memref<128x128xf32, #tpu.memory_space<vmem>>, vector<128x128xf32>
    %dot_general3A = arith.constant dense<0.000000e+00> : vector<2000x128xf32>
    %dot_general3A_31 = tpu.matmul %logistic3A_27, %get3A_30, %dot_general3A {dimension_numbers = #tpu.dot_dimension_numbers<[1], [0], [0], [1], [0, 0, 1, 1], [], []>, precision = #tpu.contract_precision<fp32>, transpose_lhs_hint = false} : vector<2000x128xf32>, vector<128x128xf32>, vector<2000x128xf32> -> vector<2000x128xf32>
    %get3A_32 = arith.constant 0 : index
    %get3A_33 = arith.constant 0 : index
    %get3A_34 = vector.load %arg8[%get3A_32, %get3A_33] : memref<2000x16xf32, #tpu.memory_space<vmem>>, vector<2000x1xf32>
    %mul3A_35 = vector.broadcast %get3A_34 : vector<2000x1xf32> to vector<2000x128xf32>
    %mul3A_36 = arith.mulf %dot_general3A_31, %mul3A_35 : vector<2000x128xf32>
    %slice3A = vector.extract_strided_slice %mul3A_36 {offsets = [0, 0], sizes = [2000, 64], strides = [1, 1]} : vector<2000x128xf32> to vector<2000x64xf32>
    %swap3A = arith.constant 0 : index
    %swap3A_37 = arith.constant 0 : index
    %swap3A_38 = vector.load %arg9[%swap3A, %swap3A_37] : memref<2000x64xf32, #tpu.memory_space<vmem>>, vector<2000x64xf32>
    tpu.vector_store %arg9[%swap3A, %swap3A_37], %slice3A {strides = array<i32>} : memref<2000x64xf32, #tpu.memory_space<vmem>>, vector<2000x64xf32>,
    %slice3A_39 = vector.extract_strided_slice %mul3A_36 {offsets = [0, 64], sizes = [2000, 64], strides = [1, 1]} : vector<2000x128xf32> to vector<2000x64xf32>
    %swap3A_40 = arith.constant 0 : index
    %swap3A_41 = arith.constant 0 : index
    %swap3A_42 = vector.load %arg10[%swap3A_40, %swap3A_41] : memref<2000x64xf32, #tpu.memory_space<vmem>>, vector<2000x64xf32>
    tpu.vector_store %arg10[%swap3A_40, %swap3A_41], %slice3A_39 {strides = array<i32>} : memref<2000x64xf32, #tpu.memory_space<vmem>>, vector<2000x64xf32>,
    return
  }
  func.func @transform_0(%arg0: i32) -> (i32, i32) {
    %c0_i32 = arith.constant 0 : i32
    %c0_i32_0 = arith.constant 0 : i32
    return %arg0, %c0_i32 : i32, i32
  }
  func.func @transform_1(%arg0: i32) -> (i32, i32) {
    %c0_i32 = arith.constant 0 : i32
    %c0_i32_0 = arith.constant 0 : i32
    return %arg0, %c0_i32 : i32, i32
  }
  func.func @transform_2(%arg0: i32) -> (i32, i32) {
    %c0_i32 = arith.constant 0 : i32
    %c0_i32_0 = arith.constant 0 : i32
    return %arg0, %c0_i32 : i32, i32
  }
  func.func @transform_3(%arg0: i32) -> (i32, i32) {
    %c0_i32 = arith.constant 0 : i32
    %c0_i32_0 = arith.constant 0 : i32
    return %arg0, %c0_i32 : i32, i32
  }
  func.func @transform_4(%arg0: i32) -> (i32, i32) {
    %c0_i32 = arith.constant 0 : i32
    %c0_i32_0 = arith.constant 0 : i32
    return %arg0, %c0_i32 : i32, i32
  }
  func.func @transform_5(%arg0: i32) -> (i32, i32) {
    %c0_i32 = arith.constant 0 : i32
    %c0_i32_0 = arith.constant 0 : i32
    %c0_i32_1 = arith.constant 0 : i32
    return %c0_i32, %c0_i32_0 : i32, i32
  }
  func.func @transform_6(%arg0: i32) -> (i32, i32) {
    %c0_i32 = arith.constant 0 : i32
    %c0_i32_0 = arith.constant 0 : i32
    %c0_i32_1 = arith.constant 0 : i32
    return %c0_i32, %c0_i32_0 : i32, i32
  }
  func.func @transform_7(%arg0: i32) -> (i32, i32) {
    %c0_i32 = arith.constant 0 : i32
    %c0_i32_0 = arith.constant 0 : i32
    return %arg0, %c0_i32 : i32, i32
  }
  func.func @transform_8(%arg0: i32) -> (i32, i32) {
    %c0_i32 = arith.constant 0 : i32
    %c0_i32_0 = arith.constant 0 : i32
    return %arg0, %c0_i32 : i32, i32
  }
  func.func @transform_9(%arg0: i32) -> (i32, i32) {
    %c0_i32 = arith.constant 0 : i32
    %c0_i32_0 = arith.constant 0 : i32
    return %arg0, %c0_i32 : i32, i32
  }
}

module attributes {stable_mosaic.version = 14 : i64} {
  func.func @body(%arg0: i32, %arg1: memref<2000x64xf32, #tpu.memory_space<vmem>>, %arg2: memref<2000x64xf32, #tpu.memory_space<vmem>>, %arg3: memref<2000x16xf32, #tpu.memory_space<vmem>>, %arg4: memref<1x128xf32, #tpu.memory_space<vmem>>, %arg5: memref<128x128xf32, #tpu.memory_space<vmem>>, %arg6: memref<2000x16xf32, #tpu.memory_space<vmem>>, %arg7: memref<2000x32xf32, #tpu.memory_space<vmem>>, %arg8: memref<2000x32xf32, #tpu.memory_space<vmem>>, %arg9: memref<2000x32xf32, #tpu.memory_space<vmem>>, %arg10: memref<2000x32xf32, #tpu.memory_space<vmem>>) attributes {dimension_semantics = [#tpu.dimension_semantics<arbitrary>], iteration_bounds = array<i64: 5>, scalar_prefetch = 0 : i64, scratch_operands = 0 : i64, tpu.core_type = #tpu.core_type<tc>, window_params = [{transform_indices = @transform_0, window_bounds = array<i64: 2000, 64>}, {transform_indices = @transform_1, window_bounds = array<i64: 2000, 64>}, {transform_indices = @transform_2, window_bounds = array<i64: 2000, 16>}, {pipeline_mode = #tpu.pipeline_mode<synchronous>, transform_indices = @transform_3, window_bounds = array<i64: 1, 128>}, {pipeline_mode = #tpu.pipeline_mode<synchronous>, transform_indices = @transform_4, window_bounds = array<i64: 128, 128>}, {transform_indices = @transform_5, window_bounds = array<i64: 2000, 16>}, {transform_indices = @transform_6, window_bounds = array<i64: 2000, 32>}, {transform_indices = @transform_7, window_bounds = array<i64: 2000, 32>}, {transform_indices = @transform_8, window_bounds = array<i64: 2000, 32>}, {transform_indices = @transform_9, window_bounds = array<i64: 2000, 32>}]} {
    %get3A = arith.constant 0 : index
    %get3A_0 = arith.constant 0 : index
    %get3A_1 = vector.load %arg3[%get3A, %get3A_0] : memref<2000x16xf32, #tpu.memory_space<vmem>>, vector<2000x1xf32>
    %max3A = arith.constant 9.99999996E-13 : f32
    %max3A_2 = vector.broadcast %max3A : f32 to vector<2000x1xf32>
    %max3A_3 = arith.maximumf %get3A_1, %max3A_2 : vector<2000x1xf32>
    %div3A = arith.constant 1.000000e+00 : f32
    %div3A_4 = vector.broadcast %div3A : f32 to vector<2000x1xf32>
    %div3A_5 = arith.divf %div3A_4, %max3A_3 : vector<2000x1xf32>
    %get3A_6 = arith.constant 0 : index
    %get3A_7 = arith.constant 0 : index
    %get3A_8 = vector.load %arg1[%get3A_6, %get3A_7] : memref<2000x64xf32, #tpu.memory_space<vmem>>, vector<2000x64xf32>
    %get3A_9 = arith.constant 0 : index
    %get3A_10 = arith.constant 0 : index
    %get3A_11 = vector.load %arg2[%get3A_9, %get3A_10] : memref<2000x64xf32, #tpu.memory_space<vmem>>, vector<2000x64xf32>
    %concatenate3A = tpu.concatenate %get3A_8, %get3A_11 in 1 : vector<2000x64xf32>, vector<2000x64xf32> -> vector<2000x128xf32>
    %mul3A = vector.broadcast %div3A_5 : vector<2000x1xf32> to vector<2000x128xf32>
    %mul3A_12 = arith.mulf %concatenate3A, %mul3A : vector<2000x128xf32>
    %get3A_13 = arith.constant 0 : index
    %get3A_14 = arith.constant 0 : index
    %get3A_15 = vector.load %arg4[%get3A_13, %get3A_14] : memref<1x128xf32, #tpu.memory_space<vmem>>, vector<1x128xf32>
    %add3A = vector.broadcast %get3A_15 : vector<1x128xf32> to vector<2000x128xf32>
    %add3A_16 = arith.addf %mul3A_12, %add3A : vector<2000x128xf32>
    %logistic3A = arith.negf %add3A_16 : vector<2000x128xf32>
    %logistic3A_17 = math.exp %logistic3A : vector<2000x128xf32>
    %logistic3A_18 = arith.constant 1.000000e+00 : f32
    %logistic3A_19 = vector.broadcast %logistic3A_18 : f32 to vector<2000x128xf32>
    %logistic3A_20 = arith.addf %logistic3A_19, %logistic3A_17 : vector<2000x128xf32>
    %logistic3A_21 = arith.divf %logistic3A_19, %logistic3A_20 : vector<2000x128xf32>
    %get3A_22 = arith.constant 0 : index
    %get3A_23 = arith.constant 0 : index
    %get3A_24 = vector.load %arg5[%get3A_22, %get3A_23] : memref<128x128xf32, #tpu.memory_space<vmem>>, vector<128x128xf32>
    %dot_general3A = arith.constant dense<0.000000e+00> : vector<2000x128xf32>
    %dot_general3A_25 = tpu.matmul %logistic3A_21, %get3A_24, %dot_general3A {dimension_numbers = #tpu.dot_dimension_numbers<[1], [0], [0], [1], [0, 0, 1, 1], [], []>, precision = #tpu.contract_precision<fp32>, transpose_lhs_hint = false} : vector<2000x128xf32>, vector<128x128xf32>, vector<2000x128xf32> -> vector<2000x128xf32>
    %get3A_26 = arith.constant 0 : index
    %get3A_27 = arith.constant 0 : index
    %get3A_28 = vector.load %arg6[%get3A_26, %get3A_27] : memref<2000x16xf32, #tpu.memory_space<vmem>>, vector<2000x1xf32>
    %mul3A_29 = vector.broadcast %get3A_28 : vector<2000x1xf32> to vector<2000x128xf32>
    %mul3A_30 = arith.mulf %dot_general3A_25, %mul3A_29 : vector<2000x128xf32>
    %slice3A = vector.extract_strided_slice %mul3A_30 {offsets = [0, 0], sizes = [2000, 32], strides = [1, 1]} : vector<2000x128xf32> to vector<2000x32xf32>
    %swap3A = arith.constant 0 : index
    %swap3A_31 = arith.constant 0 : index
    %swap3A_32 = vector.load %arg7[%swap3A, %swap3A_31] : memref<2000x32xf32, #tpu.memory_space<vmem>>, vector<2000x32xf32>
    tpu.vector_store %arg7[%swap3A, %swap3A_31], %slice3A {strides = array<i32>} : memref<2000x32xf32, #tpu.memory_space<vmem>>, vector<2000x32xf32>,
    %slice3A_33 = vector.extract_strided_slice %mul3A_30 {offsets = [0, 32], sizes = [2000, 32], strides = [1, 1]} : vector<2000x128xf32> to vector<2000x32xf32>
    %swap3A_34 = arith.constant 0 : index
    %swap3A_35 = arith.constant 0 : index
    %swap3A_36 = vector.load %arg8[%swap3A_34, %swap3A_35] : memref<2000x32xf32, #tpu.memory_space<vmem>>, vector<2000x32xf32>
    tpu.vector_store %arg8[%swap3A_34, %swap3A_35], %slice3A_33 {strides = array<i32>} : memref<2000x32xf32, #tpu.memory_space<vmem>>, vector<2000x32xf32>,
    %slice3A_37 = vector.extract_strided_slice %mul3A_30 {offsets = [0, 64], sizes = [2000, 32], strides = [1, 1]} : vector<2000x128xf32> to vector<2000x32xf32>
    %swap3A_38 = arith.constant 0 : index
    %swap3A_39 = arith.constant 0 : index
    %swap3A_40 = vector.load %arg9[%swap3A_38, %swap3A_39] : memref<2000x32xf32, #tpu.memory_space<vmem>>, vector<2000x32xf32>
    tpu.vector_store %arg9[%swap3A_38, %swap3A_39], %slice3A_37 {strides = array<i32>} : memref<2000x32xf32, #tpu.memory_space<vmem>>, vector<2000x32xf32>,
    %slice3A_41 = vector.extract_strided_slice %mul3A_30 {offsets = [0, 96], sizes = [2000, 32], strides = [1, 1]} : vector<2000x128xf32> to vector<2000x32xf32>
    %swap3A_42 = arith.constant 0 : index
    %swap3A_43 = arith.constant 0 : index
    %swap3A_44 = vector.load %arg10[%swap3A_42, %swap3A_43] : memref<2000x32xf32, #tpu.memory_space<vmem>>, vector<2000x32xf32>
    tpu.vector_store %arg10[%swap3A_42, %swap3A_43], %slice3A_41 {strides = array<i32>} : memref<2000x32xf32, #tpu.memory_space<vmem>>, vector<2000x32xf32>,
    return
  }
  func.func @transform_0(%arg0: i32) -> (i32, i32) {
    %c0_i32 = arith.constant 0 : i32
    %c0_i32_0 = arith.constant 0 : i32
    return %arg0, %c0_i32 : i32, i32
  }
  func.func @transform_1(%arg0: i32) -> (i32, i32) {
    %c0_i32 = arith.constant 0 : i32
    %c0_i32_0 = arith.constant 0 : i32
    return %arg0, %c0_i32 : i32, i32
  }
  func.func @transform_2(%arg0: i32) -> (i32, i32) {
    %c0_i32 = arith.constant 0 : i32
    %c0_i32_0 = arith.constant 0 : i32
    return %arg0, %c0_i32 : i32, i32
  }
  func.func @transform_3(%arg0: i32) -> (i32, i32) {
    %c0_i32 = arith.constant 0 : i32
    %c0_i32_0 = arith.constant 0 : i32
    %c0_i32_1 = arith.constant 0 : i32
    return %c0_i32, %c0_i32_0 : i32, i32
  }
  func.func @transform_4(%arg0: i32) -> (i32, i32) {
    %c0_i32 = arith.constant 0 : i32
    %c0_i32_0 = arith.constant 0 : i32
    %c0_i32_1 = arith.constant 0 : i32
    return %c0_i32, %c0_i32_0 : i32, i32
  }
  func.func @transform_5(%arg0: i32) -> (i32, i32) {
    %c0_i32 = arith.constant 0 : i32
    %c0_i32_0 = arith.constant 0 : i32
    return %arg0, %c0_i32 : i32, i32
  }
  func.func @transform_6(%arg0: i32) -> (i32, i32) {
    %c0_i32 = arith.constant 0 : i32
    %c0_i32_0 = arith.constant 0 : i32
    return %arg0, %c0_i32 : i32, i32
  }
  func.func @transform_7(%arg0: i32) -> (i32, i32) {
    %c0_i32 = arith.constant 0 : i32
    %c0_i32_0 = arith.constant 0 : i32
    return %arg0, %c0_i32 : i32, i32
  }
  func.func @transform_8(%arg0: i32) -> (i32, i32) {
    %c0_i32 = arith.constant 0 : i32
    %c0_i32_0 = arith.constant 0 : i32
    return %arg0, %c0_i32 : i32, i32
  }
  func.func @transform_9(%arg0: i32) -> (i32, i32) {
    %c0_i32 = arith.constant 0 : i32
    %c0_i32_0 = arith.constant 0 : i32
    return %arg0, %c0_i32 : i32, i32
  }
}

module attributes {stable_mosaic.version = 14 : i64} {
  func.func @_fin_body(%arg0: i32, %arg1: memref<2000x64xf32, #tpu.memory_space<vmem>>, %arg2: memref<2000x64xf32, #tpu.memory_space<vmem>>, %arg3: memref<2000x16xf32, #tpu.memory_space<vmem>>, %arg4: memref<1x128xf32, #tpu.memory_space<vmem>>, %arg5: memref<128x1xf32, #tpu.memory_space<vmem>>, %arg6: memref<1x1xf32, #tpu.memory_space<vmem>>, %arg7: memref<1x1xf32, #tpu.memory_space<vmem>>, %arg8: memref<8x128xf32, #tpu.memory_space<vmem>>) attributes {dimension_semantics = [#tpu.dimension_semantics<arbitrary>], iteration_bounds = array<i64: 5>, scalar_prefetch = 0 : i64, scratch_operands = 1 : i64, tpu.core_type = #tpu.core_type<tc>, window_params = [{transform_indices = @transform_0, window_bounds = array<i64: 2000, 64>}, {transform_indices = @transform_1, window_bounds = array<i64: 2000, 64>}, {transform_indices = @transform_2, window_bounds = array<i64: 2000, 16>}, {pipeline_mode = #tpu.pipeline_mode<synchronous>, transform_indices = @transform_3, window_bounds = array<i64: 1, 128>}, {pipeline_mode = #tpu.pipeline_mode<synchronous>, transform_indices = @transform_4, window_bounds = array<i64: 128, 1>}, {pipeline_mode = #tpu.pipeline_mode<synchronous>, transform_indices = @transform_5, window_bounds = array<i64: 1, 1>}, {pipeline_mode = #tpu.pipeline_mode<synchronous>, transform_indices = @transform_6, window_bounds = array<i64: 1, 1>}]} {
    %eq3A = arith.constant 0 : i32
    %eq3A_0 = arith.cmpi eq, %arg0, %eq3A : i32
    %convert_element_type3A = arith.extui %eq3A_0 : i1 to i32
    %cond3A = arith.constant 0 : i32
    %cond3A_1 = arith.cmpi ne, %convert_element_type3A, %cond3A : i32
    scf.if %cond3A_1 {
      %broadcast_in_dim3A_36 = arith.constant 0xFF800000 : f32
      %broadcast_in_dim3A_37 = vector.broadcast %broadcast_in_dim3A_36 : f32 to vector<8x128xf32>
      %swap3A_38 = arith.constant 0 : index
      %swap3A_39 = arith.constant 0 : index
      %swap3A_40 = vector.load %arg8[%swap3A_38, %swap3A_39] : memref<8x128xf32, #tpu.memory_space<vmem>>, vector<8x128xf32>
      tpu.vector_store %arg8[%swap3A_38, %swap3A_39], %broadcast_in_dim3A_37 {strides = array<i32>} : memref<8x128xf32, #tpu.memory_space<vmem>>, vector<8x128xf32>,
    } else {
    }
    %get3A = arith.constant 0 : index
    %get3A_2 = arith.constant 0 : index
    %get3A_3 = vector.load %arg3[%get3A, %get3A_2] : memref<2000x16xf32, #tpu.memory_space<vmem>>, vector<2000x1xf32>
    %max3A = arith.constant 9.99999996E-13 : f32
    %max3A_4 = vector.broadcast %max3A : f32 to vector<2000x1xf32>
    %max3A_5 = arith.maximumf %get3A_3, %max3A_4 : vector<2000x1xf32>
    %div3A = arith.constant 1.000000e+00 : f32
    %div3A_6 = vector.broadcast %div3A : f32 to vector<2000x1xf32>
    %div3A_7 = arith.divf %div3A_6, %max3A_5 : vector<2000x1xf32>
    %get3A_8 = arith.constant 0 : index
    %get3A_9 = arith.constant 0 : index
    %get3A_10 = vector.load %arg1[%get3A_8, %get3A_9] : memref<2000x64xf32, #tpu.memory_space<vmem>>, vector<2000x64xf32>
    %get3A_11 = arith.constant 0 : index
    %get3A_12 = arith.constant 0 : index
    %get3A_13 = vector.load %arg2[%get3A_11, %get3A_12] : memref<2000x64xf32, #tpu.memory_space<vmem>>, vector<2000x64xf32>
    %concatenate3A = tpu.concatenate %get3A_10, %get3A_13 in 1 : vector<2000x64xf32>, vector<2000x64xf32> -> vector<2000x128xf32>
    %mul3A = vector.broadcast %div3A_7 : vector<2000x1xf32> to vector<2000x128xf32>
    %mul3A_14 = arith.mulf %concatenate3A, %mul3A : vector<2000x128xf32>
    %get3A_15 = arith.constant 0 : index
    %get3A_16 = arith.constant 0 : index
    %get3A_17 = vector.load %arg4[%get3A_15, %get3A_16] : memref<1x128xf32, #tpu.memory_space<vmem>>, vector<1x128xf32>
    %add3A = vector.broadcast %get3A_17 : vector<1x128xf32> to vector<2000x128xf32>
    %add3A_18 = arith.addf %mul3A_14, %add3A : vector<2000x128xf32>
    %logistic3A = arith.negf %add3A_18 : vector<2000x128xf32>
    %logistic3A_19 = math.exp %logistic3A : vector<2000x128xf32>
    %logistic3A_20 = arith.constant 1.000000e+00 : f32
    %logistic3A_21 = vector.broadcast %logistic3A_20 : f32 to vector<2000x128xf32>
    %logistic3A_22 = arith.addf %logistic3A_21, %logistic3A_19 : vector<2000x128xf32>
    %logistic3A_23 = arith.divf %logistic3A_21, %logistic3A_22 : vector<2000x128xf32>
    %reduce_max3A = arith.constant dense<0xFF800000> : vector<128xf32>
    %reduce_max3A_24 = vector.multi_reduction <maximumf>, %logistic3A_23, %reduce_max3A [0] : vector<2000x128xf32> to vector<128xf32>
    %broadcast_in_dim3A = vector.shape_cast %reduce_max3A_24 : vector<128xf32> to vector<1x128xf32>
    %get3A_25 = arith.constant 0 : index
    %get3A_26 = arith.constant 0 : index
    %get3A_27 = vector.load %arg8[%get3A_25, %get3A_26] : memref<8x128xf32, #tpu.memory_space<vmem>>, vector<1x128xf32>
    %max3A_28 = arith.maximumf %get3A_27, %broadcast_in_dim3A : vector<1x128xf32>
    %swap3A = arith.constant 0 : index
    %swap3A_29 = arith.constant 0 : index
    %swap3A_30 = vector.load %arg8[%swap3A, %swap3A_29] : memref<8x128xf32, #tpu.memory_space<vmem>>, vector<1x128xf32>
    tpu.vector_store %arg8[%swap3A, %swap3A_29], %max3A_28 {strides = array<i32>} : memref<8x128xf32, #tpu.memory_space<vmem>>, vector<1x128xf32>,
    %eq3A_31 = arith.constant 4 : i32
    %eq3A_32 = arith.cmpi eq, %arg0, %eq3A_31 : i32
    %convert_element_type3A_33 = arith.extui %eq3A_32 : i1 to i32
    %cond3A_34 = arith.constant 0 : i32
    %cond3A_35 = arith.cmpi ne, %convert_element_type3A_33, %cond3A_34 : i32
    scf.if %cond3A_35 {
      %get3A_36 = arith.constant 0 : index
      %get3A_37 = arith.constant 0 : index
      %get3A_38 = vector.load %arg8[%get3A_36, %get3A_37] : memref<8x128xf32, #tpu.memory_space<vmem>>, vector<1x128xf32>
      %get3A_39 = arith.constant 0 : index
      %get3A_40 = arith.constant 0 : index
      %get3A_41 = vector.load %arg5[%get3A_39, %get3A_40] : memref<128x1xf32, #tpu.memory_space<vmem>>, vector<128x1xf32>
      %dot_general3A = arith.constant dense<0.000000e+00> : vector<1x1xf32>
      %dot_general3A_42 = tpu.matmul %get3A_38, %get3A_41, %dot_general3A {dimension_numbers = #tpu.dot_dimension_numbers<[1], [0], [0], [1], [0, 0, 1, 1], [], []>, precision = #tpu.contract_precision<fp32>, transpose_lhs_hint = false} : vector<1x128xf32>, vector<128x1xf32>, vector<1x1xf32> -> vector<1x1xf32>
      %get3A_43 = arith.constant 0 : index
      %get3A_44 = arith.constant 0 : index
      %get3A_45 = vector.load %arg6[%get3A_43, %get3A_44] : memref<1x1xf32, #tpu.memory_space<vmem>>, vector<1x1xf32>
      %add3A_46 = arith.addf %dot_general3A_42, %get3A_45 : vector<1x1xf32>
      %swap3A_47 = arith.constant 0 : index
      %swap3A_48 = arith.constant 0 : index
      %swap3A_49 = vector.load %arg7[%swap3A_47, %swap3A_48] : memref<1x1xf32, #tpu.memory_space<vmem>>, vector<1x1xf32>
      tpu.vector_store %arg7[%swap3A_47, %swap3A_48], %add3A_46 {strides = array<i32>} : memref<1x1xf32, #tpu.memory_space<vmem>>, vector<1x1xf32>,
    } else {
    }
    return
  }
  func.func @transform_0(%arg0: i32) -> (i32, i32) {
    %c0_i32 = arith.constant 0 : i32
    %c0_i32_0 = arith.constant 0 : i32
    return %arg0, %c0_i32 : i32, i32
  }
  func.func @transform_1(%arg0: i32) -> (i32, i32) {
    %c0_i32 = arith.constant 0 : i32
    %c0_i32_0 = arith.constant 0 : i32
    return %arg0, %c0_i32 : i32, i32
  }
  func.func @transform_2(%arg0: i32) -> (i32, i32) {
    %c0_i32 = arith.constant 0 : i32
    %c0_i32_0 = arith.constant 0 : i32
    return %arg0, %c0_i32 : i32, i32
  }
  func.func @transform_3(%arg0: i32) -> (i32, i32) {
    %c0_i32 = arith.constant 0 : i32
    %c0_i32_0 = arith.constant 0 : i32
    %c0_i32_1 = arith.constant 0 : i32
    return %c0_i32, %c0_i32_0 : i32, i32
  }
  func.func @transform_4(%arg0: i32) -> (i32, i32) {
    %c0_i32 = arith.constant 0 : i32
    %c0_i32_0 = arith.constant 0 : i32
    %c0_i32_1 = arith.constant 0 : i32
    return %c0_i32, %c0_i32_0 : i32, i32
  }
  func.func @transform_5(%arg0: i32) -> (i32, i32) {
    %c0_i32 = arith.constant 0 : i32
    %c0_i32_0 = arith.constant 0 : i32
    %c0_i32_1 = arith.constant 0 : i32
    return %c0_i32, %c0_i32_0 : i32, i32
  }
  func.func @transform_6(%arg0: i32) -> (i32, i32) {
    %c0_i32 = arith.constant 0 : i32
    %c0_i32_0 = arith.constant 0 : i32
    %c0_i32_1 = arith.constant 0 : i32
    return %c0_i32, %c0_i32_0 : i32, i32
  }
}

</mosaic_0001>

<sc_bundles>
// kernel: kernel.14.cloned.1.call-start
scs
__scs_entry_jumppad:
0x0: {  	(pc) =	sbr.rel $0x88, $3  }
0x1: {  	(tag) =	ssettag $0x0;
	lr =	simm.s32 $0x1  }
0x2: {  	[smem:$0x3F94] =	sst lr;
	_ =	strace $0xD0000000  }
0x3: {  	_ = 	snop  }
0x4: {  	_ = 	snop  }
0x5: {  	_ = 	snop  }
0x6: {  	_ = 	snop  }
0x7: {  	_ = 	snop  }
__scs_overlays_trampoline_lowered:
0x8: {  	[smem:$0x3FA3] =	sst s0  }
0x9: {  	[smem:$0x3FA4] =	sst s1  }
0xa: {  	[smem:$0x3FA5] =	sst s2  }
0xb: {  	[smem:$0x3FA6] =	sst s3  }
0xc: {  	[smem:$0x3FA7] =	sst s4  }
0xd: {  	[smem:$0x3FA8] =	sst s5  }
0xe: {  	[smem:$0x3FA9] =	sst s6  }
0xf: {  	[smem:$0x3FAA] =	sst s7  }
0x10: {  	[smem:$0x3FAB] =	sst s8  }
0x11: {  	[smem:$0x3FAC] =	sst s9;
	s0 =	simm.s32 @!p0 $0x0  }
0x12: {  	s1 =	sld [smem:$0x3F92];
	s0 =	simm.s32 @p0 $0x1  }
0x13: {  	[smem:$0x3FAD] =	sst s0;
	s0 =	simm.s32 @!p1 $0x0  }
0x14: {  	s2 =	sld [smem:$0x3F91];
	s0 =	simm.s32 @p1 $0x1  }
0x15: {  	[smem:$0x3FAE] =	sst s0;
	s0 =	simm.s32 @!p2 $0x0  }
0x16: {  	s3 =	sld [smem:$0x3FDB];
	s0 =	simm.s32 @p2 $0x1  }
0x17: {  	s4 =	simm.s32 $0x1BF5;
	[smem:$0x3FB0] =	sst s0  }
0x18: {  	s0 =	sld [smem:$0x3F93];
	_ =	swait.ge [sflag:s4], $0x0  }
0x19: {  	s7 =	sld [smem:$0x3F94]  }
0x1a: {  	s8 =	sadd.s32 $0xFFFFE003, lr  }
0x1b: {  	s9 =	sadd.s32 $0xFFFFFEF7, lr;
	s5 =	simm.s32 $0xFFFFFFFF;
	p2 =	slt.u32 s8, $0xFFFFF086  }
0x1c: {  	p1 =	slt.u32 s9, $0xF7A;
	s5 =	simm.s32 @!p2 $0x0  }
0x1d: {  	s5 =	simm.s32 @p1 $0x1;
	p0 =	seq.s32 s7, s2  }
0x1e: {  	s7 =	smul.u32 @!p0 $0xF7A, s2;
	p2 =	seq.s32 @!p0 s5, $0x0  }
0x1f: {  	s9 =	smul.u32 $0xF7A, s1;
	s8 =	simm.s32 @!p0 $0x1BF5;
	p2 =	por !p2, p0  }
0x20: {  	[sflag:s8] =	ssyncset.s32 @!p0 $0xFFFFF086;
	s6 =	sadd.s32 @!p0 s3, s7;
	s7 =	simm.s32 @!p0 $0x108  }
0x21: {  	s3 =	sadd.s32 s3, s9;
	s6 =	sadd.s32 @!p0 $0x88, s6;
	s7 =	simm.s32 @p2 $0x1082  }
0x22: {  	[simem:s7], [sflag:s8] =	dma.local @!p0 [hbm:s6], $0xF7A  }
0x23: {  	s9 =	sor.u32 $0xD0000000, s2;
	s6 =	simm.s32 $0x108;
	_ =	swait.ge @!p0 [sflag:s8], $0x0  }
0x24: {  	s3 =	sadd.s32 $0x88, s3;
	s6 =	simm.s32 @!p1 $0x1082;
	[sflag:s4] =	ssyncset.s32 $0xFFFFF086  }
0x25: {  	[simem:s6], [sflag:s4] =	dma.local [hbm:s3], $0xF7A  }
0x26: {  	[smem:$0x3F94] =	sst s1;
	(tag) =	ssettag s2;
	_ =	strace s9  }
0x27: {  	s1 =	sld [smem:$0x3FA4]  }
0x28: {  	s2 =	sld [smem:$0x3FA5]  }
0x29: {  	s4 =	sld [smem:$0x3FA7]  }
0x2a: {  	p0 =	seq.s32 s5, $0x0;
	s5 =	sld [smem:$0x3FA8]  }
0x2b: {  	s6 =	sld [smem:$0x3FA9]  }
0x2c: {  	s7 =	sld [smem:$0x3FAA]  }
0x2d: {  	s3 =	simm.s32 $0x108;
	s8 =	sld [smem:$0x3FAB]  }
0x2e: {  	s3 =	simm.s32 @!p0 $0x1082;
	s9 =	sld [smem:$0x3FAC]  }
0x2f: {  	lr =	sadd.s32 s0, s3;
	s0 =	sld [smem:$0x3FA3]  }
0x30: {  	s3 =	sld [smem:$0x3FA6]  }
0x31: {  	[smem:$0x3FAF] =	sst s10  }
0x32: {  	s10 =	sld [smem:$0x3FAD];
	_ =	sdelay $0x3  }
0x33: {  	p0 =	seq.s32 s10, $0x1;
	s10 =	sld [smem:$0x3FAF];
	_ =	sdelay $0x3  }
0x34: {  	[smem:$0x3FAF] =	sst s10  }
0x35: {  	s10 =	sld [smem:$0x3FAE];
	_ =	sdelay $0x3  }
0x36: {  	p1 =	seq.s32 s10, $0x1;
	s10 =	sld [smem:$0x3FAF];
	_ =	sdelay $0x3  }
0x37: {  	[smem:$0x3FAF] =	sst s10  }
0x38: {  	s10 =	sld [smem:$0x3FB0]  }
0x39: {  	_ = 	snop;
	(pc) =	sbr.ind lr, $3  }
0x3a: {  	_ = 	snop  }
0x3b: {  	_ = 	snop  }
0x3c: {  	p2 =	seq.s32 s10, $0x1;
	s10 =	sld [smem:$0x3FAF]  }
0x3d: {  	_ =	shalt  }
0x3e: {  	_ =	shalt  }
0x3f: {  	_ =	shalt  }
0x40: {  	_ =	shalt  }
0x41: {  	_ =	shalt  }
0x42: {  	_ =	shalt  }
0x43: {  	_ =	shalt  }
0x44: {  	_ =	shalt  }
0x45: {  	_ =	shalt  }
0x46: {  	_ =	shalt  }
0x47: {  	_ =	shalt  }
0x48: {  	_ =	shalt  }
0x49: {  	_ =	shalt  }
0x4a: {  	_ =	shalt  }
0x4b: {  	_ =	shalt  }
0x4c: {  	_ =	shalt  }
0x4d: {  	_ =	shalt  }
0x4e: {  	_ =	shalt  }
0x4f: {  	_ =	shalt  }
0x50: {  	_ =	shalt  }
0x51: {  	_ =	shalt  }
0x52: {  	_ =	shalt  }
0x53: {  	_ =	shalt  }
0x54: {  	_ =	shalt  }
0x55: {  	_ =	shalt  }
0x56: {  	_ =	shalt  }
0x57: {  	_ =	shalt  }
0x58: {  	_ =	shalt  }
0x59: {  	_ =	shalt  }
0x5a: {  	_ =	shalt  }
0x5b: {  	_ =	shalt  }
0x5c: {  	_ =	shalt  }
0x5d: {  	_ =	shalt  }
0x5e: {  	_ =	shalt  }
0x5f: {  	_ =	shalt  }
0x60: {  	_ =	shalt  }
0x61: {  	_ =	shalt  }
0x62: {  	_ =	shalt  }
0x63: {  	_ =	shalt  }
0x64: {  	_ =	shalt  }
0x65: {  	_ =	shalt  }
0x66: {  	_ =	shalt  }
0x67: {  	_ =	shalt  }
0x68: {  	_ =	shalt  }
0x69: {  	_ =	shalt  }
0x6a: {  	_ =	shalt  }
0x6b: {  	_ =	shalt  }
0x6c: {  	_ =	shalt  }
0x6d: {  	_ =	shalt  }
0x6e: {  	_ =	shalt  }
0x6f: {  	_ =	shalt  }
0x70: {  	_ =	shalt  }
0x71: {  	_ =	shalt  }
0x72: {  	_ =	shalt  }
0x73: {  	_ =	shalt  }
0x74: {  	_ =	shalt  }
0x75: {  	_ =	shalt  }
0x76: {  	_ =	shalt  }
0x77: {  	_ =	shalt  }
0x78: {  	_ =	shalt  }
0x79: {  	_ =	shalt  }
0x7a: {  	_ =	shalt  }
0x7b: {  	_ =	shalt  }
0x7c: {  	_ =	shalt  }
0x7d: {  	_ =	shalt  }
0x7e: {  	_ =	shalt  }
0x7f: {  	_ =	shalt  }
0x80: {  	_ =	shalt  }
0x81: {  	_ =	shalt  }
0x82: {  	_ =	shalt  }
0x83: {  	_ =	shalt  }
0x84: {  	_ =	shalt  }
0x85: {  	_ =	shalt  }
0x86: {  	_ =	shalt  }
0x87: {  	_ =	shalt  }
.Lfunc_end0:
.L_simem_size_0:
called_computation_lowered:
.L_overlay_start_0:
0x88: {  	s2 =	sld [smem:$0x3FD9]  }
0x89: {  	s3 =	sld [smem:$0x3FFE];
	_ =	sdelay $0x1  }
0x8a: {  	s1 =	srdreg.scid  }
0x8b: {  	s0 =	sand.u32 $0x1, s1  }
0x8c: {  	s17 =	sshll.u32 s0, $0xA;
	s2 =	sadd.s32 s3, s2  }
0x8d: {  	s2 =	sadd.s32 s2, s17  }
0x8e: {  	[smem:$0x3FBB] =	sst s2  }
0x8f: {  	_ = 	snop  }
0x90: {  	s2 =	sld [smem:$0x3FC8]  }
0x91: {  	s18 =	sld [smem:$0x3FC7];
	(tm) =	ssettm $0x1  }
0x92: {  	s4 =	sld [smem:$0x3FFB];
	_ =	sdelay $0x3  }
0x93: {  	_ =	strace s4  }
0x94: {  	s4 =	sld [smem:$0x3FFC];
	_ =	sdelay $0x3  }
0x95: {  	_ =	strace s4  }
0x96: {  	s4 =	sld [smem:$0x3FFD];
	_ =	sdelay $0x3  }
0x97: {  	_ =	strace s4  }
0x98: {  	_ =	strace $0x8FFFFFFF  }
0x99: {  	s19 =	sld [smem:$0x3FDB];
	_ =	sdelay $0x1  }
0x9a: {  	s5 =	simm.s32 $_scs_section_size  }
0x9b: {  	s6 =	simm.s32 $_size__tile_overlayer_lowered;
	s7 =	simm.s32 $_tile_overlayer_lowered  }
0x9c: {  	s22 =	simm.s32 $0x1BFF;
	s21 =	sshll.u32 s7, $0x1;
	s4 =	sadd.s32 s5, s19  }
0x9d: {  	s8 =	simm.s32 $0x0;
	s20 =	sshll.u32 s6, $0x1;
	s6 =	sadd.s32 s21, s4  }
0x9e: {  	[timem:s8], [sflag:s22] =	dma.local [hbm:s6], s20  }
0x9f: {  	_ =	swait.ge [sflag:s22], s20  }
0xa0: {  	s5 =	ssub.s32 $0x0, s20;
	[sflag:s22] =	ssyncset.done $0x0  }
0xa1: {  	[sflag:s22] =	ssyncadd.s32 s5;
	_ =	sdelay $0x1  }
0xa2: {  	s23 =	simm.s32 $0x1B8B  }
0xa3: {  	_ =	swait.ge [sflag:s23], $0x1  }
0xa4: {  	[sflag:s23] =	ssyncset.done $0x0  }
0xa5: {  	s25 =	simm.s32 $0x1B8E;
	s24 =	sld [smem:$0x3FFE];
	[sflag:s23] =	ssyncadd.s32 $0xFFFFFFFF  }
0xa6: {  	s26 =	simm.s32 $execute0_lowered;
	[smem:$0x3FD2] =	sst s25  }
0xa7: {  	s6 =	sshll.u32 s26, $0x1;
	_ =	strace $0x80000046;
	[dreg:$0x1] =	wrdreg $0xFFFFFFFF  }
0xa8: {  	s28 =	simm.s32 $_size_execute0_lowered;
	s4 =	sadd.s32 s4, s6;
	[dreg:$0x0] =	wrdreg $0x0  }
0xa9: {  	s6 =	sshll.u32 s28, $0x1;
	[dreg:$0x2] =	wrdreg s4  }
0xaa: {  	[dreg:$0x3] =	wrdreg s6  }
0xab: {  	[dreg:$0x4] =	wrdreg $0xC0  }
0xac: {  	_ =	task [dreg:s8], $0x5FFFF  }
0xad: {  	[dreg:$0x1] =	wrdreg $0xFFFFFFFF  }
0xae: {  	[dreg:$0x0] =	wrdreg $0x60  }
0xaf: {  	[dreg:$0x2] =	wrdreg s24  }
0xb0: {  	[dreg:$0x3] =	wrdreg s2  }
0xb1: {  	[dreg:$0x4] =	wrdreg s18  }
0xb2: {  	[dreg:$0x5] =	wrdreg $0xDAC00  }
0xb3: {  	[dreg:$0x6] =	wrdreg $0x9  }
0xb4: {  	_ =	task.clear_ibuf [dreg:s8], $0x7FFFF;
	_ =	strace $0x90000046  }
0xb5: {  	s29 =	simm.s32 $0x9;
	_ =	strace $0x80000048  }
0xb6: {  	_ =	swait.ge [sflag:s29], $0x1  }
0xb7: {  	[sflag:s29] =	ssyncadd.s32 $0xFFFFFFFF  }
0xb8: {  	_ =	strace $0x90000048  }
0xb9: {  	_ =	sfence  }
0xba: {  	s30 =	sld [smem:$0x0];
	_ =	sdelay $0x2  }
0xbb: {  	s31 =	sshll.u32 s1, $0xD;
	s1 =	sshrl.u32 s1, $0x2  }
0xbc: {  	s3 =	sand.u32 $0x4000, s31;
	s1 =	sadd.s32 s1, s30  }
0xbd: {  	s0 =	sor.u32 s3, s0;
	s1 =	sshll.u32 s1, $0x11  }
0xbe: {  	s0 =	sor.u32 s1, s0  }
0xbf: {  	s0 =	sadd.s32 $0x8F2B, s0  }
0xc0: {  	[sflag:s0] =	ssyncadd.remote.s32 $0x1  }
0xc1: {  	_ =	sfence.sel $0xFFFF  }
0xc2: {  	[dreg:$0x0] =	wrdreg $0xFFFFFFFF;
	(pc) =	sbr.abs _section_cstart, $3  }
0xc3: {  	[dreg:$0x1] =	wrdreg $0xFFFFFFFF  }
0xc4: {  	_ =	task.clear_ibuf [dreg:s8], $0x2FFFF;
	_ =	strace $0x9FFFFFFF  }
0xc5: {  	(tm) =	ssettm $0x7FFFFFFF  }
tec
execute0_lowered:
.L_overlay_start_1:
0x0: {  	(tag) =	ssettag $0x1  }
0x1: {  	s7 =	rddreg [dreg:$0x0]  }
0x2: {  	s11 =	rddreg [dreg:$0x1]  }
0x3: {  	s12 =	rddreg [dreg:$0x2]  }
0x4: {  	s2 =	rddreg [dreg:$0x3]  }
0x5: {  	s0 =	rddreg [dreg:$0x4];
	s3 =	simm.s32 $0x0  }
0x6: {  	s1 =	stileid.u32;
	s6 =	srdreg.scid;
	s17 =	simm.s32 $0x9C40  }
0x7: {  	s18 =	simm.s32 $0x0;
	[smem:$0x7FF] =	sst s3;
	s8 =	smul.u32 $0x7D00, s1  }
0x8: {  	s4 =	sadd.s32 $0x12800, s7;
	s5 =	sadd.s32 $0x8A00, s7;
	s16 =	sand.u32 $0x1, s6  }
0x9: {  	s13 =	smul.u32 $0x1F400, s1;
	s6 =	sadd.s32 $0x17800, s7;
	p0 =	slt.u32 s1, $0xA  }
0xa: {  	p2 =	slt.u32 s1, $0x5;
	s31 =	smul.u32 $0x9C4, s1;
	p3 =	sgt.u32 s1, $0x9  }
0xb: {  	_ =	strace $0x80000047;
	s10 =	ssub.s32 $0x2, s16;
	p1 =	seq.s32 s16, $0x0  }
0xc: {  	s15 =	sshll.u32 @!p3 s1, $0x6;
	p4 =	sne.s32 s16, $0x0;
	s9 =	sshrl.u32 s8, $0x3  }
0xd: {  	s30 =	sshrl.u32 s10, $0x1;
	s13 =	sshrl.u32 s13, $0x2;
	p1 =	por !p1, !p0  }
0xe: {  	p0 =	seq.s32 s16, $0x1;
	s8 =	sadd.s32 s8, s2;
	s11 =	sadd.s32 s31, s11  }
.Ltmp0:
0xf: {  	s12 =	sadd.s32 s31, s12;
	s16 =	simm.s32 $0x3E8;
	(pc) =	sbr.rel .LBB2_1-.Ltmp0, $4  }
0x10: {  	s9 =	sadd.s32 s9, s7;
	s10 =	ssub.s32 s10, s30;
	s14 =	sadd.s32 s13, s2  }
0x11: {  	p1 =	por !p1, !p1;
	p2 =	por !p2, !p0;
	s13 =	sor.u32 @!p3 $0x1C01, s15  }
0x12: {  	s15 =	simm.s32 $0x1;
	s7 =	sadd.s32 $0x18800, s9;
	p2 =	por !p2, !p2  }
0x13: {  	s9 =	sadd.s32 $0x22600, s9;
	s10 =	smax.u32 s10, $0x1;
	s14 =	sshrl.u32 @!p3 s14, $0x3  }
.LBB2_12:
0x14: {  	s20 =	sadd.s32 $0x4E20, s19;
	[sflag:s15] =	ssyncadd.s32 $0xFFFFC180  }
0x15: {  	[tilespmem:s17], [sflag:$0x1] =	stream.indirect.gather [hbm4b:s5+s16], $0x10, s20, s16, $0xb8;
	[tilespmem:$0x128E0] =	vst v63  }
0x16: {  	_ =	swait.ge [sflag:s15], $0x3E80  }
0x17: {  	[sflag:s15] =	ssyncset.done $0x0  }
0x18: {  	[sflag:s15] =	ssyncadd.s32 $0xFFFFC180  }
0x19: {  	[spmem:s2] =	stream.indirect.scatter.add.f32 [tilespmem:s17], [sflag:$0x1], $0x10, s19, s16, $0xb8;
	[tilespmem:$0x128E0] =	vst v63  }
0x1a: {  	_ =	swait.ge [sflag:s15], $0x3E80  }
0x1b: {  	[sflag:s15] =	ssyncset.done $0x0  }
0x1c: {  	[sflag:s15] =	ssyncadd.s32 $0xFFFFC180  }
.LBB2_13:
0x1d: {  	s19 =	sshll.u32 @p1 s1, $0x6  }
0x1e: {  	[bflag:$0x0] =	sbarrier.arrive $0xFFFF;
	s20 =	sshrl.u32 @p1 s8, $0x3;
	s19 =	sor.u32 @p1 $0x1C01, s19  }
0x1f: {  	[hbm:s7], [sflag:s19] =	dma.local @p1 [spmem:s20], $0xFA0  }
0x20: {  	s19 =	simm.s32 @p1 $0x1  }
0x21: {  	s18 =	sadd.s32 $0x1, s18;
	_ =	swait.ge @p1 [sflag:s19], $0xFA0  }
0x22: {  	p5 =	sne.s32 s18, s10;
	s20 =	sshll.u32 @p2 s1, $0x6;
	[sflag:s19] =	ssyncset.done @p1 $0x0  }
0x23: {  	[sflag:s19] =	ssyncadd.s32 @p1 $0xFFFFF060;
	s19 =	sor.u32 @p2 $0x1C01, s20;
	s20 =	sshrl.u32 @p2 s8, $0x3  }
0x24: {  	[hbm:s9], [sflag:s19] =	dma.local @p2 [spmem:s20], $0xFA0  }
.Ltmp1:
0x25: {  	_ = 	snop;
	(pc) =	sbr.rel @!p5 .LBB2_14-.Ltmp1, $4  }
0x26: {  	s19 =	simm.s32 @p2 $0x1  }
0x27: {  	_ =	swait.ge @p2 [sflag:s19], $0xFA0  }
0x28: {  	[sflag:s19] =	ssyncset.done @p2 $0x0  }
0x29: {  	[sflag:s19] =	ssyncadd.s32 @p2 $0xFFFFF060  }
.LBB2_1:
0x2a: {  	[spmem:s14], [sflag:s13] =	dma.local @!p3 [hbm:s6], $0xFA0  }
0x2b: {  	s19 =	simm.s32 @!p3 $0x1  }
0x2c: {  	_ =	swait.ge @!p3 [sflag:s19], $0xFA0  }
0x2d: {  	[sflag:s19] =	ssyncset.done @!p3 $0x0  }
0x2e: {  	s20 =	simm.s32 $0x0;
	[sflag:s19] =	ssyncadd.s32 @!p3 $0xFFFFF060;
	s19 =	simm.s32 $0x0  }
.LBB2_2:
0x2f: {  	p5 =	sne.s32 s20, $0x947  }
.Ltmp2:
0x30: {  	s21 =	sadd.s32 s20, s11;
	s22 =	simm.s32 $0x0;
	(pc) =	sbr.rel @p5 .LBB2_2-.Ltmp2, $4  }
0x31: {  	[tilespmem:s19], [sflag:$0x1] =	stream.linear.gather [hbm4b:s21+s22], $0x3E8, $0x38;
	[tilespmem:$0x128E0] =	vst v63  }
0x32: {  	_ =	swait.ge [sflag:s15], $0x3E8  }
0x33: {  	[sflag:s15] =	ssyncset.done $0x0  }
0x34: {  	s20 =	sadd.s32 $0x7D, s20;
	s19 =	sadd.s32 $0x3E8, s19;
	[sflag:s15] =	ssyncadd.s32 $0xFFFFFC18  }
0x35: {  	s19 =	simm.s32 $0x4E20;
	s20 =	sadd.s32 $0x0, s12  }
0x36: {  	[tilespmem:s19], [sflag:$0x1] =	stream.linear.gather [hbm4b:s20+s3], $0x3E8, $0x38;
	[tilespmem:$0x128E0] =	vst v63  }
0x37: {  	_ =	swait.ge [sflag:s15], $0x3E8  }
0x38: {  	s20 =	simm.s32 $0x7D;
	[sflag:s15] =	ssyncset.done $0x0  }
.LBB2_4:
0x39: {  	s21 =	sadd.s32 s20, s12  }
0x3a: {  	[sflag:s15] =	ssyncadd.s32 $0xFFFFFC18;
	s19 =	sadd.s32 $0x3E8, s19;
	p5 =	sne.s32 s20, $0x947  }
0x3b: {  	[tilespmem:s19], [sflag:$0x1] =	stream.linear.gather [hbm4b:s21+s3], $0x3E8, $0x38;
	[tilespmem:$0x128E0] =	vst v63  }
.Ltmp3:
0x3c: {  	_ = 	snop;
	(pc) =	sbr.rel @p5 .LBB2_4-.Ltmp3, $4  }
0x3d: {  	_ = 	snop  }
0x3e: {  	s20 =	sadd.s32 $0x7D, s20  }
0x3f: {  	_ =	swait.ge [sflag:s15], $0x3E8  }
0x40: {  	[sflag:s15] =	ssyncset.done $0x0  }
.Ltmp4:
0x41: {  	(pc) =	sbr.rel @p4 .LBB2_9-.Ltmp4, $3  }
0x42: {  	_ = 	snop  }
0x43: {  	[sflag:s15] =	ssyncadd.s32 $0xFFFFFC18  }
0x44: {  	[bflag:$0x0] =	sbarrier.arrive $0xFFFF;
	_ =	sdelay $0x1  }
0x45: {  	s19 =	simm.s32 $0x0  }
0x46: {  	[tilespmem:s17], [sflag:$0x1] =	stream.indirect.gather [hbm4b:s4+s16], $0x10, s19, s16, $0xb8;
	[tilespmem:$0x128E0] =	vst v63  }
0x47: {  	_ =	swait.ge [sflag:s15], $0x3E80  }
0x48: {  	[sflag:s15] =	ssyncset.done $0x0  }
0x49: {  	s31 =	simm.s32 $0x4E20;
	[sflag:s15] =	ssyncadd.s32 $0xFFFFC180  }
0x4a: {  	[spmem:s2] =	stream.indirect.scatter.add.f32 [tilespmem:s17], [sflag:$0x1], $0x10, s31, s16, $0xb8;
	[tilespmem:$0x128E0] =	vst v63  }
0x4b: {  	_ =	swait.ge [sflag:s15], $0x3E80  }
0x4c: {  	s20 =	simm.s32 $0x1F40;
	s19 =	simm.s32 $0xFA0;
	[sflag:s15] =	ssyncset.done $0x0  }
.LBB2_7:
0x4d: {  	s21 =	sshra.s32 s19, $0x2  }
0x4e: {  	[sflag:s15] =	ssyncadd.s32 $0xFFFFC180;
	s19 =	smov.u32 s20;
	s22 =	sadd.s32 $0xFA0, s20  }
0x4f: {  	[tilespmem:s17], [sflag:$0x1] =	stream.indirect.gather [hbm4b:s4+s16], $0x10, s21, s16, $0xb8;
	[tilespmem:$0x128E0] =	vst v63  }
0x50: {  	p5 =	sne.s32 s20, $0x128E0;
	_ =	swait.ge [sflag:s15], $0x3E80  }
.Ltmp5:
0x51: {  	[sflag:s15] =	ssyncset.done $0x0;
	(pc) =	sbr.rel @p5 .LBB2_7-.Ltmp5, $4  }
0x52: {  	s20 =	sadd.s32 $0x4E20, s21;
	[sflag:s15] =	ssyncadd.s32 $0xFFFFC180  }
0x53: {  	[spmem:s2] =	stream.indirect.scatter.add.f32 [tilespmem:s17], [sflag:$0x1], $0x10, s20, s16, $0xb8;
	[tilespmem:$0x128E0] =	vst v63  }
0x54: {  	_ =	swait.ge [sflag:s15], $0x3E80  }
0x55: {  	s20 =	smov.u32 s22;
	[sflag:s15] =	ssyncset.done $0x0  }
0x56: {  	s19 =	sshra.s32 s19, $0x2;
	[sflag:s15] =	ssyncadd.s32 $0xFFFFC180  }
0x57: {  	[tilespmem:s17], [sflag:$0x1] =	stream.indirect.gather [hbm4b:s4+s16], $0x10, s19, s16, $0xb8;
	[tilespmem:$0x128E0] =	vst v63  }
0x58: {  	_ =	swait.ge [sflag:s15], $0x3E80  }
0x59: {  	[sflag:s15] =	ssyncset.done $0x0  }
0x5a: {  	s19 =	sadd.s32 $0x4E20, s19;
	[sflag:s15] =	ssyncadd.s32 $0xFFFFC180  }
0x5b: {  	[spmem:s2] =	stream.indirect.scatter.add.f32 [tilespmem:s17], [sflag:$0x1], $0x10, s19, s16, $0xb8;
	[tilespmem:$0x128E0] =	vst v63  }
0x5c: {  	_ =	swait.ge [sflag:s15], $0x3E80  }
0x5d: {  	[sflag:s15] =	ssyncset.done $0x0  }
0x5e: {  	[sflag:s15] =	ssyncadd.s32 $0xFFFFC180  }
.LBB2_9:
.Ltmp6:
0x5f: {  	(pc) =	sbr.rel @!p0 .LBB2_13-.Ltmp6, $1  }
0x60: {  	_ =	sdelay $0x3  }
0x61: {  	s19 =	simm.s32 $0x4E20  }
0x62: {  	[tilespmem:s17], [sflag:$0x1] =	stream.indirect.gather [hbm4b:s5+s16], $0x10, s19, s16, $0xb8;
	[tilespmem:$0x128E0] =	vst v63  }
0x63: {  	_ =	swait.ge [sflag:s15], $0x3E80  }
0x64: {  	[sflag:s15] =	ssyncset.done $0x0  }
0x65: {  	s31 =	simm.s32 $0x0;
	[sflag:s15] =	ssyncadd.s32 $0xFFFFC180  }
0x66: {  	[spmem:s2] =	stream.indirect.scatter.add.f32 [tilespmem:s17], [sflag:$0x1], $0x10, s31, s16, $0xb8;
	[tilespmem:$0x128E0] =	vst v63  }
0x67: {  	_ =	swait.ge [sflag:s15], $0x3E80  }
0x68: {  	s20 =	simm.s32 $0x1F40;
	s19 =	simm.s32 $0x3E8;
	[sflag:s15] =	ssyncset.done $0x0  }
.LBB2_11:
0x69: {  	s21 =	sadd.s32 $0x4E20, s19  }
0x6a: {  	[sflag:s15] =	ssyncadd.s32 $0xFFFFC180;
	s22 =	smov.u32 s20;
	s23 =	sadd.s32 $0xFA0, s20  }
0x6b: {  	[tilespmem:s17], [sflag:$0x1] =	stream.indirect.gather [hbm4b:s5+s16], $0x10, s21, s16, $0xb8;
	[tilespmem:$0x128E0] =	vst v63  }
0x6c: {  	p5 =	sne.s32 s20, $0x128E0;
	_ =	swait.ge [sflag:s15], $0x3E80  }
.Ltmp7:
0x6d: {  	[sflag:s15] =	ssyncset.done $0x0;
	(pc) =	sbr.rel @p5 .LBB2_11-.Ltmp7, $4  }
0x6e: {  	[sflag:s15] =	ssyncadd.s32 $0xFFFFC180  }
0x6f: {  	[spmem:s2] =	stream.indirect.scatter.add.f32 [tilespmem:s17], [sflag:$0x1], $0x10, s19, s16, $0xb8;
	[tilespmem:$0x128E0] =	vst v63  }
0x70: {  	_ =	swait.ge [sflag:s15], $0x3E80  }
0x71: {  	s20 =	smov.u32 s23;
	s19 =	sshra.s32 s22, $0x2;
	[sflag:s15] =	ssyncset.done $0x0  }
.Ltmp8:
0x72: {  	_ = 	snop;
	(pc) =	sbr.rel .LBB2_12-.Ltmp8, $1  }
0x73: {  	_ =	sdelay $0x3  }
.LBB2_14:
0x74: {  	_ =	sfence.sel $0x180000  }
0x75: {  	[bflag:$0x0] =	sbarrier.arrive $0xFFFF  }
0x76: {  	p0 =	sne.s32 s1, $0x0;
	_ =	strace $0x90000047  }
0x77: {  	s0 =	sadd.s32 @!p0 $0x100000, s0;
	[bflag:$0x2] =	sbarrier.arrive $0xFFFF  }
0x78: {  	[sflag:s0] =	ssyncadd.tile.s32 @!p0 $0x1;
	_ =	shalt  }
.Lfunc_end2:
_tile_overlayer_lowered:
.L_overlay_start_2:
0x79: {  	(tag) =	ssettag $0x2  }
0x7a: {  	s0 =	rddreg [dreg:$0x0];
	s2 =	stileid.u32  }
0x7b: {  	s1 =	rddreg [dreg:$0x1];
	p0 =	sne.s32 s2, $0x0  }
0x7c: {  	s3 =	rddreg [dreg:$0x2];
	[bflag:$0x3] =	sbarrier.arrive $0xFFFF;
	s2 =	simm.s32 @!p0 $0x1C01  }
0x7d: {  	[timem:s3], [sflag:s2] =	dma.local @!p0 [hbm:s0], s1  }
0x7e: {  	s0 =	simm.s32 @!p0 $0x1  }
0x7f: {  	_ =	swait.ge @!p0 [sflag:s0], s1  }
0x80: {  	s1 =	ssub.s32 @!p0 $0x0, s1;
	[sflag:s0] =	ssyncset.done @!p0 $0x0  }
0x81: {  	[sflag:s0] =	ssyncadd.s32 @!p0 s1  }
0x82: {  	[bflag:$0x3] =	sbarrier.arrive $0xFFFF  }
0x83: {  	_ =	shalt  }

// kernel: kernel.17.cloned.1.call-start
scs
__scs_entry_jumppad:
0x0: {  	(pc) =	sbr.rel $0x88, $3  }
0x1: {  	(tag) =	ssettag $0x0;
	lr =	simm.s32 $0x1  }
0x2: {  	[smem:$0x3F94] =	sst lr;
	_ =	strace $0xD0000000  }
0x3: {  	_ = 	snop  }
0x4: {  	_ = 	snop  }
0x5: {  	_ = 	snop  }
0x6: {  	_ = 	snop  }
0x7: {  	_ = 	snop  }
__scs_overlays_trampoline_lowered:
0x8: {  	[smem:$0x3FA3] =	sst s0  }
0x9: {  	[smem:$0x3FA4] =	sst s1  }
0xa: {  	[smem:$0x3FA5] =	sst s2  }
0xb: {  	[smem:$0x3FA6] =	sst s3  }
0xc: {  	[smem:$0x3FA7] =	sst s4  }
0xd: {  	[smem:$0x3FA8] =	sst s5  }
0xe: {  	[smem:$0x3FA9] =	sst s6  }
0xf: {  	[smem:$0x3FAA] =	sst s7  }
0x10: {  	[smem:$0x3FAB] =	sst s8  }
0x11: {  	[smem:$0x3FAC] =	sst s9;
	s0 =	simm.s32 @!p0 $0x0  }
0x12: {  	s1 =	sld [smem:$0x3F92];
	s0 =	simm.s32 @p0 $0x1  }
0x13: {  	[smem:$0x3FAD] =	sst s0;
	s0 =	simm.s32 @!p1 $0x0  }
0x14: {  	s2 =	sld [smem:$0x3F91];
	s0 =	simm.s32 @p1 $0x1  }
0x15: {  	[smem:$0x3FAE] =	sst s0;
	s0 =	simm.s32 @!p2 $0x0  }
0x16: {  	s3 =	sld [smem:$0x3FDB];
	s0 =	simm.s32 @p2 $0x1  }
0x17: {  	s4 =	simm.s32 $0x1BF5;
	[smem:$0x3FB0] =	sst s0  }
0x18: {  	s0 =	sld [smem:$0x3F93];
	_ =	swait.ge [sflag:s4], $0x0  }
0x19: {  	s7 =	sld [smem:$0x3F94]  }
0x1a: {  	s8 =	sadd.s32 $0xFFFFE003, lr  }
0x1b: {  	s9 =	sadd.s32 $0xFFFFFEF7, lr;
	s5 =	simm.s32 $0xFFFFFFFF;
	p2 =	slt.u32 s8, $0xFFFFF086  }
0x1c: {  	p1 =	slt.u32 s9, $0xF7A;
	s5 =	simm.s32 @!p2 $0x0  }
0x1d: {  	s5 =	simm.s32 @p1 $0x1;
	p0 =	seq.s32 s7, s2  }
0x1e: {  	s7 =	smul.u32 @!p0 $0xF7A, s2;
	p2 =	seq.s32 @!p0 s5, $0x0  }
0x1f: {  	s9 =	smul.u32 $0xF7A, s1;
	s8 =	simm.s32 @!p0 $0x1BF5;
	p2 =	por !p2, p0  }
0x20: {  	[sflag:s8] =	ssyncset.s32 @!p0 $0xFFFFF086;
	s6 =	sadd.s32 @!p0 s3, s7;
	s7 =	simm.s32 @!p0 $0x108  }
0x21: {  	s3 =	sadd.s32 s3, s9;
	s6 =	sadd.s32 @!p0 $0x88, s6;
	s7 =	simm.s32 @p2 $0x1082  }
0x22: {  	[simem:s7], [sflag:s8] =	dma.local @!p0 [hbm:s6], $0xF7A  }
0x23: {  	s9 =	sor.u32 $0xD0000000, s2;
	s6 =	simm.s32 $0x108;
	_ =	swait.ge @!p0 [sflag:s8], $0x0  }
0x24: {  	s3 =	sadd.s32 $0x88, s3;
	s6 =	simm.s32 @!p1 $0x1082;
	[sflag:s4] =	ssyncset.s32 $0xFFFFF086  }
0x25: {  	[simem:s6], [sflag:s4] =	dma.local [hbm:s3], $0xF7A  }
0x26: {  	[smem:$0x3F94] =	sst s1;
	(tag) =	ssettag s2;
	_ =	strace s9  }
0x27: {  	s1 =	sld [smem:$0x3FA4]  }
0x28: {  	s2 =	sld [smem:$0x3FA5]  }
0x29: {  	s4 =	sld [smem:$0x3FA7]  }
0x2a: {  	p0 =	seq.s32 s5, $0x0;
	s5 =	sld [smem:$0x3FA8]  }
0x2b: {  	s6 =	sld [smem:$0x3FA9]  }
0x2c: {  	s7 =	sld [smem:$0x3FAA]  }
0x2d: {  	s3 =	simm.s32 $0x108;
	s8 =	sld [smem:$0x3FAB]  }
0x2e: {  	s3 =	simm.s32 @!p0 $0x1082;
	s9 =	sld [smem:$0x3FAC]  }
0x2f: {  	lr =	sadd.s32 s0, s3;
	s0 =	sld [smem:$0x3FA3]  }
0x30: {  	s3 =	sld [smem:$0x3FA6]  }
0x31: {  	[smem:$0x3FAF] =	sst s10  }
0x32: {  	s10 =	sld [smem:$0x3FAD];
	_ =	sdelay $0x3  }
0x33: {  	p0 =	seq.s32 s10, $0x1;
	s10 =	sld [smem:$0x3FAF];
	_ =	sdelay $0x3  }
0x34: {  	[smem:$0x3FAF] =	sst s10  }
0x35: {  	s10 =	sld [smem:$0x3FAE];
	_ =	sdelay $0x3  }
0x36: {  	p1 =	seq.s32 s10, $0x1;
	s10 =	sld [smem:$0x3FAF];
	_ =	sdelay $0x3  }
0x37: {  	[smem:$0x3FAF] =	sst s10  }
0x38: {  	s10 =	sld [smem:$0x3FB0]  }
0x39: {  	_ = 	snop;
	(pc) =	sbr.ind lr, $3  }
0x3a: {  	_ = 	snop  }
0x3b: {  	_ = 	snop  }
0x3c: {  	p2 =	seq.s32 s10, $0x1;
	s10 =	sld [smem:$0x3FAF]  }
0x3d: {  	_ =	shalt  }
0x3e: {  	_ =	shalt  }
0x3f: {  	_ =	shalt  }
0x40: {  	_ =	shalt  }
0x41: {  	_ =	shalt  }
0x42: {  	_ =	shalt  }
0x43: {  	_ =	shalt  }
0x44: {  	_ =	shalt  }
0x45: {  	_ =	shalt  }
0x46: {  	_ =	shalt  }
0x47: {  	_ =	shalt  }
0x48: {  	_ =	shalt  }
0x49: {  	_ =	shalt  }
0x4a: {  	_ =	shalt  }
0x4b: {  	_ =	shalt  }
0x4c: {  	_ =	shalt  }
0x4d: {  	_ =	shalt  }
0x4e: {  	_ =	shalt  }
0x4f: {  	_ =	shalt  }
0x50: {  	_ =	shalt  }
0x51: {  	_ =	shalt  }
0x52: {  	_ =	shalt  }
0x53: {  	_ =	shalt  }
0x54: {  	_ =	shalt  }
0x55: {  	_ =	shalt  }
0x56: {  	_ =	shalt  }
0x57: {  	_ =	shalt  }
0x58: {  	_ =	shalt  }
0x59: {  	_ =	shalt  }
0x5a: {  	_ =	shalt  }
0x5b: {  	_ =	shalt  }
0x5c: {  	_ =	shalt  }
0x5d: {  	_ =	shalt  }
0x5e: {  	_ =	shalt  }
0x5f: {  	_ =	shalt  }
0x60: {  	_ =	shalt  }
0x61: {  	_ =	shalt  }
0x62: {  	_ =	shalt  }
0x63: {  	_ =	shalt  }
0x64: {  	_ =	shalt  }
0x65: {  	_ =	shalt  }
0x66: {  	_ =	shalt  }
0x67: {  	_ =	shalt  }
0x68: {  	_ =	shalt  }
0x69: {  	_ =	shalt  }
0x6a: {  	_ =	shalt  }
0x6b: {  	_ =	shalt  }
0x6c: {  	_ =	shalt  }
0x6d: {  	_ =	shalt  }
0x6e: {  	_ =	shalt  }
0x6f: {  	_ =	shalt  }
0x70: {  	_ =	shalt  }
0x71: {  	_ =	shalt  }
0x72: {  	_ =	shalt  }
0x73: {  	_ =	shalt  }
0x74: {  	_ =	shalt  }
0x75: {  	_ =	shalt  }
0x76: {  	_ =	shalt  }
0x77: {  	_ =	shalt  }
0x78: {  	_ =	shalt  }
0x79: {  	_ =	shalt  }
0x7a: {  	_ =	shalt  }
0x7b: {  	_ =	shalt  }
0x7c: {  	_ =	shalt  }
0x7d: {  	_ =	shalt  }
0x7e: {  	_ =	shalt  }
0x7f: {  	_ =	shalt  }
0x80: {  	_ =	shalt  }
0x81: {  	_ =	shalt  }
0x82: {  	_ =	shalt  }
0x83: {  	_ =	shalt  }
0x84: {  	_ =	shalt  }
0x85: {  	_ =	shalt  }
0x86: {  	_ =	shalt  }
0x87: {  	_ =	shalt  }
.Lfunc_end0:
.L_simem_size_0:
called_computation.1_lowered:
.L_overlay_start_0:
0x88: {  	s2 =	sld [smem:$0x3FD9]  }
0x89: {  	s3 =	sld [smem:$0x3FFE];
	_ =	sdelay $0x1  }
0x8a: {  	s1 =	srdreg.scid  }
0x8b: {  	s0 =	sand.u32 $0x1, s1  }
0x8c: {  	s17 =	sshll.u32 s0, $0xA;
	s2 =	sadd.s32 s3, s2  }
0x8d: {  	s2 =	sadd.s32 s2, s17  }
0x8e: {  	[smem:$0x3FBB] =	sst s2  }
0x8f: {  	_ = 	snop  }
0x90: {  	s2 =	sld [smem:$0x3FC8]  }
0x91: {  	s18 =	sld [smem:$0x3FC7];
	(tm) =	ssettm $0x1  }
0x92: {  	s4 =	sld [smem:$0x3FFB];
	_ =	sdelay $0x3  }
0x93: {  	_ =	strace s4  }
0x94: {  	s4 =	sld [smem:$0x3FFC];
	_ =	sdelay $0x3  }
0x95: {  	_ =	strace s4  }
0x96: {  	s4 =	sld [smem:$0x3FFD];
	_ =	sdelay $0x3  }
0x97: {  	_ =	strace s4  }
0x98: {  	_ =	strace $0x8FFFFFFF  }
0x99: {  	s19 =	sld [smem:$0x3FDB];
	_ =	sdelay $0x1  }
0x9a: {  	s5 =	simm.s32 $_scs_section_size  }
0x9b: {  	s6 =	simm.s32 $_size__tile_overlayer_lowered;
	s7 =	simm.s32 $_tile_overlayer_lowered  }
0x9c: {  	s22 =	simm.s32 $0x1BFF;
	s21 =	sshll.u32 s7, $0x1;
	s4 =	sadd.s32 s5, s19  }
0x9d: {  	s8 =	simm.s32 $0x0;
	s20 =	sshll.u32 s6, $0x1;
	s6 =	sadd.s32 s21, s4  }
0x9e: {  	[timem:s8], [sflag:s22] =	dma.local [hbm:s6], s20  }
0x9f: {  	_ =	swait.ge [sflag:s22], s20  }
0xa0: {  	s5 =	ssub.s32 $0x0, s20;
	[sflag:s22] =	ssyncset.done $0x0  }
0xa1: {  	[sflag:s22] =	ssyncadd.s32 s5;
	_ =	sdelay $0x1  }
0xa2: {  	s23 =	simm.s32 $0x1B8B  }
0xa3: {  	_ =	swait.ge [sflag:s23], $0x1  }
0xa4: {  	[sflag:s23] =	ssyncset.done $0x0  }
0xa5: {  	s25 =	simm.s32 $0x1B8E;
	s24 =	sld [smem:$0x3FFE];
	[sflag:s23] =	ssyncadd.s32 $0xFFFFFFFF  }
0xa6: {  	s26 =	simm.s32 $execute0_lowered;
	[smem:$0x3FD2] =	sst s25  }
0xa7: {  	s6 =	sshll.u32 s26, $0x1;
	_ =	strace $0x80000049;
	[dreg:$0x1] =	wrdreg $0xFFFFFFFF  }
0xa8: {  	s28 =	simm.s32 $_size_execute0_lowered;
	s4 =	sadd.s32 s4, s6;
	[dreg:$0x0] =	wrdreg $0x0  }
0xa9: {  	s6 =	sshll.u32 s28, $0x1;
	[dreg:$0x2] =	wrdreg s4  }
0xaa: {  	[dreg:$0x3] =	wrdreg s6  }
0xab: {  	[dreg:$0x4] =	wrdreg $0xC0  }
0xac: {  	_ =	task [dreg:s8], $0x5FFFF  }
0xad: {  	[dreg:$0x1] =	wrdreg $0xFFFFFFFF  }
0xae: {  	[dreg:$0x0] =	wrdreg $0x60  }
0xaf: {  	[dreg:$0x2] =	wrdreg s24  }
0xb0: {  	[dreg:$0x3] =	wrdreg s2  }
0xb1: {  	[dreg:$0x4] =	wrdreg s18  }
0xb2: {  	[dreg:$0x5] =	wrdreg $0xDAC00  }
0xb3: {  	[dreg:$0x6] =	wrdreg $0x9  }
0xb4: {  	_ =	task.clear_ibuf [dreg:s8], $0x7FFFF;
	_ =	strace $0x90000049  }
0xb5: {  	s29 =	simm.s32 $0x9;
	_ =	strace $0x8000004B  }
0xb6: {  	_ =	swait.ge [sflag:s29], $0x1  }
0xb7: {  	[sflag:s29] =	ssyncadd.s32 $0xFFFFFFFF  }
0xb8: {  	_ =	strace $0x9000004B  }
0xb9: {  	_ =	sfence  }
0xba: {  	s30 =	sld [smem:$0x0];
	_ =	sdelay $0x2  }
0xbb: {  	s31 =	sshll.u32 s1, $0xD;
	s1 =	sshrl.u32 s1, $0x2  }
0xbc: {  	s3 =	sand.u32 $0x4000, s31;
	s1 =	sadd.s32 s1, s30  }
0xbd: {  	s0 =	sor.u32 s3, s0;
	s1 =	sshll.u32 s1, $0x11  }
0xbe: {  	s0 =	sor.u32 s1, s0  }
0xbf: {  	s0 =	sadd.s32 $0x8F2B, s0  }
0xc0: {  	[sflag:s0] =	ssyncadd.remote.s32 $0x1  }
0xc1: {  	_ =	sfence.sel $0xFFFF  }
0xc2: {  	[dreg:$0x0] =	wrdreg $0xFFFFFFFF;
	(pc) =	sbr.abs _section_cstart, $3  }
0xc3: {  	[dreg:$0x1] =	wrdreg $0xFFFFFFFF  }
0xc4: {  	_ =	task.clear_ibuf [dreg:s8], $0x2FFFF;
	_ =	strace $0x9FFFFFFF  }
0xc5: {  	(tm) =	ssettm $0x7FFFFFFF  }
tec
execute0_lowered:
.L_overlay_start_1:
0x0: {  	(tag) =	ssettag $0x1  }
0x1: {  	s7 =	rddreg [dreg:$0x0]  }
0x2: {  	s11 =	rddreg [dreg:$0x1]  }
0x3: {  	s12 =	rddreg [dreg:$0x2]  }
0x4: {  	s2 =	rddreg [dreg:$0x3]  }
0x5: {  	s0 =	rddreg [dreg:$0x4];
	s3 =	simm.s32 $0x0  }
0x6: {  	s1 =	stileid.u32;
	s6 =	srdreg.scid;
	s17 =	simm.s32 $0x9C40  }
0x7: {  	s18 =	simm.s32 $0x0;
	[smem:$0x7FF] =	sst s3;
	s8 =	smul.u32 $0x7D00, s1  }
0x8: {  	s4 =	sadd.s32 $0x8A00, s7;
	s5 =	sadd.s32 $0xDA00, s7;
	s16 =	sand.u32 $0x1, s6  }
0x9: {  	s13 =	smul.u32 $0x1F400, s1;
	s6 =	sadd.s32 $0x17800, s7;
	p0 =	slt.u32 s1, $0xA  }
0xa: {  	p2 =	slt.u32 s1, $0x5;
	s31 =	smul.u32 $0x9C4, s1;
	p3 =	sgt.u32 s1, $0x9  }
0xb: {  	_ =	strace $0x8000004A;
	s10 =	ssub.s32 $0x2, s16;
	p1 =	seq.s32 s16, $0x0  }
0xc: {  	s15 =	sshll.u32 @!p3 s1, $0x6;
	p4 =	sne.s32 s16, $0x0;
	s9 =	sshrl.u32 s8, $0x3  }
0xd: {  	s30 =	sshrl.u32 s10, $0x1;
	s13 =	sshrl.u32 s13, $0x2;
	p1 =	por !p1, !p0  }
0xe: {  	p0 =	seq.s32 s16, $0x1;
	s8 =	sadd.s32 s8, s2;
	s11 =	sadd.s32 s31, s11  }
.Ltmp0:
0xf: {  	s12 =	sadd.s32 s31, s12;
	s16 =	simm.s32 $0x3E8;
	(pc) =	sbr.rel .LBB2_1-.Ltmp0, $4  }
0x10: {  	s9 =	sadd.s32 s9, s7;
	s10 =	ssub.s32 s10, s30;
	s14 =	sadd.s32 s13, s2  }
0x11: {  	p1 =	por !p1, !p1;
	p2 =	por !p2, !p0;
	s13 =	sor.u32 @!p3 $0x1C01, s15  }
0x12: {  	s15 =	simm.s32 $0x1;
	s7 =	sadd.s32 $0x92C00, s9;
	p2 =	por !p2, !p2  }
0x13: {  	s9 =	sadd.s32 $0x8DC00, s9;
	s10 =	smax.u32 s10, $0x1;
	s14 =	sshrl.u32 @!p3 s14, $0x3  }
.LBB2_12:
0x14: {  	s20 =	sadd.s32 $0x4E20, s19;
	[sflag:s15] =	ssyncadd.s32 $0xFFFFC180  }
0x15: {  	[tilespmem:s17], [sflag:$0x1] =	stream.indirect.gather [hbm4b:s5+s16], $0x10, s20, s16, $0xb8;
	[tilespmem:$0x128E0] =	vst v63  }
0x16: {  	_ =	swait.ge [sflag:s15], $0x3E80  }
0x17: {  	[sflag:s15] =	ssyncset.done $0x0  }
0x18: {  	[sflag:s15] =	ssyncadd.s32 $0xFFFFC180  }
0x19: {  	[spmem:s2] =	stream.indirect.scatter.add.f32 [tilespmem:s17], [sflag:$0x1], $0x10, s19, s16, $0xb8;
	[tilespmem:$0x128E0] =	vst v63  }
0x1a: {  	_ =	swait.ge [sflag:s15], $0x3E80  }
0x1b: {  	[sflag:s15] =	ssyncset.done $0x0  }
0x1c: {  	[sflag:s15] =	ssyncadd.s32 $0xFFFFC180  }
.LBB2_13:
0x1d: {  	s19 =	sshll.u32 @p1 s1, $0x6  }
0x1e: {  	[bflag:$0x0] =	sbarrier.arrive $0xFFFF;
	s20 =	sshrl.u32 @p1 s8, $0x3;
	s19 =	sor.u32 @p1 $0x1C01, s19  }
0x1f: {  	[hbm:s7], [sflag:s19] =	dma.local @p1 [spmem:s20], $0xFA0  }
0x20: {  	s19 =	simm.s32 @p1 $0x1  }
0x21: {  	s18 =	sadd.s32 $0x1, s18;
	_ =	swait.ge @p1 [sflag:s19], $0xFA0  }
0x22: {  	p5 =	sne.s32 s18, s10;
	s20 =	sshll.u32 @p2 s1, $0x6;
	[sflag:s19] =	ssyncset.done @p1 $0x0  }
0x23: {  	[sflag:s19] =	ssyncadd.s32 @p1 $0xFFFFF060;
	s19 =	sor.u32 @p2 $0x1C01, s20;
	s20 =	sshrl.u32 @p2 s8, $0x3  }
0x24: {  	[hbm:s9], [sflag:s19] =	dma.local @p2 [spmem:s20], $0xFA0  }
.Ltmp1:
0x25: {  	_ = 	snop;
	(pc) =	sbr.rel @!p5 .LBB2_14-.Ltmp1, $4  }
0x26: {  	s19 =	simm.s32 @p2 $0x1  }
0x27: {  	_ =	swait.ge @p2 [sflag:s19], $0xFA0  }
0x28: {  	[sflag:s19] =	ssyncset.done @p2 $0x0  }
0x29: {  	[sflag:s19] =	ssyncadd.s32 @p2 $0xFFFFF060  }
.LBB2_1:
0x2a: {  	[spmem:s14], [sflag:s13] =	dma.local @!p3 [hbm:s6], $0xFA0  }
0x2b: {  	s19 =	simm.s32 @!p3 $0x1  }
0x2c: {  	_ =	swait.ge @!p3 [sflag:s19], $0xFA0  }
0x2d: {  	[sflag:s19] =	ssyncset.done @!p3 $0x0  }
0x2e: {  	s20 =	simm.s32 $0x0;
	[sflag:s19] =	ssyncadd.s32 @!p3 $0xFFFFF060;
	s19 =	simm.s32 $0x0  }
.LBB2_2:
0x2f: {  	p5 =	sne.s32 s20, $0x947  }
.Ltmp2:
0x30: {  	s21 =	sadd.s32 s20, s11;
	s22 =	simm.s32 $0x0;
	(pc) =	sbr.rel @p5 .LBB2_2-.Ltmp2, $4  }
0x31: {  	[tilespmem:s19], [sflag:$0x1] =	stream.linear.gather [hbm4b:s21+s22], $0x3E8, $0x38;
	[tilespmem:$0x128E0] =	vst v63  }
0x32: {  	_ =	swait.ge [sflag:s15], $0x3E8  }
0x33: {  	[sflag:s15] =	ssyncset.done $0x0  }
0x34: {  	s20 =	sadd.s32 $0x7D, s20;
	s19 =	sadd.s32 $0x3E8, s19;
	[sflag:s15] =	ssyncadd.s32 $0xFFFFFC18  }
0x35: {  	s19 =	simm.s32 $0x4E20;
	s20 =	sadd.s32 $0x0, s12  }
0x36: {  	[tilespmem:s19], [sflag:$0x1] =	stream.linear.gather [hbm4b:s20+s3], $0x3E8, $0x38;
	[tilespmem:$0x128E0] =	vst v63  }
0x37: {  	_ =	swait.ge [sflag:s15], $0x3E8  }
0x38: {  	s20 =	simm.s32 $0x7D;
	[sflag:s15] =	ssyncset.done $0x0  }
.LBB2_4:
0x39: {  	s21 =	sadd.s32 s20, s12  }
0x3a: {  	[sflag:s15] =	ssyncadd.s32 $0xFFFFFC18;
	s19 =	sadd.s32 $0x3E8, s19;
	p5 =	sne.s32 s20, $0x947  }
0x3b: {  	[tilespmem:s19], [sflag:$0x1] =	stream.linear.gather [hbm4b:s21+s3], $0x3E8, $0x38;
	[tilespmem:$0x128E0] =	vst v63  }
.Ltmp3:
0x3c: {  	_ = 	snop;
	(pc) =	sbr.rel @p5 .LBB2_4-.Ltmp3, $4  }
0x3d: {  	_ = 	snop  }
0x3e: {  	s20 =	sadd.s32 $0x7D, s20  }
0x3f: {  	_ =	swait.ge [sflag:s15], $0x3E8  }
0x40: {  	[sflag:s15] =	ssyncset.done $0x0  }
.Ltmp4:
0x41: {  	(pc) =	sbr.rel @p4 .LBB2_9-.Ltmp4, $3  }
0x42: {  	_ = 	snop  }
0x43: {  	[sflag:s15] =	ssyncadd.s32 $0xFFFFFC18  }
0x44: {  	[bflag:$0x0] =	sbarrier.arrive $0xFFFF;
	_ =	sdelay $0x1  }
0x45: {  	s19 =	simm.s32 $0x0  }
0x46: {  	[tilespmem:s17], [sflag:$0x1] =	stream.indirect.gather [hbm4b:s4+s16], $0x10, s19, s16, $0xb8;
	[tilespmem:$0x128E0] =	vst v63  }
0x47: {  	_ =	swait.ge [sflag:s15], $0x3E80  }
0x48: {  	[sflag:s15] =	ssyncset.done $0x0  }
0x49: {  	s31 =	simm.s32 $0x4E20;
	[sflag:s15] =	ssyncadd.s32 $0xFFFFC180  }
0x4a: {  	[spmem:s2] =	stream.indirect.scatter.add.f32 [tilespmem:s17], [sflag:$0x1], $0x10, s31, s16, $0xb8;
	[tilespmem:$0x128E0] =	vst v63  }
0x4b: {  	_ =	swait.ge [sflag:s15], $0x3E80  }
0x4c: {  	s20 =	simm.s32 $0x1F40;
	s19 =	simm.s32 $0xFA0;
	[sflag:s15] =	ssyncset.done $0x0  }
.LBB2_7:
0x4d: {  	s21 =	sshra.s32 s19, $0x2  }
0x4e: {  	[sflag:s15] =	ssyncadd.s32 $0xFFFFC180;
	s19 =	smov.u32 s20;
	s22 =	sadd.s32 $0xFA0, s20  }
0x4f: {  	[tilespmem:s17], [sflag:$0x1] =	stream.indirect.gather [hbm4b:s4+s16], $0x10, s21, s16, $0xb8;
	[tilespmem:$0x128E0] =	vst v63  }
0x50: {  	p5 =	sne.s32 s20, $0x128E0;
	_ =	swait.ge [sflag:s15], $0x3E80  }
.Ltmp5:
0x51: {  	[sflag:s15] =	ssyncset.done $0x0;
	(pc) =	sbr.rel @p5 .LBB2_7-.Ltmp5, $4  }
0x52: {  	s20 =	sadd.s32 $0x4E20, s21;
	[sflag:s15] =	ssyncadd.s32 $0xFFFFC180  }
0x53: {  	[spmem:s2] =	stream.indirect.scatter.add.f32 [tilespmem:s17], [sflag:$0x1], $0x10, s20, s16, $0xb8;
	[tilespmem:$0x128E0] =	vst v63  }
0x54: {  	_ =	swait.ge [sflag:s15], $0x3E80  }
0x55: {  	s20 =	smov.u32 s22;
	[sflag:s15] =	ssyncset.done $0x0  }
0x56: {  	s19 =	sshra.s32 s19, $0x2;
	[sflag:s15] =	ssyncadd.s32 $0xFFFFC180  }
0x57: {  	[tilespmem:s17], [sflag:$0x1] =	stream.indirect.gather [hbm4b:s4+s16], $0x10, s19, s16, $0xb8;
	[tilespmem:$0x128E0] =	vst v63  }
0x58: {  	_ =	swait.ge [sflag:s15], $0x3E80  }
0x59: {  	[sflag:s15] =	ssyncset.done $0x0  }
0x5a: {  	s19 =	sadd.s32 $0x4E20, s19;
	[sflag:s15] =	ssyncadd.s32 $0xFFFFC180  }
0x5b: {  	[spmem:s2] =	stream.indirect.scatter.add.f32 [tilespmem:s17], [sflag:$0x1], $0x10, s19, s16, $0xb8;
	[tilespmem:$0x128E0] =	vst v63  }
0x5c: {  	_ =	swait.ge [sflag:s15], $0x3E80  }
0x5d: {  	[sflag:s15] =	ssyncset.done $0x0  }
0x5e: {  	[sflag:s15] =	ssyncadd.s32 $0xFFFFC180  }
.LBB2_9:
.Ltmp6:
0x5f: {  	(pc) =	sbr.rel @!p0 .LBB2_13-.Ltmp6, $1  }
0x60: {  	_ =	sdelay $0x3  }
0x61: {  	s19 =	simm.s32 $0x4E20  }
0x62: {  	[tilespmem:s17], [sflag:$0x1] =	stream.indirect.gather [hbm4b:s5+s16], $0x10, s19, s16, $0xb8;
	[tilespmem:$0x128E0] =	vst v63  }
0x63: {  	_ =	swait.ge [sflag:s15], $0x3E80  }
0x64: {  	[sflag:s15] =	ssyncset.done $0x0  }
0x65: {  	s31 =	simm.s32 $0x0;
	[sflag:s15] =	ssyncadd.s32 $0xFFFFC180  }
0x66: {  	[spmem:s2] =	stream.indirect.scatter.add.f32 [tilespmem:s17], [sflag:$0x1], $0x10, s31, s16, $0xb8;
	[tilespmem:$0x128E0] =	vst v63  }
0x67: {  	_ =	swait.ge [sflag:s15], $0x3E80  }
0x68: {  	s20 =	simm.s32 $0x1F40;
	s19 =	simm.s32 $0x3E8;
	[sflag:s15] =	ssyncset.done $0x0  }
.LBB2_11:
0x69: {  	s21 =	sadd.s32 $0x4E20, s19  }
0x6a: {  	[sflag:s15] =	ssyncadd.s32 $0xFFFFC180;
	s22 =	smov.u32 s20;
	s23 =	sadd.s32 $0xFA0, s20  }
0x6b: {  	[tilespmem:s17], [sflag:$0x1] =	stream.indirect.gather [hbm4b:s5+s16], $0x10, s21, s16, $0xb8;
	[tilespmem:$0x128E0] =	vst v63  }
0x6c: {  	p5 =	sne.s32 s20, $0x128E0;
	_ =	swait.ge [sflag:s15], $0x3E80  }
.Ltmp7:
0x6d: {  	[sflag:s15] =	ssyncset.done $0x0;
	(pc) =	sbr.rel @p5 .LBB2_11-.Ltmp7, $4  }
0x6e: {  	[sflag:s15] =	ssyncadd.s32 $0xFFFFC180  }
0x6f: {  	[spmem:s2] =	stream.indirect.scatter.add.f32 [tilespmem:s17], [sflag:$0x1], $0x10, s19, s16, $0xb8;
	[tilespmem:$0x128E0] =	vst v63  }
0x70: {  	_ =	swait.ge [sflag:s15], $0x3E80  }
0x71: {  	s20 =	smov.u32 s23;
	s19 =	sshra.s32 s22, $0x2;
	[sflag:s15] =	ssyncset.done $0x0  }
.Ltmp8:
0x72: {  	_ = 	snop;
	(pc) =	sbr.rel .LBB2_12-.Ltmp8, $1  }
0x73: {  	_ =	sdelay $0x3  }
.LBB2_14:
0x74: {  	_ =	sfence.sel $0x180000  }
0x75: {  	[bflag:$0x0] =	sbarrier.arrive $0xFFFF  }
0x76: {  	p0 =	sne.s32 s1, $0x0;
	_ =	strace $0x9000004A  }
0x77: {  	s0 =	sadd.s32 @!p0 $0x100000, s0;
	[bflag:$0x2] =	sbarrier.arrive $0xFFFF  }
0x78: {  	[sflag:s0] =	ssyncadd.tile.s32 @!p0 $0x1;
	_ =	shalt  }
.Lfunc_end2:
_tile_overlayer_lowered:
.L_overlay_start_2:
0x79: {  	(tag) =	ssettag $0x2  }
0x7a: {  	s0 =	rddreg [dreg:$0x0];
	s2 =	stileid.u32  }
0x7b: {  	s1 =	rddreg [dreg:$0x1];
	p0 =	sne.s32 s2, $0x0  }
0x7c: {  	s3 =	rddreg [dreg:$0x2];
	[bflag:$0x3] =	sbarrier.arrive $0xFFFF;
	s2 =	simm.s32 @!p0 $0x1C01  }
0x7d: {  	[timem:s3], [sflag:s2] =	dma.local @!p0 [hbm:s0], s1  }
0x7e: {  	s0 =	simm.s32 @!p0 $0x1  }
0x7f: {  	_ =	swait.ge @!p0 [sflag:s0], s1  }
0x80: {  	s1 =	ssub.s32 @!p0 $0x0, s1;
	[sflag:s0] =	ssyncset.done @!p0 $0x0  }
0x81: {  	[sflag:s0] =	ssyncadd.s32 @!p0 s1  }
0x82: {  	[bflag:$0x3] =	sbarrier.arrive $0xFFFF  }
0x83: {  	_ =	shalt  }

// kernel: kernel.20.cloned.1.call-start
scs
__scs_entry_jumppad:
0x0: {  	(pc) =	sbr.rel $0x88, $3  }
0x1: {  	(tag) =	ssettag $0x0;
	lr =	simm.s32 $0x1  }
0x2: {  	[smem:$0x3F94] =	sst lr;
	_ =	strace $0xD0000000  }
0x3: {  	_ = 	snop  }
0x4: {  	_ = 	snop  }
0x5: {  	_ = 	snop  }
0x6: {  	_ = 	snop  }
0x7: {  	_ = 	snop  }
__scs_overlays_trampoline_lowered:
0x8: {  	[smem:$0x3FA3] =	sst s0  }
0x9: {  	[smem:$0x3FA4] =	sst s1  }
0xa: {  	[smem:$0x3FA5] =	sst s2  }
0xb: {  	[smem:$0x3FA6] =	sst s3  }
0xc: {  	[smem:$0x3FA7] =	sst s4  }
0xd: {  	[smem:$0x3FA8] =	sst s5  }
0xe: {  	[smem:$0x3FA9] =	sst s6  }
0xf: {  	[smem:$0x3FAA] =	sst s7  }
0x10: {  	[smem:$0x3FAB] =	sst s8  }
0x11: {  	[smem:$0x3FAC] =	sst s9;
	s0 =	simm.s32 @!p0 $0x0  }
0x12: {  	s1 =	sld [smem:$0x3F92];
	s0 =	simm.s32 @p0 $0x1  }
0x13: {  	[smem:$0x3FAD] =	sst s0;
	s0 =	simm.s32 @!p1 $0x0  }
0x14: {  	s2 =	sld [smem:$0x3F91];
	s0 =	simm.s32 @p1 $0x1  }
0x15: {  	[smem:$0x3FAE] =	sst s0;
	s0 =	simm.s32 @!p2 $0x0  }
0x16: {  	s3 =	sld [smem:$0x3FDB];
	s0 =	simm.s32 @p2 $0x1  }
0x17: {  	s4 =	simm.s32 $0x1BF5;
	[smem:$0x3FB0] =	sst s0  }
0x18: {  	s0 =	sld [smem:$0x3F93];
	_ =	swait.ge [sflag:s4], $0x0  }
0x19: {  	s7 =	sld [smem:$0x3F94]  }
0x1a: {  	s8 =	sadd.s32 $0xFFFFE003, lr  }
0x1b: {  	s9 =	sadd.s32 $0xFFFFFEF7, lr;
	s5 =	simm.s32 $0xFFFFFFFF;
	p2 =	slt.u32 s8, $0xFFFFF086  }
0x1c: {  	p1 =	slt.u32 s9, $0xF7A;
	s5 =	simm.s32 @!p2 $0x0  }
0x1d: {  	s5 =	simm.s32 @p1 $0x1;
	p0 =	seq.s32 s7, s2  }
0x1e: {  	s7 =	smul.u32 @!p0 $0xF7A, s2;
	p2 =	seq.s32 @!p0 s5, $0x0  }
0x1f: {  	s9 =	smul.u32 $0xF7A, s1;
	s8 =	simm.s32 @!p0 $0x1BF5;
	p2 =	por !p2, p0  }
0x20: {  	[sflag:s8] =	ssyncset.s32 @!p0 $0xFFFFF086;
	s6 =	sadd.s32 @!p0 s3, s7;
	s7 =	simm.s32 @!p0 $0x108  }
0x21: {  	s3 =	sadd.s32 s3, s9;
	s6 =	sadd.s32 @!p0 $0x88, s6;
	s7 =	simm.s32 @p2 $0x1082  }
0x22: {  	[simem:s7], [sflag:s8] =	dma.local @!p0 [hbm:s6], $0xF7A  }
0x23: {  	s9 =	sor.u32 $0xD0000000, s2;
	s6 =	simm.s32 $0x108;
	_ =	swait.ge @!p0 [sflag:s8], $0x0  }
0x24: {  	s3 =	sadd.s32 $0x88, s3;
	s6 =	simm.s32 @!p1 $0x1082;
	[sflag:s4] =	ssyncset.s32 $0xFFFFF086  }
0x25: {  	[simem:s6], [sflag:s4] =	dma.local [hbm:s3], $0xF7A  }
0x26: {  	[smem:$0x3F94] =	sst s1;
	(tag) =	ssettag s2;
	_ =	strace s9  }
0x27: {  	s1 =	sld [smem:$0x3FA4]  }
0x28: {  	s2 =	sld [smem:$0x3FA5]  }
0x29: {  	s4 =	sld [smem:$0x3FA7]  }
0x2a: {  	p0 =	seq.s32 s5, $0x0;
	s5 =	sld [smem:$0x3FA8]  }
0x2b: {  	s6 =	sld [smem:$0x3FA9]  }
0x2c: {  	s7 =	sld [smem:$0x3FAA]  }
0x2d: {  	s3 =	simm.s32 $0x108;
	s8 =	sld [smem:$0x3FAB]  }
0x2e: {  	s3 =	simm.s32 @!p0 $0x1082;
	s9 =	sld [smem:$0x3FAC]  }
0x2f: {  	lr =	sadd.s32 s0, s3;
	s0 =	sld [smem:$0x3FA3]  }
0x30: {  	s3 =	sld [smem:$0x3FA6]  }
0x31: {  	[smem:$0x3FAF] =	sst s10  }
0x32: {  	s10 =	sld [smem:$0x3FAD];
	_ =	sdelay $0x3  }
0x33: {  	p0 =	seq.s32 s10, $0x1;
	s10 =	sld [smem:$0x3FAF];
	_ =	sdelay $0x3  }
0x34: {  	[smem:$0x3FAF] =	sst s10  }
0x35: {  	s10 =	sld [smem:$0x3FAE];
	_ =	sdelay $0x3  }
0x36: {  	p1 =	seq.s32 s10, $0x1;
	s10 =	sld [smem:$0x3FAF];
	_ =	sdelay $0x3  }
0x37: {  	[smem:$0x3FAF] =	sst s10  }
0x38: {  	s10 =	sld [smem:$0x3FB0]  }
0x39: {  	_ = 	snop;
	(pc) =	sbr.ind lr, $3  }
0x3a: {  	_ = 	snop  }
0x3b: {  	_ = 	snop  }
0x3c: {  	p2 =	seq.s32 s10, $0x1;
	s10 =	sld [smem:$0x3FAF]  }
0x3d: {  	_ =	shalt  }
0x3e: {  	_ =	shalt  }
0x3f: {  	_ =	shalt  }
0x40: {  	_ =	shalt  }
0x41: {  	_ =	shalt  }
0x42: {  	_ =	shalt  }
0x43: {  	_ =	shalt  }
0x44: {  	_ =	shalt  }
0x45: {  	_ =	shalt  }
0x46: {  	_ =	shalt  }
0x47: {  	_ =	shalt  }
0x48: {  	_ =	shalt  }
0x49: {  	_ =	shalt  }
0x4a: {  	_ =	shalt  }
0x4b: {  	_ =	shalt  }
0x4c: {  	_ =	shalt  }
0x4d: {  	_ =	shalt  }
0x4e: {  	_ =	shalt  }
0x4f: {  	_ =	shalt  }
0x50: {  	_ =	shalt  }
0x51: {  	_ =	shalt  }
0x52: {  	_ =	shalt  }
0x53: {  	_ =	shalt  }
0x54: {  	_ =	shalt  }
0x55: {  	_ =	shalt  }
0x56: {  	_ =	shalt  }
0x57: {  	_ =	shalt  }
0x58: {  	_ =	shalt  }
0x59: {  	_ =	shalt  }
0x5a: {  	_ =	shalt  }
0x5b: {  	_ =	shalt  }
0x5c: {  	_ =	shalt  }
0x5d: {  	_ =	shalt  }
0x5e: {  	_ =	shalt  }
0x5f: {  	_ =	shalt  }
0x60: {  	_ =	shalt  }
0x61: {  	_ =	shalt  }
0x62: {  	_ =	shalt  }
0x63: {  	_ =	shalt  }
0x64: {  	_ =	shalt  }
0x65: {  	_ =	shalt  }
0x66: {  	_ =	shalt  }
0x67: {  	_ =	shalt  }
0x68: {  	_ =	shalt  }
0x69: {  	_ =	shalt  }
0x6a: {  	_ =	shalt  }
0x6b: {  	_ =	shalt  }
0x6c: {  	_ =	shalt  }
0x6d: {  	_ =	shalt  }
0x6e: {  	_ =	shalt  }
0x6f: {  	_ =	shalt  }
0x70: {  	_ =	shalt  }
0x71: {  	_ =	shalt  }
0x72: {  	_ =	shalt  }
0x73: {  	_ =	shalt  }
0x74: {  	_ =	shalt  }
0x75: {  	_ =	shalt  }
0x76: {  	_ =	shalt  }
0x77: {  	_ =	shalt  }
0x78: {  	_ =	shalt  }
0x79: {  	_ =	shalt  }
0x7a: {  	_ =	shalt  }
0x7b: {  	_ =	shalt  }
0x7c: {  	_ =	shalt  }
0x7d: {  	_ =	shalt  }
0x7e: {  	_ =	shalt  }
0x7f: {  	_ =	shalt  }
0x80: {  	_ =	shalt  }
0x81: {  	_ =	shalt  }
0x82: {  	_ =	shalt  }
0x83: {  	_ =	shalt  }
0x84: {  	_ =	shalt  }
0x85: {  	_ =	shalt  }
0x86: {  	_ =	shalt  }
0x87: {  	_ =	shalt  }
.Lfunc_end0:
.L_simem_size_0:
called_computation.2_lowered:
.L_overlay_start_0:
0x88: {  	s2 =	sld [smem:$0x3FD9]  }
0x89: {  	s3 =	sld [smem:$0x3FFE];
	_ =	sdelay $0x1  }
0x8a: {  	s1 =	srdreg.scid  }
0x8b: {  	s0 =	sand.u32 $0x1, s1  }
0x8c: {  	s17 =	sshll.u32 s0, $0xA;
	s2 =	sadd.s32 s3, s2  }
0x8d: {  	s2 =	sadd.s32 s2, s17  }
0x8e: {  	[smem:$0x3FBB] =	sst s2  }
0x8f: {  	_ = 	snop  }
0x90: {  	s2 =	sld [smem:$0x3FC8]  }
0x91: {  	s18 =	sld [smem:$0x3FC7];
	(tm) =	ssettm $0x1  }
0x92: {  	s4 =	sld [smem:$0x3FFB];
	_ =	sdelay $0x3  }
0x93: {  	_ =	strace s4  }
0x94: {  	s4 =	sld [smem:$0x3FFC];
	_ =	sdelay $0x3  }
0x95: {  	_ =	strace s4  }
0x96: {  	s4 =	sld [smem:$0x3FFD];
	_ =	sdelay $0x3  }
0x97: {  	_ =	strace s4  }
0x98: {  	_ =	strace $0x8FFFFFFF  }
0x99: {  	s19 =	sld [smem:$0x3FDB];
	_ =	sdelay $0x1  }
0x9a: {  	s5 =	simm.s32 $_scs_section_size  }
0x9b: {  	s6 =	simm.s32 $_size__tile_overlayer_lowered;
	s7 =	simm.s32 $_tile_overlayer_lowered  }
0x9c: {  	s22 =	simm.s32 $0x1BFF;
	s21 =	sshll.u32 s7, $0x1;
	s4 =	sadd.s32 s5, s19  }
0x9d: {  	s8 =	simm.s32 $0x0;
	s20 =	sshll.u32 s6, $0x1;
	s6 =	sadd.s32 s21, s4  }
0x9e: {  	[timem:s8], [sflag:s22] =	dma.local [hbm:s6], s20  }
0x9f: {  	_ =	swait.ge [sflag:s22], s20  }
0xa0: {  	s5 =	ssub.s32 $0x0, s20;
	[sflag:s22] =	ssyncset.done $0x0  }
0xa1: {  	[sflag:s22] =	ssyncadd.s32 s5;
	_ =	sdelay $0x1  }
0xa2: {  	s23 =	simm.s32 $0x1B8B  }
0xa3: {  	_ =	swait.ge [sflag:s23], $0x1  }
0xa4: {  	[sflag:s23] =	ssyncset.done $0x0  }
0xa5: {  	s25 =	simm.s32 $0x1B8E;
	s24 =	sld [smem:$0x3FFE];
	[sflag:s23] =	ssyncadd.s32 $0xFFFFFFFF  }
0xa6: {  	s26 =	simm.s32 $execute0_lowered;
	[smem:$0x3FD2] =	sst s25  }
0xa7: {  	s6 =	sshll.u32 s26, $0x1;
	_ =	strace $0x8000004C;
	[dreg:$0x1] =	wrdreg $0xFFFFFFFF  }
0xa8: {  	s28 =	simm.s32 $_size_execute0_lowered;
	s4 =	sadd.s32 s4, s6;
	[dreg:$0x0] =	wrdreg $0x0  }
0xa9: {  	s6 =	sshll.u32 s28, $0x1;
	[dreg:$0x2] =	wrdreg s4  }
0xaa: {  	[dreg:$0x3] =	wrdreg s6  }
0xab: {  	[dreg:$0x4] =	wrdreg $0xC0  }
0xac: {  	_ =	task [dreg:s8], $0x5FFFF  }
0xad: {  	[dreg:$0x1] =	wrdreg $0xFFFFFFFF  }
0xae: {  	[dreg:$0x0] =	wrdreg $0x60  }
0xaf: {  	[dreg:$0x2] =	wrdreg s24  }
0xb0: {  	[dreg:$0x3] =	wrdreg s2  }
0xb1: {  	[dreg:$0x4] =	wrdreg s18  }
0xb2: {  	[dreg:$0x5] =	wrdreg $0x119400  }
0xb3: {  	[dreg:$0x6] =	wrdreg $0x9  }
0xb4: {  	_ =	task.clear_ibuf [dreg:s8], $0x7FFFF;
	_ =	strace $0x9000004C  }
0xb5: {  	s29 =	simm.s32 $0x9;
	_ =	strace $0x8000004E  }
0xb6: {  	_ =	swait.ge [sflag:s29], $0x1  }
0xb7: {  	[sflag:s29] =	ssyncadd.s32 $0xFFFFFFFF  }
0xb8: {  	_ =	strace $0x9000004E  }
0xb9: {  	_ =	sfence  }
0xba: {  	s30 =	sld [smem:$0x0];
	_ =	sdelay $0x2  }
0xbb: {  	s31 =	sshll.u32 s1, $0xD;
	s1 =	sshrl.u32 s1, $0x2  }
0xbc: {  	s3 =	sand.u32 $0x4000, s31;
	s1 =	sadd.s32 s1, s30  }
0xbd: {  	s0 =	sor.u32 s3, s0;
	s1 =	sshll.u32 s1, $0x11  }
0xbe: {  	s0 =	sor.u32 s1, s0  }
0xbf: {  	s0 =	sadd.s32 $0x8F2B, s0  }
0xc0: {  	[sflag:s0] =	ssyncadd.remote.s32 $0x1  }
0xc1: {  	_ =	sfence.sel $0xFFFF  }
0xc2: {  	[dreg:$0x0] =	wrdreg $0xFFFFFFFF;
	(pc) =	sbr.abs _section_cstart, $3  }
0xc3: {  	[dreg:$0x1] =	wrdreg $0xFFFFFFFF  }
0xc4: {  	_ =	task.clear_ibuf [dreg:s8], $0x2FFFF;
	_ =	strace $0x9FFFFFFF  }
0xc5: {  	(tm) =	ssettm $0x7FFFFFFF  }
tec
execute0_lowered:
.L_overlay_start_1:
0x0: {  	(tag) =	ssettag $0x1  }
0x1: {  	s9 =	rddreg [dreg:$0x0]  }
0x2: {  	s16 =	rddreg [dreg:$0x1]  }
0x3: {  	s17 =	rddreg [dreg:$0x2]  }
0x4: {  	s1 =	rddreg [dreg:$0x3]  }
0x5: {  	s0 =	rddreg [dreg:$0x4];
	s3 =	simm.s32 $0x0  }
0x6: {  	s2 =	stileid.u32;
	s6 =	srdreg.scid;
	s20 =	simm.s32 $0x1  }
0x7: {  	s22 =	simm.s32 $0x9C40;
	s23 =	simm.s32 $0x0;
	[smem:$0x7FF] =	sst s3  }
0x8: {  	s4 =	sadd.s32 $0x7A400, s9;
	s5 =	sadd.s32 $0xB0400, s9;
	s11 =	smul.u32 $0xFA00, s2  }
0x9: {  	s21 =	sand.u32 $0x1, s6;
	s6 =	sadd.s32 $0x9CA00, s9;
	s7 =	sadd.s32 $0x66A00, s9  }
0xa: {  	s8 =	sadd.s32 $0x8DE00, s9;
	s31 =	smul.u32 $0x3E800, s2;
	p2 =	slt.u32 s2, $0xA  }
0xb: {  	s18 =	smul.u32 $0x9C4, s2;
	p3 =	sgt.u32 s2, $0x9;
	_ =	strace $0x8000004D  }
0xc: {  	s10 =	ssub.s32 $0x2, s21;
	p1 =	seq.s32 s21, $0x0;
	p0 =	seq.s32 s21, $0x1  }
0xd: {  	s19 =	sshll.u32 @!p3 s2, $0x6;
	p4 =	sne.s32 s21, $0x0;
	s21 =	simm.s32 $0x3E8  }
0xe: {  	s12 =	sshrl.u32 s11, $0x3;
	s13 =	sshrl.u32 s10, $0x1;
	p1 =	por !p1, !p2  }
0xf: {  	p2 =	por !p2, !p0;
	s11 =	sadd.s32 s11, s1;
	s16 =	sadd.s32 s18, s16  }
.Ltmp0:
0x10: {  	s17 =	sadd.s32 s18, s17;
	s18 =	sor.u32 @!p3 $0x1C01, s19;
	(pc) =	sbr.rel .LBB2_1-.Ltmp0, $4  }
0x11: {  	s14 =	sadd.s32 s12, s9;
	s15 =	ssub.s32 s10, s13;
	s9 =	sshrl.u32 s31, $0x2  }
0x12: {  	p1 =	por !p1, !p1;
	p2 =	por !p2, !p2;
	s9 =	sadd.s32 s9, s1  }
0x13: {  	s10 =	sadd.s32 $0xFEC00, s14;
	s12 =	sadd.s32 $0xEB200, s14;
	s13 =	sadd.s32 $0xD7800, s14  }
0x14: {  	s14 =	sadd.s32 $0xC3E00, s14;
	s15 =	smax.u32 s15, $0x1;
	s19 =	sshrl.u32 @!p3 s9, $0x3  }
.LBB2_24:
0x15: {  	s26 =	sshra.s32 s26, $0x2;
	[sflag:s20] =	ssyncadd.s32 $0xFFFF8300  }
0x16: {  	[tilespmem:s22], [sflag:$0x1] =	stream.indirect.gather [hbm4b:s7+s21], $0x20, s26, s21, $0xb8;
	[tilespmem:$0x1B580] =	vst v63  }
0x17: {  	_ =	swait.ge [sflag:s20], $0x7D00  }
0x18: {  	[sflag:s20] =	ssyncset.done $0x0  }
0x19: {  	s26 =	sadd.s32 $0x4E20, s26;
	[sflag:s20] =	ssyncadd.s32 $0xFFFF8300  }
0x1a: {  	[spmem:s1] =	stream.indirect.scatter.add.f32 [tilespmem:s22], [sflag:$0x1], $0x20, s26, s21, $0xb8;
	[tilespmem:$0x1B580] =	vst v63  }
0x1b: {  	_ =	swait.ge [sflag:s20], $0x7D00  }
0x1c: {  	[sflag:s20] =	ssyncset.done $0x0  }
0x1d: {  	[sflag:s20] =	ssyncadd.s32 $0xFFFF8300  }
.LBB2_25:
0x1e: {  	[bflag:$0x0] =	sbarrier.arrive $0xFFFF  }
0x1f: {  	[hbm:s13], [sflag:s24] =	dma.local @p1 [spmem:s25], $0x1F40  }
0x20: {  	s24 =	simm.s32 @p1 $0x1  }
0x21: {  	s23 =	sadd.s32 $0x1, s23;
	_ =	swait.ge @p1 [sflag:s24], $0x1F40  }
0x22: {  	s25 =	sshll.u32 @p2 s2, $0x6;
	p5 =	sne.s32 s23, s15;
	[sflag:s24] =	ssyncset.done @p1 $0x0  }
0x23: {  	[sflag:s24] =	ssyncadd.s32 @p1 $0xFFFFE0C0;
	s24 =	sor.u32 @p2 $0x1C01, s25;
	s25 =	sshrl.u32 @p2 s11, $0x3  }
0x24: {  	[hbm:s14], [sflag:s24] =	dma.local @p2 [spmem:s25], $0x1F40  }
.Ltmp1:
0x25: {  	_ = 	snop;
	(pc) =	sbr.rel @!p5 .LBB2_26-.Ltmp1, $4  }
0x26: {  	s24 =	simm.s32 @p2 $0x1  }
0x27: {  	_ =	swait.ge @p2 [sflag:s24], $0x1F40  }
0x28: {  	[sflag:s24] =	ssyncset.done @p2 $0x0  }
0x29: {  	[sflag:s24] =	ssyncadd.s32 @p2 $0xFFFFE0C0  }
.LBB2_1:
0x2a: {  	[spmem:s19], [sflag:s18] =	dma.local @!p3 [hbm:s8], $0x1F40  }
0x2b: {  	s24 =	simm.s32 @!p3 $0x1  }
0x2c: {  	_ =	swait.ge @!p3 [sflag:s24], $0x1F40  }
0x2d: {  	[sflag:s24] =	ssyncset.done @!p3 $0x0  }
0x2e: {  	s25 =	simm.s32 $0x0;
	[sflag:s24] =	ssyncadd.s32 @!p3 $0xFFFFE0C0;
	s24 =	simm.s32 $0x0  }
.LBB2_2:
0x2f: {  	p5 =	sne.s32 s25, $0x947  }
.Ltmp2:
0x30: {  	s26 =	sadd.s32 s25, s16;
	s28 =	simm.s32 $0x0;
	(pc) =	sbr.rel @p5 .LBB2_2-.Ltmp2, $4  }
0x31: {  	[tilespmem:s24], [sflag:$0x1] =	stream.linear.gather [hbm4b:s26+s28], $0x3E8, $0x38;
	[tilespmem:$0x1B580] =	vst v63  }
0x32: {  	_ =	swait.ge [sflag:s20], $0x3E8  }
0x33: {  	[sflag:s20] =	ssyncset.done $0x0  }
0x34: {  	s25 =	sadd.s32 $0x7D, s25;
	s24 =	sadd.s32 $0x3E8, s24;
	[sflag:s20] =	ssyncadd.s32 $0xFFFFFC18  }
0x35: {  	s24 =	simm.s32 $0x4E20;
	s25 =	sadd.s32 $0x0, s17  }
0x36: {  	[tilespmem:s24], [sflag:$0x1] =	stream.linear.gather [hbm4b:s25+s3], $0x3E8, $0x38;
	[tilespmem:$0x1B580] =	vst v63  }
0x37: {  	_ =	swait.ge [sflag:s20], $0x3E8  }
0x38: {  	s25 =	simm.s32 $0x7D;
	[sflag:s20] =	ssyncset.done $0x0  }
.LBB2_4:
0x39: {  	s26 =	sadd.s32 s25, s17  }
0x3a: {  	[sflag:s20] =	ssyncadd.s32 $0xFFFFFC18;
	s24 =	sadd.s32 $0x3E8, s24;
	p5 =	sne.s32 s25, $0x947  }
0x3b: {  	[tilespmem:s24], [sflag:$0x1] =	stream.linear.gather [hbm4b:s26+s3], $0x3E8, $0x38;
	[tilespmem:$0x1B580] =	vst v63  }
.Ltmp3:
0x3c: {  	_ = 	snop;
	(pc) =	sbr.rel @p5 .LBB2_4-.Ltmp3, $4  }
0x3d: {  	_ = 	snop  }
0x3e: {  	s25 =	sadd.s32 $0x7D, s25  }
0x3f: {  	_ =	swait.ge [sflag:s20], $0x3E8  }
0x40: {  	[sflag:s20] =	ssyncset.done $0x0  }
.Ltmp4:
0x41: {  	(pc) =	sbr.rel @p4 .LBB2_9-.Ltmp4, $3  }
0x42: {  	_ = 	snop  }
0x43: {  	[sflag:s20] =	ssyncadd.s32 $0xFFFFFC18  }
0x44: {  	[bflag:$0x0] =	sbarrier.arrive $0xFFFF;
	_ =	sdelay $0x1  }
0x45: {  	s24 =	simm.s32 $0x0  }
0x46: {  	[tilespmem:s22], [sflag:$0x1] =	stream.indirect.gather [hbm4b:s4+s21], $0x20, s24, s21, $0xb8;
	[tilespmem:$0x1B580] =	vst v63  }
0x47: {  	_ =	swait.ge [sflag:s20], $0x7D00  }
0x48: {  	[sflag:s20] =	ssyncset.done $0x0  }
0x49: {  	s31 =	simm.s32 $0x4E20;
	[sflag:s20] =	ssyncadd.s32 $0xFFFF8300  }
0x4a: {  	[spmem:s1] =	stream.indirect.scatter.add.f32 [tilespmem:s22], [sflag:$0x1], $0x20, s31, s21, $0xb8;
	[tilespmem:$0x1B580] =	vst v63  }
0x4b: {  	_ =	swait.ge [sflag:s20], $0x7D00  }
0x4c: {  	s25 =	simm.s32 $0x1F40;
	s24 =	simm.s32 $0xFA0;
	[sflag:s20] =	ssyncset.done $0x0  }
.LBB2_7:
0x4d: {  	s26 =	sshra.s32 s24, $0x2  }
0x4e: {  	[sflag:s20] =	ssyncadd.s32 $0xFFFF8300;
	s24 =	smov.u32 s25;
	s28 =	sadd.s32 $0xFA0, s25  }
0x4f: {  	[tilespmem:s22], [sflag:$0x1] =	stream.indirect.gather [hbm4b:s4+s21], $0x20, s26, s21, $0xb8;
	[tilespmem:$0x1B580] =	vst v63  }
0x50: {  	p5 =	sne.s32 s25, $0x128E0;
	_ =	swait.ge [sflag:s20], $0x7D00  }
.Ltmp5:
0x51: {  	[sflag:s20] =	ssyncset.done $0x0;
	(pc) =	sbr.rel @p5 .LBB2_7-.Ltmp5, $4  }
0x52: {  	s25 =	sadd.s32 $0x4E20, s26;
	[sflag:s20] =	ssyncadd.s32 $0xFFFF8300  }
0x53: {  	[spmem:s1] =	stream.indirect.scatter.add.f32 [tilespmem:s22], [sflag:$0x1], $0x20, s25, s21, $0xb8;
	[tilespmem:$0x1B580] =	vst v63  }
0x54: {  	_ =	swait.ge [sflag:s20], $0x7D00  }
0x55: {  	s25 =	smov.u32 s28;
	[sflag:s20] =	ssyncset.done $0x0  }
0x56: {  	s24 =	sshra.s32 s24, $0x2;
	[sflag:s20] =	ssyncadd.s32 $0xFFFF8300  }
0x57: {  	[tilespmem:s22], [sflag:$0x1] =	stream.indirect.gather [hbm4b:s4+s21], $0x20, s24, s21, $0xb8;
	[tilespmem:$0x1B580] =	vst v63  }
0x58: {  	_ =	swait.ge [sflag:s20], $0x7D00  }
0x59: {  	[sflag:s20] =	ssyncset.done $0x0  }
0x5a: {  	s24 =	sadd.s32 $0x4E20, s24;
	[sflag:s20] =	ssyncadd.s32 $0xFFFF8300  }
0x5b: {  	[spmem:s1] =	stream.indirect.scatter.add.f32 [tilespmem:s22], [sflag:$0x1], $0x20, s24, s21, $0xb8;
	[tilespmem:$0x1B580] =	vst v63  }
0x5c: {  	_ =	swait.ge [sflag:s20], $0x7D00  }
0x5d: {  	[sflag:s20] =	ssyncset.done $0x0  }
0x5e: {  	[sflag:s20] =	ssyncadd.s32 $0xFFFF8300  }
.LBB2_9:
.Ltmp6:
0x5f: {  	(pc) =	sbr.rel @!p0 .LBB2_13-.Ltmp6, $1  }
0x60: {  	_ =	sdelay $0x3  }
0x61: {  	s24 =	simm.s32 $0x0  }
0x62: {  	[tilespmem:s22], [sflag:$0x1] =	stream.indirect.gather [hbm4b:s5+s21], $0x20, s24, s21, $0xb8;
	[tilespmem:$0x1B580] =	vst v63  }
0x63: {  	_ =	swait.ge [sflag:s20], $0x7D00  }
0x64: {  	[sflag:s20] =	ssyncset.done $0x0  }
0x65: {  	s31 =	simm.s32 $0x4E20;
	[sflag:s20] =	ssyncadd.s32 $0xFFFF8300  }
0x66: {  	[spmem:s1] =	stream.indirect.scatter.add.f32 [tilespmem:s22], [sflag:$0x1], $0x20, s31, s21, $0xb8;
	[tilespmem:$0x1B580] =	vst v63  }
0x67: {  	_ =	swait.ge [sflag:s20], $0x7D00  }
0x68: {  	s25 =	simm.s32 $0x1F40;
	s24 =	simm.s32 $0xFA0;
	[sflag:s20] =	ssyncset.done $0x0  }
.LBB2_11:
0x69: {  	s26 =	sshra.s32 s24, $0x2  }
0x6a: {  	[sflag:s20] =	ssyncadd.s32 $0xFFFF8300;
	s24 =	smov.u32 s25;
	s28 =	sadd.s32 $0xFA0, s25  }
0x6b: {  	[tilespmem:s22], [sflag:$0x1] =	stream.indirect.gather [hbm4b:s5+s21], $0x20, s26, s21, $0xb8;
	[tilespmem:$0x1B580] =	vst v63  }
0x6c: {  	p5 =	sne.s32 s25, $0x128E0;
	_ =	swait.ge [sflag:s20], $0x7D00  }
.Ltmp7:
0x6d: {  	[sflag:s20] =	ssyncset.done $0x0;
	(pc) =	sbr.rel @p5 .LBB2_11-.Ltmp7, $4  }
0x6e: {  	s25 =	sadd.s32 $0x4E20, s26;
	[sflag:s20] =	ssyncadd.s32 $0xFFFF8300  }
0x6f: {  	[spmem:s1] =	stream.indirect.scatter.add.f32 [tilespmem:s22], [sflag:$0x1], $0x20, s25, s21, $0xb8;
	[tilespmem:$0x1B580] =	vst v63  }
0x70: {  	_ =	swait.ge [sflag:s20], $0x7D00  }
0x71: {  	s25 =	smov.u32 s28;
	[sflag:s20] =	ssyncset.done $0x0  }
0x72: {  	s24 =	sshra.s32 s24, $0x2;
	[sflag:s20] =	ssyncadd.s32 $0xFFFF8300  }
0x73: {  	[tilespmem:s22], [sflag:$0x1] =	stream.indirect.gather [hbm4b:s5+s21], $0x20, s24, s21, $0xb8;
	[tilespmem:$0x1B580] =	vst v63  }
0x74: {  	_ =	swait.ge [sflag:s20], $0x7D00  }
0x75: {  	[sflag:s20] =	ssyncset.done $0x0  }
0x76: {  	s24 =	sadd.s32 $0x4E20, s24;
	[sflag:s20] =	ssyncadd.s32 $0xFFFF8300  }
0x77: {  	[spmem:s1] =	stream.indirect.scatter.add.f32 [tilespmem:s22], [sflag:$0x1], $0x20, s24, s21, $0xb8;
	[tilespmem:$0x1B580] =	vst v63  }
0x78: {  	_ =	swait.ge [sflag:s20], $0x7D00  }
0x79: {  	[sflag:s20] =	ssyncset.done $0x0  }
0x7a: {  	[sflag:s20] =	ssyncadd.s32 $0xFFFF8300  }
.LBB2_13:
0x7b: {  	s24 =	sshll.u32 @p1 s2, $0x6;
	[bflag:$0x0] =	sbarrier.arrive $0xFFFF;
	s25 =	sshrl.u32 @p1 s11, $0x3  }
.Ltmp8:
0x7c: {  	s26 =	simm.s32 @p1 $0x1;
	s24 =	sor.u32 @p1 $0x1C01, s24;
	(pc) =	sbr.rel @!p2 .LBB2_15-.Ltmp8, $4  }
0x7d: {  	[hbm:s10], [sflag:s24] =	dma.local @p1 [spmem:s25], $0x1F40  }
0x7e: {  	_ =	swait.ge @p1 [sflag:s26], $0x1F40  }
0x7f: {  	s28 =	sshll.u32 s2, $0x6;
	[sflag:s26] =	ssyncset.done @p1 $0x0  }
0x80: {  	[sflag:s26] =	ssyncadd.s32 @p1 $0xFFFFE0C0;
	s26 =	sor.u32 $0x1C01, s28  }
0x81: {  	s28 =	sshrl.u32 s11, $0x3  }
0x82: {  	[hbm:s12], [sflag:s26] =	dma.local [spmem:s28], $0x1F40  }
.Ltmp9:
0x83: {  	_ =	swait.ge [sflag:s20], $0x1F40;
	(pc) =	sbr.rel .LBB2_16-.Ltmp9, $3  }
0x84: {  	[sflag:s20] =	ssyncset.done $0x0  }
0x85: {  	[sflag:s20] =	ssyncadd.s32 $0xFFFFE0C0  }
0x86: {  	[bflag:$0x0] =	sbarrier.arrive $0xFFFF;
	_ =	sdelay $0x1  }
.LBB2_15:
.Ltmp10:
0x87: {  	(pc) =	sbr.rel @p3 .LBB2_17-.Ltmp10, $2  }
0x88: {  	_ =	sdelay $0x1  }
0x89: {  	[bflag:$0x0] =	sbarrier.arrive $0xFFFF;
	_ =	sdelay $0x1  }
.LBB2_16:
0x8a: {  	s28 =	sshrl.u32 s9, $0x3  }
0x8b: {  	[spmem:s28], [sflag:s26] =	dma.local [hbm:s8], $0x1F40  }
0x8c: {  	_ =	swait.ge [sflag:s20], $0x1F40  }
0x8d: {  	[sflag:s20] =	ssyncset.done $0x0  }
0x8e: {  	[sflag:s20] =	ssyncadd.s32 $0xFFFFE0C0  }
.LBB2_17:
.Ltmp11:
0x8f: {  	(pc) =	sbr.rel @p4 .LBB2_21-.Ltmp11, $2  }
0x90: {  	_ =	sdelay $0x1  }
0x91: {  	[bflag:$0x0] =	sbarrier.arrive $0xFFFF;
	_ =	sdelay $0x1  }
0x92: {  	s26 =	simm.s32 $0x0  }
0x93: {  	[tilespmem:s22], [sflag:$0x1] =	stream.indirect.gather [hbm4b:s6+s21], $0x20, s26, s21, $0xb8;
	[tilespmem:$0x1B580] =	vst v63  }
0x94: {  	_ =	swait.ge [sflag:s20], $0x7D00  }
0x95: {  	[sflag:s20] =	ssyncset.done $0x0  }
0x96: {  	s31 =	simm.s32 $0x4E20;
	[sflag:s20] =	ssyncadd.s32 $0xFFFF8300  }
0x97: {  	[spmem:s1] =	stream.indirect.scatter.add.f32 [tilespmem:s22], [sflag:$0x1], $0x20, s31, s21, $0xb8;
	[tilespmem:$0x1B580] =	vst v63  }
0x98: {  	_ =	swait.ge [sflag:s20], $0x7D00  }
0x99: {  	s28 =	simm.s32 $0x1F40;
	s26 =	simm.s32 $0xFA0;
	[sflag:s20] =	ssyncset.done $0x0  }
.LBB2_19:
0x9a: {  	s29 =	sshra.s32 s26, $0x2  }
0x9b: {  	[sflag:s20] =	ssyncadd.s32 $0xFFFF8300;
	s26 =	smov.u32 s28;
	s30 =	sadd.s32 $0xFA0, s28  }
0x9c: {  	[tilespmem:s22], [sflag:$0x1] =	stream.indirect.gather [hbm4b:s6+s21], $0x20, s29, s21, $0xb8;
	[tilespmem:$0x1B580] =	vst v63  }
0x9d: {  	p5 =	sne.s32 s28, $0x128E0;
	_ =	swait.ge [sflag:s20], $0x7D00  }
.Ltmp12:
0x9e: {  	[sflag:s20] =	ssyncset.done $0x0;
	(pc) =	sbr.rel @p5 .LBB2_19-.Ltmp12, $4  }
0x9f: {  	s28 =	sadd.s32 $0x4E20, s29;
	[sflag:s20] =	ssyncadd.s32 $0xFFFF8300  }
0xa0: {  	[spmem:s1] =	stream.indirect.scatter.add.f32 [tilespmem:s22], [sflag:$0x1], $0x20, s28, s21, $0xb8;
	[tilespmem:$0x1B580] =	vst v63  }
0xa1: {  	_ =	swait.ge [sflag:s20], $0x7D00  }
0xa2: {  	s28 =	smov.u32 s30;
	[sflag:s20] =	ssyncset.done $0x0  }
0xa3: {  	s26 =	sshra.s32 s26, $0x2;
	[sflag:s20] =	ssyncadd.s32 $0xFFFF8300  }
0xa4: {  	[tilespmem:s22], [sflag:$0x1] =	stream.indirect.gather [hbm4b:s6+s21], $0x20, s26, s21, $0xb8;
	[tilespmem:$0x1B580] =	vst v63  }
0xa5: {  	_ =	swait.ge [sflag:s20], $0x7D00  }
0xa6: {  	[sflag:s20] =	ssyncset.done $0x0  }
0xa7: {  	s26 =	sadd.s32 $0x4E20, s26;
	[sflag:s20] =	ssyncadd.s32 $0xFFFF8300  }
0xa8: {  	[spmem:s1] =	stream.indirect.scatter.add.f32 [tilespmem:s22], [sflag:$0x1], $0x20, s26, s21, $0xb8;
	[tilespmem:$0x1B580] =	vst v63  }
0xa9: {  	_ =	swait.ge [sflag:s20], $0x7D00  }
0xaa: {  	[sflag:s20] =	ssyncset.done $0x0  }
0xab: {  	[sflag:s20] =	ssyncadd.s32 $0xFFFF8300  }
.LBB2_21:
.Ltmp13:
0xac: {  	(pc) =	sbr.rel @!p0 .LBB2_25-.Ltmp13, $1  }
0xad: {  	_ =	sdelay $0x3  }
0xae: {  	s26 =	simm.s32 $0x0  }
0xaf: {  	[tilespmem:s22], [sflag:$0x1] =	stream.indirect.gather [hbm4b:s7+s21], $0x20, s26, s21, $0xb8;
	[tilespmem:$0x1B580] =	vst v63  }
0xb0: {  	_ =	swait.ge [sflag:s20], $0x7D00  }
0xb1: {  	[sflag:s20] =	ssyncset.done $0x0  }
0xb2: {  	s31 =	simm.s32 $0x4E20;
	[sflag:s20] =	ssyncadd.s32 $0xFFFF8300  }
0xb3: {  	[spmem:s1] =	stream.indirect.scatter.add.f32 [tilespmem:s22], [sflag:$0x1], $0x20, s31, s21, $0xb8;
	[tilespmem:$0x1B580] =	vst v63  }
0xb4: {  	_ =	swait.ge [sflag:s20], $0x7D00  }
0xb5: {  	s28 =	simm.s32 $0x1F40;
	s26 =	simm.s32 $0xFA0;
	[sflag:s20] =	ssyncset.done $0x0  }
.LBB2_23:
0xb6: {  	s29 =	sshra.s32 s26, $0x2  }
0xb7: {  	[sflag:s20] =	ssyncadd.s32 $0xFFFF8300;
	s26 =	smov.u32 s28;
	s30 =	sadd.s32 $0xFA0, s28  }
0xb8: {  	[tilespmem:s22], [sflag:$0x1] =	stream.indirect.gather [hbm4b:s7+s21], $0x20, s29, s21, $0xb8;
	[tilespmem:$0x1B580] =	vst v63  }
0xb9: {  	p5 =	sne.s32 s28, $0x128E0;
	_ =	swait.ge [sflag:s20], $0x7D00  }
.Ltmp14:
0xba: {  	[sflag:s20] =	ssyncset.done $0x0;
	(pc) =	sbr.rel @p5 .LBB2_23-.Ltmp14, $4  }
0xbb: {  	s28 =	sadd.s32 $0x4E20, s29;
	[sflag:s20] =	ssyncadd.s32 $0xFFFF8300  }
0xbc: {  	[spmem:s1] =	stream.indirect.scatter.add.f32 [tilespmem:s22], [sflag:$0x1], $0x20, s28, s21, $0xb8;
	[tilespmem:$0x1B580] =	vst v63  }
0xbd: {  	_ =	swait.ge [sflag:s20], $0x7D00  }
0xbe: {  	s28 =	smov.u32 s30;
	[sflag:s20] =	ssyncset.done $0x0  }
.Ltmp15:
0xbf: {  	_ = 	snop;
	(pc) =	sbr.rel .LBB2_24-.Ltmp15, $1  }
0xc0: {  	_ =	sdelay $0x3  }
.LBB2_26:
0xc1: {  	_ =	sfence.sel $0x180000  }
0xc2: {  	[bflag:$0x0] =	sbarrier.arrive $0xFFFF  }
0xc3: {  	p0 =	sne.s32 s2, $0x0;
	_ =	strace $0x9000004D  }
0xc4: {  	s0 =	sadd.s32 @!p0 $0x100000, s0;
	[bflag:$0x2] =	sbarrier.arrive $0xFFFF  }
0xc5: {  	[sflag:s0] =	ssyncadd.tile.s32 @!p0 $0x1;
	_ =	shalt  }
.Lfunc_end2:
_tile_overlayer_lowered:
.L_overlay_start_2:
0xc6: {  	(tag) =	ssettag $0x2  }
0xc7: {  	s0 =	rddreg [dreg:$0x0];
	s2 =	stileid.u32  }
0xc8: {  	s1 =	rddreg [dreg:$0x1];
	p0 =	sne.s32 s2, $0x0  }
0xc9: {  	s3 =	rddreg [dreg:$0x2];
	[bflag:$0x3] =	sbarrier.arrive $0xFFFF;
	s2 =	simm.s32 @!p0 $0x1C01  }
0xca: {  	[timem:s3], [sflag:s2] =	dma.local @!p0 [hbm:s0], s1  }
0xcb: {  	s0 =	simm.s32 @!p0 $0x1  }
0xcc: {  	_ =	swait.ge @!p0 [sflag:s0], s1  }
0xcd: {  	s1 =	ssub.s32 @!p0 $0x0, s1;
	[sflag:s0] =	ssyncset.done @!p0 $0x0  }
0xce: {  	[sflag:s0] =	ssyncadd.s32 @!p0 s1  }
0xcf: {  	[bflag:$0x3] =	sbarrier.arrive $0xFFFF  }
0xd0: {  	_ =	shalt  }

// kernel: kernel.23.cloned.1.call-start
scs
__scs_entry_jumppad:
0x0: {  	(pc) =	sbr.rel $0x88, $3  }
0x1: {  	(tag) =	ssettag $0x0;
	lr =	simm.s32 $0x1  }
0x2: {  	[smem:$0x3F94] =	sst lr;
	_ =	strace $0xD0000000  }
0x3: {  	_ = 	snop  }
0x4: {  	_ = 	snop  }
0x5: {  	_ = 	snop  }
0x6: {  	_ = 	snop  }
0x7: {  	_ = 	snop  }
__scs_overlays_trampoline_lowered:
0x8: {  	[smem:$0x3FA3] =	sst s0  }
0x9: {  	[smem:$0x3FA4] =	sst s1  }
0xa: {  	[smem:$0x3FA5] =	sst s2  }
0xb: {  	[smem:$0x3FA6] =	sst s3  }
0xc: {  	[smem:$0x3FA7] =	sst s4  }
0xd: {  	[smem:$0x3FA8] =	sst s5  }
0xe: {  	[smem:$0x3FA9] =	sst s6  }
0xf: {  	[smem:$0x3FAA] =	sst s7  }
0x10: {  	[smem:$0x3FAB] =	sst s8  }
0x11: {  	[smem:$0x3FAC] =	sst s9;
	s0 =	simm.s32 @!p0 $0x0  }
0x12: {  	s1 =	sld [smem:$0x3F92];
	s0 =	simm.s32 @p0 $0x1  }
0x13: {  	[smem:$0x3FAD] =	sst s0;
	s0 =	simm.s32 @!p1 $0x0  }
0x14: {  	s2 =	sld [smem:$0x3F91];
	s0 =	simm.s32 @p1 $0x1  }
0x15: {  	[smem:$0x3FAE] =	sst s0;
	s0 =	simm.s32 @!p2 $0x0  }
0x16: {  	s3 =	sld [smem:$0x3FDB];
	s0 =	simm.s32 @p2 $0x1  }
0x17: {  	s4 =	simm.s32 $0x1BF5;
	[smem:$0x3FB0] =	sst s0  }
0x18: {  	s0 =	sld [smem:$0x3F93];
	_ =	swait.ge [sflag:s4], $0x0  }
0x19: {  	s7 =	sld [smem:$0x3F94]  }
0x1a: {  	s8 =	sadd.s32 $0xFFFFE003, lr  }
0x1b: {  	s9 =	sadd.s32 $0xFFFFFEF7, lr;
	s5 =	simm.s32 $0xFFFFFFFF;
	p2 =	slt.u32 s8, $0xFFFFF086  }
0x1c: {  	p1 =	slt.u32 s9, $0xF7A;
	s5 =	simm.s32 @!p2 $0x0  }
0x1d: {  	s5 =	simm.s32 @p1 $0x1;
	p0 =	seq.s32 s7, s2  }
0x1e: {  	s7 =	smul.u32 @!p0 $0xF7A, s2;
	p2 =	seq.s32 @!p0 s5, $0x0  }
0x1f: {  	s9 =	smul.u32 $0xF7A, s1;
	s8 =	simm.s32 @!p0 $0x1BF5;
	p2 =	por !p2, p0  }
0x20: {  	[sflag:s8] =	ssyncset.s32 @!p0 $0xFFFFF086;
	s6 =	sadd.s32 @!p0 s3, s7;
	s7 =	simm.s32 @!p0 $0x108  }
0x21: {  	s3 =	sadd.s32 s3, s9;
	s6 =	sadd.s32 @!p0 $0x88, s6;
	s7 =	simm.s32 @p2 $0x1082  }
0x22: {  	[simem:s7], [sflag:s8] =	dma.local @!p0 [hbm:s6], $0xF7A  }
0x23: {  	s9 =	sor.u32 $0xD0000000, s2;
	s6 =	simm.s32 $0x108;
	_ =	swait.ge @!p0 [sflag:s8], $0x0  }
0x24: {  	s3 =	sadd.s32 $0x88, s3;
	s6 =	simm.s32 @!p1 $0x1082;
	[sflag:s4] =	ssyncset.s32 $0xFFFFF086  }
0x25: {  	[simem:s6], [sflag:s4] =	dma.local [hbm:s3], $0xF7A  }
0x26: {  	[smem:$0x3F94] =	sst s1;
	(tag) =	ssettag s2;
	_ =	strace s9  }
0x27: {  	s1 =	sld [smem:$0x3FA4]  }
0x28: {  	s2 =	sld [smem:$0x3FA5]  }
0x29: {  	s4 =	sld [smem:$0x3FA7]  }
0x2a: {  	p0 =	seq.s32 s5, $0x0;
	s5 =	sld [smem:$0x3FA8]  }
0x2b: {  	s6 =	sld [smem:$0x3FA9]  }
0x2c: {  	s7 =	sld [smem:$0x3FAA]  }
0x2d: {  	s3 =	simm.s32 $0x108;
	s8 =	sld [smem:$0x3FAB]  }
0x2e: {  	s3 =	simm.s32 @!p0 $0x1082;
	s9 =	sld [smem:$0x3FAC]  }
0x2f: {  	lr =	sadd.s32 s0, s3;
	s0 =	sld [smem:$0x3FA3]  }
0x30: {  	s3 =	sld [smem:$0x3FA6]  }
0x31: {  	[smem:$0x3FAF] =	sst s10  }
0x32: {  	s10 =	sld [smem:$0x3FAD];
	_ =	sdelay $0x3  }
0x33: {  	p0 =	seq.s32 s10, $0x1;
	s10 =	sld [smem:$0x3FAF];
	_ =	sdelay $0x3  }
0x34: {  	[smem:$0x3FAF] =	sst s10  }
0x35: {  	s10 =	sld [smem:$0x3FAE];
	_ =	sdelay $0x3  }
0x36: {  	p1 =	seq.s32 s10, $0x1;
	s10 =	sld [smem:$0x3FAF];
	_ =	sdelay $0x3  }
0x37: {  	[smem:$0x3FAF] =	sst s10  }
0x38: {  	s10 =	sld [smem:$0x3FB0]  }
0x39: {  	_ = 	snop;
	(pc) =	sbr.ind lr, $3  }
0x3a: {  	_ = 	snop  }
0x3b: {  	_ = 	snop  }
0x3c: {  	p2 =	seq.s32 s10, $0x1;
	s10 =	sld [smem:$0x3FAF]  }
0x3d: {  	_ =	shalt  }
0x3e: {  	_ =	shalt  }
0x3f: {  	_ =	shalt  }
0x40: {  	_ =	shalt  }
0x41: {  	_ =	shalt  }
0x42: {  	_ =	shalt  }
0x43: {  	_ =	shalt  }
0x44: {  	_ =	shalt  }
0x45: {  	_ =	shalt  }
0x46: {  	_ =	shalt  }
0x47: {  	_ =	shalt  }
0x48: {  	_ =	shalt  }
0x49: {  	_ =	shalt  }
0x4a: {  	_ =	shalt  }
0x4b: {  	_ =	shalt  }
0x4c: {  	_ =	shalt  }
0x4d: {  	_ =	shalt  }
0x4e: {  	_ =	shalt  }
0x4f: {  	_ =	shalt  }
0x50: {  	_ =	shalt  }
0x51: {  	_ =	shalt  }
0x52: {  	_ =	shalt  }
0x53: {  	_ =	shalt  }
0x54: {  	_ =	shalt  }
0x55: {  	_ =	shalt  }
0x56: {  	_ =	shalt  }
0x57: {  	_ =	shalt  }
0x58: {  	_ =	shalt  }
0x59: {  	_ =	shalt  }
0x5a: {  	_ =	shalt  }
0x5b: {  	_ =	shalt  }
0x5c: {  	_ =	shalt  }
0x5d: {  	_ =	shalt  }
0x5e: {  	_ =	shalt  }
0x5f: {  	_ =	shalt  }
0x60: {  	_ =	shalt  }
0x61: {  	_ =	shalt  }
0x62: {  	_ =	shalt  }
0x63: {  	_ =	shalt  }
0x64: {  	_ =	shalt  }
0x65: {  	_ =	shalt  }
0x66: {  	_ =	shalt  }
0x67: {  	_ =	shalt  }
0x68: {  	_ =	shalt  }
0x69: {  	_ =	shalt  }
0x6a: {  	_ =	shalt  }
0x6b: {  	_ =	shalt  }
0x6c: {  	_ =	shalt  }
0x6d: {  	_ =	shalt  }
0x6e: {  	_ =	shalt  }
0x6f: {  	_ =	shalt  }
0x70: {  	_ =	shalt  }
0x71: {  	_ =	shalt  }
0x72: {  	_ =	shalt  }
0x73: {  	_ =	shalt  }
0x74: {  	_ =	shalt  }
0x75: {  	_ =	shalt  }
0x76: {  	_ =	shalt  }
0x77: {  	_ =	shalt  }
0x78: {  	_ =	shalt  }
0x79: {  	_ =	shalt  }
0x7a: {  	_ =	shalt  }
0x7b: {  	_ =	shalt  }
0x7c: {  	_ =	shalt  }
0x7d: {  	_ =	shalt  }
0x7e: {  	_ =	shalt  }
0x7f: {  	_ =	shalt  }
0x80: {  	_ =	shalt  }
0x81: {  	_ =	shalt  }
0x82: {  	_ =	shalt  }
0x83: {  	_ =	shalt  }
0x84: {  	_ =	shalt  }
0x85: {  	_ =	shalt  }
0x86: {  	_ =	shalt  }
0x87: {  	_ =	shalt  }
.Lfunc_end0:
.L_simem_size_0:
called_computation.3_lowered:
.L_overlay_start_0:
0x88: {  	s2 =	sld [smem:$0x3FD9]  }
0x89: {  	s3 =	sld [smem:$0x3FFE];
	_ =	sdelay $0x1  }
0x8a: {  	s1 =	srdreg.scid  }
0x8b: {  	s0 =	sand.u32 $0x1, s1  }
0x8c: {  	s17 =	sshll.u32 s0, $0xA;
	s2 =	sadd.s32 s3, s2  }
0x8d: {  	s2 =	sadd.s32 s2, s17  }
0x8e: {  	[smem:$0x3FBB] =	sst s2  }
0x8f: {  	_ = 	snop  }
0x90: {  	s2 =	sld [smem:$0x3FC8]  }
0x91: {  	s18 =	sld [smem:$0x3FC7];
	(tm) =	ssettm $0x1  }
0x92: {  	s4 =	sld [smem:$0x3FFB];
	_ =	sdelay $0x3  }
0x93: {  	_ =	strace s4  }
0x94: {  	s4 =	sld [smem:$0x3FFC];
	_ =	sdelay $0x3  }
0x95: {  	_ =	strace s4  }
0x96: {  	s4 =	sld [smem:$0x3FFD];
	_ =	sdelay $0x3  }
0x97: {  	_ =	strace s4  }
0x98: {  	_ =	strace $0x8FFFFFFF  }
0x99: {  	s19 =	sld [smem:$0x3FDB];
	_ =	sdelay $0x1  }
0x9a: {  	s5 =	simm.s32 $_scs_section_size  }
0x9b: {  	s6 =	simm.s32 $_size__tile_overlayer_lowered;
	s7 =	simm.s32 $_tile_overlayer_lowered  }
0x9c: {  	s22 =	simm.s32 $0x1BFF;
	s21 =	sshll.u32 s7, $0x1;
	s4 =	sadd.s32 s5, s19  }
0x9d: {  	s8 =	simm.s32 $0x0;
	s20 =	sshll.u32 s6, $0x1;
	s6 =	sadd.s32 s21, s4  }
0x9e: {  	[timem:s8], [sflag:s22] =	dma.local [hbm:s6], s20  }
0x9f: {  	_ =	swait.ge [sflag:s22], s20  }
0xa0: {  	s5 =	ssub.s32 $0x0, s20;
	[sflag:s22] =	ssyncset.done $0x0  }
0xa1: {  	[sflag:s22] =	ssyncadd.s32 s5;
	_ =	sdelay $0x1  }
0xa2: {  	s23 =	simm.s32 $0x1B8B  }
0xa3: {  	_ =	swait.ge [sflag:s23], $0x1  }
0xa4: {  	[sflag:s23] =	ssyncset.done $0x0  }
0xa5: {  	s25 =	simm.s32 $0x1B8E;
	s24 =	sld [smem:$0x3FFE];
	[sflag:s23] =	ssyncadd.s32 $0xFFFFFFFF  }
0xa6: {  	s26 =	simm.s32 $execute0_lowered;
	[smem:$0x3FD2] =	sst s25  }
0xa7: {  	s6 =	sshll.u32 s26, $0x1;
	_ =	strace $0x8000004F;
	[dreg:$0x1] =	wrdreg $0xFFFFFFFF  }
0xa8: {  	s28 =	simm.s32 $_size_execute0_lowered;
	s4 =	sadd.s32 s4, s6;
	[dreg:$0x0] =	wrdreg $0x0  }
0xa9: {  	s6 =	sshll.u32 s28, $0x1;
	[dreg:$0x2] =	wrdreg s4  }
0xaa: {  	[dreg:$0x3] =	wrdreg s6  }
0xab: {  	[dreg:$0x4] =	wrdreg $0xC0  }
0xac: {  	_ =	task [dreg:s8], $0x5FFFF  }
0xad: {  	[dreg:$0x1] =	wrdreg $0xFFFFFFFF  }
0xae: {  	[dreg:$0x0] =	wrdreg $0x60  }
0xaf: {  	[dreg:$0x2] =	wrdreg s24  }
0xb0: {  	[dreg:$0x3] =	wrdreg s18  }
0xb1: {  	[dreg:$0x4] =	wrdreg s2  }
0xb2: {  	[dreg:$0x5] =	wrdreg $0x100400  }
0xb3: {  	[dreg:$0x6] =	wrdreg $0x9  }
0xb4: {  	_ =	task.clear_ibuf [dreg:s8], $0x7FFFF;
	_ =	strace $0x9000004F  }
0xb5: {  	s29 =	simm.s32 $0x9;
	_ =	strace $0x80000051  }
0xb6: {  	_ =	swait.ge [sflag:s29], $0x1  }
0xb7: {  	[sflag:s29] =	ssyncadd.s32 $0xFFFFFFFF  }
0xb8: {  	_ =	strace $0x90000051  }
0xb9: {  	_ =	sfence  }
0xba: {  	s30 =	sld [smem:$0x0];
	_ =	sdelay $0x2  }
0xbb: {  	s31 =	sshll.u32 s1, $0xD;
	s1 =	sshrl.u32 s1, $0x2  }
0xbc: {  	s3 =	sand.u32 $0x4000, s31;
	s1 =	sadd.s32 s1, s30  }
0xbd: {  	s0 =	sor.u32 s3, s0;
	s1 =	sshll.u32 s1, $0x11  }
0xbe: {  	s0 =	sor.u32 s1, s0  }
0xbf: {  	s0 =	sadd.s32 $0x8F2B, s0  }
0xc0: {  	[sflag:s0] =	ssyncadd.remote.s32 $0x1  }
0xc1: {  	_ =	sfence.sel $0xFFFF  }
0xc2: {  	[dreg:$0x0] =	wrdreg $0xFFFFFFFF;
	(pc) =	sbr.abs _section_cstart, $3  }
0xc3: {  	[dreg:$0x1] =	wrdreg $0xFFFFFFFF  }
0xc4: {  	_ =	task.clear_ibuf [dreg:s8], $0x2FFFF;
	_ =	strace $0x9FFFFFFF  }
0xc5: {  	(tm) =	ssettm $0x7FFFFFFF  }
tec
execute0_lowered:
.L_overlay_start_1:
0x0: {  	(tag) =	ssettag $0x1  }
0x1: {  	s7 =	rddreg [dreg:$0x0]  }
0x2: {  	s11 =	rddreg [dreg:$0x1]  }
0x3: {  	s12 =	rddreg [dreg:$0x2]  }
0x4: {  	s2 =	rddreg [dreg:$0x3]  }
0x5: {  	s0 =	rddreg [dreg:$0x4]  }
0x6: {  	s3 =	simm.s32 $0x0;
	s1 =	stileid.u32;
	s9 =	srdreg.scid  }
0x7: {  	s17 =	simm.s32 $0x9C40;
	s18 =	simm.s32 $0x0;
	[smem:$0x7FF] =	sst s3  }
0x8: {  	s8 =	smul.u32 $0x1F400, s1;
	s4 =	sadd.s32 $0x66A00, s7;
	s5 =	sadd.s32 $0x8FE00, s7  }
0x9: {  	s6 =	sadd.s32 $0x8A00, s7;
	s16 =	sand.u32 $0x1, s9;
	s30 =	smul.u32 $0x7D000, s1  }
0xa: {  	p2 =	slt.u32 s1, $0x5;
	s15 =	smul.u32 $0x9C4, s1;
	p3 =	sgt.u32 s1, $0x4  }
0xb: {  	_ =	strace $0x80000050;
	s29 =	ssub.s32 $0x2, s16;
	p0 =	seq.s32 s16, $0x0  }
0xc: {  	p4 =	sne.s32 s16, $0x0;
	s10 =	sshrl.u32 s8, $0x3;
	s13 =	sshrl.u32 s29, $0x1  }
0xd: {  	s31 =	sshrl.u32 s30, $0x2;
	p1 =	por !p0, !p2;
	p0 =	seq.s32 s16, $0x1  }
0xe: {  	s8 =	sadd.s32 s8, s2;
	s11 =	sadd.s32 s15, s11;
	s12 =	sadd.s32 s15, s12  }
.Ltmp0:
0xf: {  	s15 =	simm.s32 $0x1;
	s16 =	simm.s32 $0x190;
	(pc) =	sbr.rel .LBB2_1-.Ltmp0, $4  }
0x10: {  	s28 =	sadd.s32 s10, s7;
	s13 =	ssub.s32 s29, s13;
	s14 =	sadd.s32 s31, s2  }
0x11: {  	p1 =	por !p1, !p1;
	p2 =	por !p2, !p0;
	s7 =	sadd.s32 $0xCAA00, s28  }
0x12: {  	p2 =	por !p2, !p2;
	s10 =	smax.u32 s13, $0x1;
	s13 =	sshll.u32 @!p3 s1, $0x6  }
0x13: {  	s9 =	sadd.s32 $0xB7000, s28;
	s14 =	sshrl.u32 @!p3 s14, $0x3;
	s13 =	sor.u32 @!p3 $0x1C01, s13  }
.LBB2_12:
0x14: {  	s19 =	sshra.s32 s19, $0x2;
	[sflag:s15] =	ssyncadd.s32 $0xFFFF9C00  }
0x15: {  	[tilespmem:s17], [sflag:$0x1] =	stream.indirect.gather [hbm4b:s5+s16], $0x40, s19, s16, $0xb8;
	[tilespmem:$0x19C80] =	vst v63  }
0x16: {  	_ =	swait.ge [sflag:s15], $0x6400  }
0x17: {  	[sflag:s15] =	ssyncset.done $0x0  }
0x18: {  	s19 =	sadd.s32 $0x4E20, s19;
	[sflag:s15] =	ssyncadd.s32 $0xFFFF9C00  }
0x19: {  	[spmem:s2] =	stream.indirect.scatter.add.f32 [tilespmem:s17], [sflag:$0x1], $0x40, s19, s16, $0xb8;
	[tilespmem:$0x19C80] =	vst v63  }
0x1a: {  	_ =	swait.ge [sflag:s15], $0x6400  }
0x1b: {  	[sflag:s15] =	ssyncset.done $0x0  }
0x1c: {  	[sflag:s15] =	ssyncadd.s32 $0xFFFF9C00  }
.LBB2_13:
0x1d: {  	s19 =	sshll.u32 @p1 s1, $0x6  }
0x1e: {  	[bflag:$0x0] =	sbarrier.arrive $0xFFFF;
	s20 =	sshrl.u32 @p1 s8, $0x3;
	s19 =	sor.u32 @p1 $0x1C01, s19  }
0x1f: {  	[hbm:s7], [sflag:s19] =	dma.local @p1 [spmem:s20], $0x3E80  }
0x20: {  	s19 =	simm.s32 @p1 $0x1  }
0x21: {  	s18 =	sadd.s32 $0x1, s18;
	_ =	swait.ge @p1 [sflag:s19], $0x3E80  }
0x22: {  	p5 =	sne.s32 s18, s10;
	s20 =	sshll.u32 @p2 s1, $0x6;
	[sflag:s19] =	ssyncset.done @p1 $0x0  }
0x23: {  	[sflag:s19] =	ssyncadd.s32 @p1 $0xFFFFC180;
	s19 =	sor.u32 @p2 $0x1C01, s20;
	s20 =	sshrl.u32 @p2 s8, $0x3  }
0x24: {  	[hbm:s9], [sflag:s19] =	dma.local @p2 [spmem:s20], $0x3E80  }
.Ltmp1:
0x25: {  	_ = 	snop;
	(pc) =	sbr.rel @!p5 .LBB2_14-.Ltmp1, $4  }
0x26: {  	s19 =	simm.s32 @p2 $0x1  }
0x27: {  	_ =	swait.ge @p2 [sflag:s19], $0x3E80  }
0x28: {  	[sflag:s19] =	ssyncset.done @p2 $0x0  }
0x29: {  	[sflag:s19] =	ssyncadd.s32 @p2 $0xFFFFC180  }
.LBB2_1:
0x2a: {  	[spmem:s14], [sflag:s13] =	dma.local @!p3 [hbm:s6], $0x3E80  }
0x2b: {  	s19 =	simm.s32 @!p3 $0x1  }
0x2c: {  	_ =	swait.ge @!p3 [sflag:s19], $0x3E80  }
0x2d: {  	[sflag:s19] =	ssyncset.done @!p3 $0x0  }
0x2e: {  	s20 =	simm.s32 $0x0;
	[sflag:s19] =	ssyncadd.s32 @!p3 $0xFFFFC180;
	s19 =	simm.s32 $0x0  }
.LBB2_2:
0x2f: {  	p5 =	sne.s32 s20, $0x992  }
.Ltmp2:
0x30: {  	s21 =	sadd.s32 s20, s11;
	s22 =	simm.s32 $0x0;
	(pc) =	sbr.rel @p5 .LBB2_2-.Ltmp2, $4  }
0x31: {  	[tilespmem:s19], [sflag:$0x1] =	stream.linear.gather [hbm4b:s21+s22], $0x190, $0x38;
	[tilespmem:$0x19C80] =	vst v63  }
0x32: {  	_ =	swait.ge [sflag:s15], $0x190  }
0x33: {  	[sflag:s15] =	ssyncset.done $0x0  }
0x34: {  	s20 =	sadd.s32 $0x32, s20;
	s19 =	sadd.s32 $0x190, s19;
	[sflag:s15] =	ssyncadd.s32 $0xFFFFFE70  }
0x35: {  	s19 =	simm.s32 $0x4E20;
	s20 =	sadd.s32 $0x0, s12  }
0x36: {  	[tilespmem:s19], [sflag:$0x1] =	stream.linear.gather [hbm4b:s20+s3], $0x190, $0x38;
	[tilespmem:$0x19C80] =	vst v63  }
0x37: {  	_ =	swait.ge [sflag:s15], $0x190  }
0x38: {  	s20 =	simm.s32 $0x32;
	[sflag:s15] =	ssyncset.done $0x0  }
.LBB2_4:
0x39: {  	s21 =	sadd.s32 s20, s12  }
0x3a: {  	[sflag:s15] =	ssyncadd.s32 $0xFFFFFE70;
	s19 =	sadd.s32 $0x190, s19;
	p5 =	sne.s32 s20, $0x992  }
0x3b: {  	[tilespmem:s19], [sflag:$0x1] =	stream.linear.gather [hbm4b:s21+s3], $0x190, $0x38;
	[tilespmem:$0x19C80] =	vst v63  }
.Ltmp3:
0x3c: {  	_ = 	snop;
	(pc) =	sbr.rel @p5 .LBB2_4-.Ltmp3, $4  }
0x3d: {  	_ = 	snop  }
0x3e: {  	s20 =	sadd.s32 $0x32, s20  }
0x3f: {  	_ =	swait.ge [sflag:s15], $0x190  }
0x40: {  	[sflag:s15] =	ssyncset.done $0x0  }
.Ltmp4:
0x41: {  	(pc) =	sbr.rel @p4 .LBB2_9-.Ltmp4, $3  }
0x42: {  	_ = 	snop  }
0x43: {  	[sflag:s15] =	ssyncadd.s32 $0xFFFFFE70  }
0x44: {  	[bflag:$0x0] =	sbarrier.arrive $0xFFFF;
	_ =	sdelay $0x1  }
0x45: {  	s19 =	simm.s32 $0x0  }
0x46: {  	[tilespmem:s17], [sflag:$0x1] =	stream.indirect.gather [hbm4b:s4+s16], $0x40, s19, s16, $0xb8;
	[tilespmem:$0x19C80] =	vst v63  }
0x47: {  	_ =	swait.ge [sflag:s15], $0x6400  }
0x48: {  	[sflag:s15] =	ssyncset.done $0x0  }
0x49: {  	s31 =	simm.s32 $0x4E20;
	[sflag:s15] =	ssyncadd.s32 $0xFFFF9C00  }
0x4a: {  	[spmem:s2] =	stream.indirect.scatter.add.f32 [tilespmem:s17], [sflag:$0x1], $0x40, s31, s16, $0xb8;
	[tilespmem:$0x19C80] =	vst v63  }
0x4b: {  	_ =	swait.ge [sflag:s15], $0x6400  }
0x4c: {  	s20 =	simm.s32 $0xC80;
	s19 =	simm.s32 $0x640;
	[sflag:s15] =	ssyncset.done $0x0  }
.LBB2_7:
0x4d: {  	s21 =	sshra.s32 s19, $0x2  }
0x4e: {  	[sflag:s15] =	ssyncadd.s32 $0xFFFF9C00;
	s19 =	smov.u32 s20;
	s22 =	sadd.s32 $0x640, s20  }
0x4f: {  	[tilespmem:s17], [sflag:$0x1] =	stream.indirect.gather [hbm4b:s4+s16], $0x40, s21, s16, $0xb8;
	[tilespmem:$0x19C80] =	vst v63  }
0x50: {  	p5 =	sne.s32 s20, $0x13240;
	_ =	swait.ge [sflag:s15], $0x6400  }
.Ltmp5:
0x51: {  	[sflag:s15] =	ssyncset.done $0x0;
	(pc) =	sbr.rel @p5 .LBB2_7-.Ltmp5, $4  }
0x52: {  	s20 =	sadd.s32 $0x4E20, s21;
	[sflag:s15] =	ssyncadd.s32 $0xFFFF9C00  }
0x53: {  	[spmem:s2] =	stream.indirect.scatter.add.f32 [tilespmem:s17], [sflag:$0x1], $0x40, s20, s16, $0xb8;
	[tilespmem:$0x19C80] =	vst v63  }
0x54: {  	_ =	swait.ge [sflag:s15], $0x6400  }
0x55: {  	s20 =	smov.u32 s22;
	[sflag:s15] =	ssyncset.done $0x0  }
0x56: {  	s19 =	sshra.s32 s19, $0x2;
	[sflag:s15] =	ssyncadd.s32 $0xFFFF9C00  }
0x57: {  	[tilespmem:s17], [sflag:$0x1] =	stream.indirect.gather [hbm4b:s4+s16], $0x40, s19, s16, $0xb8;
	[tilespmem:$0x19C80] =	vst v63  }
0x58: {  	_ =	swait.ge [sflag:s15], $0x6400  }
0x59: {  	[sflag:s15] =	ssyncset.done $0x0  }
0x5a: {  	s19 =	sadd.s32 $0x4E20, s19;
	[sflag:s15] =	ssyncadd.s32 $0xFFFF9C00  }
0x5b: {  	[spmem:s2] =	stream.indirect.scatter.add.f32 [tilespmem:s17], [sflag:$0x1], $0x40, s19, s16, $0xb8;
	[tilespmem:$0x19C80] =	vst v63  }
0x5c: {  	_ =	swait.ge [sflag:s15], $0x6400  }
0x5d: {  	[sflag:s15] =	ssyncset.done $0x0  }
0x5e: {  	[sflag:s15] =	ssyncadd.s32 $0xFFFF9C00  }
.LBB2_9:
.Ltmp6:
0x5f: {  	(pc) =	sbr.rel @!p0 .LBB2_13-.Ltmp6, $1  }
0x60: {  	_ =	sdelay $0x3  }
0x61: {  	s19 =	simm.s32 $0x0  }
0x62: {  	[tilespmem:s17], [sflag:$0x1] =	stream.indirect.gather [hbm4b:s5+s16], $0x40, s19, s16, $0xb8;
	[tilespmem:$0x19C80] =	vst v63  }
0x63: {  	_ =	swait.ge [sflag:s15], $0x6400  }
0x64: {  	[sflag:s15] =	ssyncset.done $0x0  }
0x65: {  	s31 =	simm.s32 $0x4E20;
	[sflag:s15] =	ssyncadd.s32 $0xFFFF9C00  }
0x66: {  	[spmem:s2] =	stream.indirect.scatter.add.f32 [tilespmem:s17], [sflag:$0x1], $0x40, s31, s16, $0xb8;
	[tilespmem:$0x19C80] =	vst v63  }
0x67: {  	_ =	swait.ge [sflag:s15], $0x6400  }
0x68: {  	s20 =	simm.s32 $0xC80;
	s19 =	simm.s32 $0x640;
	[sflag:s15] =	ssyncset.done $0x0  }
.LBB2_11:
0x69: {  	s21 =	sshra.s32 s19, $0x2  }
0x6a: {  	[sflag:s15] =	ssyncadd.s32 $0xFFFF9C00;
	s19 =	smov.u32 s20;
	s22 =	sadd.s32 $0x640, s20  }
0x6b: {  	[tilespmem:s17], [sflag:$0x1] =	stream.indirect.gather [hbm4b:s5+s16], $0x40, s21, s16, $0xb8;
	[tilespmem:$0x19C80] =	vst v63  }
0x6c: {  	p5 =	sne.s32 s20, $0x13240;
	_ =	swait.ge [sflag:s15], $0x6400  }
.Ltmp7:
0x6d: {  	[sflag:s15] =	ssyncset.done $0x0;
	(pc) =	sbr.rel @p5 .LBB2_11-.Ltmp7, $4  }
0x6e: {  	s20 =	sadd.s32 $0x4E20, s21;
	[sflag:s15] =	ssyncadd.s32 $0xFFFF9C00  }
0x6f: {  	[spmem:s2] =	stream.indirect.scatter.add.f32 [tilespmem:s17], [sflag:$0x1], $0x40, s20, s16, $0xb8;
	[tilespmem:$0x19C80] =	vst v63  }
0x70: {  	_ =	swait.ge [sflag:s15], $0x6400  }
0x71: {  	s20 =	smov.u32 s22;
	[sflag:s15] =	ssyncset.done $0x0  }
.Ltmp8:
0x72: {  	_ = 	snop;
	(pc) =	sbr.rel .LBB2_12-.Ltmp8, $1  }
0x73: {  	_ =	sdelay $0x3  }
.LBB2_14:
0x74: {  	_ =	sfence.sel $0x180000  }
0x75: {  	[bflag:$0x0] =	sbarrier.arrive $0xFFFF  }
0x76: {  	p0 =	sne.s32 s1, $0x0;
	_ =	strace $0x90000050  }
0x77: {  	s0 =	sadd.s32 @!p0 $0x100000, s0;
	[bflag:$0x2] =	sbarrier.arrive $0xFFFF  }
0x78: {  	[sflag:s0] =	ssyncadd.tile.s32 @!p0 $0x1;
	_ =	shalt  }
.Lfunc_end2:
_tile_overlayer_lowered:
.L_overlay_start_2:
0x79: {  	(tag) =	ssettag $0x2  }
0x7a: {  	s0 =	rddreg [dreg:$0x0];
	s2 =	stileid.u32  }
0x7b: {  	s1 =	rddreg [dreg:$0x1];
	p0 =	sne.s32 s2, $0x0  }
0x7c: {  	s3 =	rddreg [dreg:$0x2];
	[bflag:$0x3] =	sbarrier.arrive $0xFFFF;
	s2 =	simm.s32 @!p0 $0x1C01  }
0x7d: {  	[timem:s3], [sflag:s2] =	dma.local @!p0 [hbm:s0], s1  }
0x7e: {  	s0 =	simm.s32 @!p0 $0x1  }
0x7f: {  	_ =	swait.ge @!p0 [sflag:s0], s1  }
0x80: {  	s1 =	ssub.s32 @!p0 $0x0, s1;
	[sflag:s0] =	ssyncset.done @!p0 $0x0  }
0x81: {  	[sflag:s0] =	ssyncadd.s32 @!p0 s1  }
0x82: {  	[bflag:$0x3] =	sbarrier.arrive $0xFFFF  }
0x83: {  	_ =	shalt  }

// kernel: kernel.26.cloned.1.call-start
scs
__scs_entry_jumppad:
0x0: {  	(pc) =	sbr.rel $0x88, $3  }
0x1: {  	(tag) =	ssettag $0x0;
	lr =	simm.s32 $0x1  }
0x2: {  	[smem:$0x3F94] =	sst lr;
	_ =	strace $0xD0000000  }
0x3: {  	_ = 	snop  }
0x4: {  	_ = 	snop  }
0x5: {  	_ = 	snop  }
0x6: {  	_ = 	snop  }
0x7: {  	_ = 	snop  }
__scs_overlays_trampoline_lowered:
0x8: {  	[smem:$0x3FA3] =	sst s0  }
0x9: {  	[smem:$0x3FA4] =	sst s1  }
0xa: {  	[smem:$0x3FA5] =	sst s2  }
0xb: {  	[smem:$0x3FA6] =	sst s3  }
0xc: {  	[smem:$0x3FA7] =	sst s4  }
0xd: {  	[smem:$0x3FA8] =	sst s5  }
0xe: {  	[smem:$0x3FA9] =	sst s6  }
0xf: {  	[smem:$0x3FAA] =	sst s7  }
0x10: {  	[smem:$0x3FAB] =	sst s8  }
0x11: {  	[smem:$0x3FAC] =	sst s9;
	s0 =	simm.s32 @!p0 $0x0  }
0x12: {  	s1 =	sld [smem:$0x3F92];
	s0 =	simm.s32 @p0 $0x1  }
0x13: {  	[smem:$0x3FAD] =	sst s0;
	s0 =	simm.s32 @!p1 $0x0  }
0x14: {  	s2 =	sld [smem:$0x3F91];
	s0 =	simm.s32 @p1 $0x1  }
0x15: {  	[smem:$0x3FAE] =	sst s0;
	s0 =	simm.s32 @!p2 $0x0  }
0x16: {  	s3 =	sld [smem:$0x3FDB];
	s0 =	simm.s32 @p2 $0x1  }
0x17: {  	s4 =	simm.s32 $0x1BF5;
	[smem:$0x3FB0] =	sst s0  }
0x18: {  	s0 =	sld [smem:$0x3F93];
	_ =	swait.ge [sflag:s4], $0x0  }
0x19: {  	s7 =	sld [smem:$0x3F94]  }
0x1a: {  	s8 =	sadd.s32 $0xFFFFE003, lr  }
0x1b: {  	s9 =	sadd.s32 $0xFFFFFEF7, lr;
	s5 =	simm.s32 $0xFFFFFFFF;
	p2 =	slt.u32 s8, $0xFFFFF086  }
0x1c: {  	p1 =	slt.u32 s9, $0xF7A;
	s5 =	simm.s32 @!p2 $0x0  }
0x1d: {  	s5 =	simm.s32 @p1 $0x1;
	p0 =	seq.s32 s7, s2  }
0x1e: {  	s7 =	smul.u32 @!p0 $0xF7A, s2;
	p2 =	seq.s32 @!p0 s5, $0x0  }
0x1f: {  	s9 =	smul.u32 $0xF7A, s1;
	s8 =	simm.s32 @!p0 $0x1BF5;
	p2 =	por !p2, p0  }
0x20: {  	[sflag:s8] =	ssyncset.s32 @!p0 $0xFFFFF086;
	s6 =	sadd.s32 @!p0 s3, s7;
	s7 =	simm.s32 @!p0 $0x108  }
0x21: {  	s3 =	sadd.s32 s3, s9;
	s6 =	sadd.s32 @!p0 $0x88, s6;
	s7 =	simm.s32 @p2 $0x1082  }
0x22: {  	[simem:s7], [sflag:s8] =	dma.local @!p0 [hbm:s6], $0xF7A  }
0x23: {  	s9 =	sor.u32 $0xD0000000, s2;
	s6 =	simm.s32 $0x108;
	_ =	swait.ge @!p0 [sflag:s8], $0x0  }
0x24: {  	s3 =	sadd.s32 $0x88, s3;
	s6 =	simm.s32 @!p1 $0x1082;
	[sflag:s4] =	ssyncset.s32 $0xFFFFF086  }
0x25: {  	[simem:s6], [sflag:s4] =	dma.local [hbm:s3], $0xF7A  }
0x26: {  	[smem:$0x3F94] =	sst s1;
	(tag) =	ssettag s2;
	_ =	strace s9  }
0x27: {  	s1 =	sld [smem:$0x3FA4]  }
0x28: {  	s2 =	sld [smem:$0x3FA5]  }
0x29: {  	s4 =	sld [smem:$0x3FA7]  }
0x2a: {  	p0 =	seq.s32 s5, $0x0;
	s5 =	sld [smem:$0x3FA8]  }
0x2b: {  	s6 =	sld [smem:$0x3FA9]  }
0x2c: {  	s7 =	sld [smem:$0x3FAA]  }
0x2d: {  	s3 =	simm.s32 $0x108;
	s8 =	sld [smem:$0x3FAB]  }
0x2e: {  	s3 =	simm.s32 @!p0 $0x1082;
	s9 =	sld [smem:$0x3FAC]  }
0x2f: {  	lr =	sadd.s32 s0, s3;
	s0 =	sld [smem:$0x3FA3]  }
0x30: {  	s3 =	sld [smem:$0x3FA6]  }
0x31: {  	[smem:$0x3FAF] =	sst s10  }
0x32: {  	s10 =	sld [smem:$0x3FAD];
	_ =	sdelay $0x3  }
0x33: {  	p0 =	seq.s32 s10, $0x1;
	s10 =	sld [smem:$0x3FAF];
	_ =	sdelay $0x3  }
0x34: {  	[smem:$0x3FAF] =	sst s10  }
0x35: {  	s10 =	sld [smem:$0x3FAE];
	_ =	sdelay $0x3  }
0x36: {  	p1 =	seq.s32 s10, $0x1;
	s10 =	sld [smem:$0x3FAF];
	_ =	sdelay $0x3  }
0x37: {  	[smem:$0x3FAF] =	sst s10  }
0x38: {  	s10 =	sld [smem:$0x3FB0]  }
0x39: {  	_ = 	snop;
	(pc) =	sbr.ind lr, $3  }
0x3a: {  	_ = 	snop  }
0x3b: {  	_ = 	snop  }
0x3c: {  	p2 =	seq.s32 s10, $0x1;
	s10 =	sld [smem:$0x3FAF]  }
0x3d: {  	_ =	shalt  }
0x3e: {  	_ =	shalt  }
0x3f: {  	_ =	shalt  }
0x40: {  	_ =	shalt  }
0x41: {  	_ =	shalt  }
0x42: {  	_ =	shalt  }
0x43: {  	_ =	shalt  }
0x44: {  	_ =	shalt  }
0x45: {  	_ =	shalt  }
0x46: {  	_ =	shalt  }
0x47: {  	_ =	shalt  }
0x48: {  	_ =	shalt  }
0x49: {  	_ =	shalt  }
0x4a: {  	_ =	shalt  }
0x4b: {  	_ =	shalt  }
0x4c: {  	_ =	shalt  }
0x4d: {  	_ =	shalt  }
0x4e: {  	_ =	shalt  }
0x4f: {  	_ =	shalt  }
0x50: {  	_ =	shalt  }
0x51: {  	_ =	shalt  }
0x52: {  	_ =	shalt  }
0x53: {  	_ =	shalt  }
0x54: {  	_ =	shalt  }
0x55: {  	_ =	shalt  }
0x56: {  	_ =	shalt  }
0x57: {  	_ =	shalt  }
0x58: {  	_ =	shalt  }
0x59: {  	_ =	shalt  }
0x5a: {  	_ =	shalt  }
0x5b: {  	_ =	shalt  }
0x5c: {  	_ =	shalt  }
0x5d: {  	_ =	shalt  }
0x5e: {  	_ =	shalt  }
0x5f: {  	_ =	shalt  }
0x60: {  	_ =	shalt  }
0x61: {  	_ =	shalt  }
0x62: {  	_ =	shalt  }
0x63: {  	_ =	shalt  }
0x64: {  	_ =	shalt  }
0x65: {  	_ =	shalt  }
0x66: {  	_ =	shalt  }
0x67: {  	_ =	shalt  }
0x68: {  	_ =	shalt  }
0x69: {  	_ =	shalt  }
0x6a: {  	_ =	shalt  }
0x6b: {  	_ =	shalt  }
0x6c: {  	_ =	shalt  }
0x6d: {  	_ =	shalt  }
0x6e: {  	_ =	shalt  }
0x6f: {  	_ =	shalt  }
0x70: {  	_ =	shalt  }
0x71: {  	_ =	shalt  }
0x72: {  	_ =	shalt  }
0x73: {  	_ =	shalt  }
0x74: {  	_ =	shalt  }
0x75: {  	_ =	shalt  }
0x76: {  	_ =	shalt  }
0x77: {  	_ =	shalt  }
0x78: {  	_ =	shalt  }
0x79: {  	_ =	shalt  }
0x7a: {  	_ =	shalt  }
0x7b: {  	_ =	shalt  }
0x7c: {  	_ =	shalt  }
0x7d: {  	_ =	shalt  }
0x7e: {  	_ =	shalt  }
0x7f: {  	_ =	shalt  }
0x80: {  	_ =	shalt  }
0x81: {  	_ =	shalt  }
0x82: {  	_ =	shalt  }
0x83: {  	_ =	shalt  }
0x84: {  	_ =	shalt  }
0x85: {  	_ =	shalt  }
0x86: {  	_ =	shalt  }
0x87: {  	_ =	shalt  }
.Lfunc_end0:
.L_simem_size_0:
called_computation.4_lowered:
.L_overlay_start_0:
0x88: {  	s2 =	sld [smem:$0x3FD9]  }
0x89: {  	s3 =	sld [smem:$0x3FFE];
	_ =	sdelay $0x1  }
0x8a: {  	s1 =	srdreg.scid  }
0x8b: {  	s0 =	sand.u32 $0x1, s1  }
0x8c: {  	s17 =	sshll.u32 s0, $0xA;
	s2 =	sadd.s32 s3, s2  }
0x8d: {  	s2 =	sadd.s32 s2, s17  }
0x8e: {  	[smem:$0x3FBB] =	sst s2  }
0x8f: {  	_ = 	snop  }
0x90: {  	s2 =	sld [smem:$0x3FC8]  }
0x91: {  	s18 =	sld [smem:$0x3FC7];
	(tm) =	ssettm $0x1  }
0x92: {  	s4 =	sld [smem:$0x3FFB];
	_ =	sdelay $0x3  }
0x93: {  	_ =	strace s4  }
0x94: {  	s4 =	sld [smem:$0x3FFC];
	_ =	sdelay $0x3  }
0x95: {  	_ =	strace s4  }
0x96: {  	s4 =	sld [smem:$0x3FFD];
	_ =	sdelay $0x3  }
0x97: {  	_ =	strace s4  }
0x98: {  	_ =	strace $0x8FFFFFFF  }
0x99: {  	s19 =	sld [smem:$0x3FDB];
	_ =	sdelay $0x1  }
0x9a: {  	s5 =	simm.s32 $_scs_section_size  }
0x9b: {  	s6 =	simm.s32 $_size__tile_overlayer_lowered;
	s7 =	simm.s32 $_tile_overlayer_lowered  }
0x9c: {  	s22 =	simm.s32 $0x1BFF;
	s21 =	sshll.u32 s7, $0x1;
	s4 =	sadd.s32 s5, s19  }
0x9d: {  	s8 =	simm.s32 $0x0;
	s20 =	sshll.u32 s6, $0x1;
	s6 =	sadd.s32 s21, s4  }
0x9e: {  	[timem:s8], [sflag:s22] =	dma.local [hbm:s6], s20  }
0x9f: {  	_ =	swait.ge [sflag:s22], s20  }
0xa0: {  	s5 =	ssub.s32 $0x0, s20;
	[sflag:s22] =	ssyncset.done $0x0  }
0xa1: {  	[sflag:s22] =	ssyncadd.s32 s5;
	_ =	sdelay $0x1  }
0xa2: {  	s23 =	simm.s32 $0x1B8B  }
0xa3: {  	_ =	swait.ge [sflag:s23], $0x1  }
0xa4: {  	[sflag:s23] =	ssyncset.done $0x0  }
0xa5: {  	s25 =	simm.s32 $0x1B8E;
	s24 =	sld [smem:$0x3FFE];
	[sflag:s23] =	ssyncadd.s32 $0xFFFFFFFF  }
0xa6: {  	s26 =	simm.s32 $execute0_lowered;
	[smem:$0x3FD2] =	sst s25  }
0xa7: {  	s6 =	sshll.u32 s26, $0x1;
	_ =	strace $0x80000052;
	[dreg:$0x1] =	wrdreg $0xFFFFFFFF  }
0xa8: {  	s28 =	simm.s32 $_size_execute0_lowered;
	s4 =	sadd.s32 s4, s6;
	[dreg:$0x0] =	wrdreg $0x0  }
0xa9: {  	s6 =	sshll.u32 s28, $0x1;
	[dreg:$0x2] =	wrdreg s4  }
0xaa: {  	[dreg:$0x3] =	wrdreg s6  }
0xab: {  	[dreg:$0x4] =	wrdreg $0xC0  }
0xac: {  	_ =	task [dreg:s8], $0x5FFFF  }
0xad: {  	[dreg:$0x1] =	wrdreg $0xFFFFFFFF  }
0xae: {  	[dreg:$0x0] =	wrdreg $0x60  }
0xaf: {  	[dreg:$0x2] =	wrdreg s24  }
0xb0: {  	[dreg:$0x3] =	wrdreg s2  }
0xb1: {  	[dreg:$0x4] =	wrdreg s18  }
0xb2: {  	[dreg:$0x5] =	wrdreg $0x119400  }
0xb3: {  	[dreg:$0x6] =	wrdreg $0x9  }
0xb4: {  	_ =	task.clear_ibuf [dreg:s8], $0x7FFFF;
	_ =	strace $0x90000052  }
0xb5: {  	s29 =	simm.s32 $0x9;
	_ =	strace $0x80000054  }
0xb6: {  	_ =	swait.ge [sflag:s29], $0x1  }
0xb7: {  	[sflag:s29] =	ssyncadd.s32 $0xFFFFFFFF  }
0xb8: {  	_ =	strace $0x90000054  }
0xb9: {  	_ =	sfence  }
0xba: {  	s30 =	sld [smem:$0x0];
	_ =	sdelay $0x2  }
0xbb: {  	s31 =	sshll.u32 s1, $0xD;
	s1 =	sshrl.u32 s1, $0x2  }
0xbc: {  	s3 =	sand.u32 $0x4000, s31;
	s1 =	sadd.s32 s1, s30  }
0xbd: {  	s0 =	sor.u32 s3, s0;
	s1 =	sshll.u32 s1, $0x11  }
0xbe: {  	s0 =	sor.u32 s1, s0  }
0xbf: {  	s0 =	sadd.s32 $0x8F2B, s0  }
0xc0: {  	[sflag:s0] =	ssyncadd.remote.s32 $0x1  }
0xc1: {  	_ =	sfence.sel $0xFFFF  }
0xc2: {  	[dreg:$0x0] =	wrdreg $0xFFFFFFFF;
	(pc) =	sbr.abs _section_cstart, $3  }
0xc3: {  	[dreg:$0x1] =	wrdreg $0xFFFFFFFF  }
0xc4: {  	_ =	task.clear_ibuf [dreg:s8], $0x2FFFF;
	_ =	strace $0x9FFFFFFF  }
0xc5: {  	(tm) =	ssettm $0x7FFFFFFF  }
tec
execute0_lowered:
.L_overlay_start_1:
0x0: {  	(tag) =	ssettag $0x1  }
0x1: {  	s9 =	rddreg [dreg:$0x0]  }
0x2: {  	s16 =	rddreg [dreg:$0x1]  }
0x3: {  	s17 =	rddreg [dreg:$0x2]  }
0x4: {  	s1 =	rddreg [dreg:$0x3]  }
0x5: {  	s0 =	rddreg [dreg:$0x4];
	s3 =	simm.s32 $0x0  }
0x6: {  	s2 =	stileid.u32;
	s6 =	srdreg.scid;
	s20 =	simm.s32 $0x1  }
0x7: {  	s22 =	simm.s32 $0x9C40;
	s23 =	simm.s32 $0x0;
	[smem:$0x7FF] =	sst s3  }
0x8: {  	s4 =	sadd.s32 $0x66A00, s9;
	s5 =	sadd.s32 $0xA3800, s9;
	s11 =	smul.u32 $0xFA00, s2  }
0x9: {  	s21 =	sand.u32 $0x1, s6;
	s6 =	sadd.s32 $0x8FE00, s9;
	s7 =	sadd.s32 $0x7A400, s9  }
0xa: {  	s8 =	sadd.s32 $0x8DE00, s9;
	s31 =	smul.u32 $0x3E800, s2;
	p2 =	slt.u32 s2, $0xA  }
0xb: {  	s18 =	smul.u32 $0x9C4, s2;
	p3 =	sgt.u32 s2, $0x9;
	_ =	strace $0x80000053  }
0xc: {  	s10 =	ssub.s32 $0x2, s21;
	p1 =	seq.s32 s21, $0x0;
	p0 =	seq.s32 s21, $0x1  }
0xd: {  	s19 =	sshll.u32 @!p3 s2, $0x6;
	p4 =	sne.s32 s21, $0x0;
	s21 =	simm.s32 $0x3E8  }
0xe: {  	s12 =	sshrl.u32 s11, $0x3;
	s13 =	sshrl.u32 s10, $0x1;
	p1 =	por !p1, !p2  }
0xf: {  	p2 =	por !p2, !p0;
	s11 =	sadd.s32 s11, s1;
	s16 =	sadd.s32 s18, s16  }
.Ltmp0:
0x10: {  	s17 =	sadd.s32 s18, s17;
	s18 =	sor.u32 @!p3 $0x1C01, s19;
	(pc) =	sbr.rel .LBB2_1-.Ltmp0, $4  }
0x11: {  	s14 =	sadd.s32 s12, s9;
	s15 =	ssub.s32 s10, s13;
	s9 =	sshrl.u32 s31, $0x2  }
0x12: {  	p1 =	por !p1, !p1;
	p2 =	por !p2, !p2;
	s9 =	sadd.s32 s9, s1  }
0x13: {  	s10 =	sadd.s32 $0xF2000, s14;
	s12 =	sadd.s32 $0xDE600, s14;
	s13 =	sadd.s32 $0xCAC00, s14  }
0x14: {  	s14 =	sadd.s32 $0xB7200, s14;
	s15 =	smax.u32 s15, $0x1;
	s19 =	sshrl.u32 @!p3 s9, $0x3  }
.LBB2_24:
0x15: {  	s26 =	sshra.s32 s26, $0x2;
	[sflag:s20] =	ssyncadd.s32 $0xFFFF8300  }
0x16: {  	[tilespmem:s22], [sflag:$0x1] =	stream.indirect.gather [hbm4b:s7+s21], $0x20, s26, s21, $0xb8;
	[tilespmem:$0x1B580] =	vst v63  }
0x17: {  	_ =	swait.ge [sflag:s20], $0x7D00  }
0x18: {  	[sflag:s20] =	ssyncset.done $0x0  }
0x19: {  	s26 =	sadd.s32 $0x4E20, s26;
	[sflag:s20] =	ssyncadd.s32 $0xFFFF8300  }
0x1a: {  	[spmem:s1] =	stream.indirect.scatter.add.f32 [tilespmem:s22], [sflag:$0x1], $0x20, s26, s21, $0xb8;
	[tilespmem:$0x1B580] =	vst v63  }
0x1b: {  	_ =	swait.ge [sflag:s20], $0x7D00  }
0x1c: {  	[sflag:s20] =	ssyncset.done $0x0  }
0x1d: {  	[sflag:s20] =	ssyncadd.s32 $0xFFFF8300  }
.LBB2_25:
0x1e: {  	[bflag:$0x0] =	sbarrier.arrive $0xFFFF  }
0x1f: {  	[hbm:s13], [sflag:s24] =	dma.local @p1 [spmem:s25], $0x1F40  }
0x20: {  	s24 =	simm.s32 @p1 $0x1  }
0x21: {  	s23 =	sadd.s32 $0x1, s23;
	_ =	swait.ge @p1 [sflag:s24], $0x1F40  }
0x22: {  	s25 =	sshll.u32 @p2 s2, $0x6;
	p5 =	sne.s32 s23, s15;
	[sflag:s24] =	ssyncset.done @p1 $0x0  }
0x23: {  	[sflag:s24] =	ssyncadd.s32 @p1 $0xFFFFE0C0;
	s24 =	sor.u32 @p2 $0x1C01, s25;
	s25 =	sshrl.u32 @p2 s11, $0x3  }
0x24: {  	[hbm:s14], [sflag:s24] =	dma.local @p2 [spmem:s25], $0x1F40  }
.Ltmp1:
0x25: {  	_ = 	snop;
	(pc) =	sbr.rel @!p5 .LBB2_26-.Ltmp1, $4  }
0x26: {  	s24 =	simm.s32 @p2 $0x1  }
0x27: {  	_ =	swait.ge @p2 [sflag:s24], $0x1F40  }
0x28: {  	[sflag:s24] =	ssyncset.done @p2 $0x0  }
0x29: {  	[sflag:s24] =	ssyncadd.s32 @p2 $0xFFFFE0C0  }
.LBB2_1:
0x2a: {  	[spmem:s19], [sflag:s18] =	dma.local @!p3 [hbm:s8], $0x1F40  }
0x2b: {  	s24 =	simm.s32 @!p3 $0x1  }
0x2c: {  	_ =	swait.ge @!p3 [sflag:s24], $0x1F40  }
0x2d: {  	[sflag:s24] =	ssyncset.done @!p3 $0x0  }
0x2e: {  	s25 =	simm.s32 $0x0;
	[sflag:s24] =	ssyncadd.s32 @!p3 $0xFFFFE0C0;
	s24 =	simm.s32 $0x0  }
.LBB2_2:
0x2f: {  	p5 =	sne.s32 s25, $0x947  }
.Ltmp2:
0x30: {  	s26 =	sadd.s32 s25, s16;
	s28 =	simm.s32 $0x0;
	(pc) =	sbr.rel @p5 .LBB2_2-.Ltmp2, $4  }
0x31: {  	[tilespmem:s24], [sflag:$0x1] =	stream.linear.gather [hbm4b:s26+s28], $0x3E8, $0x38;
	[tilespmem:$0x1B580] =	vst v63  }
0x32: {  	_ =	swait.ge [sflag:s20], $0x3E8  }
0x33: {  	[sflag:s20] =	ssyncset.done $0x0  }
0x34: {  	s25 =	sadd.s32 $0x7D, s25;
	s24 =	sadd.s32 $0x3E8, s24;
	[sflag:s20] =	ssyncadd.s32 $0xFFFFFC18  }
0x35: {  	s24 =	simm.s32 $0x4E20;
	s25 =	sadd.s32 $0x0, s17  }
0x36: {  	[tilespmem:s24], [sflag:$0x1] =	stream.linear.gather [hbm4b:s25+s3], $0x3E8, $0x38;
	[tilespmem:$0x1B580] =	vst v63  }
0x37: {  	_ =	swait.ge [sflag:s20], $0x3E8  }
0x38: {  	s25 =	simm.s32 $0x7D;
	[sflag:s20] =	ssyncset.done $0x0  }
.LBB2_4:
0x39: {  	s26 =	sadd.s32 s25, s17  }
0x3a: {  	[sflag:s20] =	ssyncadd.s32 $0xFFFFFC18;
	s24 =	sadd.s32 $0x3E8, s24;
	p5 =	sne.s32 s25, $0x947  }
0x3b: {  	[tilespmem:s24], [sflag:$0x1] =	stream.linear.gather [hbm4b:s26+s3], $0x3E8, $0x38;
	[tilespmem:$0x1B580] =	vst v63  }
.Ltmp3:
0x3c: {  	_ = 	snop;
	(pc) =	sbr.rel @p5 .LBB2_4-.Ltmp3, $4  }
0x3d: {  	_ = 	snop  }
0x3e: {  	s25 =	sadd.s32 $0x7D, s25  }
0x3f: {  	_ =	swait.ge [sflag:s20], $0x3E8  }
0x40: {  	[sflag:s20] =	ssyncset.done $0x0  }
.Ltmp4:
0x41: {  	(pc) =	sbr.rel @p4 .LBB2_9-.Ltmp4, $3  }
0x42: {  	_ = 	snop  }
0x43: {  	[sflag:s20] =	ssyncadd.s32 $0xFFFFFC18  }
0x44: {  	[bflag:$0x0] =	sbarrier.arrive $0xFFFF;
	_ =	sdelay $0x1  }
0x45: {  	s24 =	simm.s32 $0x0  }
0x46: {  	[tilespmem:s22], [sflag:$0x1] =	stream.indirect.gather [hbm4b:s4+s21], $0x20, s24, s21, $0xb8;
	[tilespmem:$0x1B580] =	vst v63  }
0x47: {  	_ =	swait.ge [sflag:s20], $0x7D00  }
0x48: {  	[sflag:s20] =	ssyncset.done $0x0  }
0x49: {  	s31 =	simm.s32 $0x4E20;
	[sflag:s20] =	ssyncadd.s32 $0xFFFF8300  }
0x4a: {  	[spmem:s1] =	stream.indirect.scatter.add.f32 [tilespmem:s22], [sflag:$0x1], $0x20, s31, s21, $0xb8;
	[tilespmem:$0x1B580] =	vst v63  }
0x4b: {  	_ =	swait.ge [sflag:s20], $0x7D00  }
0x4c: {  	s25 =	simm.s32 $0x1F40;
	s24 =	simm.s32 $0xFA0;
	[sflag:s20] =	ssyncset.done $0x0  }
.LBB2_7:
0x4d: {  	s26 =	sshra.s32 s24, $0x2  }
0x4e: {  	[sflag:s20] =	ssyncadd.s32 $0xFFFF8300;
	s24 =	smov.u32 s25;
	s28 =	sadd.s32 $0xFA0, s25  }
0x4f: {  	[tilespmem:s22], [sflag:$0x1] =	stream.indirect.gather [hbm4b:s4+s21], $0x20, s26, s21, $0xb8;
	[tilespmem:$0x1B580] =	vst v63  }
0x50: {  	p5 =	sne.s32 s25, $0x128E0;
	_ =	swait.ge [sflag:s20], $0x7D00  }
.Ltmp5:
0x51: {  	[sflag:s20] =	ssyncset.done $0x0;
	(pc) =	sbr.rel @p5 .LBB2_7-.Ltmp5, $4  }
0x52: {  	s25 =	sadd.s32 $0x4E20, s26;
	[sflag:s20] =	ssyncadd.s32 $0xFFFF8300  }
0x53: {  	[spmem:s1] =	stream.indirect.scatter.add.f32 [tilespmem:s22], [sflag:$0x1], $0x20, s25, s21, $0xb8;
	[tilespmem:$0x1B580] =	vst v63  }
0x54: {  	_ =	swait.ge [sflag:s20], $0x7D00  }
0x55: {  	s25 =	smov.u32 s28;
	[sflag:s20] =	ssyncset.done $0x0  }
0x56: {  	s24 =	sshra.s32 s24, $0x2;
	[sflag:s20] =	ssyncadd.s32 $0xFFFF8300  }
0x57: {  	[tilespmem:s22], [sflag:$0x1] =	stream.indirect.gather [hbm4b:s4+s21], $0x20, s24, s21, $0xb8;
	[tilespmem:$0x1B580] =	vst v63  }
0x58: {  	_ =	swait.ge [sflag:s20], $0x7D00  }
0x59: {  	[sflag:s20] =	ssyncset.done $0x0  }
0x5a: {  	s24 =	sadd.s32 $0x4E20, s24;
	[sflag:s20] =	ssyncadd.s32 $0xFFFF8300  }
0x5b: {  	[spmem:s1] =	stream.indirect.scatter.add.f32 [tilespmem:s22], [sflag:$0x1], $0x20, s24, s21, $0xb8;
	[tilespmem:$0x1B580] =	vst v63  }
0x5c: {  	_ =	swait.ge [sflag:s20], $0x7D00  }
0x5d: {  	[sflag:s20] =	ssyncset.done $0x0  }
0x5e: {  	[sflag:s20] =	ssyncadd.s32 $0xFFFF8300  }
.LBB2_9:
.Ltmp6:
0x5f: {  	(pc) =	sbr.rel @!p0 .LBB2_13-.Ltmp6, $1  }
0x60: {  	_ =	sdelay $0x3  }
0x61: {  	s24 =	simm.s32 $0x0  }
0x62: {  	[tilespmem:s22], [sflag:$0x1] =	stream.indirect.gather [hbm4b:s5+s21], $0x20, s24, s21, $0xb8;
	[tilespmem:$0x1B580] =	vst v63  }
0x63: {  	_ =	swait.ge [sflag:s20], $0x7D00  }
0x64: {  	[sflag:s20] =	ssyncset.done $0x0  }
0x65: {  	s31 =	simm.s32 $0x4E20;
	[sflag:s20] =	ssyncadd.s32 $0xFFFF8300  }
0x66: {  	[spmem:s1] =	stream.indirect.scatter.add.f32 [tilespmem:s22], [sflag:$0x1], $0x20, s31, s21, $0xb8;
	[tilespmem:$0x1B580] =	vst v63  }
0x67: {  	_ =	swait.ge [sflag:s20], $0x7D00  }
0x68: {  	s25 =	simm.s32 $0x1F40;
	s24 =	simm.s32 $0xFA0;
	[sflag:s20] =	ssyncset.done $0x0  }
.LBB2_11:
0x69: {  	s26 =	sshra.s32 s24, $0x2  }
0x6a: {  	[sflag:s20] =	ssyncadd.s32 $0xFFFF8300;
	s24 =	smov.u32 s25;
	s28 =	sadd.s32 $0xFA0, s25  }
0x6b: {  	[tilespmem:s22], [sflag:$0x1] =	stream.indirect.gather [hbm4b:s5+s21], $0x20, s26, s21, $0xb8;
	[tilespmem:$0x1B580] =	vst v63  }
0x6c: {  	p5 =	sne.s32 s25, $0x128E0;
	_ =	swait.ge [sflag:s20], $0x7D00  }
.Ltmp7:
0x6d: {  	[sflag:s20] =	ssyncset.done $0x0;
	(pc) =	sbr.rel @p5 .LBB2_11-.Ltmp7, $4  }
0x6e: {  	s25 =	sadd.s32 $0x4E20, s26;
	[sflag:s20] =	ssyncadd.s32 $0xFFFF8300  }
0x6f: {  	[spmem:s1] =	stream.indirect.scatter.add.f32 [tilespmem:s22], [sflag:$0x1], $0x20, s25, s21, $0xb8;
	[tilespmem:$0x1B580] =	vst v63  }
0x70: {  	_ =	swait.ge [sflag:s20], $0x7D00  }
0x71: {  	s25 =	smov.u32 s28;
	[sflag:s20] =	ssyncset.done $0x0  }
0x72: {  	s24 =	sshra.s32 s24, $0x2;
	[sflag:s20] =	ssyncadd.s32 $0xFFFF8300  }
0x73: {  	[tilespmem:s22], [sflag:$0x1] =	stream.indirect.gather [hbm4b:s5+s21], $0x20, s24, s21, $0xb8;
	[tilespmem:$0x1B580] =	vst v63  }
0x74: {  	_ =	swait.ge [sflag:s20], $0x7D00  }
0x75: {  	[sflag:s20] =	ssyncset.done $0x0  }
0x76: {  	s24 =	sadd.s32 $0x4E20, s24;
	[sflag:s20] =	ssyncadd.s32 $0xFFFF8300  }
0x77: {  	[spmem:s1] =	stream.indirect.scatter.add.f32 [tilespmem:s22], [sflag:$0x1], $0x20, s24, s21, $0xb8;
	[tilespmem:$0x1B580] =	vst v63  }
0x78: {  	_ =	swait.ge [sflag:s20], $0x7D00  }
0x79: {  	[sflag:s20] =	ssyncset.done $0x0  }
0x7a: {  	[sflag:s20] =	ssyncadd.s32 $0xFFFF8300  }
.LBB2_13:
0x7b: {  	s24 =	sshll.u32 @p1 s2, $0x6;
	[bflag:$0x0] =	sbarrier.arrive $0xFFFF;
	s25 =	sshrl.u32 @p1 s11, $0x3  }
.Ltmp8:
0x7c: {  	s26 =	simm.s32 @p1 $0x1;
	s24 =	sor.u32 @p1 $0x1C01, s24;
	(pc) =	sbr.rel @!p2 .LBB2_15-.Ltmp8, $4  }
0x7d: {  	[hbm:s10], [sflag:s24] =	dma.local @p1 [spmem:s25], $0x1F40  }
0x7e: {  	_ =	swait.ge @p1 [sflag:s26], $0x1F40  }
0x7f: {  	s28 =	sshll.u32 s2, $0x6;
	[sflag:s26] =	ssyncset.done @p1 $0x0  }
0x80: {  	[sflag:s26] =	ssyncadd.s32 @p1 $0xFFFFE0C0;
	s26 =	sor.u32 $0x1C01, s28  }
0x81: {  	s28 =	sshrl.u32 s11, $0x3  }
0x82: {  	[hbm:s12], [sflag:s26] =	dma.local [spmem:s28], $0x1F40  }
.Ltmp9:
0x83: {  	_ =	swait.ge [sflag:s20], $0x1F40;
	(pc) =	sbr.rel .LBB2_16-.Ltmp9, $3  }
0x84: {  	[sflag:s20] =	ssyncset.done $0x0  }
0x85: {  	[sflag:s20] =	ssyncadd.s32 $0xFFFFE0C0  }
0x86: {  	[bflag:$0x0] =	sbarrier.arrive $0xFFFF;
	_ =	sdelay $0x1  }
.LBB2_15:
.Ltmp10:
0x87: {  	(pc) =	sbr.rel @p3 .LBB2_17-.Ltmp10, $2  }
0x88: {  	_ =	sdelay $0x1  }
0x89: {  	[bflag:$0x0] =	sbarrier.arrive $0xFFFF;
	_ =	sdelay $0x1  }
.LBB2_16:
0x8a: {  	s28 =	sshrl.u32 s9, $0x3  }
0x8b: {  	[spmem:s28], [sflag:s26] =	dma.local [hbm:s8], $0x1F40  }
0x8c: {  	_ =	swait.ge [sflag:s20], $0x1F40  }
0x8d: {  	[sflag:s20] =	ssyncset.done $0x0  }
0x8e: {  	[sflag:s20] =	ssyncadd.s32 $0xFFFFE0C0  }
.LBB2_17:
.Ltmp11:
0x8f: {  	(pc) =	sbr.rel @p4 .LBB2_21-.Ltmp11, $2  }
0x90: {  	_ =	sdelay $0x1  }
0x91: {  	[bflag:$0x0] =	sbarrier.arrive $0xFFFF;
	_ =	sdelay $0x1  }
0x92: {  	s26 =	simm.s32 $0x0  }
0x93: {  	[tilespmem:s22], [sflag:$0x1] =	stream.indirect.gather [hbm4b:s6+s21], $0x20, s26, s21, $0xb8;
	[tilespmem:$0x1B580] =	vst v63  }
0x94: {  	_ =	swait.ge [sflag:s20], $0x7D00  }
0x95: {  	[sflag:s20] =	ssyncset.done $0x0  }
0x96: {  	s31 =	simm.s32 $0x4E20;
	[sflag:s20] =	ssyncadd.s32 $0xFFFF8300  }
0x97: {  	[spmem:s1] =	stream.indirect.scatter.add.f32 [tilespmem:s22], [sflag:$0x1], $0x20, s31, s21, $0xb8;
	[tilespmem:$0x1B580] =	vst v63  }
0x98: {  	_ =	swait.ge [sflag:s20], $0x7D00  }
0x99: {  	s28 =	simm.s32 $0x1F40;
	s26 =	simm.s32 $0xFA0;
	[sflag:s20] =	ssyncset.done $0x0  }
.LBB2_19:
0x9a: {  	s29 =	sshra.s32 s26, $0x2  }
0x9b: {  	[sflag:s20] =	ssyncadd.s32 $0xFFFF8300;
	s26 =	smov.u32 s28;
	s30 =	sadd.s32 $0xFA0, s28  }
0x9c: {  	[tilespmem:s22], [sflag:$0x1] =	stream.indirect.gather [hbm4b:s6+s21], $0x20, s29, s21, $0xb8;
	[tilespmem:$0x1B580] =	vst v63  }
0x9d: {  	p5 =	sne.s32 s28, $0x128E0;
	_ =	swait.ge [sflag:s20], $0x7D00  }
.Ltmp12:
0x9e: {  	[sflag:s20] =	ssyncset.done $0x0;
	(pc) =	sbr.rel @p5 .LBB2_19-.Ltmp12, $4  }
0x9f: {  	s28 =	sadd.s32 $0x4E20, s29;
	[sflag:s20] =	ssyncadd.s32 $0xFFFF8300  }
0xa0: {  	[spmem:s1] =	stream.indirect.scatter.add.f32 [tilespmem:s22], [sflag:$0x1], $0x20, s28, s21, $0xb8;
	[tilespmem:$0x1B580] =	vst v63  }
0xa1: {  	_ =	swait.ge [sflag:s20], $0x7D00  }
0xa2: {  	s28 =	smov.u32 s30;
	[sflag:s20] =	ssyncset.done $0x0  }
0xa3: {  	s26 =	sshra.s32 s26, $0x2;
	[sflag:s20] =	ssyncadd.s32 $0xFFFF8300  }
0xa4: {  	[tilespmem:s22], [sflag:$0x1] =	stream.indirect.gather [hbm4b:s6+s21], $0x20, s26, s21, $0xb8;
	[tilespmem:$0x1B580] =	vst v63  }
0xa5: {  	_ =	swait.ge [sflag:s20], $0x7D00  }
0xa6: {  	[sflag:s20] =	ssyncset.done $0x0  }
0xa7: {  	s26 =	sadd.s32 $0x4E20, s26;
	[sflag:s20] =	ssyncadd.s32 $0xFFFF8300  }
0xa8: {  	[spmem:s1] =	stream.indirect.scatter.add.f32 [tilespmem:s22], [sflag:$0x1], $0x20, s26, s21, $0xb8;
	[tilespmem:$0x1B580] =	vst v63  }
0xa9: {  	_ =	swait.ge [sflag:s20], $0x7D00  }
0xaa: {  	[sflag:s20] =	ssyncset.done $0x0  }
0xab: {  	[sflag:s20] =	ssyncadd.s32 $0xFFFF8300  }
.LBB2_21:
.Ltmp13:
0xac: {  	(pc) =	sbr.rel @!p0 .LBB2_25-.Ltmp13, $1  }
0xad: {  	_ =	sdelay $0x3  }
0xae: {  	s26 =	simm.s32 $0x0  }
0xaf: {  	[tilespmem:s22], [sflag:$0x1] =	stream.indirect.gather [hbm4b:s7+s21], $0x20, s26, s21, $0xb8;
	[tilespmem:$0x1B580] =	vst v63  }
0xb0: {  	_ =	swait.ge [sflag:s20], $0x7D00  }
0xb1: {  	[sflag:s20] =	ssyncset.done $0x0  }
0xb2: {  	s31 =	simm.s32 $0x4E20;
	[sflag:s20] =	ssyncadd.s32 $0xFFFF8300  }
0xb3: {  	[spmem:s1] =	stream.indirect.scatter.add.f32 [tilespmem:s22], [sflag:$0x1], $0x20, s31, s21, $0xb8;
	[tilespmem:$0x1B580] =	vst v63  }
0xb4: {  	_ =	swait.ge [sflag:s20], $0x7D00  }
0xb5: {  	s28 =	simm.s32 $0x1F40;
	s26 =	simm.s32 $0xFA0;
	[sflag:s20] =	ssyncset.done $0x0  }
.LBB2_23:
0xb6: {  	s29 =	sshra.s32 s26, $0x2  }
0xb7: {  	[sflag:s20] =	ssyncadd.s32 $0xFFFF8300;
	s26 =	smov.u32 s28;
	s30 =	sadd.s32 $0xFA0, s28  }
0xb8: {  	[tilespmem:s22], [sflag:$0x1] =	stream.indirect.gather [hbm4b:s7+s21], $0x20, s29, s21, $0xb8;
	[tilespmem:$0x1B580] =	vst v63  }
0xb9: {  	p5 =	sne.s32 s28, $0x128E0;
	_ =	swait.ge [sflag:s20], $0x7D00  }
.Ltmp14:
0xba: {  	[sflag:s20] =	ssyncset.done $0x0;
	(pc) =	sbr.rel @p5 .LBB2_23-.Ltmp14, $4  }
0xbb: {  	s28 =	sadd.s32 $0x4E20, s29;
	[sflag:s20] =	ssyncadd.s32 $0xFFFF8300  }
0xbc: {  	[spmem:s1] =	stream.indirect.scatter.add.f32 [tilespmem:s22], [sflag:$0x1], $0x20, s28, s21, $0xb8;
	[tilespmem:$0x1B580] =	vst v63  }
0xbd: {  	_ =	swait.ge [sflag:s20], $0x7D00  }
0xbe: {  	s28 =	smov.u32 s30;
	[sflag:s20] =	ssyncset.done $0x0  }
.Ltmp15:
0xbf: {  	_ = 	snop;
	(pc) =	sbr.rel .LBB2_24-.Ltmp15, $1  }
0xc0: {  	_ =	sdelay $0x3  }
.LBB2_26:
0xc1: {  	_ =	sfence.sel $0x180000  }
0xc2: {  	[bflag:$0x0] =	sbarrier.arrive $0xFFFF  }
0xc3: {  	p0 =	sne.s32 s2, $0x0;
	_ =	strace $0x90000053  }
0xc4: {  	s0 =	sadd.s32 @!p0 $0x100000, s0;
	[bflag:$0x2] =	sbarrier.arrive $0xFFFF  }
0xc5: {  	[sflag:s0] =	ssyncadd.tile.s32 @!p0 $0x1;
	_ =	shalt  }
.Lfunc_end2:
_tile_overlayer_lowered:
.L_overlay_start_2:
0xc6: {  	(tag) =	ssettag $0x2  }
0xc7: {  	s0 =	rddreg [dreg:$0x0];
	s2 =	stileid.u32  }
0xc8: {  	s1 =	rddreg [dreg:$0x1];
	p0 =	sne.s32 s2, $0x0  }
0xc9: {  	s3 =	rddreg [dreg:$0x2];
	[bflag:$0x3] =	sbarrier.arrive $0xFFFF;
	s2 =	simm.s32 @!p0 $0x1C01  }
0xca: {  	[timem:s3], [sflag:s2] =	dma.local @!p0 [hbm:s0], s1  }
0xcb: {  	s0 =	simm.s32 @!p0 $0x1  }
0xcc: {  	_ =	swait.ge @!p0 [sflag:s0], s1  }
0xcd: {  	s1 =	ssub.s32 @!p0 $0x0, s1;
	[sflag:s0] =	ssyncset.done @!p0 $0x0  }
0xce: {  	[sflag:s0] =	ssyncadd.s32 @!p0 s1  }
0xcf: {  	[bflag:$0x3] =	sbarrier.arrive $0xFFFF  }
0xd0: {  	_ =	shalt  }

// kernel: kernel.29.cloned.1.call-start
scs
__scs_entry_jumppad:
0x0: {  	(pc) =	sbr.rel $0x88, $3  }
0x1: {  	(tag) =	ssettag $0x0;
	lr =	simm.s32 $0x1  }
0x2: {  	[smem:$0x3F94] =	sst lr;
	_ =	strace $0xD0000000  }
0x3: {  	_ = 	snop  }
0x4: {  	_ = 	snop  }
0x5: {  	_ = 	snop  }
0x6: {  	_ = 	snop  }
0x7: {  	_ = 	snop  }
__scs_overlays_trampoline_lowered:
0x8: {  	[smem:$0x3FA3] =	sst s0  }
0x9: {  	[smem:$0x3FA4] =	sst s1  }
0xa: {  	[smem:$0x3FA5] =	sst s2  }
0xb: {  	[smem:$0x3FA6] =	sst s3  }
0xc: {  	[smem:$0x3FA7] =	sst s4  }
0xd: {  	[smem:$0x3FA8] =	sst s5  }
0xe: {  	[smem:$0x3FA9] =	sst s6  }
0xf: {  	[smem:$0x3FAA] =	sst s7  }
0x10: {  	[smem:$0x3FAB] =	sst s8  }
0x11: {  	[smem:$0x3FAC] =	sst s9;
	s0 =	simm.s32 @!p0 $0x0  }
0x12: {  	s1 =	sld [smem:$0x3F92];
	s0 =	simm.s32 @p0 $0x1  }
0x13: {  	[smem:$0x3FAD] =	sst s0;
	s0 =	simm.s32 @!p1 $0x0  }
0x14: {  	s2 =	sld [smem:$0x3F91];
	s0 =	simm.s32 @p1 $0x1  }
0x15: {  	[smem:$0x3FAE] =	sst s0;
	s0 =	simm.s32 @!p2 $0x0  }
0x16: {  	s3 =	sld [smem:$0x3FDB];
	s0 =	simm.s32 @p2 $0x1  }
0x17: {  	s4 =	simm.s32 $0x1BF5;
	[smem:$0x3FB0] =	sst s0  }
0x18: {  	s0 =	sld [smem:$0x3F93];
	_ =	swait.ge [sflag:s4], $0x0  }
0x19: {  	s7 =	sld [smem:$0x3F94]  }
0x1a: {  	s8 =	sadd.s32 $0xFFFFE003, lr  }
0x1b: {  	s9 =	sadd.s32 $0xFFFFFEF7, lr;
	s5 =	simm.s32 $0xFFFFFFFF;
	p2 =	slt.u32 s8, $0xFFFFF086  }
0x1c: {  	p1 =	slt.u32 s9, $0xF7A;
	s5 =	simm.s32 @!p2 $0x0  }
0x1d: {  	s5 =	simm.s32 @p1 $0x1;
	p0 =	seq.s32 s7, s2  }
0x1e: {  	s7 =	smul.u32 @!p0 $0xF7A, s2;
	p2 =	seq.s32 @!p0 s5, $0x0  }
0x1f: {  	s9 =	smul.u32 $0xF7A, s1;
	s8 =	simm.s32 @!p0 $0x1BF5;
	p2 =	por !p2, p0  }
0x20: {  	[sflag:s8] =	ssyncset.s32 @!p0 $0xFFFFF086;
	s6 =	sadd.s32 @!p0 s3, s7;
	s7 =	simm.s32 @!p0 $0x108  }
0x21: {  	s3 =	sadd.s32 s3, s9;
	s6 =	sadd.s32 @!p0 $0x88, s6;
	s7 =	simm.s32 @p2 $0x1082  }
0x22: {  	[simem:s7], [sflag:s8] =	dma.local @!p0 [hbm:s6], $0xF7A  }
0x23: {  	s9 =	sor.u32 $0xD0000000, s2;
	s6 =	simm.s32 $0x108;
	_ =	swait.ge @!p0 [sflag:s8], $0x0  }
0x24: {  	s3 =	sadd.s32 $0x88, s3;
	s6 =	simm.s32 @!p1 $0x1082;
	[sflag:s4] =	ssyncset.s32 $0xFFFFF086  }
0x25: {  	[simem:s6], [sflag:s4] =	dma.local [hbm:s3], $0xF7A  }
0x26: {  	[smem:$0x3F94] =	sst s1;
	(tag) =	ssettag s2;
	_ =	strace s9  }
0x27: {  	s1 =	sld [smem:$0x3FA4]  }
0x28: {  	s2 =	sld [smem:$0x3FA5]  }
0x29: {  	s4 =	sld [smem:$0x3FA7]  }
0x2a: {  	p0 =	seq.s32 s5, $0x0;
	s5 =	sld [smem:$0x3FA8]  }
0x2b: {  	s6 =	sld [smem:$0x3FA9]  }
0x2c: {  	s7 =	sld [smem:$0x3FAA]  }
0x2d: {  	s3 =	simm.s32 $0x108;
	s8 =	sld [smem:$0x3FAB]  }
0x2e: {  	s3 =	simm.s32 @!p0 $0x1082;
	s9 =	sld [smem:$0x3FAC]  }
0x2f: {  	lr =	sadd.s32 s0, s3;
	s0 =	sld [smem:$0x3FA3]  }
0x30: {  	s3 =	sld [smem:$0x3FA6]  }
0x31: {  	[smem:$0x3FAF] =	sst s10  }
0x32: {  	s10 =	sld [smem:$0x3FAD];
	_ =	sdelay $0x3  }
0x33: {  	p0 =	seq.s32 s10, $0x1;
	s10 =	sld [smem:$0x3FAF];
	_ =	sdelay $0x3  }
0x34: {  	[smem:$0x3FAF] =	sst s10  }
0x35: {  	s10 =	sld [smem:$0x3FAE];
	_ =	sdelay $0x3  }
0x36: {  	p1 =	seq.s32 s10, $0x1;
	s10 =	sld [smem:$0x3FAF];
	_ =	sdelay $0x3  }
0x37: {  	[smem:$0x3FAF] =	sst s10  }
0x38: {  	s10 =	sld [smem:$0x3FB0]  }
0x39: {  	_ = 	snop;
	(pc) =	sbr.ind lr, $3  }
0x3a: {  	_ = 	snop  }
0x3b: {  	_ = 	snop  }
0x3c: {  	p2 =	seq.s32 s10, $0x1;
	s10 =	sld [smem:$0x3FAF]  }
0x3d: {  	_ =	shalt  }
0x3e: {  	_ =	shalt  }
0x3f: {  	_ =	shalt  }
0x40: {  	_ =	shalt  }
0x41: {  	_ =	shalt  }
0x42: {  	_ =	shalt  }
0x43: {  	_ =	shalt  }
0x44: {  	_ =	shalt  }
0x45: {  	_ =	shalt  }
0x46: {  	_ =	shalt  }
0x47: {  	_ =	shalt  }
0x48: {  	_ =	shalt  }
0x49: {  	_ =	shalt  }
0x4a: {  	_ =	shalt  }
0x4b: {  	_ =	shalt  }
0x4c: {  	_ =	shalt  }
0x4d: {  	_ =	shalt  }
0x4e: {  	_ =	shalt  }
0x4f: {  	_ =	shalt  }
0x50: {  	_ =	shalt  }
0x51: {  	_ =	shalt  }
0x52: {  	_ =	shalt  }
0x53: {  	_ =	shalt  }
0x54: {  	_ =	shalt  }
0x55: {  	_ =	shalt  }
0x56: {  	_ =	shalt  }
0x57: {  	_ =	shalt  }
0x58: {  	_ =	shalt  }
0x59: {  	_ =	shalt  }
0x5a: {  	_ =	shalt  }
0x5b: {  	_ =	shalt  }
0x5c: {  	_ =	shalt  }
0x5d: {  	_ =	shalt  }
0x5e: {  	_ =	shalt  }
0x5f: {  	_ =	shalt  }
0x60: {  	_ =	shalt  }
0x61: {  	_ =	shalt  }
0x62: {  	_ =	shalt  }
0x63: {  	_ =	shalt  }
0x64: {  	_ =	shalt  }
0x65: {  	_ =	shalt  }
0x66: {  	_ =	shalt  }
0x67: {  	_ =	shalt  }
0x68: {  	_ =	shalt  }
0x69: {  	_ =	shalt  }
0x6a: {  	_ =	shalt  }
0x6b: {  	_ =	shalt  }
0x6c: {  	_ =	shalt  }
0x6d: {  	_ =	shalt  }
0x6e: {  	_ =	shalt  }
0x6f: {  	_ =	shalt  }
0x70: {  	_ =	shalt  }
0x71: {  	_ =	shalt  }
0x72: {  	_ =	shalt  }
0x73: {  	_ =	shalt  }
0x74: {  	_ =	shalt  }
0x75: {  	_ =	shalt  }
0x76: {  	_ =	shalt  }
0x77: {  	_ =	shalt  }
0x78: {  	_ =	shalt  }
0x79: {  	_ =	shalt  }
0x7a: {  	_ =	shalt  }
0x7b: {  	_ =	shalt  }
0x7c: {  	_ =	shalt  }
0x7d: {  	_ =	shalt  }
0x7e: {  	_ =	shalt  }
0x7f: {  	_ =	shalt  }
0x80: {  	_ =	shalt  }
0x81: {  	_ =	shalt  }
0x82: {  	_ =	shalt  }
0x83: {  	_ =	shalt  }
0x84: {  	_ =	shalt  }
0x85: {  	_ =	shalt  }
0x86: {  	_ =	shalt  }
0x87: {  	_ =	shalt  }
.Lfunc_end0:
.L_simem_size_0:
called_computation.5_lowered:
.L_overlay_start_0:
0x88: {  	s2 =	sld [smem:$0x3FD9]  }
0x89: {  	s3 =	sld [smem:$0x3FFE];
	_ =	sdelay $0x1  }
0x8a: {  	s1 =	srdreg.scid  }
0x8b: {  	s0 =	sand.u32 $0x1, s1  }
0x8c: {  	s17 =	sshll.u32 s0, $0xA;
	s2 =	sadd.s32 s3, s2  }
0x8d: {  	s2 =	sadd.s32 s2, s17  }
0x8e: {  	[smem:$0x3FBB] =	sst s2  }
0x8f: {  	_ = 	snop  }
0x90: {  	s2 =	sld [smem:$0x3FC8]  }
0x91: {  	s18 =	sld [smem:$0x3FC7];
	(tm) =	ssettm $0x1  }
0x92: {  	s4 =	sld [smem:$0x3FFB];
	_ =	sdelay $0x3  }
0x93: {  	_ =	strace s4  }
0x94: {  	s4 =	sld [smem:$0x3FFC];
	_ =	sdelay $0x3  }
0x95: {  	_ =	strace s4  }
0x96: {  	s4 =	sld [smem:$0x3FFD];
	_ =	sdelay $0x3  }
0x97: {  	_ =	strace s4  }
0x98: {  	_ =	strace $0x8FFFFFFF  }
0x99: {  	s19 =	sld [smem:$0x3FDB];
	_ =	sdelay $0x1  }
0x9a: {  	s5 =	simm.s32 $_scs_section_size  }
0x9b: {  	s6 =	simm.s32 $_size__tile_overlayer_lowered;
	s7 =	simm.s32 $_tile_overlayer_lowered  }
0x9c: {  	s22 =	simm.s32 $0x1BFF;
	s21 =	sshll.u32 s7, $0x1;
	s4 =	sadd.s32 s5, s19  }
0x9d: {  	s8 =	simm.s32 $0x0;
	s20 =	sshll.u32 s6, $0x1;
	s6 =	sadd.s32 s21, s4  }
0x9e: {  	[timem:s8], [sflag:s22] =	dma.local [hbm:s6], s20  }
0x9f: {  	_ =	swait.ge [sflag:s22], s20  }
0xa0: {  	s5 =	ssub.s32 $0x0, s20;
	[sflag:s22] =	ssyncset.done $0x0  }
0xa1: {  	[sflag:s22] =	ssyncadd.s32 s5;
	_ =	sdelay $0x1  }
0xa2: {  	s23 =	simm.s32 $0x1B8B  }
0xa3: {  	_ =	swait.ge [sflag:s23], $0x1  }
0xa4: {  	[sflag:s23] =	ssyncset.done $0x0  }
0xa5: {  	s25 =	simm.s32 $0x1B8E;
	s24 =	sld [smem:$0x3FFE];
	[sflag:s23] =	ssyncadd.s32 $0xFFFFFFFF  }
0xa6: {  	s26 =	simm.s32 $execute0_lowered;
	[smem:$0x3FD2] =	sst s25  }
0xa7: {  	s6 =	sshll.u32 s26, $0x1;
	_ =	strace $0x80000055;
	[dreg:$0x1] =	wrdreg $0xFFFFFFFF  }
0xa8: {  	s28 =	simm.s32 $_size_execute0_lowered;
	s4 =	sadd.s32 s4, s6;
	[dreg:$0x0] =	wrdreg $0x0  }
0xa9: {  	s6 =	sshll.u32 s28, $0x1;
	[dreg:$0x2] =	wrdreg s4  }
0xaa: {  	[dreg:$0x3] =	wrdreg s6  }
0xab: {  	[dreg:$0x4] =	wrdreg $0xC0  }
0xac: {  	_ =	task [dreg:s8], $0x5FFFF  }
0xad: {  	[dreg:$0x1] =	wrdreg $0xFFFFFFFF  }
0xae: {  	[dreg:$0x0] =	wrdreg $0x60  }
0xaf: {  	[dreg:$0x2] =	wrdreg s24  }
0xb0: {  	[dreg:$0x3] =	wrdreg s18  }
0xb1: {  	[dreg:$0x4] =	wrdreg s2  }
0xb2: {  	[dreg:$0x5] =	wrdreg $0x100400  }
0xb3: {  	[dreg:$0x6] =	wrdreg $0x9  }
0xb4: {  	_ =	task.clear_ibuf [dreg:s8], $0x7FFFF;
	_ =	strace $0x90000055  }
0xb5: {  	s29 =	simm.s32 $0x9;
	_ =	strace $0x80000057  }
0xb6: {  	_ =	swait.ge [sflag:s29], $0x1  }
0xb7: {  	[sflag:s29] =	ssyncadd.s32 $0xFFFFFFFF  }
0xb8: {  	_ =	strace $0x90000057  }
0xb9: {  	_ =	sfence  }
0xba: {  	s30 =	sld [smem:$0x0];
	_ =	sdelay $0x2  }
0xbb: {  	s31 =	sshll.u32 s1, $0xD;
	s1 =	sshrl.u32 s1, $0x2  }
0xbc: {  	s3 =	sand.u32 $0x4000, s31;
	s1 =	sadd.s32 s1, s30  }
0xbd: {  	s0 =	sor.u32 s3, s0;
	s1 =	sshll.u32 s1, $0x11  }
0xbe: {  	s0 =	sor.u32 s1, s0  }
0xbf: {  	s0 =	sadd.s32 $0x8F2B, s0  }
0xc0: {  	[sflag:s0] =	ssyncadd.remote.s32 $0x1  }
0xc1: {  	_ =	sfence.sel $0xFFFF  }
0xc2: {  	[dreg:$0x0] =	wrdreg $0xFFFFFFFF;
	(pc) =	sbr.abs _section_cstart, $3  }
0xc3: {  	[dreg:$0x1] =	wrdreg $0xFFFFFFFF  }
0xc4: {  	_ =	task.clear_ibuf [dreg:s8], $0x2FFFF;
	_ =	strace $0x9FFFFFFF  }
0xc5: {  	(tm) =	ssettm $0x7FFFFFFF  }
tec
execute0_lowered:
.L_overlay_start_1:
0x0: {  	(tag) =	ssettag $0x1  }
0x1: {  	s7 =	rddreg [dreg:$0x0]  }
0x2: {  	s11 =	rddreg [dreg:$0x1]  }
0x3: {  	s12 =	rddreg [dreg:$0x2]  }
0x4: {  	s2 =	rddreg [dreg:$0x3]  }
0x5: {  	s0 =	rddreg [dreg:$0x4]  }
0x6: {  	s3 =	simm.s32 $0x0;
	s1 =	stileid.u32;
	s9 =	srdreg.scid  }
0x7: {  	s17 =	simm.s32 $0x9C40;
	s18 =	simm.s32 $0x0;
	[smem:$0x7FF] =	sst s3  }
0x8: {  	s8 =	smul.u32 $0x1F400, s1;
	s4 =	sadd.s32 $0xCA00, s7;
	s5 =	sadd.s32 $0x33C00, s7  }
0x9: {  	s6 =	sadd.s32 $0x8A00, s7;
	s16 =	sand.u32 $0x1, s9;
	s30 =	smul.u32 $0x7D000, s1  }
0xa: {  	p2 =	slt.u32 s1, $0x5;
	s15 =	smul.u32 $0x9C4, s1;
	p3 =	sgt.u32 s1, $0x4  }
0xb: {  	_ =	strace $0x80000056;
	s29 =	ssub.s32 $0x2, s16;
	p0 =	seq.s32 s16, $0x0  }
0xc: {  	p4 =	sne.s32 s16, $0x0;
	s10 =	sshrl.u32 s8, $0x3;
	s13 =	sshrl.u32 s29, $0x1  }
0xd: {  	s31 =	sshrl.u32 s30, $0x2;
	p1 =	por !p0, !p2;
	p0 =	seq.s32 s16, $0x1  }
0xe: {  	s8 =	sadd.s32 s8, s2;
	s11 =	sadd.s32 s15, s11;
	s12 =	sadd.s32 s15, s12  }
.Ltmp0:
0xf: {  	s15 =	simm.s32 $0x1;
	s16 =	simm.s32 $0x190;
	(pc) =	sbr.rel .LBB2_1-.Ltmp0, $4  }
0x10: {  	s28 =	sadd.s32 s10, s7;
	s13 =	ssub.s32 s29, s13;
	s14 =	sadd.s32 s31, s2  }
0x11: {  	p1 =	por !p1, !p1;
	p2 =	por !p2, !p0;
	s7 =	sadd.s32 $0x5AE00, s28  }
0x12: {  	p2 =	por !p2, !p2;
	s10 =	smax.u32 s13, $0x1;
	s13 =	sshll.u32 @!p3 s1, $0x6  }
0x13: {  	s9 =	sadd.s32 $0x6E800, s28;
	s14 =	sshrl.u32 @!p3 s14, $0x3;
	s13 =	sor.u32 @!p3 $0x1C01, s13  }
.LBB2_12:
0x14: {  	s19 =	sshra.s32 s19, $0x2;
	[sflag:s15] =	ssyncadd.s32 $0xFFFF9C00  }
0x15: {  	[tilespmem:s17], [sflag:$0x1] =	stream.indirect.gather [hbm4b:s5+s16], $0x40, s19, s16, $0xb8;
	[tilespmem:$0x19C80] =	vst v63  }
0x16: {  	_ =	swait.ge [sflag:s15], $0x6400  }
0x17: {  	[sflag:s15] =	ssyncset.done $0x0  }
0x18: {  	s19 =	sadd.s32 $0x4E20, s19;
	[sflag:s15] =	ssyncadd.s32 $0xFFFF9C00  }
0x19: {  	[spmem:s2] =	stream.indirect.scatter.add.f32 [tilespmem:s17], [sflag:$0x1], $0x40, s19, s16, $0xb8;
	[tilespmem:$0x19C80] =	vst v63  }
0x1a: {  	_ =	swait.ge [sflag:s15], $0x6400  }
0x1b: {  	[sflag:s15] =	ssyncset.done $0x0  }
0x1c: {  	[sflag:s15] =	ssyncadd.s32 $0xFFFF9C00  }
.LBB2_13:
0x1d: {  	s19 =	sshll.u32 @p1 s1, $0x6  }
0x1e: {  	[bflag:$0x0] =	sbarrier.arrive $0xFFFF;
	s20 =	sshrl.u32 @p1 s8, $0x3;
	s19 =	sor.u32 @p1 $0x1C01, s19  }
0x1f: {  	[hbm:s7], [sflag:s19] =	dma.local @p1 [spmem:s20], $0x3E80  }
0x20: {  	s19 =	simm.s32 @p1 $0x1  }
0x21: {  	s18 =	sadd.s32 $0x1, s18;
	_ =	swait.ge @p1 [sflag:s19], $0x3E80  }
0x22: {  	p5 =	sne.s32 s18, s10;
	s20 =	sshll.u32 @p2 s1, $0x6;
	[sflag:s19] =	ssyncset.done @p1 $0x0  }
0x23: {  	[sflag:s19] =	ssyncadd.s32 @p1 $0xFFFFC180;
	s19 =	sor.u32 @p2 $0x1C01, s20;
	s20 =	sshrl.u32 @p2 s8, $0x3  }
0x24: {  	[hbm:s9], [sflag:s19] =	dma.local @p2 [spmem:s20], $0x3E80  }
.Ltmp1:
0x25: {  	_ = 	snop;
	(pc) =	sbr.rel @!p5 .LBB2_14-.Ltmp1, $4  }
0x26: {  	s19 =	simm.s32 @p2 $0x1  }
0x27: {  	_ =	swait.ge @p2 [sflag:s19], $0x3E80  }
0x28: {  	[sflag:s19] =	ssyncset.done @p2 $0x0  }
0x29: {  	[sflag:s19] =	ssyncadd.s32 @p2 $0xFFFFC180  }
.LBB2_1:
0x2a: {  	[spmem:s14], [sflag:s13] =	dma.local @!p3 [hbm:s6], $0x3E80  }
0x2b: {  	s19 =	simm.s32 @!p3 $0x1  }
0x2c: {  	_ =	swait.ge @!p3 [sflag:s19], $0x3E80  }
0x2d: {  	[sflag:s19] =	ssyncset.done @!p3 $0x0  }
0x2e: {  	s20 =	simm.s32 $0x0;
	[sflag:s19] =	ssyncadd.s32 @!p3 $0xFFFFC180;
	s19 =	simm.s32 $0x0  }
.LBB2_2:
0x2f: {  	p5 =	sne.s32 s20, $0x992  }
.Ltmp2:
0x30: {  	s21 =	sadd.s32 s20, s11;
	s22 =	simm.s32 $0x0;
	(pc) =	sbr.rel @p5 .LBB2_2-.Ltmp2, $4  }
0x31: {  	[tilespmem:s19], [sflag:$0x1] =	stream.linear.gather [hbm4b:s21+s22], $0x190, $0x38;
	[tilespmem:$0x19C80] =	vst v63  }
0x32: {  	_ =	swait.ge [sflag:s15], $0x190  }
0x33: {  	[sflag:s15] =	ssyncset.done $0x0  }
0x34: {  	s20 =	sadd.s32 $0x32, s20;
	s19 =	sadd.s32 $0x190, s19;
	[sflag:s15] =	ssyncadd.s32 $0xFFFFFE70  }
0x35: {  	s19 =	simm.s32 $0x4E20;
	s20 =	sadd.s32 $0x0, s12  }
0x36: {  	[tilespmem:s19], [sflag:$0x1] =	stream.linear.gather [hbm4b:s20+s3], $0x190, $0x38;
	[tilespmem:$0x19C80] =	vst v63  }
0x37: {  	_ =	swait.ge [sflag:s15], $0x190  }
0x38: {  	s20 =	simm.s32 $0x32;
	[sflag:s15] =	ssyncset.done $0x0  }
.LBB2_4:
0x39: {  	s21 =	sadd.s32 s20, s12  }
0x3a: {  	[sflag:s15] =	ssyncadd.s32 $0xFFFFFE70;
	s19 =	sadd.s32 $0x190, s19;
	p5 =	sne.s32 s20, $0x992  }
0x3b: {  	[tilespmem:s19], [sflag:$0x1] =	stream.linear.gather [hbm4b:s21+s3], $0x190, $0x38;
	[tilespmem:$0x19C80] =	vst v63  }
.Ltmp3:
0x3c: {  	_ = 	snop;
	(pc) =	sbr.rel @p5 .LBB2_4-.Ltmp3, $4  }
0x3d: {  	_ = 	snop  }
0x3e: {  	s20 =	sadd.s32 $0x32, s20  }
0x3f: {  	_ =	swait.ge [sflag:s15], $0x190  }
0x40: {  	[sflag:s15] =	ssyncset.done $0x0  }
.Ltmp4:
0x41: {  	(pc) =	sbr.rel @p4 .LBB2_9-.Ltmp4, $3  }
0x42: {  	_ = 	snop  }
0x43: {  	[sflag:s15] =	ssyncadd.s32 $0xFFFFFE70  }
0x44: {  	[bflag:$0x0] =	sbarrier.arrive $0xFFFF;
	_ =	sdelay $0x1  }
0x45: {  	s19 =	simm.s32 $0x0  }
0x46: {  	[tilespmem:s17], [sflag:$0x1] =	stream.indirect.gather [hbm4b:s4+s16], $0x40, s19, s16, $0xb8;
	[tilespmem:$0x19C80] =	vst v63  }
0x47: {  	_ =	swait.ge [sflag:s15], $0x6400  }
0x48: {  	[sflag:s15] =	ssyncset.done $0x0  }
0x49: {  	s31 =	simm.s32 $0x4E20;
	[sflag:s15] =	ssyncadd.s32 $0xFFFF9C00  }
0x4a: {  	[spmem:s2] =	stream.indirect.scatter.add.f32 [tilespmem:s17], [sflag:$0x1], $0x40, s31, s16, $0xb8;
	[tilespmem:$0x19C80] =	vst v63  }
0x4b: {  	_ =	swait.ge [sflag:s15], $0x6400  }
0x4c: {  	s20 =	simm.s32 $0xC80;
	s19 =	simm.s32 $0x640;
	[sflag:s15] =	ssyncset.done $0x0  }
.LBB2_7:
0x4d: {  	s21 =	sshra.s32 s19, $0x2  }
0x4e: {  	[sflag:s15] =	ssyncadd.s32 $0xFFFF9C00;
	s19 =	smov.u32 s20;
	s22 =	sadd.s32 $0x640, s20  }
0x4f: {  	[tilespmem:s17], [sflag:$0x1] =	stream.indirect.gather [hbm4b:s4+s16], $0x40, s21, s16, $0xb8;
	[tilespmem:$0x19C80] =	vst v63  }
0x50: {  	p5 =	sne.s32 s20, $0x13240;
	_ =	swait.ge [sflag:s15], $0x6400  }
.Ltmp5:
0x51: {  	[sflag:s15] =	ssyncset.done $0x0;
	(pc) =	sbr.rel @p5 .LBB2_7-.Ltmp5, $4  }
0x52: {  	s20 =	sadd.s32 $0x4E20, s21;
	[sflag:s15] =	ssyncadd.s32 $0xFFFF9C00  }
0x53: {  	[spmem:s2] =	stream.indirect.scatter.add.f32 [tilespmem:s17], [sflag:$0x1], $0x40, s20, s16, $0xb8;
	[tilespmem:$0x19C80] =	vst v63  }
0x54: {  	_ =	swait.ge [sflag:s15], $0x6400  }
0x55: {  	s20 =	smov.u32 s22;
	[sflag:s15] =	ssyncset.done $0x0  }
0x56: {  	s19 =	sshra.s32 s19, $0x2;
	[sflag:s15] =	ssyncadd.s32 $0xFFFF9C00  }
0x57: {  	[tilespmem:s17], [sflag:$0x1] =	stream.indirect.gather [hbm4b:s4+s16], $0x40, s19, s16, $0xb8;
	[tilespmem:$0x19C80] =	vst v63  }
0x58: {  	_ =	swait.ge [sflag:s15], $0x6400  }
0x59: {  	[sflag:s15] =	ssyncset.done $0x0  }
0x5a: {  	s19 =	sadd.s32 $0x4E20, s19;
	[sflag:s15] =	ssyncadd.s32 $0xFFFF9C00  }
0x5b: {  	[spmem:s2] =	stream.indirect.scatter.add.f32 [tilespmem:s17], [sflag:$0x1], $0x40, s19, s16, $0xb8;
	[tilespmem:$0x19C80] =	vst v63  }
0x5c: {  	_ =	swait.ge [sflag:s15], $0x6400  }
0x5d: {  	[sflag:s15] =	ssyncset.done $0x0  }
0x5e: {  	[sflag:s15] =	ssyncadd.s32 $0xFFFF9C00  }
.LBB2_9:
.Ltmp6:
0x5f: {  	(pc) =	sbr.rel @!p0 .LBB2_13-.Ltmp6, $1  }
0x60: {  	_ =	sdelay $0x3  }
0x61: {  	s19 =	simm.s32 $0x0  }
0x62: {  	[tilespmem:s17], [sflag:$0x1] =	stream.indirect.gather [hbm4b:s5+s16], $0x40, s19, s16, $0xb8;
	[tilespmem:$0x19C80] =	vst v63  }
0x63: {  	_ =	swait.ge [sflag:s15], $0x6400  }
0x64: {  	[sflag:s15] =	ssyncset.done $0x0  }
0x65: {  	s31 =	simm.s32 $0x4E20;
	[sflag:s15] =	ssyncadd.s32 $0xFFFF9C00  }
0x66: {  	[spmem:s2] =	stream.indirect.scatter.add.f32 [tilespmem:s17], [sflag:$0x1], $0x40, s31, s16, $0xb8;
	[tilespmem:$0x19C80] =	vst v63  }
0x67: {  	_ =	swait.ge [sflag:s15], $0x6400  }
0x68: {  	s20 =	simm.s32 $0xC80;
	s19 =	simm.s32 $0x640;
	[sflag:s15] =	ssyncset.done $0x0  }
.LBB2_11:
0x69: {  	s21 =	sshra.s32 s19, $0x2  }
0x6a: {  	[sflag:s15] =	ssyncadd.s32 $0xFFFF9C00;
	s19 =	smov.u32 s20;
	s22 =	sadd.s32 $0x640, s20  }
0x6b: {  	[tilespmem:s17], [sflag:$0x1] =	stream.indirect.gather [hbm4b:s5+s16], $0x40, s21, s16, $0xb8;
	[tilespmem:$0x19C80] =	vst v63  }
0x6c: {  	p5 =	sne.s32 s20, $0x13240;
	_ =	swait.ge [sflag:s15], $0x6400  }
.Ltmp7:
0x6d: {  	[sflag:s15] =	ssyncset.done $0x0;
	(pc) =	sbr.rel @p5 .LBB2_11-.Ltmp7, $4  }
0x6e: {  	s20 =	sadd.s32 $0x4E20, s21;
	[sflag:s15] =	ssyncadd.s32 $0xFFFF9C00  }
0x6f: {  	[spmem:s2] =	stream.indirect.scatter.add.f32 [tilespmem:s17], [sflag:$0x1], $0x40, s20, s16, $0xb8;
	[tilespmem:$0x19C80] =	vst v63  }
0x70: {  	_ =	swait.ge [sflag:s15], $0x6400  }
0x71: {  	s20 =	smov.u32 s22;
	[sflag:s15] =	ssyncset.done $0x0  }
.Ltmp8:
0x72: {  	_ = 	snop;
	(pc) =	sbr.rel .LBB2_12-.Ltmp8, $1  }
0x73: {  	_ =	sdelay $0x3  }
.LBB2_14:
0x74: {  	_ =	sfence.sel $0x180000  }
0x75: {  	[bflag:$0x0] =	sbarrier.arrive $0xFFFF  }
0x76: {  	p0 =	sne.s32 s1, $0x0;
	_ =	strace $0x90000056  }
0x77: {  	s0 =	sadd.s32 @!p0 $0x100000, s0;
	[bflag:$0x2] =	sbarrier.arrive $0xFFFF  }
0x78: {  	[sflag:s0] =	ssyncadd.tile.s32 @!p0 $0x1;
	_ =	shalt  }
.Lfunc_end2:
_tile_overlayer_lowered:
.L_overlay_start_2:
0x79: {  	(tag) =	ssettag $0x2  }
0x7a: {  	s0 =	rddreg [dreg:$0x0];
	s2 =	stileid.u32  }
0x7b: {  	s1 =	rddreg [dreg:$0x1];
	p0 =	sne.s32 s2, $0x0  }
0x7c: {  	s3 =	rddreg [dreg:$0x2];
	[bflag:$0x3] =	sbarrier.arrive $0xFFFF;
	s2 =	simm.s32 @!p0 $0x1C01  }
0x7d: {  	[timem:s3], [sflag:s2] =	dma.local @!p0 [hbm:s0], s1  }
0x7e: {  	s0 =	simm.s32 @!p0 $0x1  }
0x7f: {  	_ =	swait.ge @!p0 [sflag:s0], s1  }
0x80: {  	s1 =	ssub.s32 @!p0 $0x0, s1;
	[sflag:s0] =	ssyncset.done @!p0 $0x0  }
0x81: {  	[sflag:s0] =	ssyncadd.s32 @!p0 s1  }
0x82: {  	[bflag:$0x3] =	sbarrier.arrive $0xFFFF  }
0x83: {  	_ =	shalt  }

</sc_bundles>
